<compile_context>
chip_gen: v7x
topology: tpu7x:2x2x1
jax: 0.10.2.dev20260603
libtpu: 0.0.44.dev20260713+nightly
codegen_flags: <defaults>
</compile_context>

<pallas_src>
import functools

import jax
import jax.numpy as jnp
from jax import lax
from jax.experimental import pallas as pl
from jax.experimental.pallas import tpu as pltpu
from jax.experimental.pallas import tpu_sc as plsc

_EXT_X0, _EXT_X1 = -40.0, 40.0
_EXT_Z0, _EXT_Z1 = 0.0, 70.0
_ROI = 7
_PIX = _ROI * _ROI
_C = 32
_NMS_THR = 0.01
_NMS_OUT = 100
_N = 20000
_NP = 20480
_ROWS = _NP // 128
_NW = 32
_NT = _NP // _NW
_CH = 128
_NCHUNK = _NT // _CH

_SX = (-1.0, 1.0, 1.0, -1.0)
_SZ = (-1.0, -1.0, 1.0, 1.0)



def _roi_body(tboth, iboth, wi, wb, f_out,
              rows_v, idx_v, wi_v, wb_v, out_v, gsem, osem):
    wid = lax.axis_index("s") * 2 + lax.axis_index("c")
    tbase = wid * _NT
    cgbase = wid * _NCHUNK
    iota = lax.iota(jnp.int32, 16)
    n_t = _PIX * _NCHUNK

    def stage_and_fire(t, slot):
        p = t // _NCHUNK
        c = t % _NCHUNK
        pltpu.sync_copy(iboth.at[p, cgbase + c], idx_v.at[slot])
        pltpu.async_copy(tboth.at[idx_v.at[slot, 0]],
                         rows_v.at[slot, pl.ds(0, _CH)], gsem)
        pltpu.async_copy(tboth.at[idx_v.at[slot, 1]],
                         rows_v.at[slot, pl.ds(_CH, _CH)], gsem)

    stage_and_fire(0, 0)

    def t_loop(t, _):
        p = t // _NCHUNK
        c = t % _NCHUNK
        b = lax.rem(t, 2)
        po = lax.rem(p, 2)

        @pl.when(c == 0)
        def _():
            pltpu.sync_copy(wi.at[:, p, pl.ds(tbase, _NT)], wi_v)
            pltpu.sync_copy(wb.at[:, p, pl.ds(tbase, _NT)], wb_v)

            @pl.when(p >= 2)
            def _():
                pltpu.make_async_copy(
                    out_v.at[po],
                    f_out.at[pl.ds(p - 2, 1), pl.ds(tbase * _C, _NT * _C)],
                    osem).wait()

        pltpu.make_async_copy(
            tboth.at[idx_v.at[b, 0]], rows_v.at[b, pl.ds(0, _CH)], gsem).wait()
        pltpu.make_async_copy(
            tboth.at[idx_v.at[b, 1]], rows_v.at[b, pl.ds(_CH, _CH)], gsem).wait()

        @pl.when(t + 1 < n_t)
        def _():
            stage_and_fire(t + 1, 1 - b)

        rows_b = rows_v.at[b]
        z16 = jnp.zeros((16,), jnp.int32)

        def g_loop(g, _):
            for j in range(16):
                jr = g * 16 + j
                nl = c * _CH + jr
                col = z16 + nl
                wbc = [plsc.load_gather(wi_v, [z16 + r, col]) for r in range(4)]
                wbb = [plsc.load_gather(wb_v, [z16 + r, col]) for r in range(4)]
                ayi, byi, axi, bxi = wbc
                ayb, byb, axb, bxb = wbb
                for h in range(2):
                    vi = [rows_b[jr, pl.ds(k * _C + h * 16, 16)]
                          for k in range(4)]
                    vb = [rows_b[jr + _CH, pl.ds(k * _C + h * 16, 16)]
                          for k in range(4)]
                    a = (((vi[0] * ayi) * axi + (vi[1] * ayi) * bxi)
                         + (vi[2] * byi) * axi) + (vi[3] * byi) * bxi
                    bb = (((vb[0] * ayb) * axb + (vb[1] * ayb) * bxb)
                          + (vb[2] * byb) * axb) + (vb[3] * byb) * bxb
                    out_v[po, 0, pl.ds(nl * _C + h * 16, 16)] = a + bb
            return 0

        lax.fori_loop(0, _CH // 16, g_loop, 0)

        @pl.when(c == _NCHUNK - 1)
        def _():
            pltpu.async_copy(
                out_v.at[po],
                f_out.at[pl.ds(p, 1), pl.ds(tbase * _C, _NT * _C)], osem)
        return 0

    lax.fori_loop(0, n_t, t_loop, 0)

    for pp in (_PIX - 2, _PIX - 1):
        pltpu.make_async_copy(
            out_v.at[pp % 2],
            f_out.at[pl.ds(pp, 1), pl.ds(tbase * _C, _NT * _C)], osem).wait()


def _roi_fuse(tboth, iboth, wi, wb):
    mesh = plsc.VectorSubcoreMesh(core_axis_name="c", subcore_axis_name="s")
    k = functools.partial(
        pl.kernel,
        out_type=jax.ShapeDtypeStruct((_PIX, _NP * _C), jnp.float32),
        mesh=mesh,
        compiler_params=pltpu.CompilerParams(needs_layout_passes=False),
        scratch_types=[
            pltpu.VMEM((2, 2 * _CH, 128), jnp.float32),
            pltpu.VMEM((2, 2, _CH), jnp.int32),
            pltpu.VMEM((4, _NT), jnp.float32),
            pltpu.VMEM((4, _NT), jnp.float32),
            pltpu.VMEM((2, 1, _NT * _C), jnp.float32),
            pltpu.SemaphoreType.DMA,
            pltpu.SemaphoreType.DMA,
        ],
    )(_roi_body)
    return k(tboth, iboth, wi, wb)



def _mlp_body(den_ref, wt_ref, b_ref, x_ref, o_ref):
    xd = (x_ref[...] / den_ref[0]).astype(jnp.bfloat16)
    o_ref[...] = (
        jnp.dot(wt_ref[...].astype(jnp.bfloat16), xd,
                preferred_element_type=jnp.float32)
        + b_ref[...]
    )


def _mlp_t(f2d, wt, b, den, block=512):
    grid = _NP // block
    return pl.pallas_call(
        _mlp_body,
        grid=(grid,),
        in_specs=[
            pl.BlockSpec(memory_space=pltpu.SMEM),
            pl.BlockSpec((16, f2d.shape[0]), lambda i: (0, 0)),
            pl.BlockSpec((16, 1), lambda i: (0, 0)),
            pl.BlockSpec((f2d.shape[0], block), lambda i: (0, i)),
        ],
        out_specs=pl.BlockSpec((16, block), lambda i: (0, i)),
        out_shape=jax.ShapeDtypeStruct((16, _NP), jnp.float32),
    )(den, wt, b.reshape(16, 1), f2d)



def _nms_body(anc_ref, st_ref, out_ref):
    x = anc_ref[0]
    z = anc_ref[2]
    dx = anc_ref[3]
    dz = anc_ref[5]

    pxs = [x + 0.5 * _SX[k] * dx + st_ref[4 + k] for k in range(4)]
    pzs = [z + 0.5 * _SZ[k] * dz + st_ref[8 + k] for k in range(4)]
    xm = (pxs[0] + pxs[1] + pxs[2] + pxs[3]) * 0.25
    zm = (pzs[0] + pzs[1] + pzs[2] + pzs[3]) * 0.25
    dxn = jnp.maximum(jnp.maximum(pxs[0], pxs[1]), jnp.maximum(pxs[2], pxs[3])) - \
        jnp.minimum(jnp.minimum(pxs[0], pxs[1]), jnp.minimum(pxs[2], pxs[3]))
    dzn = jnp.maximum(jnp.maximum(pzs[0], pzs[1]), jnp.maximum(pzs[2], pzs[3])) - \
        jnp.minimum(jnp.minimum(pzs[0], pzs[1]), jnp.minimum(pzs[2], pzs[3]))
    bx1 = xm - dxn * 0.5
    bx2 = xm + dxn * 0.5
    bz1 = zm - dzn * 0.5
    bz2 = zm + dzn * 0.5
    areas = (bx2 - bx1) * (bz2 - bz1)

    scores = jnp.maximum(jnp.maximum(st_ref[1], st_ref[2]), st_ref[3])
    flatpos = (lax.broadcasted_iota(jnp.int32, (_ROWS, 128), 0) * 128
               + lax.broadcasted_iota(jnp.int32, (_ROWS, 128), 1))
    accpos = (lax.broadcasted_iota(jnp.int32, (8, 128), 0) * 128
              + lax.broadcasted_iota(jnp.int32, (8, 128), 1))

    def body(k, carry):
        valid, acc = carry
        s = jnp.where(valid > 0.5, scores, -1e30)
        m = jnp.max(s)
        idx = jnp.min(jnp.where(s == m, flatpos, jnp.int32(2147483647)))
        sel = flatpos == idx
        x1i = jnp.sum(jnp.where(sel, bx1, 0.0))
        z1i = jnp.sum(jnp.where(sel, bz1, 0.0))
        x2i = jnp.sum(jnp.where(sel, bx2, 0.0))
        z2i = jnp.sum(jnp.where(sel, bz2, 0.0))
        ai = jnp.sum(jnp.where(sel, areas, 0.0))
        xx1 = jnp.maximum(x1i, bx1)
        zz1 = jnp.maximum(z1i, bz1)
        xx2 = jnp.minimum(x2i, bx2)
        zz2 = jnp.minimum(z2i, bz2)
        inter = jnp.maximum(xx2 - xx1, 0.0) * jnp.maximum(zz2 - zz1, 0.0)
        iou = inter / (ai + areas - inter + 1e-8)
        keep = (iou <= _NMS_THR) & (~sel)
        valid = jnp.where(keep, valid, 0.0)
        acc = jnp.where(accpos == k, idx, acc)
        return valid, acc

    valid0 = (flatpos < _N).astype(jnp.float32)
    acc0 = jnp.zeros((8, 128), dtype=jnp.int32)
    _, acc = lax.fori_loop(0, _NMS_OUT, body, (valid0, acc0))
    out_ref[...] = acc


def _nms(anc, st):
    return pl.pallas_call(
        _nms_body,
        in_specs=[
            pl.BlockSpec((6, _ROWS, 128), lambda: (0, 0, 0)),
            pl.BlockSpec((16, _ROWS, 128), lambda: (0, 0, 0)),
        ],
        out_specs=pl.BlockSpec((8, 128), lambda: (0, 0)),
        out_shape=jax.ShapeDtypeStruct((8, 128), jnp.int32),
    )(anc, st)



def _bev_norm_boxes(anchors):
    x, z = anchors[:, 0], anchors[:, 2]
    dx, dz = anchors[:, 3], anchors[:, 5]
    u1 = (x - dx / 2 - _EXT_X0) / (_EXT_X1 - _EXT_X0)
    u2 = (x + dx / 2 - _EXT_X0) / (_EXT_X1 - _EXT_X0)
    v1 = (_EXT_Z1 - (z + dz / 2)) / (_EXT_Z1 - _EXT_Z0)
    v2 = (_EXT_Z1 - (z - dz / 2)) / (_EXT_Z1 - _EXT_Z0)
    return jnp.clip(jnp.stack([u1, v1, u2, v2], axis=1), 0.0, 1.0)


def _img_norm_boxes(anchors, image_shape, P):
    x, y, z = anchors[:, 0], anchors[:, 1], anchors[:, 2]
    dx, dy, dz = anchors[:, 3], anchors[:, 4], anchors[:, 5]
    offs = jnp.array([[sx, sy, sz] for sx in (-0.5, 0.5) for sy in (-0.5, 0.5)
                      for sz in (-0.5, 0.5)], dtype=jnp.float32)
    cx = x[:, None] + offs[None, :, 0] * dx[:, None]
    cy = y[:, None] + offs[None, :, 1] * dy[:, None]
    cz = z[:, None] + offs[None, :, 2] * dz[:, None]
    pts = jnp.stack([cx, cy, cz, jnp.ones_like(cx)], axis=-1)
    proj = jnp.einsum('nkj,ij->nki', pts, P)
    u = proj[..., 0] / jnp.maximum(proj[..., 2], 1e-3)
    v = proj[..., 1] / jnp.maximum(proj[..., 2], 1e-3)
    b = jnp.stack([u.min(1), v.min(1), u.max(1), v.max(1)], axis=1)
    H, W = image_shape[0], image_shape[1]
    b = b / jnp.stack([W, H, W, H])
    return jnp.clip(b, 0.0, 1.0)


def _sample_coeffs(boxes, H, W):
    y1, x1, y2, x2 = boxes[:, 0], boxes[:, 1], boxes[:, 2], boxes[:, 3]
    t = jnp.linspace(0.0, 1.0, _ROI)
    ys = (y1[:, None] + t[None, :] * (y2 - y1)[:, None]) * (H - 1)
    xs = (x1[:, None] + t[None, :] * (x2 - x1)[:, None]) * (W - 1)
    y0 = jnp.clip(jnp.floor(ys), 0, H - 2)
    x0 = jnp.clip(jnp.floor(xs), 0, W - 2)
    wy = jnp.clip(ys - y0, 0.0, 1.0)
    wx = jnp.clip(xs - x0, 0.0, 1.0)
    y0i = y0.astype(jnp.int32)
    x0i = x0.astype(jnp.int32)
    n = boxes.shape[0]
    idx = (y0i[:, :, None] * W + x0i[:, None, :]).reshape(n, _PIX)
    ay = jnp.broadcast_to((1.0 - wy)[:, :, None], (n, _ROI, _ROI)).reshape(n, _PIX)
    by = jnp.broadcast_to(wy[:, :, None], (n, _ROI, _ROI)).reshape(n, _PIX)
    ax = jnp.broadcast_to((1.0 - wx)[:, None, :], (n, _ROI, _ROI)).reshape(n, _PIX)
    bx = jnp.broadcast_to(wx[:, None, :], (n, _ROI, _ROI)).reshape(n, _PIX)
    return idx, jnp.stack([ay, by, ax, bx], axis=0)


def _quad_table(fmap, W):
    t = fmap[0].reshape(-1, _C)
    hw = t.shape[0]
    tp = jnp.pad(t, ((0, W + 1), (0, 0)))
    return jnp.concatenate(
        [tp[:hw], tp[1:hw + 1], tp[W:hw + W], tp[W + 1:hw + W + 1]], axis=1)


def _pad_pt(a, n):
    return jnp.pad(a, ((0, _NP - n), (0, 0))).T


def _pad_t(a, n):
    k = a.shape[1]
    return jnp.pad(a.T, ((0, 0), (0, _NP - n))).reshape(k, _ROWS, 128)


def _ground_y(gp, x, z):
    return -(gp[0] * x + gp[2] * z + gp[3]) / gp[1]


def kernel(img_feat_map, bev_feat_map, top_anchors, image_shape,
           calibration_dict, ground_plane, img_mask, bev_mask,
           W_cls, b_cls, W_off, b_off, W_ang, b_ang):
    n = top_anchors.shape[0]
    gp = ground_plane

    bev_ins = _bev_norm_boxes(top_anchors)
    rgb_ins = _img_norm_boxes(top_anchors, image_shape, calibration_dict[0])
    boxes_img = jnp.take(rgb_ins, jnp.array([1, 0, 3, 2]), axis=1)
    boxes_bev = jnp.take(bev_ins, jnp.array([1, 0, 3, 2]), axis=1)

    hi, wi_ = img_feat_map.shape[1], img_feat_map.shape[2]
    hb, wb_ = bev_feat_map.shape[1], bev_feat_map.shape[2]
    idx_i, fac_i = _sample_coeffs(boxes_img, hi, wi_)
    idx_b, fac_b = _sample_coeffs(boxes_bev, hb, wb_)

    timg = _quad_table(img_mask * img_feat_map, wi_)
    tbev = _quad_table(bev_mask * bev_feat_map, wb_)
    tboth = jnp.concatenate([timg, tbev], axis=0)

    ii = _pad_pt(idx_i, n)
    ib = _pad_pt(idx_b, n) + timg.shape[0]
    iboth = jnp.stack(
        [ii.reshape(_PIX, _NP // _CH, _CH), ib.reshape(_PIX, _NP // _CH, _CH)],
        axis=2)
    wi4 = jnp.pad(fac_i, ((0, 0), (0, _NP - n), (0, 0))).transpose(0, 2, 1)
    wb4 = jnp.pad(fac_b, ((0, 0), (0, _NP - n), (0, 0))).transpose(0, 2, 1)

    f = _roi_fuse(tboth, iboth, wi4, wb4)
    f2d = f.reshape(_PIX, _NP, _C).transpose(0, 2, 1).reshape(_PIX * _C, _NP)

    w_all = jnp.concatenate([W_cls, W_off, W_ang], axis=1)
    b_all = jnp.concatenate([b_cls, b_off, b_ang], axis=0)
    den = (img_mask + bev_mask).reshape(1)
    st = _mlp_t(f2d, w_all.T, b_all, den)

    anc_p = _pad_t(top_anchors, n)
    acc = _nms(anc_p, st.reshape(16, _ROWS, 128))
    top_idx = acc.reshape(-1)[:_NMS_OUT]

    s16 = st[:, :n].T
    obj = s16[:, 0:4]
    off = s16[:, 4:14]
    ang = s16[:, 14:16]
    obj_i = jnp.take(obj, top_idx, axis=0)
    top_scores_soft = jax.nn.softmax(obj_i, axis=1)
    ang_i = jnp.take(ang, top_idx, axis=0)
    top_orient = jnp.arctan2(ang_i[:, 1], ang_i[:, 0])

    a_i = jnp.take(top_anchors, top_idx, axis=0)
    o_i = jnp.take(off, top_idx, axis=0)
    x, y, z = a_i[:, 0], a_i[:, 1], a_i[:, 2]
    dx, dy, dz = a_i[:, 3], a_i[:, 4], a_i[:, 5]
    xs = jnp.stack([x - dx / 2, x + dx / 2, x + dx / 2, x - dx / 2], axis=1)
    zs = jnp.stack([z - dz / 2, z - dz / 2, z + dz / 2, z + dz / 2], axis=1)
    yg = _ground_y(gp, x, z)
    h1 = (y - dy / 2) - yg
    h2 = (y + dy / 2) - yg
    prop4cp = jnp.concatenate([xs, zs, h1[:, None], h2[:, None]], axis=1)
    pred4c = prop4cp + o_i
    pxs, pzs = pred4c[:, :4], pred4c[:, 4:8]
    ph1, ph2 = pred4c[:, 8], pred4c[:, 9]
    px, pz = pxs.mean(1), pzs.mean(1)
    pdx = pxs.max(1) - pxs.min(1)
    pdz = pzs.max(1) - pzs.min(1)
    pyg = _ground_y(gp, px, pz)
    py = pyg + (ph1 + ph2) / 2
    pdy = ph2 - ph1
    pred_anchors = jnp.stack([px, py, pz, pdx, pdy, pdz], axis=1)
    pred_box = jnp.concatenate(
        [pred_anchors, jnp.zeros((pred_anchors.shape[0], 1))], axis=1)

    return (top_scores_soft, (pred_anchors, pred4c, pred_box),
            top_orient, None)

# --- scband reference (transcript-rebuilt; emitter-appended) ---
"""Pipeline reference for scband-second-stage-detector-79989470920813 (READ-ONLY COPY).

The authoritative reference and input builder live on the scoring server;
editing this copy changes nothing except your own understanding.
"""

import jax, jax.numpy as jnp
import numpy as np

AREA_EXTENTS = np.array([-40, 40, -5, 3, 0, 70], dtype=np.float32).reshape(3, 2)
ROI_SIZE = 7
NMS_THRESHOLD = 0.01
NMS_SIZE = 100


def crop_and_resize(img, boxes, size):
    # img [1,H,W,C]; boxes [N,4] normalized (y1,x1,y2,x2); bilinear, like tf.image.crop_and_resize
    im = img[0]
    H, W = im.shape[0], im.shape[1]
    y1, x1, y2, x2 = boxes[:, 0], boxes[:, 1], boxes[:, 2], boxes[:, 3]
    t = jnp.linspace(0.0, 1.0, size)
    ys = (y1[:, None] + t[None, :] * (y2 - y1)[:, None]) * (H - 1)
    xs = (x1[:, None] + t[None, :] * (x2 - x1)[:, None]) * (W - 1)
    y0 = jnp.clip(jnp.floor(ys), 0, H - 2)
    x0 = jnp.clip(jnp.floor(xs), 0, W - 2)
    wy = jnp.clip(ys - y0, 0.0, 1.0)[:, :, None, None]
    wx = jnp.clip(xs - x0, 0.0, 1.0)[:, None, :, None]
    y0i = y0.astype(jnp.int32)
    x0i = x0.astype(jnp.int32)

    def g(yy, xx):
        return im[yy[:, :, None], xx[:, None, :], :]

    v00 = g(y0i, x0i)
    v01 = g(y0i, x0i + 1)
    v10 = g(y0i + 1, x0i)
    v11 = g(y0i + 1, x0i + 1)
    return v00 * (1 - wy) * (1 - wx) + v01 * (1 - wy) * wx + v10 * wy * (1 - wx) + v11 * wy * wx


def project_to_bev(anchors, extents, normalize):
    x, z = anchors[:, 0], anchors[:, 2]
    dx, dz = anchors[:, 3], anchors[:, 5]
    x1, x2 = x - dx / 2, x + dx / 2
    z1, z2 = z - dz / 2, z + dz / 2
    if normalize:
        xr, zr = extents[0], extents[2]
        u1 = (x1 - xr[0]) / (xr[1] - xr[0])
        u2 = (x2 - xr[0]) / (xr[1] - xr[0])
        v1 = (zr[1] - z2) / (zr[1] - zr[0])
        v2 = (zr[1] - z1) / (zr[1] - zr[0])
        return jnp.clip(jnp.stack([u1, v1, u2, v2], axis=1), 0.0, 1.0)
    return jnp.stack([x1, z1, x2, z2], axis=1)


def project_axis_aligned_to_img(anchors, image_shape, P, normalize):
    x, y, z = anchors[:, 0], anchors[:, 1], anchors[:, 2]
    dx, dy, dz = anchors[:, 3], anchors[:, 4], anchors[:, 5]
    offs = jnp.array([[sx, sy, sz] for sx in (-0.5, 0.5) for sy in (-0.5, 0.5) for sz in (-0.5, 0.5)], dtype=jnp.float32)
    cx = x[:, None] + offs[None, :, 0] * dx[:, None]
    cy = y[:, None] + offs[None, :, 1] * dy[:, None]
    cz = z[:, None] + offs[None, :, 2] * dz[:, None]
    pts = jnp.stack([cx, cy, cz, jnp.ones_like(cx)], axis=-1)  # [N,8,4]
    proj = jnp.einsum('nkj,ij->nki', pts, P)
    u = proj[..., 0] / jnp.maximum(proj[..., 2], 1e-3)
    v = proj[..., 1] / jnp.maximum(proj[..., 2], 1e-3)
    b = jnp.stack([u.min(1), v.min(1), u.max(1), v.max(1)], axis=1)
    if normalize:
        H, W = image_shape[0], image_shape[1]
        b = b / jnp.stack([W, H, W, H])
        b = jnp.clip(b, 0.0, 1.0)
    return b


def ground_y(gp, x, z):
    return -(gp[0] * x + gp[2] * z + gp[3]) / gp[1]


def anchors_to_4cp(anchors, gp):
    x, y, z = anchors[:, 0], anchors[:, 1], anchors[:, 2]
    dx, dy, dz = anchors[:, 3], anchors[:, 4], anchors[:, 5]
    xs = jnp.stack([x - dx / 2, x + dx / 2, x + dx / 2, x - dx / 2], axis=1)
    zs = jnp.stack([z - dz / 2, z - dz / 2, z + dz / 2, z + dz / 2], axis=1)
    yg = ground_y(gp, x, z)
    h1 = (y - dy / 2) - yg
    h2 = (y + dy / 2) - yg
    return jnp.concatenate([xs, zs, h1[:, None], h2[:, None]], axis=1)


def box_4cp_to_anchor(b, gp):
    xs, zs, h1, h2 = b[:, :4], b[:, 4:8], b[:, 8], b[:, 9]
    x, z = xs.mean(1), zs.mean(1)
    dx = xs.max(1) - xs.min(1)
    dz = zs.max(1) - zs.min(1)
    yg = ground_y(gp, x, z)
    y = yg + (h1 + h2) / 2
    dy = h2 - h1
    return jnp.stack([x, y, z, dx, dy, dz], axis=1)


def proposals_to_4c_box_al(anchors, offsets, gp):
    prop4cp = anchors_to_4cp(anchors, gp)
    pred4c = prop4cp + offsets
    pred_anchors = box_4cp_to_anchor(pred4c, gp)
    pred_box = jnp.concatenate([pred_anchors, jnp.zeros((pred_anchors.shape[0], 1))], axis=1)
    return pred4c, pred_box, pred_anchors, prop4cp


def nms(boxes, scores, iou_thr, max_out):
    x1, z1, x2, z2 = boxes[:, 0], boxes[:, 1], boxes[:, 2], boxes[:, 3]
    areas = (x2 - x1) * (z2 - z1)
    valid = jnp.ones(scores.shape[0], dtype=bool)
    idxs = []
    for _ in range(max_out):
        s = jnp.where(valid, scores, -jnp.inf)
        i = jnp.argmax(s)
        idxs.append(i)
        xx1 = jnp.maximum(x1[i], x1)
        zz1 = jnp.maximum(z1[i], z1)
        xx2 = jnp.minimum(x2[i], x2)
        zz2 = jnp.minimum(z2[i], z2)
        inter = jnp.clip(xx2 - xx1, 0.0) * jnp.clip(zz2 - zz1, 0.0)
        iou = inter / (areas[i] + areas - inter + 1e-8)
        valid = valid & (iou <= iou_thr)
        valid = valid.at[i].set(False)
    return jnp.stack(idxs)


def setup_inputs(seed: int = 0):
    key = jax.random.key(seed)
    ks = jax.random.split(key, 12)
    N, C = 20000, 32
    img_feat_map = jax.random.normal(ks[0], (1, 96, 312, C), dtype=jnp.float32)
    bev_feat_map = jax.random.normal(ks[1], (1, 176, 200, C), dtype=jnp.float32)
    x = jax.random.uniform(ks[2], (N,), minval=-36.0, maxval=36.0)
    z = jax.random.uniform(ks[3], (N,), minval=2.0, maxval=68.0)
    dxd = jax.random.uniform(ks[4], (N,), minval=1.5, maxval=2.0)
    dyd = jax.random.uniform(ks[5], (N,), minval=1.4, maxval=1.8)
    dzd = jax.random.uniform(ks[6], (N,), minval=3.0, maxval=4.5)
    y = 1.65 - dyd / 2 + 0.05 * jax.random.normal(ks[7], (N,))
    top_anchors = jnp.stack([x, y, z, dxd, dyd, dzd], axis=1)
    image_shape = jnp.array([375.0, 1242.0], dtype=jnp.float32)
    calibration_dict = jnp.array([[[721.5, 0.0, 609.6, 44.9], [0.0, 721.5, 172.9, 0.2], [0.0, 0.0, 1.0, 0.003]]], dtype=jnp.float32)
    ground_plane = jnp.array([0.0, -1.0, 0.0, 1.65], dtype=jnp.float32)
    img_mask = jnp.ones((1,), dtype=jnp.float32)
    bev_mask = jnp.ones((1,), dtype=jnp.float32)
    in_dim = ROI_SIZE * ROI_SIZE * C
    W_cls = 0.01 * jax.random.normal(ks[8], (in_dim, 4))
    b_cls = jnp.zeros((4,))
    W_off = 0.01 * jax.random.normal(ks[9], (in_dim, 10))
    b_off = jnp.zeros((10,))
    W_ang = 0.01 * jax.random.normal(ks[10], (in_dim, 2))
    b_ang = jnp.zeros((2,))
    return {"img_feat_map": img_feat_map, "bev_feat_map": bev_feat_map, "top_anchors": top_anchors, "image_shape": image_shape, "calibration_dict": calibration_dict, "ground_plane": ground_plane, "img_mask": img_mask, "bev_mask": bev_mask, "W_cls": W_cls, "b_cls": b_cls, "W_off": W_off, "b_off": b_off, "W_ang": W_ang, "b_ang": b_ang}


def reference(img_feat_map, bev_feat_map, top_anchors, image_shape, calibration_dict, ground_plane, img_mask, bev_mask, W_cls, b_cls, W_off, b_off, W_ang, b_ang):
    ext = jnp.asarray(AREA_EXTENTS)
    bev_ins = project_to_bev(top_anchors, ext, normalize=True)
    rgb_ins = project_axis_aligned_to_img(top_anchors, image_shape, calibration_dict[0], normalize=True)
    anchors_img = jnp.take(rgb_ins, jnp.array([1, 0, 3, 2]), axis=1)
    anchors_bev = jnp.take(bev_ins, jnp.array([1, 0, 3, 2]), axis=1)
    rois_rgb = crop_and_resize(img_mask * img_feat_map, anchors_img, ROI_SIZE)
    rois_bev = crop_and_resize(bev_mask * bev_feat_map, anchors_bev, ROI_SIZE)
    fused = (rois_rgb + rois_bev) / (img_mask + bev_mask)  # mean fusion
    f = fused.reshape(fused.shape[0], -1)
    obj_score = f @ W_cls + b_cls
    offset_scores = f @ W_off + b_off
    ang_scores = f @ W_ang + b_ang
    obj_softmax = jax.nn.softmax(obj_score, axis=1)
    orientations = jnp.arctan2(ang_scores[:, 1], ang_scores[:, 0])
    pred4c, pred_box, pred_anchors, prop4cp = proposals_to_4c_box_al(top_anchors, offset_scores, ground_plane)
    pred_bev = project_to_bev(pred_anchors, ext, normalize=False)
    top_pred_scores = jnp.max(obj_score[:, 1:], axis=1)
    top_idx = nms(pred_bev, top_pred_scores, NMS_THRESHOLD, NMS_SIZE)
    top_scores_soft = jnp.take(obj_softmax, top_idx, axis=0)
    top_pred_anchors = jnp.take(pred_anchors, top_idx, axis=0)
    top_pred_orientations = jnp.take(orientations, top_idx, axis=0)
    top_4c = jnp.take(pred4c, top_idx, axis=0)
    top_box = jnp.take(pred_box, top_idx, axis=0)
    return (top_scores_soft, (top_pred_anchors, top_4c, top_box), top_pred_orientations, None)

if __name__ == "__main__":
    import jax
    _d = setup_inputs()
    print(jax.jit(kernel)(*tuple(_d.values())))

</pallas_src>

<mosaic_0001>
#map = affine_map<(d0, d1) -> (0, 0)>
#map1 = affine_map<(d0, d1) -> (0, 0, 0, 0)>
#map2 = affine_map<(d0, d1) -> (0, 0, 0)>
module attributes {stable_mosaic.version = 14 : i64} {
  func.func @_roi_body(%arg0: i32, %arg1: i32, %arg2: memref<65152x128xf32, #tpu.memory_space<hbm>>, %arg3: memref<49x160x2x128xi32, #tpu.memory_space<hbm>>, %arg4: memref<4x49x20480xf32, #tpu.memory_space<hbm>>, %arg5: memref<4x49x20480xf32, #tpu.memory_space<hbm>>, %arg6: memref<49x655360xf32, #tpu.memory_space<hbm>>, %arg7: memref<2x256x128xf32, #tpu.memory_space<vmem>>, %arg8: memref<2x2x128xi32, #tpu.memory_space<vmem>>, %arg9: memref<4x640xf32, #tpu.memory_space<vmem>>, %arg10: memref<4x640xf32, #tpu.memory_space<vmem>>, %arg11: memref<2x1x20480xf32, #tpu.memory_space<vmem>>, %arg12: memref<!tpu.dma_semaphore, #tpu.memory_space<semaphore_mem>>, %arg13: memref<!tpu.dma_semaphore, #tpu.memory_space<semaphore_mem>>) attributes {dimension_semantics = [#tpu.dimension_semantics<core_parallel>, #tpu.dimension_semantics<subcore_parallel>], iteration_bounds = array<i64: 2, 16>, scalar_prefetch = 0 : i64, scratch_operands = 7 : i64, tpu.core_type = #tpu.core_type<sc_vector_subcore>, window_params = [{transform_indices = #map}, {transform_indices = #map1}, {transform_indices = #map2}, {transform_indices = #map2}, {transform_indices = #map}]} {
    %mul3A = arith.constant 2 : i32
    %mul3A_0 = arith.muli %arg1, %mul3A : i32
    %add3A = arith.addi %mul3A_0, %arg0 : i32
    %mul3A_1 = arith.constant 640 : i32
    %mul3A_2 = arith.muli %add3A, %mul3A_1 : i32
    %mul3A_3 = arith.constant 5 : i32
    %mul3A_4 = arith.muli %add3A, %mul3A_3 : i32
    %iota3A = tpu.iota {dimensions = array<i32: 0>} : vector<16xi32>
    %add3A_5 = arith.constant 0 : i32
    %add3A_6 = arith.addi %mul3A_4, %add3A_5 : i32
    %run_scoped3A = arith.constant 0 : i32
    %run_scoped3A_7 = arith.constant 0 : i32
    "tpu.region"() ({
      %run_scoped3A_68 = tpu.sem_alloc : memref<!tpu.dma_semaphore, #tpu.memory_space<semaphore_mem>>
      %dma_start3A_69 = arith.constant 0 : i32
      %dma_start3A_70 = arith.constant 0 : i32
      %dma_start3A_71 = tpu.memref_slice %arg8[%run_scoped3A_7, %dma_start3A_69, %dma_start3A_70] : memref<2x2x128xi32, #tpu.memory_space<vmem>> -> memref<1x2x128xi32, #tpu.memory_space<vmem>>
      %dma_start3A_72 = tpu.memref_squeeze %dma_start3A_71 : memref<1x2x128xi32, #tpu.memory_space<vmem>> -> memref<2x128xi32, #tpu.memory_space<vmem>>
      %dma_start3A_73 = arith.constant 0 : i32
      %dma_start3A_74 = arith.constant 0 : i32
      %dma_start3A_75 = tpu.memref_slice %arg3[%run_scoped3A, %add3A_6, %dma_start3A_73, %dma_start3A_74] : memref<49x160x2x128xi32, #tpu.memory_space<hbm>> -> memref<1x1x2x128xi32, #tpu.memory_space<hbm>>
      %dma_start3A_76 = tpu.memref_squeeze %dma_start3A_75 : memref<1x1x2x128xi32, #tpu.memory_space<hbm>> -> memref<2x128xi32, #tpu.memory_space<hbm>>
      %dma_start3A_77 = arith.constant 0 : i32
      %dma_start3A_78 = arith.constant 0 : i32
      %dma_start3A_79 = tpu.memref_slice %arg8[%run_scoped3A_7, %dma_start3A_77, %dma_start3A_78] : memref<2x2x128xi32, #tpu.memory_space<vmem>> -> memref<1x2x128xi32, #tpu.memory_space<vmem>>
      %dma_start3A_80 = tpu.memref_squeeze %dma_start3A_79 : memref<1x2x128xi32, #tpu.memory_space<vmem>> -> memref<2x128xi32, #tpu.memory_space<vmem>>
      %dma_start3A_81 = arith.constant 0 : i32
      %dma_start3A_82 = arith.constant 0 : i32
      %dma_start3A_83 = tpu.memref_slice %arg3[%run_scoped3A, %add3A_6, %dma_start3A_81, %dma_start3A_82] : memref<49x160x2x128xi32, #tpu.memory_space<hbm>> -> memref<1x1x2x128xi32, #tpu.memory_space<hbm>>
      %dma_start3A_84 = tpu.memref_squeeze %dma_start3A_83 : memref<1x1x2x128xi32, #tpu.memory_space<hbm>> -> memref<2x128xi32, #tpu.memory_space<hbm>>
      tpu.enqueue_dma source(%dma_start3A_84 : memref<2x128xi32, #tpu.memory_space<hbm>>) target(%dma_start3A_80 : memref<2x128xi32, #tpu.memory_space<vmem>>) target_semaphore(%run_scoped3A_68 : memref<!tpu.dma_semaphore, #tpu.memory_space<semaphore_mem>>)
      %dma_wait3A_85 = arith.constant 0 : i32
      %dma_wait3A_86 = arith.constant 0 : i32
      %dma_wait3A_87 = tpu.memref_slice %arg8[%run_scoped3A_7, %dma_wait3A_85, %dma_wait3A_86] : memref<2x2x128xi32, #tpu.memory_space<vmem>> -> memref<1x2x128xi32, #tpu.memory_space<vmem>>
      %dma_wait3A_88 = tpu.memref_squeeze %dma_wait3A_87 : memref<1x2x128xi32, #tpu.memory_space<vmem>> -> memref<2x128xi32, #tpu.memory_space<vmem>>
      %dma_wait3A_89 = arith.constant 0 : i32
      %dma_wait3A_90 = arith.constant 0 : i32
      %dma_wait3A_91 = tpu.memref_slice %arg3[%run_scoped3A, %add3A_6, %dma_wait3A_89, %dma_wait3A_90] : memref<49x160x2x128xi32, #tpu.memory_space<hbm>> -> memref<1x1x2x128xi32, #tpu.memory_space<hbm>>
      %dma_wait3A_92 = tpu.memref_squeeze %dma_wait3A_91 : memref<1x1x2x128xi32, #tpu.memory_space<hbm>> -> memref<2x128xi32, #tpu.memory_space<hbm>>
      %dma_wait3A_93 = arith.constant 0 : i32
      %dma_wait3A_94 = arith.constant 0 : i32
      %dma_wait3A_95 = tpu.memref_slice %arg8[%run_scoped3A_7, %dma_wait3A_93, %dma_wait3A_94] : memref<2x2x128xi32, #tpu.memory_space<vmem>> -> memref<1x2x128xi32, #tpu.memory_space<vmem>>
      %dma_wait3A_96 = tpu.memref_squeeze %dma_wait3A_95 : memref<1x2x128xi32, #tpu.memory_space<vmem>> -> memref<2x128xi32, #tpu.memory_space<vmem>>
      %dma_wait3A_97 = arith.constant 0 : i32
      %dma_wait3A_98 = arith.constant 0 : i32
      %dma_wait3A_99 = tpu.memref_slice %arg3[%run_scoped3A, %add3A_6, %dma_wait3A_97, %dma_wait3A_98] : memref<49x160x2x128xi32, #tpu.memory_space<hbm>> -> memref<1x1x2x128xi32, #tpu.memory_space<hbm>>
      %dma_wait3A_100 = tpu.memref_squeeze %dma_wait3A_99 : memref<1x1x2x128xi32, #tpu.memory_space<hbm>> -> memref<2x128xi32, #tpu.memory_space<hbm>>
      tpu.wait_dma2 semaphore(%run_scoped3A_68 : memref<!tpu.dma_semaphore, #tpu.memory_space<semaphore_mem>>) src(%dma_wait3A_100 : memref<2x128xi32, #tpu.memory_space<hbm>>) dst(%dma_wait3A_96 : memref<2x128xi32, #tpu.memory_space<vmem>>)
      tpu.yield
    }) : () -> ()
    %dma_start3A = arith.constant 0 : i32
    %dma_start3A_8 = arith.constant 0 : i32
    %dma_start3A_9 = arith.constant 0 : i32
    %dma_start3A_10 = arith.constant 0 : i32
    %dma_start3A_11 = arith.constant 0 : i32
    %dma_start3A_12 = tpu.memref_slice %arg7[%dma_start3A_9, %dma_start3A_10, %dma_start3A_11] : memref<2x256x128xf32, #tpu.memory_space<vmem>> -> memref<1x128x128xf32, #tpu.memory_space<vmem>>
    %dma_start3A_13 = tpu.memref_squeeze %dma_start3A_12 : memref<1x128x128xf32, #tpu.memory_space<vmem>> -> memref<128x128xf32, #tpu.memory_space<vmem>>
    %dma_start3A_14 = arith.constant 0 : i32
    %dma_start3A_15 = tpu.memref_slice %arg8[%dma_start3A, %dma_start3A_8, %dma_start3A_14] : memref<2x2x128xi32, #tpu.memory_space<vmem>> -> memref<1x1x128xi32, #tpu.memory_space<vmem>>
    %dma_start3A_16 = tpu.memref_squeeze %dma_start3A_15 : memref<1x1x128xi32, #tpu.memory_space<vmem>> -> memref<128xi32, #tpu.memory_space<vmem>>
    %dma_start3A_17 = arith.constant 0 : i32
    %dma_start3A_18 = arith.constant 0 : i32
    %dma_start3A_19 = tpu.memref_slice %arg2[%dma_start3A_17, %dma_start3A_18] : memref<65152x128xf32, #tpu.memory_space<hbm>> -> memref<65152x128xf32, #tpu.memory_space<hbm>>
    tpu.enqueue_indirect_dma source(%dma_start3A_19 : memref<65152x128xf32, #tpu.memory_space<hbm>>) target(%dma_start3A_13 : memref<128x128xf32, #tpu.memory_space<vmem>>) offsets(%dma_start3A_16 : memref<128xi32, #tpu.memory_space<vmem>>) semaphore(%arg12 : memref<!tpu.dma_semaphore, #tpu.memory_space<semaphore_mem>>)
    %dma_start3A_20 = arith.constant 0 : i32
    %dma_start3A_21 = arith.constant 1 : i32
    %dma_start3A_22 = arith.constant 0 : i32
    %dma_start3A_23 = arith.constant 128 : i32
    %dma_start3A_24 = arith.constant 0 : i32
    %dma_start3A_25 = tpu.memref_slice %arg7[%dma_start3A_22, %dma_start3A_23, %dma_start3A_24] : memref<2x256x128xf32, #tpu.memory_space<vmem>> -> memref<1x128x128xf32, #tpu.memory_space<vmem>>
    %dma_start3A_26 = tpu.memref_squeeze %dma_start3A_25 : memref<1x128x128xf32, #tpu.memory_space<vmem>> -> memref<128x128xf32, #tpu.memory_space<vmem>>
    %dma_start3A_27 = arith.constant 0 : i32
    %dma_start3A_28 = tpu.memref_slice %arg8[%dma_start3A_20, %dma_start3A_21, %dma_start3A_27] : memref<2x2x128xi32, #tpu.memory_space<vmem>> -> memref<1x1x128xi32, #tpu.memory_space<vmem>>
    %dma_start3A_29 = tpu.memref_squeeze %dma_start3A_28 : memref<1x1x128xi32, #tpu.memory_space<vmem>> -> memref<128xi32, #tpu.memory_space<vmem>>
    %dma_start3A_30 = arith.constant 0 : i32
    %dma_start3A_31 = arith.constant 0 : i32
    %dma_start3A_32 = tpu.memref_slice %arg2[%dma_start3A_30, %dma_start3A_31] : memref<65152x128xf32, #tpu.memory_space<hbm>> -> memref<65152x128xf32, #tpu.memory_space<hbm>>
    tpu.enqueue_indirect_dma source(%dma_start3A_32 : memref<65152x128xf32, #tpu.memory_space<hbm>>) target(%dma_start3A_26 : memref<128x128xf32, #tpu.memory_space<vmem>>) offsets(%dma_start3A_29 : memref<128xi32, #tpu.memory_space<vmem>>) semaphore(%arg12 : memref<!tpu.dma_semaphore, #tpu.memory_space<semaphore_mem>>)
    %scan3A = arith.constant 0 : i32
    %scan3A_33 = arith.constant 0 : i32
    %scan3A_34 = arith.constant 245 : i32
    %scan3A_35 = arith.addi %scan3A_33, %scan3A_34 : i32
    %scan3A_36 = arith.constant 1 : i32
    %scan3A_37 = scf.for %scan3A_68 = %scan3A_33 to %scan3A_35 step %scan3A_36 iter_args(%scan3A_69 = %scan3A) -> (i32)  : i32 {
      %jit3A = arith.constant 5 : i32
      %div3A = arith.divsi %scan3A_68, %jit3A : i32
      %sign3A = arith.constant 0 : i32
      %sign3A_70 = arith.cmpi sgt, %scan3A_68, %sign3A : i32
      %sign3A_71 = arith.extui %sign3A_70 : i1 to i32
      %sign3A_72 = arith.constant 0 : i32
      %sign3A_73 = arith.cmpi slt, %scan3A_68, %sign3A_72 : i32
      %sign3A_74 = arith.extui %sign3A_73 : i1 to i32
      %sign3A_75 = arith.subi %sign3A_71, %sign3A_74 : i32
      %sign3A_76 = arith.constant 0 : i32
      %sign3A_77 = arith.cmpi sgt, %jit3A, %sign3A_76 : i32
      %sign3A_78 = arith.extui %sign3A_77 : i1 to i32
      %sign3A_79 = arith.constant 0 : i32
      %sign3A_80 = arith.cmpi slt, %jit3A, %sign3A_79 : i32
      %sign3A_81 = arith.extui %sign3A_80 : i1 to i32
      %sign3A_82 = arith.subi %sign3A_78, %sign3A_81 : i32
      %ne3A = arith.cmpi ne, %sign3A_75, %sign3A_82 : i32
      %rem3A = arith.remsi %scan3A_68, %jit3A : i32
      %ne3A_83 = arith.constant 0 : i32
      %ne3A_84 = arith.cmpi ne, %rem3A, %ne3A_83 : i32
      %and3A = arith.andi %ne3A, %ne3A_84 : i1
      %sub3A = arith.constant 1 : i32
      %sub3A_85 = arith.subi %div3A, %sub3A : i32
      %select_n3A = arith.select %and3A, %sub3A_85, %div3A : i32
      %jit3A_86 = arith.constant 5 : i32
      %eq3A = arith.constant 0 : i32
      %eq3A_87 = arith.cmpi eq, %jit3A_86, %eq3A : i32
      %jit3A_88 = arith.constant 1 : i32
      %select_n3A_89 = arith.select %eq3A_87, %jit3A_88, %jit3A_86 : i32
      %rem3A_90 = arith.remsi %scan3A_68, %select_n3A_89 : i32
      %ne3A_91 = arith.constant 0 : i32
      %ne3A_92 = arith.cmpi ne, %rem3A_90, %ne3A_91 : i32
      %lt3A = arith.constant 0 : i32
      %lt3A_93 = arith.cmpi slt, %rem3A_90, %lt3A : i32
      %lt3A_94 = arith.constant 0 : i32
      %lt3A_95 = arith.cmpi slt, %select_n3A_89, %lt3A_94 : i32
      %ne3A_96 = arith.xori %lt3A_93, %lt3A_95 : i1
      %and3A_97 = arith.andi %ne3A_96, %ne3A_92 : i1
      %add3A_98 = arith.addi %rem3A_90, %select_n3A_89 : i32
      %select_n3A_99 = arith.select %and3A_97, %add3A_98, %rem3A_90 : i32
      %rem3A_100 = arith.constant 2 : i32
      %rem3A_101 = arith.remsi %scan3A_68, %rem3A_100 : i32
      %rem3A_102 = arith.constant 2 : i32
      %rem3A_103 = arith.remsi %select_n3A, %rem3A_102 : i32
      %eq3A_104 = arith.constant 0 : i32
      %eq3A_105 = arith.cmpi eq, %select_n3A_99, %eq3A_104 : i32
      %convert_element_type3A = arith.extui %eq3A_105 : i1 to i32
      %cond3A = arith.constant 0 : i32
      %cond3A_106 = arith.cmpi ne, %convert_element_type3A, %cond3A : i32
      scf.if %cond3A_106 {
        "tpu.region"() ({
          %run_scoped3A_154 = tpu.sem_alloc : memref<!tpu.dma_semaphore, #tpu.memory_space<semaphore_mem>>
          %dma_start3A_155 = arith.constant 0 : i32
          %dma_start3A_156 = tpu.memref_slice %arg4[%dma_start3A_155, %select_n3A, %mul3A_2] : memref<4x49x20480xf32, #tpu.memory_space<hbm>> -> memref<4x1x640xf32, #tpu.memory_space<hbm>>
          %dma_start3A_157 = tpu.memref_squeeze %dma_start3A_156 : memref<4x1x640xf32, #tpu.memory_space<hbm>> -> memref<4x640xf32, #tpu.memory_space<hbm>>
          %dma_start3A_158 = arith.constant 0 : i32
          %dma_start3A_159 = tpu.memref_slice %arg4[%dma_start3A_158, %select_n3A, %mul3A_2] : memref<4x49x20480xf32, #tpu.memory_space<hbm>> -> memref<4x1x640xf32, #tpu.memory_space<hbm>>
          %dma_start3A_160 = tpu.memref_squeeze %dma_start3A_159 : memref<4x1x640xf32, #tpu.memory_space<hbm>> -> memref<4x640xf32, #tpu.memory_space<hbm>>
          tpu.enqueue_dma source(%dma_start3A_160 : memref<4x640xf32, #tpu.memory_space<hbm>>) target(%arg9 : memref<4x640xf32, #tpu.memory_space<vmem>>) target_semaphore(%run_scoped3A_154 : memref<!tpu.dma_semaphore, #tpu.memory_space<semaphore_mem>>)
          %dma_wait3A_161 = arith.constant 0 : i32
          %dma_wait3A_162 = tpu.memref_slice %arg4[%dma_wait3A_161, %select_n3A, %mul3A_2] : memref<4x49x20480xf32, #tpu.memory_space<hbm>> -> memref<4x1x640xf32, #tpu.memory_space<hbm>>
          %dma_wait3A_163 = tpu.memref_squeeze %dma_wait3A_162 : memref<4x1x640xf32, #tpu.memory_space<hbm>> -> memref<4x640xf32, #tpu.memory_space<hbm>>
          %dma_wait3A_164 = arith.constant 0 : i32
          %dma_wait3A_165 = tpu.memref_slice %arg4[%dma_wait3A_164, %select_n3A, %mul3A_2] : memref<4x49x20480xf32, #tpu.memory_space<hbm>> -> memref<4x1x640xf32, #tpu.memory_space<hbm>>
          %dma_wait3A_166 = tpu.memref_squeeze %dma_wait3A_165 : memref<4x1x640xf32, #tpu.memory_space<hbm>> -> memref<4x640xf32, #tpu.memory_space<hbm>>
          tpu.wait_dma2 semaphore(%run_scoped3A_154 : memref<!tpu.dma_semaphore, #tpu.memory_space<semaphore_mem>>) src(%dma_wait3A_166 : memref<4x640xf32, #tpu.memory_space<hbm>>) dst(%arg9 : memref<4x640xf32, #tpu.memory_space<vmem>>)
          tpu.yield
        }) : () -> ()
        "tpu.region"() ({
          %run_scoped3A_154 = tpu.sem_alloc : memref<!tpu.dma_semaphore, #tpu.memory_space<semaphore_mem>>
          %dma_start3A_155 = arith.constant 0 : i32
          %dma_start3A_156 = tpu.memref_slice %arg5[%dma_start3A_155, %select_n3A, %mul3A_2] : memref<4x49x20480xf32, #tpu.memory_space<hbm>> -> memref<4x1x640xf32, #tpu.memory_space<hbm>>
          %dma_start3A_157 = tpu.memref_squeeze %dma_start3A_156 : memref<4x1x640xf32, #tpu.memory_space<hbm>> -> memref<4x640xf32, #tpu.memory_space<hbm>>
          %dma_start3A_158 = arith.constant 0 : i32
          %dma_start3A_159 = tpu.memref_slice %arg5[%dma_start3A_158, %select_n3A, %mul3A_2] : memref<4x49x20480xf32, #tpu.memory_space<hbm>> -> memref<4x1x640xf32, #tpu.memory_space<hbm>>
          %dma_start3A_160 = tpu.memref_squeeze %dma_start3A_159 : memref<4x1x640xf32, #tpu.memory_space<hbm>> -> memref<4x640xf32, #tpu.memory_space<hbm>>
          tpu.enqueue_dma source(%dma_start3A_160 : memref<4x640xf32, #tpu.memory_space<hbm>>) target(%arg10 : memref<4x640xf32, #tpu.memory_space<vmem>>) target_semaphore(%run_scoped3A_154 : memref<!tpu.dma_semaphore, #tpu.memory_space<semaphore_mem>>)
          %dma_wait3A_161 = arith.constant 0 : i32
          %dma_wait3A_162 = tpu.memref_slice %arg5[%dma_wait3A_161, %select_n3A, %mul3A_2] : memref<4x49x20480xf32, #tpu.memory_space<hbm>> -> memref<4x1x640xf32, #tpu.memory_space<hbm>>
          %dma_wait3A_163 = tpu.memref_squeeze %dma_wait3A_162 : memref<4x1x640xf32, #tpu.memory_space<hbm>> -> memref<4x640xf32, #tpu.memory_space<hbm>>
          %dma_wait3A_164 = arith.constant 0 : i32
          %dma_wait3A_165 = tpu.memref_slice %arg5[%dma_wait3A_164, %select_n3A, %mul3A_2] : memref<4x49x20480xf32, #tpu.memory_space<hbm>> -> memref<4x1x640xf32, #tpu.memory_space<hbm>>
          %dma_wait3A_166 = tpu.memref_squeeze %dma_wait3A_165 : memref<4x1x640xf32, #tpu.memory_space<hbm>> -> memref<4x640xf32, #tpu.memory_space<hbm>>
          tpu.wait_dma2 semaphore(%run_scoped3A_154 : memref<!tpu.dma_semaphore, #tpu.memory_space<semaphore_mem>>) src(%dma_wait3A_166 : memref<4x640xf32, #tpu.memory_space<hbm>>) dst(%arg10 : memref<4x640xf32, #tpu.memory_space<vmem>>)
          tpu.yield
        }) : () -> ()
        %ge3A = arith.constant 2 : i32
        %ge3A_150 = arith.cmpi sge, %select_n3A, %ge3A : i32
        %convert_element_type3A_151 = arith.extui %ge3A_150 : i1 to i32
        %cond3A_152 = arith.constant 0 : i32
        %cond3A_153 = arith.cmpi ne, %convert_element_type3A_151, %cond3A_152 : i32
        scf.if %cond3A_153 {
          %sub3A_154 = arith.constant 2 : i32
          %sub3A_155 = arith.subi %select_n3A, %sub3A_154 : i32
          %mul3A_156 = arith.constant 32 : i32
          %mul3A_157 = arith.muli %mul3A_2, %mul3A_156 : i32
          %dma_wait3A_158 = arith.constant 0 : i32
          %dma_wait3A_159 = arith.constant 0 : i32
          %dma_wait3A_160 = tpu.memref_slice %arg11[%rem3A_103, %dma_wait3A_158, %dma_wait3A_159] : memref<2x1x20480xf32, #tpu.memory_space<vmem>> -> memref<1x1x20480xf32, #tpu.memory_space<vmem>>
          %dma_wait3A_161 = tpu.memref_squeeze %dma_wait3A_160 : memref<1x1x20480xf32, #tpu.memory_space<vmem>> -> memref<1x20480xf32, #tpu.memory_space<vmem>>
          %dma_wait3A_162 = tpu.memref_slice %arg6[%sub3A_155, %mul3A_157] : memref<49x655360xf32, #tpu.memory_space<hbm>> -> memref<1x20480xf32, #tpu.memory_space<hbm>>
          %dma_wait3A_163 = tpu.memref_slice %arg6[%sub3A_155, %mul3A_157] : memref<49x655360xf32, #tpu.memory_space<hbm>> -> memref<1x20480xf32, #tpu.memory_space<hbm>>
          %dma_wait3A_164 = arith.constant 0 : i32
          %dma_wait3A_165 = arith.constant 0 : i32
          %dma_wait3A_166 = tpu.memref_slice %arg11[%rem3A_103, %dma_wait3A_164, %dma_wait3A_165] : memref<2x1x20480xf32, #tpu.memory_space<vmem>> -> memref<1x1x20480xf32, #tpu.memory_space<vmem>>
          %dma_wait3A_167 = tpu.memref_squeeze %dma_wait3A_166 : memref<1x1x20480xf32, #tpu.memory_space<vmem>> -> memref<1x20480xf32, #tpu.memory_space<vmem>>
          tpu.wait_dma2 semaphore(%arg13 : memref<!tpu.dma_semaphore, #tpu.memory_space<semaphore_mem>>) src(%dma_wait3A_167 : memref<1x20480xf32, #tpu.memory_space<vmem>>) dst(%dma_wait3A_163 : memref<1x20480xf32, #tpu.memory_space<hbm>>)
        } else {
        }
      } else {
      }
      %dma_wait3A_107 = arith.constant 0 : i32
      %dma_wait3A_108 = arith.constant 0 : i32
      %dma_wait3A_109 = arith.constant 0 : i32
      %dma_wait3A_110 = tpu.memref_slice %arg7[%rem3A_101, %dma_wait3A_108, %dma_wait3A_109] : memref<2x256x128xf32, #tpu.memory_space<vmem>> -> memref<1x128x128xf32, #tpu.memory_space<vmem>>
      %dma_wait3A_111 = tpu.memref_squeeze %dma_wait3A_110 : memref<1x128x128xf32, #tpu.memory_space<vmem>> -> memref<128x128xf32, #tpu.memory_space<vmem>>
      %dma_wait3A_112 = arith.constant 0 : i32
      %dma_wait3A_113 = tpu.memref_slice %arg8[%rem3A_101, %dma_wait3A_107, %dma_wait3A_112] : memref<2x2x128xi32, #tpu.memory_space<vmem>> -> memref<1x1x128xi32, #tpu.memory_space<vmem>>
      %dma_wait3A_114 = tpu.memref_squeeze %dma_wait3A_113 : memref<1x1x128xi32, #tpu.memory_space<vmem>> -> memref<128xi32, #tpu.memory_space<vmem>>
      %dma_wait3A_115 = arith.constant 0 : i32
      %dma_wait3A_116 = arith.constant 0 : i32
      %dma_wait3A_117 = tpu.memref_slice %arg2[%dma_wait3A_115, %dma_wait3A_116] : memref<65152x128xf32, #tpu.memory_space<hbm>> -> memref<65152x128xf32, #tpu.memory_space<hbm>>
      tpu.wait_indirect_dma semaphore(%arg12 : memref<!tpu.dma_semaphore, #tpu.memory_space<semaphore_mem>>) src(%dma_wait3A_117 : memref<65152x128xf32, #tpu.memory_space<hbm>>) dst(%dma_wait3A_111 : memref<128x128xf32, #tpu.memory_space<vmem>>)
      %dma_wait3A_118 = arith.constant 1 : i32
      %dma_wait3A_119 = arith.constant 128 : i32
      %dma_wait3A_120 = arith.constant 0 : i32
      %dma_wait3A_121 = tpu.memref_slice %arg7[%rem3A_101, %dma_wait3A_119, %dma_wait3A_120] : memref<2x256x128xf32, #tpu.memory_space<vmem>> -> memref<1x128x128xf32, #tpu.memory_space<vmem>>
      %dma_wait3A_122 = tpu.memref_squeeze %dma_wait3A_121 : memref<1x128x128xf32, #tpu.memory_space<vmem>> -> memref<128x128xf32, #tpu.memory_space<vmem>>
      %dma_wait3A_123 = arith.constant 0 : i32
      %dma_wait3A_124 = tpu.memref_slice %arg8[%rem3A_101, %dma_wait3A_118, %dma_wait3A_123] : memref<2x2x128xi32, #tpu.memory_space<vmem>> -> memref<1x1x128xi32, #tpu.memory_space<vmem>>
      %dma_wait3A_125 = tpu.memref_squeeze %dma_wait3A_124 : memref<1x1x128xi32, #tpu.memory_space<vmem>> -> memref<128xi32, #tpu.memory_space<vmem>>
      %dma_wait3A_126 = arith.constant 0 : i32
      %dma_wait3A_127 = arith.constant 0 : i32
      %dma_wait3A_128 = tpu.memref_slice %arg2[%dma_wait3A_126, %dma_wait3A_127] : memref<65152x128xf32, #tpu.memory_space<hbm>> -> memref<65152x128xf32, #tpu.memory_space<hbm>>
      tpu.wait_indirect_dma semaphore(%arg12 : memref<!tpu.dma_semaphore, #tpu.memory_space<semaphore_mem>>) src(%dma_wait3A_128 : memref<65152x128xf32, #tpu.memory_space<hbm>>) dst(%dma_wait3A_122 : memref<128x128xf32, #tpu.memory_space<vmem>>)
      %add3A_129 = arith.constant 1 : i32
      %add3A_130 = arith.addi %scan3A_68, %add3A_129 : i32
      %lt3A_131 = arith.constant 245 : i32
      %lt3A_132 = arith.cmpi slt, %add3A_130, %lt3A_131 : i32
      %convert_element_type3A_133 = arith.extui %lt3A_132 : i1 to i32
      %cond3A_134 = arith.constant 0 : i32
      %cond3A_135 = arith.cmpi ne, %convert_element_type3A_133, %cond3A_134 : i32
      scf.if %cond3A_135 {
        %add3A_150 = arith.constant 1 : i32
        %add3A_151 = arith.addi %scan3A_68, %add3A_150 : i32
        %sub3A_152 = arith.constant 1 : i32
        %sub3A_153 = arith.subi %sub3A_152, %rem3A_101 : i32
        %jit3A_154 = arith.constant 5 : i32
        %div3A_155 = arith.divsi %add3A_151, %jit3A_154 : i32
        %sign3A_156 = arith.constant 0 : i32
        %sign3A_157 = arith.cmpi sgt, %add3A_151, %sign3A_156 : i32
        %sign3A_158 = arith.extui %sign3A_157 : i1 to i32
        %sign3A_159 = arith.constant 0 : i32
        %sign3A_160 = arith.cmpi slt, %add3A_151, %sign3A_159 : i32
        %sign3A_161 = arith.extui %sign3A_160 : i1 to i32
        %sign3A_162 = arith.subi %sign3A_158, %sign3A_161 : i32
        %sign3A_163 = arith.constant 0 : i32
        %sign3A_164 = arith.cmpi sgt, %jit3A_154, %sign3A_163 : i32
        %sign3A_165 = arith.extui %sign3A_164 : i1 to i32
        %sign3A_166 = arith.constant 0 : i32
        %sign3A_167 = arith.cmpi slt, %jit3A_154, %sign3A_166 : i32
        %sign3A_168 = arith.extui %sign3A_167 : i1 to i32
        %sign3A_169 = arith.subi %sign3A_165, %sign3A_168 : i32
        %ne3A_170 = arith.cmpi ne, %sign3A_162, %sign3A_169 : i32
        %rem3A_171 = arith.remsi %add3A_151, %jit3A_154 : i32
        %ne3A_172 = arith.constant 0 : i32
        %ne3A_173 = arith.cmpi ne, %rem3A_171, %ne3A_172 : i32
        %and3A_174 = arith.andi %ne3A_170, %ne3A_173 : i1
        %sub3A_175 = arith.constant 1 : i32
        %sub3A_176 = arith.subi %div3A_155, %sub3A_175 : i32
        %select_n3A_177 = arith.select %and3A_174, %sub3A_176, %div3A_155 : i32
        %jit3A_178 = arith.constant 5 : i32
        %eq3A_179 = arith.constant 0 : i32
        %eq3A_180 = arith.cmpi eq, %jit3A_178, %eq3A_179 : i32
        %jit3A_181 = arith.constant 1 : i32
        %select_n3A_182 = arith.select %eq3A_180, %jit3A_181, %jit3A_178 : i32
        %rem3A_183 = arith.remsi %add3A_151, %select_n3A_182 : i32
        %ne3A_184 = arith.constant 0 : i32
        %ne3A_185 = arith.cmpi ne, %rem3A_183, %ne3A_184 : i32
        %lt3A_186 = arith.constant 0 : i32
        %lt3A_187 = arith.cmpi slt, %rem3A_183, %lt3A_186 : i32
        %lt3A_188 = arith.constant 0 : i32
        %lt3A_189 = arith.cmpi slt, %select_n3A_182, %lt3A_188 : i32
        %ne3A_190 = arith.xori %lt3A_187, %lt3A_189 : i1
        %and3A_191 = arith.andi %ne3A_190, %ne3A_185 : i1
        %add3A_192 = arith.addi %rem3A_183, %select_n3A_182 : i32
        %select_n3A_193 = arith.select %and3A_191, %add3A_192, %rem3A_183 : i32
        %add3A_194 = arith.addi %mul3A_4, %select_n3A_193 : i32
        "tpu.region"() ({
          %run_scoped3A_217 = tpu.sem_alloc : memref<!tpu.dma_semaphore, #tpu.memory_space<semaphore_mem>>
          %dma_start3A_218 = arith.constant 0 : i32
          %dma_start3A_219 = arith.constant 0 : i32
          %dma_start3A_220 = tpu.memref_slice %arg8[%sub3A_153, %dma_start3A_218, %dma_start3A_219] : memref<2x2x128xi32, #tpu.memory_space<vmem>> -> memref<1x2x128xi32, #tpu.memory_space<vmem>>
          %dma_start3A_221 = tpu.memref_squeeze %dma_start3A_220 : memref<1x2x128xi32, #tpu.memory_space<vmem>> -> memref<2x128xi32, #tpu.memory_space<vmem>>
          %dma_start3A_222 = arith.constant 0 : i32
          %dma_start3A_223 = arith.constant 0 : i32
          %dma_start3A_224 = tpu.memref_slice %arg3[%select_n3A_177, %add3A_194, %dma_start3A_222, %dma_start3A_223] : memref<49x160x2x128xi32, #tpu.memory_space<hbm>> -> memref<1x1x2x128xi32, #tpu.memory_space<hbm>>
          %dma_start3A_225 = tpu.memref_squeeze %dma_start3A_224 : memref<1x1x2x128xi32, #tpu.memory_space<hbm>> -> memref<2x128xi32, #tpu.memory_space<hbm>>
          %dma_start3A_226 = arith.constant 0 : i32
          %dma_start3A_227 = arith.constant 0 : i32
          %dma_start3A_228 = tpu.memref_slice %arg8[%sub3A_153, %dma_start3A_226, %dma_start3A_227] : memref<2x2x128xi32, #tpu.memory_space<vmem>> -> memref<1x2x128xi32, #tpu.memory_space<vmem>>
          %dma_start3A_229 = tpu.memref_squeeze %dma_start3A_228 : memref<1x2x128xi32, #tpu.memory_space<vmem>> -> memref<2x128xi32, #tpu.memory_space<vmem>>
          %dma_start3A_230 = arith.constant 0 : i32
          %dma_start3A_231 = arith.constant 0 : i32
          %dma_start3A_232 = tpu.memref_slice %arg3[%select_n3A_177, %add3A_194, %dma_start3A_230, %dma_start3A_231] : memref<49x160x2x128xi32, #tpu.memory_space<hbm>> -> memref<1x1x2x128xi32, #tpu.memory_space<hbm>>
          %dma_start3A_233 = tpu.memref_squeeze %dma_start3A_232 : memref<1x1x2x128xi32, #tpu.memory_space<hbm>> -> memref<2x128xi32, #tpu.memory_space<hbm>>
          tpu.enqueue_dma source(%dma_start3A_233 : memref<2x128xi32, #tpu.memory_space<hbm>>) target(%dma_start3A_229 : memref<2x128xi32, #tpu.memory_space<vmem>>) target_semaphore(%run_scoped3A_217 : memref<!tpu.dma_semaphore, #tpu.memory_space<semaphore_mem>>)
          %dma_wait3A_234 = arith.constant 0 : i32
          %dma_wait3A_235 = arith.constant 0 : i32
          %dma_wait3A_236 = tpu.memref_slice %arg8[%sub3A_153, %dma_wait3A_234, %dma_wait3A_235] : memref<2x2x128xi32, #tpu.memory_space<vmem>> -> memref<1x2x128xi32, #tpu.memory_space<vmem>>
          %dma_wait3A_237 = tpu.memref_squeeze %dma_wait3A_236 : memref<1x2x128xi32, #tpu.memory_space<vmem>> -> memref<2x128xi32, #tpu.memory_space<vmem>>
          %dma_wait3A_238 = arith.constant 0 : i32
          %dma_wait3A_239 = arith.constant 0 : i32
          %dma_wait3A_240 = tpu.memref_slice %arg3[%select_n3A_177, %add3A_194, %dma_wait3A_238, %dma_wait3A_239] : memref<49x160x2x128xi32, #tpu.memory_space<hbm>> -> memref<1x1x2x128xi32, #tpu.memory_space<hbm>>
          %dma_wait3A_241 = tpu.memref_squeeze %dma_wait3A_240 : memref<1x1x2x128xi32, #tpu.memory_space<hbm>> -> memref<2x128xi32, #tpu.memory_space<hbm>>
          %dma_wait3A_242 = arith.constant 0 : i32
          %dma_wait3A_243 = arith.constant 0 : i32
          %dma_wait3A_244 = tpu.memref_slice %arg8[%sub3A_153, %dma_wait3A_242, %dma_wait3A_243] : memref<2x2x128xi32, #tpu.memory_space<vmem>> -> memref<1x2x128xi32, #tpu.memory_space<vmem>>
          %dma_wait3A_245 = tpu.memref_squeeze %dma_wait3A_244 : memref<1x2x128xi32, #tpu.memory_space<vmem>> -> memref<2x128xi32, #tpu.memory_space<vmem>>
          %dma_wait3A_246 = arith.constant 0 : i32
          %dma_wait3A_247 = arith.constant 0 : i32
          %dma_wait3A_248 = tpu.memref_slice %arg3[%select_n3A_177, %add3A_194, %dma_wait3A_246, %dma_wait3A_247] : memref<49x160x2x128xi32, #tpu.memory_space<hbm>> -> memref<1x1x2x128xi32, #tpu.memory_space<hbm>>
          %dma_wait3A_249 = tpu.memref_squeeze %dma_wait3A_248 : memref<1x1x2x128xi32, #tpu.memory_space<hbm>> -> memref<2x128xi32, #tpu.memory_space<hbm>>
          tpu.wait_dma2 semaphore(%run_scoped3A_217 : memref<!tpu.dma_semaphore, #tpu.memory_space<semaphore_mem>>) src(%dma_wait3A_249 : memref<2x128xi32, #tpu.memory_space<hbm>>) dst(%dma_wait3A_245 : memref<2x128xi32, #tpu.memory_space<vmem>>)
          tpu.yield
        }) : () -> ()
        %dma_start3A_195 = arith.constant 0 : i32
        %dma_start3A_196 = arith.constant 0 : i32
        %dma_start3A_197 = arith.constant 0 : i32
        %dma_start3A_198 = tpu.memref_slice %arg7[%sub3A_153, %dma_start3A_196, %dma_start3A_197] : memref<2x256x128xf32, #tpu.memory_space<vmem>> -> memref<1x128x128xf32, #tpu.memory_space<vmem>>
        %dma_start3A_199 = tpu.memref_squeeze %dma_start3A_198 : memref<1x128x128xf32, #tpu.memory_space<vmem>> -> memref<128x128xf32, #tpu.memory_space<vmem>>
        %dma_start3A_200 = arith.constant 0 : i32
        %dma_start3A_201 = tpu.memref_slice %arg8[%sub3A_153, %dma_start3A_195, %dma_start3A_200] : memref<2x2x128xi32, #tpu.memory_space<vmem>> -> memref<1x1x128xi32, #tpu.memory_space<vmem>>
        %dma_start3A_202 = tpu.memref_squeeze %dma_start3A_201 : memref<1x1x128xi32, #tpu.memory_space<vmem>> -> memref<128xi32, #tpu.memory_space<vmem>>
        %dma_start3A_203 = arith.constant 0 : i32
        %dma_start3A_204 = arith.constant 0 : i32
        %dma_start3A_205 = tpu.memref_slice %arg2[%dma_start3A_203, %dma_start3A_204] : memref<65152x128xf32, #tpu.memory_space<hbm>> -> memref<65152x128xf32, #tpu.memory_space<hbm>>
        tpu.enqueue_indirect_dma source(%dma_start3A_205 : memref<65152x128xf32, #tpu.memory_space<hbm>>) target(%dma_start3A_199 : memref<128x128xf32, #tpu.memory_space<vmem>>) offsets(%dma_start3A_202 : memref<128xi32, #tpu.memory_space<vmem>>) semaphore(%arg12 : memref<!tpu.dma_semaphore, #tpu.memory_space<semaphore_mem>>)
        %dma_start3A_206 = arith.constant 1 : i32
        %dma_start3A_207 = arith.constant 128 : i32
        %dma_start3A_208 = arith.constant 0 : i32
        %dma_start3A_209 = tpu.memref_slice %arg7[%sub3A_153, %dma_start3A_207, %dma_start3A_208] : memref<2x256x128xf32, #tpu.memory_space<vmem>> -> memref<1x128x128xf32, #tpu.memory_space<vmem>>
        %dma_start3A_210 = tpu.memref_squeeze %dma_start3A_209 : memref<1x128x128xf32, #tpu.memory_space<vmem>> -> memref<128x128xf32, #tpu.memory_space<vmem>>
        %dma_start3A_211 = arith.constant 0 : i32
        %dma_start3A_212 = tpu.memref_slice %arg8[%sub3A_153, %dma_start3A_206, %dma_start3A_211] : memref<2x2x128xi32, #tpu.memory_space<vmem>> -> memref<1x1x128xi32, #tpu.memory_space<vmem>>
        %dma_start3A_213 = tpu.memref_squeeze %dma_start3A_212 : memref<1x1x128xi32, #tpu.memory_space<vmem>> -> memref<128xi32, #tpu.memory_space<vmem>>
        %dma_start3A_214 = arith.constant 0 : i32
        %dma_start3A_215 = arith.constant 0 : i32
        %dma_start3A_216 = tpu.memref_slice %arg2[%dma_start3A_214, %dma_start3A_215] : memref<65152x128xf32, #tpu.memory_space<hbm>> -> memref<65152x128xf32, #tpu.memory_space<hbm>>
        tpu.enqueue_indirect_dma source(%dma_start3A_216 : memref<65152x128xf32, #tpu.memory_space<hbm>>) target(%dma_start3A_210 : memref<128x128xf32, #tpu.memory_space<vmem>>) offsets(%dma_start3A_213 : memref<128xi32, #tpu.memory_space<vmem>>) semaphore(%arg12 : memref<!tpu.dma_semaphore, #tpu.memory_space<semaphore_mem>>)
      } else {
      }
      %broadcast_in_dim3A = arith.constant 0 : i32
      %broadcast_in_dim3A_136 = vector.broadcast %broadcast_in_dim3A : i32 to vector<16xi32>
      %scan3A_137 = arith.constant 0 : i32
      %scan3A_138 = arith.constant 0 : i32
      %scan3A_139 = arith.constant 8 : i32
      %scan3A_140 = arith.addi %scan3A_138, %scan3A_139 : i32
      %scan3A_141 = arith.constant 1 : i32
      %scan3A_142 = scf.for %scan3A_150 = %scan3A_138 to %scan3A_140 step %scan3A_141 iter_args(%scan3A_151 = %scan3A_137) -> (i32)  : i32 {
        %mul3A_152 = arith.constant 16 : i32
        %mul3A_153 = arith.muli %scan3A_150, %mul3A_152 : i32
        %add3A_154 = arith.constant 0 : i32
        %add3A_155 = arith.addi %mul3A_153, %add3A_154 : i32
        %mul3A_156 = arith.constant 128 : i32
        %mul3A_157 = arith.muli %select_n3A_99, %mul3A_156 : i32
        %add3A_158 = arith.addi %mul3A_157, %add3A_155 : i32
        %add3A_159 = vector.broadcast %add3A_158 : i32 to vector<16xi32>
        %add3A_160 = arith.addi %broadcast_in_dim3A_136, %add3A_159 : vector<16xi32>
        %add3A_161 = arith.constant 0 : i32
        %add3A_162 = vector.broadcast %add3A_161 : i32 to vector<16xi32>
        %add3A_163 = arith.addi %broadcast_in_dim3A_136, %add3A_162 : vector<16xi32>
        %gather3A = tpu.vector_load_idx %arg9[%add3A_163, %add3A_160] : memref<4x640xf32, #tpu.memory_space<vmem>>[vector<16xi32>, vector<16xi32>], vector<16xf32>,
        %add3A_164 = arith.constant 1 : i32
        %add3A_165 = vector.broadcast %add3A_164 : i32 to vector<16xi32>
        %add3A_166 = arith.addi %broadcast_in_dim3A_136, %add3A_165 : vector<16xi32>
        %gather3A_167 = tpu.vector_load_idx %arg9[%add3A_166, %add3A_160] : memref<4x640xf32, #tpu.memory_space<vmem>>[vector<16xi32>, vector<16xi32>], vector<16xf32>,
        %add3A_168 = arith.constant 2 : i32
        %add3A_169 = vector.broadcast %add3A_168 : i32 to vector<16xi32>
        %add3A_170 = arith.addi %broadcast_in_dim3A_136, %add3A_169 : vector<16xi32>
        %gather3A_171 = tpu.vector_load_idx %arg9[%add3A_170, %add3A_160] : memref<4x640xf32, #tpu.memory_space<vmem>>[vector<16xi32>, vector<16xi32>], vector<16xf32>,
        %add3A_172 = arith.constant 3 : i32
        %add3A_173 = vector.broadcast %add3A_172 : i32 to vector<16xi32>
        %add3A_174 = arith.addi %broadcast_in_dim3A_136, %add3A_173 : vector<16xi32>
        %gather3A_175 = tpu.vector_load_idx %arg9[%add3A_174, %add3A_160] : memref<4x640xf32, #tpu.memory_space<vmem>>[vector<16xi32>, vector<16xi32>], vector<16xf32>,
        %add3A_176 = arith.constant 0 : i32
        %add3A_177 = vector.broadcast %add3A_176 : i32 to vector<16xi32>
        %add3A_178 = arith.addi %broadcast_in_dim3A_136, %add3A_177 : vector<16xi32>
        %gather3A_179 = tpu.vector_load_idx %arg10[%add3A_178, %add3A_160] : memref<4x640xf32, #tpu.memory_space<vmem>>[vector<16xi32>, vector<16xi32>], vector<16xf32>,
        %add3A_180 = arith.constant 1 : i32
        %add3A_181 = vector.broadcast %add3A_180 : i32 to vector<16xi32>
        %add3A_182 = arith.addi %broadcast_in_dim3A_136, %add3A_181 : vector<16xi32>
        %gather3A_183 = tpu.vector_load_idx %arg10[%add3A_182, %add3A_160] : memref<4x640xf32, #tpu.memory_space<vmem>>[vector<16xi32>, vector<16xi32>], vector<16xf32>,
        %add3A_184 = arith.constant 2 : i32
        %add3A_185 = vector.broadcast %add3A_184 : i32 to vector<16xi32>
        %add3A_186 = arith.addi %broadcast_in_dim3A_136, %add3A_185 : vector<16xi32>
        %gather3A_187 = tpu.vector_load_idx %arg10[%add3A_186, %add3A_160] : memref<4x640xf32, #tpu.memory_space<vmem>>[vector<16xi32>, vector<16xi32>], vector<16xf32>,
        %add3A_188 = arith.constant 3 : i32
        %add3A_189 = vector.broadcast %add3A_188 : i32 to vector<16xi32>
        %add3A_190 = arith.addi %broadcast_in_dim3A_136, %add3A_189 : vector<16xi32>
        %gather3A_191 = tpu.vector_load_idx %arg10[%add3A_190, %add3A_160] : memref<4x640xf32, #tpu.memory_space<vmem>>[vector<16xi32>, vector<16xi32>], vector<16xf32>,
        %get3A = arith.constant 0 : i32
        %get3A_192 = arith.constant 0 : i32
        %get3A_193 = tpu.memref_slice %arg7[%rem3A_101, %get3A, %get3A_192] : memref<2x256x128xf32, #tpu.memory_space<vmem>> -> memref<1x256x128xf32, #tpu.memory_space<vmem>>
        %get3A_194 = tpu.memref_squeeze %get3A_193 : memref<1x256x128xf32, #tpu.memory_space<vmem>> -> memref<256x128xf32, #tpu.memory_space<vmem>>
        %get3A_195 = arith.index_cast %add3A_155 : i32 to index
        %get3A_196 = arith.constant 0 : index
        %get3A_197 = tpu.vector_load %get3A_194[%get3A_195, %get3A_196] {strides = array<i32>} : memref<256x128xf32, #tpu.memory_space<vmem>>, vector<16xf32>,
        %get3A_198 = arith.constant 0 : i32
        %get3A_199 = arith.constant 0 : i32
        %get3A_200 = tpu.memref_slice %arg7[%rem3A_101, %get3A_198, %get3A_199] : memref<2x256x128xf32, #tpu.memory_space<vmem>> -> memref<1x256x128xf32, #tpu.memory_space<vmem>>
        %get3A_201 = tpu.memref_squeeze %get3A_200 : memref<1x256x128xf32, #tpu.memory_space<vmem>> -> memref<256x128xf32, #tpu.memory_space<vmem>>
        %get3A_202 = arith.index_cast %add3A_155 : i32 to index
        %get3A_203 = arith.constant 32 : index
        %get3A_204 = tpu.vector_load %get3A_201[%get3A_202, %get3A_203] {strides = array<i32>} : memref<256x128xf32, #tpu.memory_space<vmem>>, vector<16xf32>,
        %get3A_205 = arith.constant 0 : i32
        %get3A_206 = arith.constant 0 : i32
        %get3A_207 = tpu.memref_slice %arg7[%rem3A_101, %get3A_205, %get3A_206] : memref<2x256x128xf32, #tpu.memory_space<vmem>> -> memref<1x256x128xf32, #tpu.memory_space<vmem>>
        %get3A_208 = tpu.memref_squeeze %get3A_207 : memref<1x256x128xf32, #tpu.memory_space<vmem>> -> memref<256x128xf32, #tpu.memory_space<vmem>>
        %get3A_209 = arith.index_cast %add3A_155 : i32 to index
        %get3A_210 = arith.constant 64 : index
        %get3A_211 = tpu.vector_load %get3A_208[%get3A_209, %get3A_210] {strides = array<i32>} : memref<256x128xf32, #tpu.memory_space<vmem>>, vector<16xf32>,
        %get3A_212 = arith.constant 0 : i32
        %get3A_213 = arith.constant 0 : i32
        %get3A_214 = tpu.memref_slice %arg7[%rem3A_101, %get3A_212, %get3A_213] : memref<2x256x128xf32, #tpu.memory_space<vmem>> -> memref<1x256x128xf32, #tpu.memory_space<vmem>>
        %get3A_215 = tpu.memref_squeeze %get3A_214 : memref<1x256x128xf32, #tpu.memory_space<vmem>> -> memref<256x128xf32, #tpu.memory_space<vmem>>
        %get3A_216 = arith.index_cast %add3A_155 : i32 to index
        %get3A_217 = arith.constant 96 : index
        %get3A_218 = tpu.vector_load %get3A_215[%get3A_216, %get3A_217] {strides = array<i32>} : memref<256x128xf32, #tpu.memory_space<vmem>>, vector<16xf32>,
        %add3A_219 = arith.constant 128 : i32
        %add3A_220 = arith.addi %add3A_155, %add3A_219 : i32
        %get3A_221 = arith.constant 0 : i32
        %get3A_222 = arith.constant 0 : i32
        %get3A_223 = tpu.memref_slice %arg7[%rem3A_101, %get3A_221, %get3A_222] : memref<2x256x128xf32, #tpu.memory_space<vmem>> -> memref<1x256x128xf32, #tpu.memory_space<vmem>>
        %get3A_224 = tpu.memref_squeeze %get3A_223 : memref<1x256x128xf32, #tpu.memory_space<vmem>> -> memref<256x128xf32, #tpu.memory_space<vmem>>
        %get3A_225 = arith.index_cast %add3A_220 : i32 to index
        %get3A_226 = arith.constant 0 : index
        %get3A_227 = tpu.vector_load %get3A_224[%get3A_225, %get3A_226] {strides = array<i32>} : memref<256x128xf32, #tpu.memory_space<vmem>>, vector<16xf32>,
        %add3A_228 = arith.constant 128 : i32
        %add3A_229 = arith.addi %add3A_155, %add3A_228 : i32
        %get3A_230 = arith.constant 0 : i32
        %get3A_231 = arith.constant 0 : i32
        %get3A_232 = tpu.memref_slice %arg7[%rem3A_101, %get3A_230, %get3A_231] : memref<2x256x128xf32, #tpu.memory_space<vmem>> -> memref<1x256x128xf32, #tpu.memory_space<vmem>>
        %get3A_233 = tpu.memref_squeeze %get3A_232 : memref<1x256x128xf32, #tpu.memory_space<vmem>> -> memref<256x128xf32, #tpu.memory_space<vmem>>
        %get3A_234 = arith.index_cast %add3A_229 : i32 to index
        %get3A_235 = arith.constant 32 : index
        %get3A_236 = tpu.vector_load %get3A_233[%get3A_234, %get3A_235] {strides = array<i32>} : memref<256x128xf32, #tpu.memory_space<vmem>>, vector<16xf32>,
        %add3A_237 = arith.constant 128 : i32
        %add3A_238 = arith.addi %add3A_155, %add3A_237 : i32
        %get3A_239 = arith.constant 0 : i32
        %get3A_240 = arith.constant 0 : i32
        %get3A_241 = tpu.memref_slice %arg7[%rem3A_101, %get3A_239, %get3A_240] : memref<2x256x128xf32, #tpu.memory_space<vmem>> -> memref<1x256x128xf32, #tpu.memory_space<vmem>>
        %get3A_242 = tpu.memref_squeeze %get3A_241 : memref<1x256x128xf32, #tpu.memory_space<vmem>> -> memref<256x128xf32, #tpu.memory_space<vmem>>
        %get3A_243 = arith.index_cast %add3A_238 : i32 to index
        %get3A_244 = arith.constant 64 : index
        %get3A_245 = tpu.vector_load %get3A_242[%get3A_243, %get3A_244] {strides = array<i32>} : memref<256x128xf32, #tpu.memory_space<vmem>>, vector<16xf32>,
        %add3A_246 = arith.constant 128 : i32
        %add3A_247 = arith.addi %add3A_155, %add3A_246 : i32
        %get3A_248 = arith.constant 0 : i32
        %get3A_249 = arith.constant 0 : i32
        %get3A_250 = tpu.memref_slice %arg7[%rem3A_101, %get3A_248, %get3A_249] : memref<2x256x128xf32, #tpu.memory_space<vmem>> -> memref<1x256x128xf32, #tpu.memory_space<vmem>>
        %get3A_251 = tpu.memref_squeeze %get3A_250 : memref<1x256x128xf32, #tpu.memory_space<vmem>> -> memref<256x128xf32, #tpu.memory_space<vmem>>
        %get3A_252 = arith.index_cast %add3A_247 : i32 to index
        %get3A_253 = arith.constant 96 : index
        %get3A_254 = tpu.vector_load %get3A_251[%get3A_252, %get3A_253] {strides = array<i32>} : memref<256x128xf32, #tpu.memory_space<vmem>>, vector<16xf32>,
        %mul3A_255 = arith.mulf %get3A_197, %gather3A : vector<16xf32>
        %mul3A_256 = arith.mulf %mul3A_255, %gather3A_171 : vector<16xf32>
        %mul3A_257 = arith.mulf %get3A_204, %gather3A : vector<16xf32>
        %mul3A_258 = arith.mulf %mul3A_257, %gather3A_175 : vector<16xf32>
        %add3A_259 = arith.addf %mul3A_256, %mul3A_258 : vector<16xf32>
        %mul3A_260 = arith.mulf %get3A_211, %gather3A_167 : vector<16xf32>
        %mul3A_261 = arith.mulf %mul3A_260, %gather3A_171 : vector<16xf32>
        %add3A_262 = arith.addf %add3A_259, %mul3A_261 : vector<16xf32>
        %mul3A_263 = arith.mulf %get3A_218, %gather3A_167 : vector<16xf32>
        %mul3A_264 = arith.mulf %mul3A_263, %gather3A_175 : vector<16xf32>
        %add3A_265 = arith.addf %add3A_262, %mul3A_264 : vector<16xf32>
        %mul3A_266 = arith.mulf %get3A_227, %gather3A_179 : vector<16xf32>
        %mul3A_267 = arith.mulf %mul3A_266, %gather3A_187 : vector<16xf32>
        %mul3A_268 = arith.mulf %get3A_236, %gather3A_179 : vector<16xf32>
        %mul3A_269 = arith.mulf %mul3A_268, %gather3A_191 : vector<16xf32>
        %add3A_270 = arith.addf %mul3A_267, %mul3A_269 : vector<16xf32>
        %mul3A_271 = arith.mulf %get3A_245, %gather3A_183 : vector<16xf32>
        %mul3A_272 = arith.mulf %mul3A_271, %gather3A_187 : vector<16xf32>
        %add3A_273 = arith.addf %add3A_270, %mul3A_272 : vector<16xf32>
        %mul3A_274 = arith.mulf %get3A_254, %gather3A_183 : vector<16xf32>
        %mul3A_275 = arith.mulf %mul3A_274, %gather3A_191 : vector<16xf32>
        %add3A_276 = arith.addf %add3A_273, %mul3A_275 : vector<16xf32>
        %add3A_277 = arith.addf %add3A_265, %add3A_276 : vector<16xf32>
        %mul3A_278 = arith.constant 32 : i32
        %mul3A_279 = arith.muli %add3A_158, %mul3A_278 : i32
        %add3A_280 = arith.constant 0 : i32
        %add3A_281 = arith.addi %mul3A_279, %add3A_280 : i32
        %swap3A = arith.constant 0 : i32
        %swap3A_282 = arith.index_cast %rem3A_103 : i32 to index
        %swap3A_283 = arith.index_cast %swap3A : i32 to index
        %swap3A_284 = arith.index_cast %add3A_281 : i32 to index
        %swap3A_285 = tpu.vector_load %arg11[%swap3A_282, %swap3A_283, %swap3A_284] {strides = array<i32>} : memref<2x1x20480xf32, #tpu.memory_space<vmem>>, vector<16xf32>,
        tpu.vector_store %arg11[%swap3A_282, %swap3A_283, %swap3A_284], %add3A_277 {strides = array<i32>} : memref<2x1x20480xf32, #tpu.memory_space<vmem>>, vector<16xf32>,
        %get3A_286 = arith.constant 0 : i32
        %get3A_287 = arith.constant 0 : i32
        %get3A_288 = tpu.memref_slice %arg7[%rem3A_101, %get3A_286, %get3A_287] : memref<2x256x128xf32, #tpu.memory_space<vmem>> -> memref<1x256x128xf32, #tpu.memory_space<vmem>>
        %get3A_289 = tpu.memref_squeeze %get3A_288 : memref<1x256x128xf32, #tpu.memory_space<vmem>> -> memref<256x128xf32, #tpu.memory_space<vmem>>
        %get3A_290 = arith.index_cast %add3A_155 : i32 to index
        %get3A_291 = arith.constant 16 : index
        %get3A_292 = tpu.vector_load %get3A_289[%get3A_290, %get3A_291] {strides = array<i32>} : memref<256x128xf32, #tpu.memory_space<vmem>>, vector<16xf32>,
        %get3A_293 = arith.constant 0 : i32
        %get3A_294 = arith.constant 0 : i32
        %get3A_295 = tpu.memref_slice %arg7[%rem3A_101, %get3A_293, %get3A_294] : memref<2x256x128xf32, #tpu.memory_space<vmem>> -> memref<1x256x128xf32, #tpu.memory_space<vmem>>
        %get3A_296 = tpu.memref_squeeze %get3A_295 : memref<1x256x128xf32, #tpu.memory_space<vmem>> -> memref<256x128xf32, #tpu.memory_space<vmem>>
        %get3A_297 = arith.index_cast %add3A_155 : i32 to index
        %get3A_298 = arith.constant 48 : index
        %get3A_299 = tpu.vector_load %get3A_296[%get3A_297, %get3A_298] {strides = array<i32>} : memref<256x128xf32, #tpu.memory_space<vmem>>, vector<16xf32>,
        %get3A_300 = arith.constant 0 : i32
        %get3A_301 = arith.constant 0 : i32
        %get3A_302 = tpu.memref_slice %arg7[%rem3A_101, %get3A_300, %get3A_301] : memref<2x256x128xf32, #tpu.memory_space<vmem>> -> memref<1x256x128xf32, #tpu.memory_space<vmem>>
        %get3A_303 = tpu.memref_squeeze %get3A_302 : memref<1x256x128xf32, #tpu.memory_space<vmem>> -> memref<256x128xf32, #tpu.memory_space<vmem>>
        %get3A_304 = arith.index_cast %add3A_155 : i32 to index
        %get3A_305 = arith.constant 80 : index
        %get3A_306 = tpu.vector_load %get3A_303[%get3A_304, %get3A_305] {strides = array<i32>} : memref<256x128xf32, #tpu.memory_space<vmem>>, vector<16xf32>,
        %get3A_307 = arith.constant 0 : i32
        %get3A_308 = arith.constant 0 : i32
        %get3A_309 = tpu.memref_slice %arg7[%rem3A_101, %get3A_307, %get3A_308] : memref<2x256x128xf32, #tpu.memory_space<vmem>> -> memref<1x256x128xf32, #tpu.memory_space<vmem>>
        %get3A_310 = tpu.memref_squeeze %get3A_309 : memref<1x256x128xf32, #tpu.memory_space<vmem>> -> memref<256x128xf32, #tpu.memory_space<vmem>>
        %get3A_311 = arith.index_cast %add3A_155 : i32 to index
        %get3A_312 = arith.constant 112 : index
        %get3A_313 = tpu.vector_load %get3A_310[%get3A_311, %get3A_312] {strides = array<i32>} : memref<256x128xf32, #tpu.memory_space<vmem>>, vector<16xf32>,
        %add3A_314 = arith.constant 128 : i32
        %add3A_315 = arith.addi %add3A_155, %add3A_314 : i32
        %get3A_316 = arith.constant 0 : i32
        %get3A_317 = arith.constant 0 : i32
        %get3A_318 = tpu.memref_slice %arg7[%rem3A_101, %get3A_316, %get3A_317] : memref<2x256x128xf32, #tpu.memory_space<vmem>> -> memref<1x256x128xf32, #tpu.memory_space<vmem>>
        %get3A_319 = tpu.memref_squeeze %get3A_318 : memref<1x256x128xf32, #tpu.memory_space<vmem>> -> memref<256x128xf32, #tpu.memory_space<vmem>>
        %get3A_320 = arith.index_cast %add3A_315 : i32 to index
        %get3A_321 = arith.constant 16 : index
        %get3A_322 = tpu.vector_load %get3A_319[%get3A_320, %get3A_321] {strides = array<i32>} : memref<256x128xf32, #tpu.memory_space<vmem>>, vector<16xf32>,
        %add3A_323 = arith.constant 128 : i32
        %add3A_324 = arith.addi %add3A_155, %add3A_323 : i32
        %get3A_325 = arith.constant 0 : i32
        %get3A_326 = arith.constant 0 : i32
        %get3A_327 = tpu.memref_slice %arg7[%rem3A_101, %get3A_325, %get3A_326] : memref<2x256x128xf32, #tpu.memory_space<vmem>> -> memref<1x256x128xf32, #tpu.memory_space<vmem>>
        %get3A_328 = tpu.memref_squeeze %get3A_327 : memref<1x256x128xf32, #tpu.memory_space<vmem>> -> memref<256x128xf32, #tpu.memory_space<vmem>>
        %get3A_329 = arith.index_cast %add3A_324 : i32 to index
        %get3A_330 = arith.constant 48 : index
        %get3A_331 = tpu.vector_load %get3A_328[%get3A_329, %get3A_330] {strides = array<i32>} : memref<256x128xf32, #tpu.memory_space<vmem>>, vector<16xf32>,
        %add3A_332 = arith.constant 128 : i32
        %add3A_333 = arith.addi %add3A_155, %add3A_332 : i32
        %get3A_334 = arith.constant 0 : i32
        %get3A_335 = arith.constant 0 : i32
        %get3A_336 = tpu.memref_slice %arg7[%rem3A_101, %get3A_334, %get3A_335] : memref<2x256x128xf32, #tpu.memory_space<vmem>> -> memref<1x256x128xf32, #tpu.memory_space<vmem>>
        %get3A_337 = tpu.memref_squeeze %get3A_336 : memref<1x256x128xf32, #tpu.memory_space<vmem>> -> memref<256x128xf32, #tpu.memory_space<vmem>>
        %get3A_338 = arith.index_cast %add3A_333 : i32 to index
        %get3A_339 = arith.constant 80 : index
        %get3A_340 = tpu.vector_load %get3A_337[%get3A_338, %get3A_339] {strides = array<i32>} : memref<256x128xf32, #tpu.memory_space<vmem>>, vector<16xf32>,
        %add3A_341 = arith.constant 128 : i32
        %add3A_342 = arith.addi %add3A_155, %add3A_341 : i32
        %get3A_343 = arith.constant 0 : i32
        %get3A_344 = arith.constant 0 : i32
        %get3A_345 = tpu.memref_slice %arg7[%rem3A_101, %get3A_343, %get3A_344] : memref<2x256x128xf32, #tpu.memory_space<vmem>> -> memref<1x256x128xf32, #tpu.memory_space<vmem>>
        %get3A_346 = tpu.memref_squeeze %get3A_345 : memref<1x256x128xf32, #tpu.memory_space<vmem>> -> memref<256x128xf32, #tpu.memory_space<vmem>>
        %get3A_347 = arith.index_cast %add3A_342 : i32 to index
        %get3A_348 = arith.constant 112 : index
        %get3A_349 = tpu.vector_load %get3A_346[%get3A_347, %get3A_348] {strides = array<i32>} : memref<256x128xf32, #tpu.memory_space<vmem>>, vector<16xf32>,
        %mul3A_350 = arith.mulf %get3A_292, %gather3A : vector<16xf32>
        %mul3A_351 = arith.mulf %mul3A_350, %gather3A_171 : vector<16xf32>
        %mul3A_352 = arith.mulf %get3A_299, %gather3A : vector<16xf32>
        %mul3A_353 = arith.mulf %mul3A_352, %gather3A_175 : vector<16xf32>
        %add3A_354 = arith.addf %mul3A_351, %mul3A_353 : vector<16xf32>
        %mul3A_355 = arith.mulf %get3A_306, %gather3A_167 : vector<16xf32>
        %mul3A_356 = arith.mulf %mul3A_355, %gather3A_171 : vector<16xf32>
        %add3A_357 = arith.addf %add3A_354, %mul3A_356 : vector<16xf32>
        %mul3A_358 = arith.mulf %get3A_313, %gather3A_167 : vector<16xf32>
        %mul3A_359 = arith.mulf %mul3A_358, %gather3A_175 : vector<16xf32>
        %add3A_360 = arith.addf %add3A_357, %mul3A_359 : vector<16xf32>
        %mul3A_361 = arith.mulf %get3A_322, %gather3A_179 : vector<16xf32>
        %mul3A_362 = arith.mulf %mul3A_361, %gather3A_187 : vector<16xf32>
        %mul3A_363 = arith.mulf %get3A_331, %gather3A_179 : vector<16xf32>
        %mul3A_364 = arith.mulf %mul3A_363, %gather3A_191 : vector<16xf32>
        %add3A_365 = arith.addf %mul3A_362, %mul3A_364 : vector<16xf32>
        %mul3A_366 = arith.mulf %get3A_340, %gather3A_183 : vector<16xf32>
        %mul3A_367 = arith.mulf %mul3A_366, %gather3A_187 : vector<16xf32>
        %add3A_368 = arith.addf %add3A_365, %mul3A_367 : vector<16xf32>
        %mul3A_369 = arith.mulf %get3A_349, %gather3A_183 : vector<16xf32>
        %mul3A_370 = arith.mulf %mul3A_369, %gather3A_191 : vector<16xf32>
        %add3A_371 = arith.addf %add3A_368, %mul3A_370 : vector<16xf32>
        %add3A_372 = arith.addf %add3A_360, %add3A_371 : vector<16xf32>
        %mul3A_373 = arith.constant 32 : i32
        %mul3A_374 = arith.muli %add3A_158, %mul3A_373 : i32
        %add3A_375 = arith.constant 16 : i32
        %add3A_376 = arith.addi %mul3A_374, %add3A_375 : i32
        %swap3A_377 = arith.constant 0 : i32
        %swap3A_378 = arith.index_cast %rem3A_103 : i32 to index
        %swap3A_379 = arith.index_cast %swap3A_377 : i32 to index
        %swap3A_380 = arith.index_cast %add3A_376 : i32 to index
        %swap3A_381 = tpu.vector_load %arg11[%swap3A_378, %swap3A_379, %swap3A_380] {strides = array<i32>} : memref<2x1x20480xf32, #tpu.memory_space<vmem>>, vector<16xf32>,
        tpu.vector_store %arg11[%swap3A_378, %swap3A_379, %swap3A_380], %add3A_372 {strides = array<i32>} : memref<2x1x20480xf32, #tpu.memory_space<vmem>>, vector<16xf32>,
        %mul3A_382 = arith.constant 16 : i32
        %mul3A_383 = arith.muli %scan3A_150, %mul3A_382 : i32
        %add3A_384 = arith.constant 1 : i32
        %add3A_385 = arith.addi %mul3A_383, %add3A_384 : i32
        %mul3A_386 = arith.constant 128 : i32
        %mul3A_387 = arith.muli %select_n3A_99, %mul3A_386 : i32
        %add3A_388 = arith.addi %mul3A_387, %add3A_385 : i32
        %add3A_389 = vector.broadcast %add3A_388 : i32 to vector<16xi32>
        %add3A_390 = arith.addi %broadcast_in_dim3A_136, %add3A_389 : vector<16xi32>
        %add3A_391 = arith.constant 0 : i32
        %add3A_392 = vector.broadcast %add3A_391 : i32 to vector<16xi32>
        %add3A_393 = arith.addi %broadcast_in_dim3A_136, %add3A_392 : vector<16xi32>
        %gather3A_394 = tpu.vector_load_idx %arg9[%add3A_393, %add3A_390] : memref<4x640xf32, #tpu.memory_space<vmem>>[vector<16xi32>, vector<16xi32>], vector<16xf32>,
        %add3A_395 = arith.constant 1 : i32
        %add3A_396 = vector.broadcast %add3A_395 : i32 to vector<16xi32>
        %add3A_397 = arith.addi %broadcast_in_dim3A_136, %add3A_396 : vector<16xi32>
        %gather3A_398 = tpu.vector_load_idx %arg9[%add3A_397, %add3A_390] : memref<4x640xf32, #tpu.memory_space<vmem>>[vector<16xi32>, vector<16xi32>], vector<16xf32>,
        %add3A_399 = arith.constant 2 : i32
        %add3A_400 = vector.broadcast %add3A_399 : i32 to vector<16xi32>
        %add3A_401 = arith.addi %broadcast_in_dim3A_136, %add3A_400 : vector<16xi32>
        %gather3A_402 = tpu.vector_load_idx %arg9[%add3A_401, %add3A_390] : memref<4x640xf32, #tpu.memory_space<vmem>>[vector<16xi32>, vector<16xi32>], vector<16xf32>,
        %add3A_403 = arith.constant 3 : i32
        %add3A_404 = vector.broadcast %add3A_403 : i32 to vector<16xi32>
        %add3A_405 = arith.addi %broadcast_in_dim3A_136, %add3A_404 : vector<16xi32>
        %gather3A_406 = tpu.vector_load_idx %arg9[%add3A_405, %add3A_390] : memref<4x640xf32, #tpu.memory_space<vmem>>[vector<16xi32>, vector<16xi32>], vector<16xf32>,
        %add3A_407 = arith.constant 0 : i32
        %add3A_408 = vector.broadcast %add3A_407 : i32 to vector<16xi32>
        %add3A_409 = arith.addi %broadcast_in_dim3A_136, %add3A_408 : vector<16xi32>
        %gather3A_410 = tpu.vector_load_idx %arg10[%add3A_409, %add3A_390] : memref<4x640xf32, #tpu.memory_space<vmem>>[vector<16xi32>, vector<16xi32>], vector<16xf32>,
        %add3A_411 = arith.constant 1 : i32
        %add3A_412 = vector.broadcast %add3A_411 : i32 to vector<16xi32>
        %add3A_413 = arith.addi %broadcast_in_dim3A_136, %add3A_412 : vector<16xi32>
        %gather3A_414 = tpu.vector_load_idx %arg10[%add3A_413, %add3A_390] : memref<4x640xf32, #tpu.memory_space<vmem>>[vector<16xi32>, vector<16xi32>], vector<16xf32>,
        %add3A_415 = arith.constant 2 : i32
        %add3A_416 = vector.broadcast %add3A_415 : i32 to vector<16xi32>
        %add3A_417 = arith.addi %broadcast_in_dim3A_136, %add3A_416 : vector<16xi32>
        %gather3A_418 = tpu.vector_load_idx %arg10[%add3A_417, %add3A_390] : memref<4x640xf32, #tpu.memory_space<vmem>>[vector<16xi32>, vector<16xi32>], vector<16xf32>,
        %add3A_419 = arith.constant 3 : i32
        %add3A_420 = vector.broadcast %add3A_419 : i32 to vector<16xi32>
        %add3A_421 = arith.addi %broadcast_in_dim3A_136, %add3A_420 : vector<16xi32>
        %gather3A_422 = tpu.vector_load_idx %arg10[%add3A_421, %add3A_390] : memref<4x640xf32, #tpu.memory_space<vmem>>[vector<16xi32>, vector<16xi32>], vector<16xf32>,
        %get3A_423 = arith.constant 0 : i32
        %get3A_424 = arith.constant 0 : i32
        %get3A_425 = tpu.memref_slice %arg7[%rem3A_101, %get3A_423, %get3A_424] : memref<2x256x128xf32, #tpu.memory_space<vmem>> -> memref<1x256x128xf32, #tpu.memory_space<vmem>>
        %get3A_426 = tpu.memref_squeeze %get3A_425 : memref<1x256x128xf32, #tpu.memory_space<vmem>> -> memref<256x128xf32, #tpu.memory_space<vmem>>
        %get3A_427 = arith.index_cast %add3A_385 : i32 to index
        %get3A_428 = arith.constant 0 : index
        %get3A_429 = tpu.vector_load %get3A_426[%get3A_427, %get3A_428] {strides = array<i32>} : memref<256x128xf32, #tpu.memory_space<vmem>>, vector<16xf32>,
        %get3A_430 = arith.constant 0 : i32
        %get3A_431 = arith.constant 0 : i32
        %get3A_432 = tpu.memref_slice %arg7[%rem3A_101, %get3A_430, %get3A_431] : memref<2x256x128xf32, #tpu.memory_space<vmem>> -> memref<1x256x128xf32, #tpu.memory_space<vmem>>
        %get3A_433 = tpu.memref_squeeze %get3A_432 : memref<1x256x128xf32, #tpu.memory_space<vmem>> -> memref<256x128xf32, #tpu.memory_space<vmem>>
        %get3A_434 = arith.index_cast %add3A_385 : i32 to index
        %get3A_435 = arith.constant 32 : index
        %get3A_436 = tpu.vector_load %get3A_433[%get3A_434, %get3A_435] {strides = array<i32>} : memref<256x128xf32, #tpu.memory_space<vmem>>, vector<16xf32>,
        %get3A_437 = arith.constant 0 : i32
        %get3A_438 = arith.constant 0 : i32
        %get3A_439 = tpu.memref_slice %arg7[%rem3A_101, %get3A_437, %get3A_438] : memref<2x256x128xf32, #tpu.memory_space<vmem>> -> memref<1x256x128xf32, #tpu.memory_space<vmem>>
        %get3A_440 = tpu.memref_squeeze %get3A_439 : memref<1x256x128xf32, #tpu.memory_space<vmem>> -> memref<256x128xf32, #tpu.memory_space<vmem>>
        %get3A_441 = arith.index_cast %add3A_385 : i32 to index
        %get3A_442 = arith.constant 64 : index
        %get3A_443 = tpu.vector_load %get3A_440[%get3A_441, %get3A_442] {strides = array<i32>} : memref<256x128xf32, #tpu.memory_space<vmem>>, vector<16xf32>,
        %get3A_444 = arith.constant 0 : i32
        %get3A_445 = arith.constant 0 : i32
        %get3A_446 = tpu.memref_slice %arg7[%rem3A_101, %get3A_444, %get3A_445] : memref<2x256x128xf32, #tpu.memory_space<vmem>> -> memref<1x256x128xf32, #tpu.memory_space<vmem>>
        %get3A_447 = tpu.memref_squeeze %get3A_446 : memref<1x256x128xf32, #tpu.memory_space<vmem>> -> memref<256x128xf32, #tpu.memory_space<vmem>>
        %get3A_448 = arith.index_cast %add3A_385 : i32 to index
        %get3A_449 = arith.constant 96 : index
        %get3A_450 = tpu.vector_load %get3A_447[%get3A_448, %get3A_449] {strides = array<i32>} : memref<256x128xf32, #tpu.memory_space<vmem>>, vector<16xf32>,
        %add3A_451 = arith.constant 128 : i32
        %add3A_452 = arith.addi %add3A_385, %add3A_451 : i32
        %get3A_453 = arith.constant 0 : i32
        %get3A_454 = arith.constant 0 : i32
        %get3A_455 = tpu.memref_slice %arg7[%rem3A_101, %get3A_453, %get3A_454] : memref<2x256x128xf32, #tpu.memory_space<vmem>> -> memref<1x256x128xf32, #tpu.memory_space<vmem>>
        %get3A_456 = tpu.memref_squeeze %get3A_455 : memref<1x256x128xf32, #tpu.memory_space<vmem>> -> memref<256x128xf32, #tpu.memory_space<vmem>>
        %get3A_457 = arith.index_cast %add3A_452 : i32 to index
        %get3A_458 = arith.constant 0 : index
        %get3A_459 = tpu.vector_load %get3A_456[%get3A_457, %get3A_458] {strides = array<i32>} : memref<256x128xf32, #tpu.memory_space<vmem>>, vector<16xf32>,
        %add3A_460 = arith.constant 128 : i32
        %add3A_461 = arith.addi %add3A_385, %add3A_460 : i32
        %get3A_462 = arith.constant 0 : i32
        %get3A_463 = arith.constant 0 : i32
        %get3A_464 = tpu.memref_slice %arg7[%rem3A_101, %get3A_462, %get3A_463] : memref<2x256x128xf32, #tpu.memory_space<vmem>> -> memref<1x256x128xf32, #tpu.memory_space<vmem>>
        %get3A_465 = tpu.memref_squeeze %get3A_464 : memref<1x256x128xf32, #tpu.memory_space<vmem>> -> memref<256x128xf32, #tpu.memory_space<vmem>>
        %get3A_466 = arith.index_cast %add3A_461 : i32 to index
        %get3A_467 = arith.constant 32 : index
        %get3A_468 = tpu.vector_load %get3A_465[%get3A_466, %get3A_467] {strides = array<i32>} : memref<256x128xf32, #tpu.memory_space<vmem>>, vector<16xf32>,
        %add3A_469 = arith.constant 128 : i32
        %add3A_470 = arith.addi %add3A_385, %add3A_469 : i32
        %get3A_471 = arith.constant 0 : i32
        %get3A_472 = arith.constant 0 : i32
        %get3A_473 = tpu.memref_slice %arg7[%rem3A_101, %get3A_471, %get3A_472] : memref<2x256x128xf32, #tpu.memory_space<vmem>> -> memref<1x256x128xf32, #tpu.memory_space<vmem>>
        %get3A_474 = tpu.memref_squeeze %get3A_473 : memref<1x256x128xf32, #tpu.memory_space<vmem>> -> memref<256x128xf32, #tpu.memory_space<vmem>>
        %get3A_475 = arith.index_cast %add3A_470 : i32 to index
        %get3A_476 = arith.constant 64 : index
        %get3A_477 = tpu.vector_load %get3A_474[%get3A_475, %get3A_476] {strides = array<i32>} : memref<256x128xf32, #tpu.memory_space<vmem>>, vector<16xf32>,
        %add3A_478 = arith.constant 128 : i32
        %add3A_479 = arith.addi %add3A_385, %add3A_478 : i32
        %get3A_480 = arith.constant 0 : i32
        %get3A_481 = arith.constant 0 : i32
        %get3A_482 = tpu.memref_slice %arg7[%rem3A_101, %get3A_480, %get3A_481] : memref<2x256x128xf32, #tpu.memory_space<vmem>> -> memref<1x256x128xf32, #tpu.memory_space<vmem>>
        %get3A_483 = tpu.memref_squeeze %get3A_482 : memref<1x256x128xf32, #tpu.memory_space<vmem>> -> memref<256x128xf32, #tpu.memory_space<vmem>>
        %get3A_484 = arith.index_cast %add3A_479 : i32 to index
        %get3A_485 = arith.constant 96 : index
        %get3A_486 = tpu.vector_load %get3A_483[%get3A_484, %get3A_485] {strides = array<i32>} : memref<256x128xf32, #tpu.memory_space<vmem>>, vector<16xf32>,
        %mul3A_487 = arith.mulf %get3A_429, %gather3A_394 : vector<16xf32>
        %mul3A_488 = arith.mulf %mul3A_487, %gather3A_402 : vector<16xf32>
        %mul3A_489 = arith.mulf %get3A_436, %gather3A_394 : vector<16xf32>
        %mul3A_490 = arith.mulf %mul3A_489, %gather3A_406 : vector<16xf32>
        %add3A_491 = arith.addf %mul3A_488, %mul3A_490 : vector<16xf32>
        %mul3A_492 = arith.mulf %get3A_443, %gather3A_398 : vector<16xf32>
        %mul3A_493 = arith.mulf %mul3A_492, %gather3A_402 : vector<16xf32>
        %add3A_494 = arith.addf %add3A_491, %mul3A_493 : vector<16xf32>
        %mul3A_495 = arith.mulf %get3A_450, %gather3A_398 : vector<16xf32>
        %mul3A_496 = arith.mulf %mul3A_495, %gather3A_406 : vector<16xf32>
        %add3A_497 = arith.addf %add3A_494, %mul3A_496 : vector<16xf32>
        %mul3A_498 = arith.mulf %get3A_459, %gather3A_410 : vector<16xf32>
        %mul3A_499 = arith.mulf %mul3A_498, %gather3A_418 : vector<16xf32>
        %mul3A_500 = arith.mulf %get3A_468, %gather3A_410 : vector<16xf32>
        %mul3A_501 = arith.mulf %mul3A_500, %gather3A_422 : vector<16xf32>
        %add3A_502 = arith.addf %mul3A_499, %mul3A_501 : vector<16xf32>
        %mul3A_503 = arith.mulf %get3A_477, %gather3A_414 : vector<16xf32>
        %mul3A_504 = arith.mulf %mul3A_503, %gather3A_418 : vector<16xf32>
        %add3A_505 = arith.addf %add3A_502, %mul3A_504 : vector<16xf32>
        %mul3A_506 = arith.mulf %get3A_486, %gather3A_414 : vector<16xf32>
        %mul3A_507 = arith.mulf %mul3A_506, %gather3A_422 : vector<16xf32>
        %add3A_508 = arith.addf %add3A_505, %mul3A_507 : vector<16xf32>
        %add3A_509 = arith.addf %add3A_497, %add3A_508 : vector<16xf32>
        %mul3A_510 = arith.constant 32 : i32
        %mul3A_511 = arith.muli %add3A_388, %mul3A_510 : i32
        %add3A_512 = arith.constant 0 : i32
        %add3A_513 = arith.addi %mul3A_511, %add3A_512 : i32
        %swap3A_514 = arith.constant 0 : i32
        %swap3A_515 = arith.index_cast %rem3A_103 : i32 to index
        %swap3A_516 = arith.index_cast %swap3A_514 : i32 to index
        %swap3A_517 = arith.index_cast %add3A_513 : i32 to index
        %swap3A_518 = tpu.vector_load %arg11[%swap3A_515, %swap3A_516, %swap3A_517] {strides = array<i32>} : memref<2x1x20480xf32, #tpu.memory_space<vmem>>, vector<16xf32>,
        tpu.vector_store %arg11[%swap3A_515, %swap3A_516, %swap3A_517], %add3A_509 {strides = array<i32>} : memref<2x1x20480xf32, #tpu.memory_space<vmem>>, vector<16xf32>,
        %get3A_519 = arith.constant 0 : i32
        %get3A_520 = arith.constant 0 : i32
        %get3A_521 = tpu.memref_slice %arg7[%rem3A_101, %get3A_519, %get3A_520] : memref<2x256x128xf32, #tpu.memory_space<vmem>> -> memref<1x256x128xf32, #tpu.memory_space<vmem>>
        %get3A_522 = tpu.memref_squeeze %get3A_521 : memref<1x256x128xf32, #tpu.memory_space<vmem>> -> memref<256x128xf32, #tpu.memory_space<vmem>>
        %get3A_523 = arith.index_cast %add3A_385 : i32 to index
        %get3A_524 = arith.constant 16 : index
        %get3A_525 = tpu.vector_load %get3A_522[%get3A_523, %get3A_524] {strides = array<i32>} : memref<256x128xf32, #tpu.memory_space<vmem>>, vector<16xf32>,
        %get3A_526 = arith.constant 0 : i32
        %get3A_527 = arith.constant 0 : i32
        %get3A_528 = tpu.memref_slice %arg7[%rem3A_101, %get3A_526, %get3A_527] : memref<2x256x128xf32, #tpu.memory_space<vmem>> -> memref<1x256x128xf32, #tpu.memory_space<vmem>>
        %get3A_529 = tpu.memref_squeeze %get3A_528 : memref<1x256x128xf32, #tpu.memory_space<vmem>> -> memref<256x128xf32, #tpu.memory_space<vmem>>
        %get3A_530 = arith.index_cast %add3A_385 : i32 to index
        %get3A_531 = arith.constant 48 : index
        %get3A_532 = tpu.vector_load %get3A_529[%get3A_530, %get3A_531] {strides = array<i32>} : memref<256x128xf32, #tpu.memory_space<vmem>>, vector<16xf32>,
        %get3A_533 = arith.constant 0 : i32
        %get3A_534 = arith.constant 0 : i32
        %get3A_535 = tpu.memref_slice %arg7[%rem3A_101, %get3A_533, %get3A_534] : memref<2x256x128xf32, #tpu.memory_space<vmem>> -> memref<1x256x128xf32, #tpu.memory_space<vmem>>
        %get3A_536 = tpu.memref_squeeze %get3A_535 : memref<1x256x128xf32, #tpu.memory_space<vmem>> -> memref<256x128xf32, #tpu.memory_space<vmem>>
        %get3A_537 = arith.index_cast %add3A_385 : i32 to index
        %get3A_538 = arith.constant 80 : index
        %get3A_539 = tpu.vector_load %get3A_536[%get3A_537, %get3A_538] {strides = array<i32>} : memref<256x128xf32, #tpu.memory_space<vmem>>, vector<16xf32>,
        %get3A_540 = arith.constant 0 : i32
        %get3A_541 = arith.constant 0 : i32
        %get3A_542 = tpu.memref_slice %arg7[%rem3A_101, %get3A_540, %get3A_541] : memref<2x256x128xf32, #tpu.memory_space<vmem>> -> memref<1x256x128xf32, #tpu.memory_space<vmem>>
        %get3A_543 = tpu.memref_squeeze %get3A_542 : memref<1x256x128xf32, #tpu.memory_space<vmem>> -> memref<256x128xf32, #tpu.memory_space<vmem>>
        %get3A_544 = arith.index_cast %add3A_385 : i32 to index
        %get3A_545 = arith.constant 112 : index
        %get3A_546 = tpu.vector_load %get3A_543[%get3A_544, %get3A_545] {strides = array<i32>} : memref<256x128xf32, #tpu.memory_space<vmem>>, vector<16xf32>,
        %add3A_547 = arith.constant 128 : i32
        %add3A_548 = arith.addi %add3A_385, %add3A_547 : i32
        %get3A_549 = arith.constant 0 : i32
        %get3A_550 = arith.constant 0 : i32
        %get3A_551 = tpu.memref_slice %arg7[%rem3A_101, %get3A_549, %get3A_550] : memref<2x256x128xf32, #tpu.memory_space<vmem>> -> memref<1x256x128xf32, #tpu.memory_space<vmem>>
        %get3A_552 = tpu.memref_squeeze %get3A_551 : memref<1x256x128xf32, #tpu.memory_space<vmem>> -> memref<256x128xf32, #tpu.memory_space<vmem>>
        %get3A_553 = arith.index_cast %add3A_548 : i32 to index
        %get3A_554 = arith.constant 16 : index
        %get3A_555 = tpu.vector_load %get3A_552[%get3A_553, %get3A_554] {strides = array<i32>} : memref<256x128xf32, #tpu.memory_space<vmem>>, vector<16xf32>,
        %add3A_556 = arith.constant 128 : i32
        %add3A_557 = arith.addi %add3A_385, %add3A_556 : i32
        %get3A_558 = arith.constant 0 : i32
        %get3A_559 = arith.constant 0 : i32
        %get3A_560 = tpu.memref_slice %arg7[%rem3A_101, %get3A_558, %get3A_559] : memref<2x256x128xf32, #tpu.memory_space<vmem>> -> memref<1x256x128xf32, #tpu.memory_space<vmem>>
        %get3A_561 = tpu.memref_squeeze %get3A_560 : memref<1x256x128xf32, #tpu.memory_space<vmem>> -> memref<256x128xf32, #tpu.memory_space<vmem>>
        %get3A_562 = arith.index_cast %add3A_557 : i32 to index
        %get3A_563 = arith.constant 48 : index
        %get3A_564 = tpu.vector_load %get3A_561[%get3A_562, %get3A_563] {strides = array<i32>} : memref<256x128xf32, #tpu.memory_space<vmem>>, vector<16xf32>,
        %add3A_565 = arith.constant 128 : i32
        %add3A_566 = arith.addi %add3A_385, %add3A_565 : i32
        %get3A_567 = arith.constant 0 : i32
        %get3A_568 = arith.constant 0 : i32
        %get3A_569 = tpu.memref_slice %arg7[%rem3A_101, %get3A_567, %get3A_568] : memref<2x256x128xf32, #tpu.memory_space<vmem>> -> memref<1x256x128xf32, #tpu.memory_space<vmem>>
        %get3A_570 = tpu.memref_squeeze %get3A_569 : memref<1x256x128xf32, #tpu.memory_space<vmem>> -> memref<256x128xf32, #tpu.memory_space<vmem>>
        %get3A_571 = arith.index_cast %add3A_566 : i32 to index
        %get3A_572 = arith.constant 80 : index
        %get3A_573 = tpu.vector_load %get3A_570[%get3A_571, %get3A_572] {strides = array<i32>} : memref<256x128xf32, #tpu.memory_space<vmem>>, vector<16xf32>,
        %add3A_574 = arith.constant 128 : i32
        %add3A_575 = arith.addi %add3A_385, %add3A_574 : i32
        %get3A_576 = arith.constant 0 : i32
        %get3A_577 = arith.constant 0 : i32
        %get3A_578 = tpu.memref_slice %arg7[%rem3A_101, %get3A_576, %get3A_577] : memref<2x256x128xf32, #tpu.memory_space<vmem>> -> memref<1x256x128xf32, #tpu.memory_space<vmem>>
        %get3A_579 = tpu.memref_squeeze %get3A_578 : memref<1x256x128xf32, #tpu.memory_space<vmem>> -> memref<256x128xf32, #tpu.memory_space<vmem>>
        %get3A_580 = arith.index_cast %add3A_575 : i32 to index
        %get3A_581 = arith.constant 112 : index
        %get3A_582 = tpu.vector_load %get3A_579[%get3A_580, %get3A_581] {strides = array<i32>} : memref<256x128xf32, #tpu.memory_space<vmem>>, vector<16xf32>,
        %mul3A_583 = arith.mulf %get3A_525, %gather3A_394 : vector<16xf32>
        %mul3A_584 = arith.mulf %mul3A_583, %gather3A_402 : vector<16xf32>
        %mul3A_585 = arith.mulf %get3A_532, %gather3A_394 : vector<16xf32>
        %mul3A_586 = arith.mulf %mul3A_585, %gather3A_406 : vector<16xf32>
        %add3A_587 = arith.addf %mul3A_584, %mul3A_586 : vector<16xf32>
        %mul3A_588 = arith.mulf %get3A_539, %gather3A_398 : vector<16xf32>
        %mul3A_589 = arith.mulf %mul3A_588, %gather3A_402 : vector<16xf32>
        %add3A_590 = arith.addf %add3A_587, %mul3A_589 : vector<16xf32>
        %mul3A_591 = arith.mulf %get3A_546, %gather3A_398 : vector<16xf32>
        %mul3A_592 = arith.mulf %mul3A_591, %gather3A_406 : vector<16xf32>
        %add3A_593 = arith.addf %add3A_590, %mul3A_592 : vector<16xf32>
        %mul3A_594 = arith.mulf %get3A_555, %gather3A_410 : vector<16xf32>
        %mul3A_595 = arith.mulf %mul3A_594, %gather3A_418 : vector<16xf32>
        %mul3A_596 = arith.mulf %get3A_564, %gather3A_410 : vector<16xf32>
        %mul3A_597 = arith.mulf %mul3A_596, %gather3A_422 : vector<16xf32>
        %add3A_598 = arith.addf %mul3A_595, %mul3A_597 : vector<16xf32>
        %mul3A_599 = arith.mulf %get3A_573, %gather3A_414 : vector<16xf32>
        %mul3A_600 = arith.mulf %mul3A_599, %gather3A_418 : vector<16xf32>
        %add3A_601 = arith.addf %add3A_598, %mul3A_600 : vector<16xf32>
        %mul3A_602 = arith.mulf %get3A_582, %gather3A_414 : vector<16xf32>
        %mul3A_603 = arith.mulf %mul3A_602, %gather3A_422 : vector<16xf32>
        %add3A_604 = arith.addf %add3A_601, %mul3A_603 : vector<16xf32>
        %add3A_605 = arith.addf %add3A_593, %add3A_604 : vector<16xf32>
        %mul3A_606 = arith.constant 32 : i32
        %mul3A_607 = arith.muli %add3A_388, %mul3A_606 : i32
        %add3A_608 = arith.constant 16 : i32
        %add3A_609 = arith.addi %mul3A_607, %add3A_608 : i32
        %swap3A_610 = arith.constant 0 : i32
        %swap3A_611 = arith.index_cast %rem3A_103 : i32 to index
        %swap3A_612 = arith.index_cast %swap3A_610 : i32 to index
        %swap3A_613 = arith.index_cast %add3A_609 : i32 to index
        %swap3A_614 = tpu.vector_load %arg11[%swap3A_611, %swap3A_612, %swap3A_613] {strides = array<i32>} : memref<2x1x20480xf32, #tpu.memory_space<vmem>>, vector<16xf32>,
        tpu.vector_store %arg11[%swap3A_611, %swap3A_612, %swap3A_613], %add3A_605 {strides = array<i32>} : memref<2x1x20480xf32, #tpu.memory_space<vmem>>, vector<16xf32>,
        %mul3A_615 = arith.constant 16 : i32
        %mul3A_616 = arith.muli %scan3A_150, %mul3A_615 : i32
        %add3A_617 = arith.constant 2 : i32
        %add3A_618 = arith.addi %mul3A_616, %add3A_617 : i32
        %mul3A_619 = arith.constant 128 : i32
        %mul3A_620 = arith.muli %select_n3A_99, %mul3A_619 : i32
        %add3A_621 = arith.addi %mul3A_620, %add3A_618 : i32
        %add3A_622 = vector.broadcast %add3A_621 : i32 to vector<16xi32>
        %add3A_623 = arith.addi %broadcast_in_dim3A_136, %add3A_622 : vector<16xi32>
        %add3A_624 = arith.constant 0 : i32
        %add3A_625 = vector.broadcast %add3A_624 : i32 to vector<16xi32>
        %add3A_626 = arith.addi %broadcast_in_dim3A_136, %add3A_625 : vector<16xi32>
        %gather3A_627 = tpu.vector_load_idx %arg9[%add3A_626, %add3A_623] : memref<4x640xf32, #tpu.memory_space<vmem>>[vector<16xi32>, vector<16xi32>], vector<16xf32>,
        %add3A_628 = arith.constant 1 : i32
        %add3A_629 = vector.broadcast %add3A_628 : i32 to vector<16xi32>
        %add3A_630 = arith.addi %broadcast_in_dim3A_136, %add3A_629 : vector<16xi32>
        %gather3A_631 = tpu.vector_load_idx %arg9[%add3A_630, %add3A_623] : memref<4x640xf32, #tpu.memory_space<vmem>>[vector<16xi32>, vector<16xi32>], vector<16xf32>,
        %add3A_632 = arith.constant 2 : i32
        %add3A_633 = vector.broadcast %add3A_632 : i32 to vector<16xi32>
        %add3A_634 = arith.addi %broadcast_in_dim3A_136, %add3A_633 : vector<16xi32>
        %gather3A_635 = tpu.vector_load_idx %arg9[%add3A_634, %add3A_623] : memref<4x640xf32, #tpu.memory_space<vmem>>[vector<16xi32>, vector<16xi32>], vector<16xf32>,
        %add3A_636 = arith.constant 3 : i32
        %add3A_637 = vector.broadcast %add3A_636 : i32 to vector<16xi32>
        %add3A_638 = arith.addi %broadcast_in_dim3A_136, %add3A_637 : vector<16xi32>
        %gather3A_639 = tpu.vector_load_idx %arg9[%add3A_638, %add3A_623] : memref<4x640xf32, #tpu.memory_space<vmem>>[vector<16xi32>, vector<16xi32>], vector<16xf32>,
        %add3A_640 = arith.constant 0 : i32
        %add3A_641 = vector.broadcast %add3A_640 : i32 to vector<16xi32>
        %add3A_642 = arith.addi %broadcast_in_dim3A_136, %add3A_641 : vector<16xi32>
        %gather3A_643 = tpu.vector_load_idx %arg10[%add3A_642, %add3A_623] : memref<4x640xf32, #tpu.memory_space<vmem>>[vector<16xi32>, vector<16xi32>], vector<16xf32>,
        %add3A_644 = arith.constant 1 : i32
        %add3A_645 = vector.broadcast %add3A_644 : i32 to vector<16xi32>
        %add3A_646 = arith.addi %broadcast_in_dim3A_136, %add3A_645 : vector<16xi32>
        %gather3A_647 = tpu.vector_load_idx %arg10[%add3A_646, %add3A_623] : memref<4x640xf32, #tpu.memory_space<vmem>>[vector<16xi32>, vector<16xi32>], vector<16xf32>,
        %add3A_648 = arith.constant 2 : i32
        %add3A_649 = vector.broadcast %add3A_648 : i32 to vector<16xi32>
        %add3A_650 = arith.addi %broadcast_in_dim3A_136, %add3A_649 : vector<16xi32>
        %gather3A_651 = tpu.vector_load_idx %arg10[%add3A_650, %add3A_623] : memref<4x640xf32, #tpu.memory_space<vmem>>[vector<16xi32>, vector<16xi32>], vector<16xf32>,
        %add3A_652 = arith.constant 3 : i32
        %add3A_653 = vector.broadcast %add3A_652 : i32 to vector<16xi32>
        %add3A_654 = arith.addi %broadcast_in_dim3A_136, %add3A_653 : vector<16xi32>
        %gather3A_655 = tpu.vector_load_idx %arg10[%add3A_654, %add3A_623] : memref<4x640xf32, #tpu.memory_space<vmem>>[vector<16xi32>, vector<16xi32>], vector<16xf32>,
        %get3A_656 = arith.constant 0 : i32
        %get3A_657 = arith.constant 0 : i32
        %get3A_658 = tpu.memref_slice %arg7[%rem3A_101, %get3A_656, %get3A_657] : memref<2x256x128xf32, #tpu.memory_space<vmem>> -> memref<1x256x128xf32, #tpu.memory_space<vmem>>
        %get3A_659 = tpu.memref_squeeze %get3A_658 : memref<1x256x128xf32, #tpu.memory_space<vmem>> -> memref<256x128xf32, #tpu.memory_space<vmem>>
        %get3A_660 = arith.index_cast %add3A_618 : i32 to index
        %get3A_661 = arith.constant 0 : index
        %get3A_662 = tpu.vector_load %get3A_659[%get3A_660, %get3A_661] {strides = array<i32>} : memref<256x128xf32, #tpu.memory_space<vmem>>, vector<16xf32>,
        %get3A_663 = arith.constant 0 : i32
        %get3A_664 = arith.constant 0 : i32
        %get3A_665 = tpu.memref_slice %arg7[%rem3A_101, %get3A_663, %get3A_664] : memref<2x256x128xf32, #tpu.memory_space<vmem>> -> memref<1x256x128xf32, #tpu.memory_space<vmem>>
        %get3A_666 = tpu.memref_squeeze %get3A_665 : memref<1x256x128xf32, #tpu.memory_space<vmem>> -> memref<256x128xf32, #tpu.memory_space<vmem>>
        %get3A_667 = arith.index_cast %add3A_618 : i32 to index
        %get3A_668 = arith.constant 32 : index
        %get3A_669 = tpu.vector_load %get3A_666[%get3A_667, %get3A_668] {strides = array<i32>} : memref<256x128xf32, #tpu.memory_space<vmem>>, vector<16xf32>,
        %get3A_670 = arith.constant 0 : i32
        %get3A_671 = arith.constant 0 : i32
        %get3A_672 = tpu.memref_slice %arg7[%rem3A_101, %get3A_670, %get3A_671] : memref<2x256x128xf32, #tpu.memory_space<vmem>> -> memref<1x256x128xf32, #tpu.memory_space<vmem>>
        %get3A_673 = tpu.memref_squeeze %get3A_672 : memref<1x256x128xf32, #tpu.memory_space<vmem>> -> memref<256x128xf32, #tpu.memory_space<vmem>>
        %get3A_674 = arith.index_cast %add3A_618 : i32 to index
        %get3A_675 = arith.constant 64 : index
        %get3A_676 = tpu.vector_load %get3A_673[%get3A_674, %get3A_675] {strides = array<i32>} : memref<256x128xf32, #tpu.memory_space<vmem>>, vector<16xf32>,
        %get3A_677 = arith.constant 0 : i32
        %get3A_678 = arith.constant 0 : i32
        %get3A_679 = tpu.memref_slice %arg7[%rem3A_101, %get3A_677, %get3A_678] : memref<2x256x128xf32, #tpu.memory_space<vmem>> -> memref<1x256x128xf32, #tpu.memory_space<vmem>>
        %get3A_680 = tpu.memref_squeeze %get3A_679 : memref<1x256x128xf32, #tpu.memory_space<vmem>> -> memref<256x128xf32, #tpu.memory_space<vmem>>
        %get3A_681 = arith.index_cast %add3A_618 : i32 to index
        %get3A_682 = arith.constant 96 : index
        %get3A_683 = tpu.vector_load %get3A_680[%get3A_681, %get3A_682] {strides = array<i32>} : memref<256x128xf32, #tpu.memory_space<vmem>>, vector<16xf32>,
        %add3A_684 = arith.constant 128 : i32
        %add3A_685 = arith.addi %add3A_618, %add3A_684 : i32
        %get3A_686 = arith.constant 0 : i32
        %get3A_687 = arith.constant 0 : i32
        %get3A_688 = tpu.memref_slice %arg7[%rem3A_101, %get3A_686, %get3A_687] : memref<2x256x128xf32, #tpu.memory_space<vmem>> -> memref<1x256x128xf32, #tpu.memory_space<vmem>>
        %get3A_689 = tpu.memref_squeeze %get3A_688 : memref<1x256x128xf32, #tpu.memory_space<vmem>> -> memref<256x128xf32, #tpu.memory_space<vmem>>
        %get3A_690 = arith.index_cast %add3A_685 : i32 to index
        %get3A_691 = arith.constant 0 : index
        %get3A_692 = tpu.vector_load %get3A_689[%get3A_690, %get3A_691] {strides = array<i32>} : memref<256x128xf32, #tpu.memory_space<vmem>>, vector<16xf32>,
        %add3A_693 = arith.constant 128 : i32
        %add3A_694 = arith.addi %add3A_618, %add3A_693 : i32
        %get3A_695 = arith.constant 0 : i32
        %get3A_696 = arith.constant 0 : i32
        %get3A_697 = tpu.memref_slice %arg7[%rem3A_101, %get3A_695, %get3A_696] : memref<2x256x128xf32, #tpu.memory_space<vmem>> -> memref<1x256x128xf32, #tpu.memory_space<vmem>>
        %get3A_698 = tpu.memref_squeeze %get3A_697 : memref<1x256x128xf32, #tpu.memory_space<vmem>> -> memref<256x128xf32, #tpu.memory_space<vmem>>
        %get3A_699 = arith.index_cast %add3A_694 : i32 to index
        %get3A_700 = arith.constant 32 : index
        %get3A_701 = tpu.vector_load %get3A_698[%get3A_699, %get3A_700] {strides = array<i32>} : memref<256x128xf32, #tpu.memory_space<vmem>>, vector<16xf32>,
        %add3A_702 = arith.constant 128 : i32
        %add3A_703 = arith.addi %add3A_618, %add3A_702 : i32
        %get3A_704 = arith.constant 0 : i32
        %get3A_705 = arith.constant 0 : i32
        %get3A_706 = tpu.memref_slice %arg7[%rem3A_101, %get3A_704, %get3A_705] : memref<2x256x128xf32, #tpu.memory_space<vmem>> -> memref<1x256x128xf32, #tpu.memory_space<vmem>>
        %get3A_707 = tpu.memref_squeeze %get3A_706 : memref<1x256x128xf32, #tpu.memory_space<vmem>> -> memref<256x128xf32, #tpu.memory_space<vmem>>
        %get3A_708 = arith.index_cast %add3A_703 : i32 to index
        %get3A_709 = arith.constant 64 : index
        %get3A_710 = tpu.vector_load %get3A_707[%get3A_708, %get3A_709] {strides = array<i32>} : memref<256x128xf32, #tpu.memory_space<vmem>>, vector<16xf32>,
        %add3A_711 = arith.constant 128 : i32
        %add3A_712 = arith.addi %add3A_618, %add3A_711 : i32
        %get3A_713 = arith.constant 0 : i32
        %get3A_714 = arith.constant 0 : i32
        %get3A_715 = tpu.memref_slice %arg7[%rem3A_101, %get3A_713, %get3A_714] : memref<2x256x128xf32, #tpu.memory_space<vmem>> -> memref<1x256x128xf32, #tpu.memory_space<vmem>>
        %get3A_716 = tpu.memref_squeeze %get3A_715 : memref<1x256x128xf32, #tpu.memory_space<vmem>> -> memref<256x128xf32, #tpu.memory_space<vmem>>
        %get3A_717 = arith.index_cast %add3A_712 : i32 to index
        %get3A_718 = arith.constant 96 : index
        %get3A_719 = tpu.vector_load %get3A_716[%get3A_717, %get3A_718] {strides = array<i32>} : memref<256x128xf32, #tpu.memory_space<vmem>>, vector<16xf32>,
        %mul3A_720 = arith.mulf %get3A_662, %gather3A_627 : vector<16xf32>
        %mul3A_721 = arith.mulf %mul3A_720, %gather3A_635 : vector<16xf32>
        %mul3A_722 = arith.mulf %get3A_669, %gather3A_627 : vector<16xf32>
        %mul3A_723 = arith.mulf %mul3A_722, %gather3A_639 : vector<16xf32>
        %add3A_724 = arith.addf %mul3A_721, %mul3A_723 : vector<16xf32>
        %mul3A_725 = arith.mulf %get3A_676, %gather3A_631 : vector<16xf32>
        %mul3A_726 = arith.mulf %mul3A_725, %gather3A_635 : vector<16xf32>
        %add3A_727 = arith.addf %add3A_724, %mul3A_726 : vector<16xf32>
        %mul3A_728 = arith.mulf %get3A_683, %gather3A_631 : vector<16xf32>
        %mul3A_729 = arith.mulf %mul3A_728, %gather3A_639 : vector<16xf32>
        %add3A_730 = arith.addf %add3A_727, %mul3A_729 : vector<16xf32>
        %mul3A_731 = arith.mulf %get3A_692, %gather3A_643 : vector<16xf32>
        %mul3A_732 = arith.mulf %mul3A_731, %gather3A_651 : vector<16xf32>
        %mul3A_733 = arith.mulf %get3A_701, %gather3A_643 : vector<16xf32>
        %mul3A_734 = arith.mulf %mul3A_733, %gather3A_655 : vector<16xf32>
        %add3A_735 = arith.addf %mul3A_732, %mul3A_734 : vector<16xf32>
        %mul3A_736 = arith.mulf %get3A_710, %gather3A_647 : vector<16xf32>
        %mul3A_737 = arith.mulf %mul3A_736, %gather3A_651 : vector<16xf32>
        %add3A_738 = arith.addf %add3A_735, %mul3A_737 : vector<16xf32>
        %mul3A_739 = arith.mulf %get3A_719, %gather3A_647 : vector<16xf32>
        %mul3A_740 = arith.mulf %mul3A_739, %gather3A_655 : vector<16xf32>
        %add3A_741 = arith.addf %add3A_738, %mul3A_740 : vector<16xf32>
        %add3A_742 = arith.addf %add3A_730, %add3A_741 : vector<16xf32>
        %mul3A_743 = arith.constant 32 : i32
        %mul3A_744 = arith.muli %add3A_621, %mul3A_743 : i32
        %add3A_745 = arith.constant 0 : i32
        %add3A_746 = arith.addi %mul3A_744, %add3A_745 : i32
        %swap3A_747 = arith.constant 0 : i32
        %swap3A_748 = arith.index_cast %rem3A_103 : i32 to index
        %swap3A_749 = arith.index_cast %swap3A_747 : i32 to index
        %swap3A_750 = arith.index_cast %add3A_746 : i32 to index
        %swap3A_751 = tpu.vector_load %arg11[%swap3A_748, %swap3A_749, %swap3A_750] {strides = array<i32>} : memref<2x1x20480xf32, #tpu.memory_space<vmem>>, vector<16xf32>,
        tpu.vector_store %arg11[%swap3A_748, %swap3A_749, %swap3A_750], %add3A_742 {strides = array<i32>} : memref<2x1x20480xf32, #tpu.memory_space<vmem>>, vector<16xf32>,
        %get3A_752 = arith.constant 0 : i32
        %get3A_753 = arith.constant 0 : i32
        %get3A_754 = tpu.memref_slice %arg7[%rem3A_101, %get3A_752, %get3A_753] : memref<2x256x128xf32, #tpu.memory_space<vmem>> -> memref<1x256x128xf32, #tpu.memory_space<vmem>>
        %get3A_755 = tpu.memref_squeeze %get3A_754 : memref<1x256x128xf32, #tpu.memory_space<vmem>> -> memref<256x128xf32, #tpu.memory_space<vmem>>
        %get3A_756 = arith.index_cast %add3A_618 : i32 to index
        %get3A_757 = arith.constant 16 : index
        %get3A_758 = tpu.vector_load %get3A_755[%get3A_756, %get3A_757] {strides = array<i32>} : memref<256x128xf32, #tpu.memory_space<vmem>>, vector<16xf32>,
        %get3A_759 = arith.constant 0 : i32
        %get3A_760 = arith.constant 0 : i32
        %get3A_761 = tpu.memref_slice %arg7[%rem3A_101, %get3A_759, %get3A_760] : memref<2x256x128xf32, #tpu.memory_space<vmem>> -> memref<1x256x128xf32, #tpu.memory_space<vmem>>
        %get3A_762 = tpu.memref_squeeze %get3A_761 : memref<1x256x128xf32, #tpu.memory_space<vmem>> -> memref<256x128xf32, #tpu.memory_space<vmem>>
        %get3A_763 = arith.index_cast %add3A_618 : i32 to index
        %get3A_764 = arith.constant 48 : index
        %get3A_765 = tpu.vector_load %get3A_762[%get3A_763, %get3A_764] {strides = array<i32>} : memref<256x128xf32, #tpu.memory_space<vmem>>, vector<16xf32>,
        %get3A_766 = arith.constant 0 : i32
        %get3A_767 = arith.constant 0 : i32
        %get3A_768 = tpu.memref_slice %arg7[%rem3A_101, %get3A_766, %get3A_767] : memref<2x256x128xf32, #tpu.memory_space<vmem>> -> memref<1x256x128xf32, #tpu.memory_space<vmem>>
        %get3A_769 = tpu.memref_squeeze %get3A_768 : memref<1x256x128xf32, #tpu.memory_space<vmem>> -> memref<256x128xf32, #tpu.memory_space<vmem>>
        %get3A_770 = arith.index_cast %add3A_618 : i32 to index
        %get3A_771 = arith.constant 80 : index
        %get3A_772 = tpu.vector_load %get3A_769[%get3A_770, %get3A_771] {strides = array<i32>} : memref<256x128xf32, #tpu.memory_space<vmem>>, vector<16xf32>,
        %get3A_773 = arith.constant 0 : i32
        %get3A_774 = arith.constant 0 : i32
        %get3A_775 = tpu.memref_slice %arg7[%rem3A_101, %get3A_773, %get3A_774] : memref<2x256x128xf32, #tpu.memory_space<vmem>> -> memref<1x256x128xf32, #tpu.memory_space<vmem>>
        %get3A_776 = tpu.memref_squeeze %get3A_775 : memref<1x256x128xf32, #tpu.memory_space<vmem>> -> memref<256x128xf32, #tpu.memory_space<vmem>>
        %get3A_777 = arith.index_cast %add3A_618 : i32 to index
        %get3A_778 = arith.constant 112 : index
        %get3A_779 = tpu.vector_load %get3A_776[%get3A_777, %get3A_778] {strides = array<i32>} : memref<256x128xf32, #tpu.memory_space<vmem>>, vector<16xf32>,
        %add3A_780 = arith.constant 128 : i32
        %add3A_781 = arith.addi %add3A_618, %add3A_780 : i32
        %get3A_782 = arith.constant 0 : i32
        %get3A_783 = arith.constant 0 : i32
        %get3A_784 = tpu.memref_slice %arg7[%rem3A_101, %get3A_782, %get3A_783] : memref<2x256x128xf32, #tpu.memory_space<vmem>> -> memref<1x256x128xf32, #tpu.memory_space<vmem>>
        %get3A_785 = tpu.memref_squeeze %get3A_784 : memref<1x256x128xf32, #tpu.memory_space<vmem>> -> memref<256x128xf32, #tpu.memory_space<vmem>>
        %get3A_786 = arith.index_cast %add3A_781 : i32 to index
        %get3A_787 = arith.constant 16 : index
        %get3A_788 = tpu.vector_load %get3A_785[%get3A_786, %get3A_787] {strides = array<i32>} : memref<256x128xf32, #tpu.memory_space<vmem>>, vector<16xf32>,
        %add3A_789 = arith.constant 128 : i32
        %add3A_790 = arith.addi %add3A_618, %add3A_789 : i32
        %get3A_791 = arith.constant 0 : i32
        %get3A_792 = arith.constant 0 : i32
        %get3A_793 = tpu.memref_slice %arg7[%rem3A_101, %get3A_791, %get3A_792] : memref<2x256x128xf32, #tpu.memory_space<vmem>> -> memref<1x256x128xf32, #tpu.memory_space<vmem>>
        %get3A_794 = tpu.memref_squeeze %get3A_793 : memref<1x256x128xf32, #tpu.memory_space<vmem>> -> memref<256x128xf32, #tpu.memory_space<vmem>>
        %get3A_795 = arith.index_cast %add3A_790 : i32 to index
        %get3A_796 = arith.constant 48 : index
        %get3A_797 = tpu.vector_load %get3A_794[%get3A_795, %get3A_796] {strides = array<i32>} : memref<256x128xf32, #tpu.memory_space<vmem>>, vector<16xf32>,
        %add3A_798 = arith.constant 128 : i32
        %add3A_799 = arith.addi %add3A_618, %add3A_798 : i32
        %get3A_800 = arith.constant 0 : i32
        %get3A_801 = arith.constant 0 : i32
        %get3A_802 = tpu.memref_slice %arg7[%rem3A_101, %get3A_800, %get3A_801] : memref<2x256x128xf32, #tpu.memory_space<vmem>> -> memref<1x256x128xf32, #tpu.memory_space<vmem>>
        %get3A_803 = tpu.memref_squeeze %get3A_802 : memref<1x256x128xf32, #tpu.memory_space<vmem>> -> memref<256x128xf32, #tpu.memory_space<vmem>>
        %get3A_804 = arith.index_cast %add3A_799 : i32 to index
        %get3A_805 = arith.constant 80 : index
        %get3A_806 = tpu.vector_load %get3A_803[%get3A_804, %get3A_805] {strides = array<i32>} : memref<256x128xf32, #tpu.memory_space<vmem>>, vector<16xf32>,
        %add3A_807 = arith.constant 128 : i32
        %add3A_808 = arith.addi %add3A_618, %add3A_807 : i32
        %get3A_809 = arith.constant 0 : i32
        %get3A_810 = arith.constant 0 : i32
        %get3A_811 = tpu.memref_slice %arg7[%rem3A_101, %get3A_809, %get3A_810] : memref<2x256x128xf32, #tpu.memory_space<vmem>> -> memref<1x256x128xf32, #tpu.memory_space<vmem>>
        %get3A_812 = tpu.memref_squeeze %get3A_811 : memref<1x256x128xf32, #tpu.memory_space<vmem>> -> memref<256x128xf32, #tpu.memory_space<vmem>>
        %get3A_813 = arith.index_cast %add3A_808 : i32 to index
        %get3A_814 = arith.constant 112 : index
        %get3A_815 = tpu.vector_load %get3A_812[%get3A_813, %get3A_814] {strides = array<i32>} : memref<256x128xf32, #tpu.memory_space<vmem>>, vector<16xf32>,
        %mul3A_816 = arith.mulf %get3A_758, %gather3A_627 : vector<16xf32>
        %mul3A_817 = arith.mulf %mul3A_816, %gather3A_635 : vector<16xf32>
        %mul3A_818 = arith.mulf %get3A_765, %gather3A_627 : vector<16xf32>
        %mul3A_819 = arith.mulf %mul3A_818, %gather3A_639 : vector<16xf32>
        %add3A_820 = arith.addf %mul3A_817, %mul3A_819 : vector<16xf32>
        %mul3A_821 = arith.mulf %get3A_772, %gather3A_631 : vector<16xf32>
        %mul3A_822 = arith.mulf %mul3A_821, %gather3A_635 : vector<16xf32>
        %add3A_823 = arith.addf %add3A_820, %mul3A_822 : vector<16xf32>
        %mul3A_824 = arith.mulf %get3A_779, %gather3A_631 : vector<16xf32>
        %mul3A_825 = arith.mulf %mul3A_824, %gather3A_639 : vector<16xf32>
        %add3A_826 = arith.addf %add3A_823, %mul3A_825 : vector<16xf32>
        %mul3A_827 = arith.mulf %get3A_788, %gather3A_643 : vector<16xf32>
        %mul3A_828 = arith.mulf %mul3A_827, %gather3A_651 : vector<16xf32>
        %mul3A_829 = arith.mulf %get3A_797, %gather3A_643 : vector<16xf32>
        %mul3A_830 = arith.mulf %mul3A_829, %gather3A_655 : vector<16xf32>
        %add3A_831 = arith.addf %mul3A_828, %mul3A_830 : vector<16xf32>
        %mul3A_832 = arith.mulf %get3A_806, %gather3A_647 : vector<16xf32>
        %mul3A_833 = arith.mulf %mul3A_832, %gather3A_651 : vector<16xf32>
        %add3A_834 = arith.addf %add3A_831, %mul3A_833 : vector<16xf32>
        %mul3A_835 = arith.mulf %get3A_815, %gather3A_647 : vector<16xf32>
        %mul3A_836 = arith.mulf %mul3A_835, %gather3A_655 : vector<16xf32>
        %add3A_837 = arith.addf %add3A_834, %mul3A_836 : vector<16xf32>
        %add3A_838 = arith.addf %add3A_826, %add3A_837 : vector<16xf32>
        %mul3A_839 = arith.constant 32 : i32
        %mul3A_840 = arith.muli %add3A_621, %mul3A_839 : i32
        %add3A_841 = arith.constant 16 : i32
        %add3A_842 = arith.addi %mul3A_840, %add3A_841 : i32
        %swap3A_843 = arith.constant 0 : i32
        %swap3A_844 = arith.index_cast %rem3A_103 : i32 to index
        %swap3A_845 = arith.index_cast %swap3A_843 : i32 to index
        %swap3A_846 = arith.index_cast %add3A_842 : i32 to index
        %swap3A_847 = tpu.vector_load %arg11[%swap3A_844, %swap3A_845, %swap3A_846] {strides = array<i32>} : memref<2x1x20480xf32, #tpu.memory_space<vmem>>, vector<16xf32>,
        tpu.vector_store %arg11[%swap3A_844, %swap3A_845, %swap3A_846], %add3A_838 {strides = array<i32>} : memref<2x1x20480xf32, #tpu.memory_space<vmem>>, vector<16xf32>,
        %mul3A_848 = arith.constant 16 : i32
        %mul3A_849 = arith.muli %scan3A_150, %mul3A_848 : i32
        %add3A_850 = arith.constant 3 : i32
        %add3A_851 = arith.addi %mul3A_849, %add3A_850 : i32
        %mul3A_852 = arith.constant 128 : i32
        %mul3A_853 = arith.muli %select_n3A_99, %mul3A_852 : i32
        %add3A_854 = arith.addi %mul3A_853, %add3A_851 : i32
        %add3A_855 = vector.broadcast %add3A_854 : i32 to vector<16xi32>
        %add3A_856 = arith.addi %broadcast_in_dim3A_136, %add3A_855 : vector<16xi32>
        %add3A_857 = arith.constant 0 : i32
        %add3A_858 = vector.broadcast %add3A_857 : i32 to vector<16xi32>
        %add3A_859 = arith.addi %broadcast_in_dim3A_136, %add3A_858 : vector<16xi32>
        %gather3A_860 = tpu.vector_load_idx %arg9[%add3A_859, %add3A_856] : memref<4x640xf32, #tpu.memory_space<vmem>>[vector<16xi32>, vector<16xi32>], vector<16xf32>,
        %add3A_861 = arith.constant 1 : i32
        %add3A_862 = vector.broadcast %add3A_861 : i32 to vector<16xi32>
        %add3A_863 = arith.addi %broadcast_in_dim3A_136, %add3A_862 : vector<16xi32>
        %gather3A_864 = tpu.vector_load_idx %arg9[%add3A_863, %add3A_856] : memref<4x640xf32, #tpu.memory_space<vmem>>[vector<16xi32>, vector<16xi32>], vector<16xf32>,
        %add3A_865 = arith.constant 2 : i32
        %add3A_866 = vector.broadcast %add3A_865 : i32 to vector<16xi32>
        %add3A_867 = arith.addi %broadcast_in_dim3A_136, %add3A_866 : vector<16xi32>
        %gather3A_868 = tpu.vector_load_idx %arg9[%add3A_867, %add3A_856] : memref<4x640xf32, #tpu.memory_space<vmem>>[vector<16xi32>, vector<16xi32>], vector<16xf32>,
        %add3A_869 = arith.constant 3 : i32
        %add3A_870 = vector.broadcast %add3A_869 : i32 to vector<16xi32>
        %add3A_871 = arith.addi %broadcast_in_dim3A_136, %add3A_870 : vector<16xi32>
        %gather3A_872 = tpu.vector_load_idx %arg9[%add3A_871, %add3A_856] : memref<4x640xf32, #tpu.memory_space<vmem>>[vector<16xi32>, vector<16xi32>], vector<16xf32>,
        %add3A_873 = arith.constant 0 : i32
        %add3A_874 = vector.broadcast %add3A_873 : i32 to vector<16xi32>
        %add3A_875 = arith.addi %broadcast_in_dim3A_136, %add3A_874 : vector<16xi32>
        %gather3A_876 = tpu.vector_load_idx %arg10[%add3A_875, %add3A_856] : memref<4x640xf32, #tpu.memory_space<vmem>>[vector<16xi32>, vector<16xi32>], vector<16xf32>,
        %add3A_877 = arith.constant 1 : i32
        %add3A_878 = vector.broadcast %add3A_877 : i32 to vector<16xi32>
        %add3A_879 = arith.addi %broadcast_in_dim3A_136, %add3A_878 : vector<16xi32>
        %gather3A_880 = tpu.vector_load_idx %arg10[%add3A_879, %add3A_856] : memref<4x640xf32, #tpu.memory_space<vmem>>[vector<16xi32>, vector<16xi32>], vector<16xf32>,
        %add3A_881 = arith.constant 2 : i32
        %add3A_882 = vector.broadcast %add3A_881 : i32 to vector<16xi32>
        %add3A_883 = arith.addi %broadcast_in_dim3A_136, %add3A_882 : vector<16xi32>
        %gather3A_884 = tpu.vector_load_idx %arg10[%add3A_883, %add3A_856] : memref<4x640xf32, #tpu.memory_space<vmem>>[vector<16xi32>, vector<16xi32>], vector<16xf32>,
        %add3A_885 = arith.constant 3 : i32
        %add3A_886 = vector.broadcast %add3A_885 : i32 to vector<16xi32>
        %add3A_887 = arith.addi %broadcast_in_dim3A_136, %add3A_886 : vector<16xi32>
        %gather3A_888 = tpu.vector_load_idx %arg10[%add3A_887, %add3A_856] : memref<4x640xf32, #tpu.memory_space<vmem>>[vector<16xi32>, vector<16xi32>], vector<16xf32>,
        %get3A_889 = arith.constant 0 : i32
        %get3A_890 = arith.constant 0 : i32
        %get3A_891 = tpu.memref_slice %arg7[%rem3A_101, %get3A_889, %get3A_890] : memref<2x256x128xf32, #tpu.memory_space<vmem>> -> memref<1x256x128xf32, #tpu.memory_space<vmem>>
        %get3A_892 = tpu.memref_squeeze %get3A_891 : memref<1x256x128xf32, #tpu.memory_space<vmem>> -> memref<256x128xf32, #tpu.memory_space<vmem>>
        %get3A_893 = arith.index_cast %add3A_851 : i32 to index
        %get3A_894 = arith.constant 0 : index
        %get3A_895 = tpu.vector_load %get3A_892[%get3A_893, %get3A_894] {strides = array<i32>} : memref<256x128xf32, #tpu.memory_space<vmem>>, vector<16xf32>,
        %get3A_896 = arith.constant 0 : i32
        %get3A_897 = arith.constant 0 : i32
        %get3A_898 = tpu.memref_slice %arg7[%rem3A_101, %get3A_896, %get3A_897] : memref<2x256x128xf32, #tpu.memory_space<vmem>> -> memref<1x256x128xf32, #tpu.memory_space<vmem>>
        %get3A_899 = tpu.memref_squeeze %get3A_898 : memref<1x256x128xf32, #tpu.memory_space<vmem>> -> memref<256x128xf32, #tpu.memory_space<vmem>>
        %get3A_900 = arith.index_cast %add3A_851 : i32 to index
        %get3A_901 = arith.constant 32 : index
        %get3A_902 = tpu.vector_load %get3A_899[%get3A_900, %get3A_901] {strides = array<i32>} : memref<256x128xf32, #tpu.memory_space<vmem>>, vector<16xf32>,
        %get3A_903 = arith.constant 0 : i32
        %get3A_904 = arith.constant 0 : i32
        %get3A_905 = tpu.memref_slice %arg7[%rem3A_101, %get3A_903, %get3A_904] : memref<2x256x128xf32, #tpu.memory_space<vmem>> -> memref<1x256x128xf32, #tpu.memory_space<vmem>>
        %get3A_906 = tpu.memref_squeeze %get3A_905 : memref<1x256x128xf32, #tpu.memory_space<vmem>> -> memref<256x128xf32, #tpu.memory_space<vmem>>
        %get3A_907 = arith.index_cast %add3A_851 : i32 to index
        %get3A_908 = arith.constant 64 : index
        %get3A_909 = tpu.vector_load %get3A_906[%get3A_907, %get3A_908] {strides = array<i32>} : memref<256x128xf32, #tpu.memory_space<vmem>>, vector<16xf32>,
        %get3A_910 = arith.constant 0 : i32
        %get3A_911 = arith.constant 0 : i32
        %get3A_912 = tpu.memref_slice %arg7[%rem3A_101, %get3A_910, %get3A_911] : memref<2x256x128xf32, #tpu.memory_space<vmem>> -> memref<1x256x128xf32, #tpu.memory_space<vmem>>
        %get3A_913 = tpu.memref_squeeze %get3A_912 : memref<1x256x128xf32, #tpu.memory_space<vmem>> -> memref<256x128xf32, #tpu.memory_space<vmem>>
        %get3A_914 = arith.index_cast %add3A_851 : i32 to index
        %get3A_915 = arith.constant 96 : index
        %get3A_916 = tpu.vector_load %get3A_913[%get3A_914, %get3A_915] {strides = array<i32>} : memref<256x128xf32, #tpu.memory_space<vmem>>, vector<16xf32>,
        %add3A_917 = arith.constant 128 : i32
        %add3A_918 = arith.addi %add3A_851, %add3A_917 : i32
        %get3A_919 = arith.constant 0 : i32
        %get3A_920 = arith.constant 0 : i32
        %get3A_921 = tpu.memref_slice %arg7[%rem3A_101, %get3A_919, %get3A_920] : memref<2x256x128xf32, #tpu.memory_space<vmem>> -> memref<1x256x128xf32, #tpu.memory_space<vmem>>
        %get3A_922 = tpu.memref_squeeze %get3A_921 : memref<1x256x128xf32, #tpu.memory_space<vmem>> -> memref<256x128xf32, #tpu.memory_space<vmem>>
        %get3A_923 = arith.index_cast %add3A_918 : i32 to index
        %get3A_924 = arith.constant 0 : index
        %get3A_925 = tpu.vector_load %get3A_922[%get3A_923, %get3A_924] {strides = array<i32>} : memref<256x128xf32, #tpu.memory_space<vmem>>, vector<16xf32>,
        %add3A_926 = arith.constant 128 : i32
        %add3A_927 = arith.addi %add3A_851, %add3A_926 : i32
        %get3A_928 = arith.constant 0 : i32
        %get3A_929 = arith.constant 0 : i32
        %get3A_930 = tpu.memref_slice %arg7[%rem3A_101, %get3A_928, %get3A_929] : memref<2x256x128xf32, #tpu.memory_space<vmem>> -> memref<1x256x128xf32, #tpu.memory_space<vmem>>
        %get3A_931 = tpu.memref_squeeze %get3A_930 : memref<1x256x128xf32, #tpu.memory_space<vmem>> -> memref<256x128xf32, #tpu.memory_space<vmem>>
        %get3A_932 = arith.index_cast %add3A_927 : i32 to index
        %get3A_933 = arith.constant 32 : index
        %get3A_934 = tpu.vector_load %get3A_931[%get3A_932, %get3A_933] {strides = array<i32>} : memref<256x128xf32, #tpu.memory_space<vmem>>, vector<16xf32>,
        %add3A_935 = arith.constant 128 : i32
        %add3A_936 = arith.addi %add3A_851, %add3A_935 : i32
        %get3A_937 = arith.constant 0 : i32
        %get3A_938 = arith.constant 0 : i32
        %get3A_939 = tpu.memref_slice %arg7[%rem3A_101, %get3A_937, %get3A_938] : memref<2x256x128xf32, #tpu.memory_space<vmem>> -> memref<1x256x128xf32, #tpu.memory_space<vmem>>
        %get3A_940 = tpu.memref_squeeze %get3A_939 : memref<1x256x128xf32, #tpu.memory_space<vmem>> -> memref<256x128xf32, #tpu.memory_space<vmem>>
        %get3A_941 = arith.index_cast %add3A_936 : i32 to index
        %get3A_942 = arith.constant 64 : index
        %get3A_943 = tpu.vector_load %get3A_940[%get3A_941, %get3A_942] {strides = array<i32>} : memref<256x128xf32, #tpu.memory_space<vmem>>, vector<16xf32>,
        %add3A_944 = arith.constant 128 : i32
        %add3A_945 = arith.addi %add3A_851, %add3A_944 : i32
        %get3A_946 = arith.constant 0 : i32
        %get3A_947 = arith.constant 0 : i32
        %get3A_948 = tpu.memref_slice %arg7[%rem3A_101, %get3A_946, %get3A_947] : memref<2x256x128xf32, #tpu.memory_space<vmem>> -> memref<1x256x128xf32, #tpu.memory_space<vmem>>
        %get3A_949 = tpu.memref_squeeze %get3A_948 : memref<1x256x128xf32, #tpu.memory_space<vmem>> -> memref<256x128xf32, #tpu.memory_space<vmem>>
        %get3A_950 = arith.index_cast %add3A_945 : i32 to index
        %get3A_951 = arith.constant 96 : index
        %get3A_952 = tpu.vector_load %get3A_949[%get3A_950, %get3A_951] {strides = array<i32>} : memref<256x128xf32, #tpu.memory_space<vmem>>, vector<16xf32>,
        %mul3A_953 = arith.mulf %get3A_895, %gather3A_860 : vector<16xf32>
        %mul3A_954 = arith.mulf %mul3A_953, %gather3A_868 : vector<16xf32>
        %mul3A_955 = arith.mulf %get3A_902, %gather3A_860 : vector<16xf32>
        %mul3A_956 = arith.mulf %mul3A_955, %gather3A_872 : vector<16xf32>
        %add3A_957 = arith.addf %mul3A_954, %mul3A_956 : vector<16xf32>
        %mul3A_958 = arith.mulf %get3A_909, %gather3A_864 : vector<16xf32>
        %mul3A_959 = arith.mulf %mul3A_958, %gather3A_868 : vector<16xf32>
        %add3A_960 = arith.addf %add3A_957, %mul3A_959 : vector<16xf32>
        %mul3A_961 = arith.mulf %get3A_916, %gather3A_864 : vector<16xf32>
        %mul3A_962 = arith.mulf %mul3A_961, %gather3A_872 : vector<16xf32>
        %add3A_963 = arith.addf %add3A_960, %mul3A_962 : vector<16xf32>
        %mul3A_964 = arith.mulf %get3A_925, %gather3A_876 : vector<16xf32>
        %mul3A_965 = arith.mulf %mul3A_964, %gather3A_884 : vector<16xf32>
        %mul3A_966 = arith.mulf %get3A_934, %gather3A_876 : vector<16xf32>
        %mul3A_967 = arith.mulf %mul3A_966, %gather3A_888 : vector<16xf32>
        %add3A_968 = arith.addf %mul3A_965, %mul3A_967 : vector<16xf32>
        %mul3A_969 = arith.mulf %get3A_943, %gather3A_880 : vector<16xf32>
        %mul3A_970 = arith.mulf %mul3A_969, %gather3A_884 : vector<16xf32>
        %add3A_971 = arith.addf %add3A_968, %mul3A_970 : vector<16xf32>
        %mul3A_972 = arith.mulf %get3A_952, %gather3A_880 : vector<16xf32>
        %mul3A_973 = arith.mulf %mul3A_972, %gather3A_888 : vector<16xf32>
        %add3A_974 = arith.addf %add3A_971, %mul3A_973 : vector<16xf32>
        %add3A_975 = arith.addf %add3A_963, %add3A_974 : vector<16xf32>
        %mul3A_976 = arith.constant 32 : i32
        %mul3A_977 = arith.muli %add3A_854, %mul3A_976 : i32
        %add3A_978 = arith.constant 0 : i32
        %add3A_979 = arith.addi %mul3A_977, %add3A_978 : i32
        %swap3A_980 = arith.constant 0 : i32
        %swap3A_981 = arith.index_cast %rem3A_103 : i32 to index
        %swap3A_982 = arith.index_cast %swap3A_980 : i32 to index
        %swap3A_983 = arith.index_cast %add3A_979 : i32 to index
        %swap3A_984 = tpu.vector_load %arg11[%swap3A_981, %swap3A_982, %swap3A_983] {strides = array<i32>} : memref<2x1x20480xf32, #tpu.memory_space<vmem>>, vector<16xf32>,
        tpu.vector_store %arg11[%swap3A_981, %swap3A_982, %swap3A_983], %add3A_975 {strides = array<i32>} : memref<2x1x20480xf32, #tpu.memory_space<vmem>>, vector<16xf32>,
        %get3A_985 = arith.constant 0 : i32
        %get3A_986 = arith.constant 0 : i32
        %get3A_987 = tpu.memref_slice %arg7[%rem3A_101, %get3A_985, %get3A_986] : memref<2x256x128xf32, #tpu.memory_space<vmem>> -> memref<1x256x128xf32, #tpu.memory_space<vmem>>
        %get3A_988 = tpu.memref_squeeze %get3A_987 : memref<1x256x128xf32, #tpu.memory_space<vmem>> -> memref<256x128xf32, #tpu.memory_space<vmem>>
        %get3A_989 = arith.index_cast %add3A_851 : i32 to index
        %get3A_990 = arith.constant 16 : index
        %get3A_991 = tpu.vector_load %get3A_988[%get3A_989, %get3A_990] {strides = array<i32>} : memref<256x128xf32, #tpu.memory_space<vmem>>, vector<16xf32>,
        %get3A_992 = arith.constant 0 : i32
        %get3A_993 = arith.constant 0 : i32
        %get3A_994 = tpu.memref_slice %arg7[%rem3A_101, %get3A_992, %get3A_993] : memref<2x256x128xf32, #tpu.memory_space<vmem>> -> memref<1x256x128xf32, #tpu.memory_space<vmem>>
        %get3A_995 = tpu.memref_squeeze %get3A_994 : memref<1x256x128xf32, #tpu.memory_space<vmem>> -> memref<256x128xf32, #tpu.memory_space<vmem>>
        %get3A_996 = arith.index_cast %add3A_851 : i32 to index
        %get3A_997 = arith.constant 48 : index
        %get3A_998 = tpu.vector_load %get3A_995[%get3A_996, %get3A_997] {strides = array<i32>} : memref<256x128xf32, #tpu.memory_space<vmem>>, vector<16xf32>,
        %get3A_999 = arith.constant 0 : i32
        %get3A_1000 = arith.constant 0 : i32
        %get3A_1001 = tpu.memref_slice %arg7[%rem3A_101, %get3A_999, %get3A_1000] : memref<2x256x128xf32, #tpu.memory_space<vmem>> -> memref<1x256x128xf32, #tpu.memory_space<vmem>>
        %get3A_1002 = tpu.memref_squeeze %get3A_1001 : memref<1x256x128xf32, #tpu.memory_space<vmem>> -> memref<256x128xf32, #tpu.memory_space<vmem>>
        %get3A_1003 = arith.index_cast %add3A_851 : i32 to index
        %get3A_1004 = arith.constant 80 : index
        %get3A_1005 = tpu.vector_load %get3A_1002[%get3A_1003, %get3A_1004] {strides = array<i32>} : memref<256x128xf32, #tpu.memory_space<vmem>>, vector<16xf32>,
        %get3A_1006 = arith.constant 0 : i32
        %get3A_1007 = arith.constant 0 : i32
        %get3A_1008 = tpu.memref_slice %arg7[%rem3A_101, %get3A_1006, %get3A_1007] : memref<2x256x128xf32, #tpu.memory_space<vmem>> -> memref<1x256x128xf32, #tpu.memory_space<vmem>>
        %get3A_1009 = tpu.memref_squeeze %get3A_1008 : memref<1x256x128xf32, #tpu.memory_space<vmem>> -> memref<256x128xf32, #tpu.memory_space<vmem>>
        %get3A_1010 = arith.index_cast %add3A_851 : i32 to index
        %get3A_1011 = arith.constant 112 : index
        %get3A_1012 = tpu.vector_load %get3A_1009[%get3A_1010, %get3A_1011] {strides = array<i32>} : memref<256x128xf32, #tpu.memory_space<vmem>>, vector<16xf32>,
        %add3A_1013 = arith.constant 128 : i32
        %add3A_1014 = arith.addi %add3A_851, %add3A_1013 : i32
        %get3A_1015 = arith.constant 0 : i32
        %get3A_1016 = arith.constant 0 : i32
        %get3A_1017 = tpu.memref_slice %arg7[%rem3A_101, %get3A_1015, %get3A_1016] : memref<2x256x128xf32, #tpu.memory_space<vmem>> -> memref<1x256x128xf32, #tpu.memory_space<vmem>>
        %get3A_1018 = tpu.memref_squeeze %get3A_1017 : memref<1x256x128xf32, #tpu.memory_space<vmem>> -> memref<256x128xf32, #tpu.memory_space<vmem>>
        %get3A_1019 = arith.index_cast %add3A_1014 : i32 to index
        %get3A_1020 = arith.constant 16 : index
        %get3A_1021 = tpu.vector_load %get3A_1018[%get3A_1019, %get3A_1020] {strides = array<i32>} : memref<256x128xf32, #tpu.memory_space<vmem>>, vector<16xf32>,
        %add3A_1022 = arith.constant 128 : i32
        %add3A_1023 = arith.addi %add3A_851, %add3A_1022 : i32
        %get3A_1024 = arith.constant 0 : i32
        %get3A_1025 = arith.constant 0 : i32
        %get3A_1026 = tpu.memref_slice %arg7[%rem3A_101, %get3A_1024, %get3A_1025] : memref<2x256x128xf32, #tpu.memory_space<vmem>> -> memref<1x256x128xf32, #tpu.memory_space<vmem>>
        %get3A_1027 = tpu.memref_squeeze %get3A_1026 : memref<1x256x128xf32, #tpu.memory_space<vmem>> -> memref<256x128xf32, #tpu.memory_space<vmem>>
        %get3A_1028 = arith.index_cast %add3A_1023 : i32 to index
        %get3A_1029 = arith.constant 48 : index
        %get3A_1030 = tpu.vector_load %get3A_1027[%get3A_1028, %get3A_1029] {strides = array<i32>} : memref<256x128xf32, #tpu.memory_space<vmem>>, vector<16xf32>,
        %add3A_1031 = arith.constant 128 : i32
        %add3A_1032 = arith.addi %add3A_851, %add3A_1031 : i32
        %get3A_1033 = arith.constant 0 : i32
        %get3A_1034 = arith.constant 0 : i32
        %get3A_1035 = tpu.memref_slice %arg7[%rem3A_101, %get3A_1033, %get3A_1034] : memref<2x256x128xf32, #tpu.memory_space<vmem>> -> memref<1x256x128xf32, #tpu.memory_space<vmem>>
        %get3A_1036 = tpu.memref_squeeze %get3A_1035 : memref<1x256x128xf32, #tpu.memory_space<vmem>> -> memref<256x128xf32, #tpu.memory_space<vmem>>
        %get3A_1037 = arith.index_cast %add3A_1032 : i32 to index
        %get3A_1038 = arith.constant 80 : index
        %get3A_1039 = tpu.vector_load %get3A_1036[%get3A_1037, %get3A_1038] {strides = array<i32>} : memref<256x128xf32, #tpu.memory_space<vmem>>, vector<16xf32>,
        %add3A_1040 = arith.constant 128 : i32
        %add3A_1041 = arith.addi %add3A_851, %add3A_1040 : i32
        %get3A_1042 = arith.constant 0 : i32
        %get3A_1043 = arith.constant 0 : i32
        %get3A_1044 = tpu.memref_slice %arg7[%rem3A_101, %get3A_1042, %get3A_1043] : memref<2x256x128xf32, #tpu.memory_space<vmem>> -> memref<1x256x128xf32, #tpu.memory_space<vmem>>
        %get3A_1045 = tpu.memref_squeeze %get3A_1044 : memref<1x256x128xf32, #tpu.memory_space<vmem>> -> memref<256x128xf32, #tpu.memory_space<vmem>>
        %get3A_1046 = arith.index_cast %add3A_1041 : i32 to index
        %get3A_1047 = arith.constant 112 : index
        %get3A_1048 = tpu.vector_load %get3A_1045[%get3A_1046, %get3A_1047] {strides = array<i32>} : memref<256x128xf32, #tpu.memory_space<vmem>>, vector<16xf32>,
        %mul3A_1049 = arith.mulf %get3A_991, %gather3A_860 : vector<16xf32>
        %mul3A_1050 = arith.mulf %mul3A_1049, %gather3A_868 : vector<16xf32>
        %mul3A_1051 = arith.mulf %get3A_998, %gather3A_860 : vector<16xf32>
        %mul3A_1052 = arith.mulf %mul3A_1051, %gather3A_872 : vector<16xf32>
        %add3A_1053 = arith.addf %mul3A_1050, %mul3A_1052 : vector<16xf32>
        %mul3A_1054 = arith.mulf %get3A_1005, %gather3A_864 : vector<16xf32>
        %mul3A_1055 = arith.mulf %mul3A_1054, %gather3A_868 : vector<16xf32>
        %add3A_1056 = arith.addf %add3A_1053, %mul3A_1055 : vector<16xf32>
        %mul3A_1057 = arith.mulf %get3A_1012, %gather3A_864 : vector<16xf32>
        %mul3A_1058 = arith.mulf %mul3A_1057, %gather3A_872 : vector<16xf32>
        %add3A_1059 = arith.addf %add3A_1056, %mul3A_1058 : vector<16xf32>
        %mul3A_1060 = arith.mulf %get3A_1021, %gather3A_876 : vector<16xf32>
        %mul3A_1061 = arith.mulf %mul3A_1060, %gather3A_884 : vector<16xf32>
        %mul3A_1062 = arith.mulf %get3A_1030, %gather3A_876 : vector<16xf32>
        %mul3A_1063 = arith.mulf %mul3A_1062, %gather3A_888 : vector<16xf32>
        %add3A_1064 = arith.addf %mul3A_1061, %mul3A_1063 : vector<16xf32>
        %mul3A_1065 = arith.mulf %get3A_1039, %gather3A_880 : vector<16xf32>
        %mul3A_1066 = arith.mulf %mul3A_1065, %gather3A_884 : vector<16xf32>
        %add3A_1067 = arith.addf %add3A_1064, %mul3A_1066 : vector<16xf32>
        %mul3A_1068 = arith.mulf %get3A_1048, %gather3A_880 : vector<16xf32>
        %mul3A_1069 = arith.mulf %mul3A_1068, %gather3A_888 : vector<16xf32>
        %add3A_1070 = arith.addf %add3A_1067, %mul3A_1069 : vector<16xf32>
        %add3A_1071 = arith.addf %add3A_1059, %add3A_1070 : vector<16xf32>
        %mul3A_1072 = arith.constant 32 : i32
        %mul3A_1073 = arith.muli %add3A_854, %mul3A_1072 : i32
        %add3A_1074 = arith.constant 16 : i32
        %add3A_1075 = arith.addi %mul3A_1073, %add3A_1074 : i32
        %swap3A_1076 = arith.constant 0 : i32
        %swap3A_1077 = arith.index_cast %rem3A_103 : i32 to index
        %swap3A_1078 = arith.index_cast %swap3A_1076 : i32 to index
        %swap3A_1079 = arith.index_cast %add3A_1075 : i32 to index
        %swap3A_1080 = tpu.vector_load %arg11[%swap3A_1077, %swap3A_1078, %swap3A_1079] {strides = array<i32>} : memref<2x1x20480xf32, #tpu.memory_space<vmem>>, vector<16xf32>,
        tpu.vector_store %arg11[%swap3A_1077, %swap3A_1078, %swap3A_1079], %add3A_1071 {strides = array<i32>} : memref<2x1x20480xf32, #tpu.memory_space<vmem>>, vector<16xf32>,
        %mul3A_1081 = arith.constant 16 : i32
        %mul3A_1082 = arith.muli %scan3A_150, %mul3A_1081 : i32
        %add3A_1083 = arith.constant 4 : i32
        %add3A_1084 = arith.addi %mul3A_1082, %add3A_1083 : i32
        %mul3A_1085 = arith.constant 128 : i32
        %mul3A_1086 = arith.muli %select_n3A_99, %mul3A_1085 : i32
        %add3A_1087 = arith.addi %mul3A_1086, %add3A_1084 : i32
        %add3A_1088 = vector.broadcast %add3A_1087 : i32 to vector<16xi32>
        %add3A_1089 = arith.addi %broadcast_in_dim3A_136, %add3A_1088 : vector<16xi32>
        %add3A_1090 = arith.constant 0 : i32
        %add3A_1091 = vector.broadcast %add3A_1090 : i32 to vector<16xi32>
        %add3A_1092 = arith.addi %broadcast_in_dim3A_136, %add3A_1091 : vector<16xi32>
        %gather3A_1093 = tpu.vector_load_idx %arg9[%add3A_1092, %add3A_1089] : memref<4x640xf32, #tpu.memory_space<vmem>>[vector<16xi32>, vector<16xi32>], vector<16xf32>,
        %add3A_1094 = arith.constant 1 : i32
        %add3A_1095 = vector.broadcast %add3A_1094 : i32 to vector<16xi32>
        %add3A_1096 = arith.addi %broadcast_in_dim3A_136, %add3A_1095 : vector<16xi32>
        %gather3A_1097 = tpu.vector_load_idx %arg9[%add3A_1096, %add3A_1089] : memref<4x640xf32, #tpu.memory_space<vmem>>[vector<16xi32>, vector<16xi32>], vector<16xf32>,
        %add3A_1098 = arith.constant 2 : i32
        %add3A_1099 = vector.broadcast %add3A_1098 : i32 to vector<16xi32>
        %add3A_1100 = arith.addi %broadcast_in_dim3A_136, %add3A_1099 : vector<16xi32>
        %gather3A_1101 = tpu.vector_load_idx %arg9[%add3A_1100, %add3A_1089] : memref<4x640xf32, #tpu.memory_space<vmem>>[vector<16xi32>, vector<16xi32>], vector<16xf32>,
        %add3A_1102 = arith.constant 3 : i32
        %add3A_1103 = vector.broadcast %add3A_1102 : i32 to vector<16xi32>
        %add3A_1104 = arith.addi %broadcast_in_dim3A_136, %add3A_1103 : vector<16xi32>
        %gather3A_1105 = tpu.vector_load_idx %arg9[%add3A_1104, %add3A_1089] : memref<4x640xf32, #tpu.memory_space<vmem>>[vector<16xi32>, vector<16xi32>], vector<16xf32>,
        %add3A_1106 = arith.constant 0 : i32
        %add3A_1107 = vector.broadcast %add3A_1106 : i32 to vector<16xi32>
        %add3A_1108 = arith.addi %broadcast_in_dim3A_136, %add3A_1107 : vector<16xi32>
        %gather3A_1109 = tpu.vector_load_idx %arg10[%add3A_1108, %add3A_1089] : memref<4x640xf32, #tpu.memory_space<vmem>>[vector<16xi32>, vector<16xi32>], vector<16xf32>,
        %add3A_1110 = arith.constant 1 : i32
        %add3A_1111 = vector.broadcast %add3A_1110 : i32 to vector<16xi32>
        %add3A_1112 = arith.addi %broadcast_in_dim3A_136, %add3A_1111 : vector<16xi32>
        %gather3A_1113 = tpu.vector_load_idx %arg10[%add3A_1112, %add3A_1089] : memref<4x640xf32, #tpu.memory_space<vmem>>[vector<16xi32>, vector<16xi32>], vector<16xf32>,
        %add3A_1114 = arith.constant 2 : i32
        %add3A_1115 = vector.broadcast %add3A_1114 : i32 to vector<16xi32>
        %add3A_1116 = arith.addi %broadcast_in_dim3A_136, %add3A_1115 : vector<16xi32>
        %gather3A_1117 = tpu.vector_load_idx %arg10[%add3A_1116, %add3A_1089] : memref<4x640xf32, #tpu.memory_space<vmem>>[vector<16xi32>, vector<16xi32>], vector<16xf32>,
        %add3A_1118 = arith.constant 3 : i32
        %add3A_1119 = vector.broadcast %add3A_1118 : i32 to vector<16xi32>
        %add3A_1120 = arith.addi %broadcast_in_dim3A_136, %add3A_1119 : vector<16xi32>
        %gather3A_1121 = tpu.vector_load_idx %arg10[%add3A_1120, %add3A_1089] : memref<4x640xf32, #tpu.memory_space<vmem>>[vector<16xi32>, vector<16xi32>], vector<16xf32>,
        %get3A_1122 = arith.constant 0 : i32
        %get3A_1123 = arith.constant 0 : i32
        %get3A_1124 = tpu.memref_slice %arg7[%rem3A_101, %get3A_1122, %get3A_1123] : memref<2x256x128xf32, #tpu.memory_space<vmem>> -> memref<1x256x128xf32, #tpu.memory_space<vmem>>
        %get3A_1125 = tpu.memref_squeeze %get3A_1124 : memref<1x256x128xf32, #tpu.memory_space<vmem>> -> memref<256x128xf32, #tpu.memory_space<vmem>>
        %get3A_1126 = arith.index_cast %add3A_1084 : i32 to index
        %get3A_1127 = arith.constant 0 : index
        %get3A_1128 = tpu.vector_load %get3A_1125[%get3A_1126, %get3A_1127] {strides = array<i32>} : memref<256x128xf32, #tpu.memory_space<vmem>>, vector<16xf32>,
        %get3A_1129 = arith.constant 0 : i32
        %get3A_1130 = arith.constant 0 : i32
        %get3A_1131 = tpu.memref_slice %arg7[%rem3A_101, %get3A_1129, %get3A_1130] : memref<2x256x128xf32, #tpu.memory_space<vmem>> -> memref<1x256x128xf32, #tpu.memory_space<vmem>>
        %get3A_1132 = tpu.memref_squeeze %get3A_1131 : memref<1x256x128xf32, #tpu.memory_space<vmem>> -> memref<256x128xf32, #tpu.memory_space<vmem>>
        %get3A_1133 = arith.index_cast %add3A_1084 : i32 to index
        %get3A_1134 = arith.constant 32 : index
        %get3A_1135 = tpu.vector_load %get3A_1132[%get3A_1133, %get3A_1134] {strides = array<i32>} : memref<256x128xf32, #tpu.memory_space<vmem>>, vector<16xf32>,
        %get3A_1136 = arith.constant 0 : i32
        %get3A_1137 = arith.constant 0 : i32
        %get3A_1138 = tpu.memref_slice %arg7[%rem3A_101, %get3A_1136, %get3A_1137] : memref<2x256x128xf32, #tpu.memory_space<vmem>> -> memref<1x256x128xf32, #tpu.memory_space<vmem>>
        %get3A_1139 = tpu.memref_squeeze %get3A_1138 : memref<1x256x128xf32, #tpu.memory_space<vmem>> -> memref<256x128xf32, #tpu.memory_space<vmem>>
        %get3A_1140 = arith.index_cast %add3A_1084 : i32 to index
        %get3A_1141 = arith.constant 64 : index
        %get3A_1142 = tpu.vector_load %get3A_1139[%get3A_1140, %get3A_1141] {strides = array<i32>} : memref<256x128xf32, #tpu.memory_space<vmem>>, vector<16xf32>,
        %get3A_1143 = arith.constant 0 : i32
        %get3A_1144 = arith.constant 0 : i32
        %get3A_1145 = tpu.memref_slice %arg7[%rem3A_101, %get3A_1143, %get3A_1144] : memref<2x256x128xf32, #tpu.memory_space<vmem>> -> memref<1x256x128xf32, #tpu.memory_space<vmem>>
        %get3A_1146 = tpu.memref_squeeze %get3A_1145 : memref<1x256x128xf32, #tpu.memory_space<vmem>> -> memref<256x128xf32, #tpu.memory_space<vmem>>
        %get3A_1147 = arith.index_cast %add3A_1084 : i32 to index
        %get3A_1148 = arith.constant 96 : index
        %get3A_1149 = tpu.vector_load %get3A_1146[%get3A_1147, %get3A_1148] {strides = array<i32>} : memref<256x128xf32, #tpu.memory_space<vmem>>, vector<16xf32>,
        %add3A_1150 = arith.constant 128 : i32
        %add3A_1151 = arith.addi %add3A_1084, %add3A_1150 : i32
        %get3A_1152 = arith.constant 0 : i32
        %get3A_1153 = arith.constant 0 : i32
        %get3A_1154 = tpu.memref_slice %arg7[%rem3A_101, %get3A_1152, %get3A_1153] : memref<2x256x128xf32, #tpu.memory_space<vmem>> -> memref<1x256x128xf32, #tpu.memory_space<vmem>>
        %get3A_1155 = tpu.memref_squeeze %get3A_1154 : memref<1x256x128xf32, #tpu.memory_space<vmem>> -> memref<256x128xf32, #tpu.memory_space<vmem>>
        %get3A_1156 = arith.index_cast %add3A_1151 : i32 to index
        %get3A_1157 = arith.constant 0 : index
        %get3A_1158 = tpu.vector_load %get3A_1155[%get3A_1156, %get3A_1157] {strides = array<i32>} : memref<256x128xf32, #tpu.memory_space<vmem>>, vector<16xf32>,
        %add3A_1159 = arith.constant 128 : i32
        %add3A_1160 = arith.addi %add3A_1084, %add3A_1159 : i32
        %get3A_1161 = arith.constant 0 : i32
        %get3A_1162 = arith.constant 0 : i32
        %get3A_1163 = tpu.memref_slice %arg7[%rem3A_101, %get3A_1161, %get3A_1162] : memref<2x256x128xf32, #tpu.memory_space<vmem>> -> memref<1x256x128xf32, #tpu.memory_space<vmem>>
        %get3A_1164 = tpu.memref_squeeze %get3A_1163 : memref<1x256x128xf32, #tpu.memory_space<vmem>> -> memref<256x128xf32, #tpu.memory_space<vmem>>
        %get3A_1165 = arith.index_cast %add3A_1160 : i32 to index
        %get3A_1166 = arith.constant 32 : index
        %get3A_1167 = tpu.vector_load %get3A_1164[%get3A_1165, %get3A_1166] {strides = array<i32>} : memref<256x128xf32, #tpu.memory_space<vmem>>, vector<16xf32>,
        %add3A_1168 = arith.constant 128 : i32
        %add3A_1169 = arith.addi %add3A_1084, %add3A_1168 : i32
        %get3A_1170 = arith.constant 0 : i32
        %get3A_1171 = arith.constant 0 : i32
        %get3A_1172 = tpu.memref_slice %arg7[%rem3A_101, %get3A_1170, %get3A_1171] : memref<2x256x128xf32, #tpu.memory_space<vmem>> -> memref<1x256x128xf32, #tpu.memory_space<vmem>>
        %get3A_1173 = tpu.memref_squeeze %get3A_1172 : memref<1x256x128xf32, #tpu.memory_space<vmem>> -> memref<256x128xf32, #tpu.memory_space<vmem>>
        %get3A_1174 = arith.index_cast %add3A_1169 : i32 to index
        %get3A_1175 = arith.constant 64 : index
        %get3A_1176 = tpu.vector_load %get3A_1173[%get3A_1174, %get3A_1175] {strides = array<i32>} : memref<256x128xf32, #tpu.memory_space<vmem>>, vector<16xf32>,
        %add3A_1177 = arith.constant 128 : i32
        %add3A_1178 = arith.addi %add3A_1084, %add3A_1177 : i32
        %get3A_1179 = arith.constant 0 : i32
        %get3A_1180 = arith.constant 0 : i32
        %get3A_1181 = tpu.memref_slice %arg7[%rem3A_101, %get3A_1179, %get3A_1180] : memref<2x256x128xf32, #tpu.memory_space<vmem>> -> memref<1x256x128xf32, #tpu.memory_space<vmem>>
        %get3A_1182 = tpu.memref_squeeze %get3A_1181 : memref<1x256x128xf32, #tpu.memory_space<vmem>> -> memref<256x128xf32, #tpu.memory_space<vmem>>
        %get3A_1183 = arith.index_cast %add3A_1178 : i32 to index
        %get3A_1184 = arith.constant 96 : index
        %get3A_1185 = tpu.vector_load %get3A_1182[%get3A_1183, %get3A_1184] {strides = array<i32>} : memref<256x128xf32, #tpu.memory_space<vmem>>, vector<16xf32>,
        %mul3A_1186 = arith.mulf %get3A_1128, %gather3A_1093 : vector<16xf32>
        %mul3A_1187 = arith.mulf %mul3A_1186, %gather3A_1101 : vector<16xf32>
        %mul3A_1188 = arith.mulf %get3A_1135, %gather3A_1093 : vector<16xf32>
        %mul3A_1189 = arith.mulf %mul3A_1188, %gather3A_1105 : vector<16xf32>
        %add3A_1190 = arith.addf %mul3A_1187, %mul3A_1189 : vector<16xf32>
        %mul3A_1191 = arith.mulf %get3A_1142, %gather3A_1097 : vector<16xf32>
        %mul3A_1192 = arith.mulf %mul3A_1191, %gather3A_1101 : vector<16xf32>
        %add3A_1193 = arith.addf %add3A_1190, %mul3A_1192 : vector<16xf32>
        %mul3A_1194 = arith.mulf %get3A_1149, %gather3A_1097 : vector<16xf32>
        %mul3A_1195 = arith.mulf %mul3A_1194, %gather3A_1105 : vector<16xf32>
        %add3A_1196 = arith.addf %add3A_1193, %mul3A_1195 : vector<16xf32>
        %mul3A_1197 = arith.mulf %get3A_1158, %gather3A_1109 : vector<16xf32>
        %mul3A_1198 = arith.mulf %mul3A_1197, %gather3A_1117 : vector<16xf32>
        %mul3A_1199 = arith.mulf %get3A_1167, %gather3A_1109 : vector<16xf32>
        %mul3A_1200 = arith.mulf %mul3A_1199, %gather3A_1121 : vector<16xf32>
        %add3A_1201 = arith.addf %mul3A_1198, %mul3A_1200 : vector<16xf32>
        %mul3A_1202 = arith.mulf %get3A_1176, %gather3A_1113 : vector<16xf32>
        %mul3A_1203 = arith.mulf %mul3A_1202, %gather3A_1117 : vector<16xf32>
        %add3A_1204 = arith.addf %add3A_1201, %mul3A_1203 : vector<16xf32>
        %mul3A_1205 = arith.mulf %get3A_1185, %gather3A_1113 : vector<16xf32>
        %mul3A_1206 = arith.mulf %mul3A_1205, %gather3A_1121 : vector<16xf32>
        %add3A_1207 = arith.addf %add3A_1204, %mul3A_1206 : vector<16xf32>
        %add3A_1208 = arith.addf %add3A_1196, %add3A_1207 : vector<16xf32>
        %mul3A_1209 = arith.constant 32 : i32
        %mul3A_1210 = arith.muli %add3A_1087, %mul3A_1209 : i32
        %add3A_1211 = arith.constant 0 : i32
        %add3A_1212 = arith.addi %mul3A_1210, %add3A_1211 : i32
        %swap3A_1213 = arith.constant 0 : i32
        %swap3A_1214 = arith.index_cast %rem3A_103 : i32 to index
        %swap3A_1215 = arith.index_cast %swap3A_1213 : i32 to index
        %swap3A_1216 = arith.index_cast %add3A_1212 : i32 to index
        %swap3A_1217 = tpu.vector_load %arg11[%swap3A_1214, %swap3A_1215, %swap3A_1216] {strides = array<i32>} : memref<2x1x20480xf32, #tpu.memory_space<vmem>>, vector<16xf32>,
        tpu.vector_store %arg11[%swap3A_1214, %swap3A_1215, %swap3A_1216], %add3A_1208 {strides = array<i32>} : memref<2x1x20480xf32, #tpu.memory_space<vmem>>, vector<16xf32>,
        %get3A_1218 = arith.constant 0 : i32
        %get3A_1219 = arith.constant 0 : i32
        %get3A_1220 = tpu.memref_slice %arg7[%rem3A_101, %get3A_1218, %get3A_1219] : memref<2x256x128xf32, #tpu.memory_space<vmem>> -> memref<1x256x128xf32, #tpu.memory_space<vmem>>
        %get3A_1221 = tpu.memref_squeeze %get3A_1220 : memref<1x256x128xf32, #tpu.memory_space<vmem>> -> memref<256x128xf32, #tpu.memory_space<vmem>>
        %get3A_1222 = arith.index_cast %add3A_1084 : i32 to index
        %get3A_1223 = arith.constant 16 : index
        %get3A_1224 = tpu.vector_load %get3A_1221[%get3A_1222, %get3A_1223] {strides = array<i32>} : memref<256x128xf32, #tpu.memory_space<vmem>>, vector<16xf32>,
        %get3A_1225 = arith.constant 0 : i32
        %get3A_1226 = arith.constant 0 : i32
        %get3A_1227 = tpu.memref_slice %arg7[%rem3A_101, %get3A_1225, %get3A_1226] : memref<2x256x128xf32, #tpu.memory_space<vmem>> -> memref<1x256x128xf32, #tpu.memory_space<vmem>>
        %get3A_1228 = tpu.memref_squeeze %get3A_1227 : memref<1x256x128xf32, #tpu.memory_space<vmem>> -> memref<256x128xf32, #tpu.memory_space<vmem>>
        %get3A_1229 = arith.index_cast %add3A_1084 : i32 to index
        %get3A_1230 = arith.constant 48 : index
        %get3A_1231 = tpu.vector_load %get3A_1228[%get3A_1229, %get3A_1230] {strides = array<i32>} : memref<256x128xf32, #tpu.memory_space<vmem>>, vector<16xf32>,
        %get3A_1232 = arith.constant 0 : i32
        %get3A_1233 = arith.constant 0 : i32
        %get3A_1234 = tpu.memref_slice %arg7[%rem3A_101, %get3A_1232, %get3A_1233] : memref<2x256x128xf32, #tpu.memory_space<vmem>> -> memref<1x256x128xf32, #tpu.memory_space<vmem>>
        %get3A_1235 = tpu.memref_squeeze %get3A_1234 : memref<1x256x128xf32, #tpu.memory_space<vmem>> -> memref<256x128xf32, #tpu.memory_space<vmem>>
        %get3A_1236 = arith.index_cast %add3A_1084 : i32 to index
        %get3A_1237 = arith.constant 80 : index
        %get3A_1238 = tpu.vector_load %get3A_1235[%get3A_1236, %get3A_1237] {strides = array<i32>} : memref<256x128xf32, #tpu.memory_space<vmem>>, vector<16xf32>,
        %get3A_1239 = arith.constant 0 : i32
        %get3A_1240 = arith.constant 0 : i32
        %get3A_1241 = tpu.memref_slice %arg7[%rem3A_101, %get3A_1239, %get3A_1240] : memref<2x256x128xf32, #tpu.memory_space<vmem>> -> memref<1x256x128xf32, #tpu.memory_space<vmem>>
        %get3A_1242 = tpu.memref_squeeze %get3A_1241 : memref<1x256x128xf32, #tpu.memory_space<vmem>> -> memref<256x128xf32, #tpu.memory_space<vmem>>
        %get3A_1243 = arith.index_cast %add3A_1084 : i32 to index
        %get3A_1244 = arith.constant 112 : index
        %get3A_1245 = tpu.vector_load %get3A_1242[%get3A_1243, %get3A_1244] {strides = array<i32>} : memref<256x128xf32, #tpu.memory_space<vmem>>, vector<16xf32>,
        %add3A_1246 = arith.constant 128 : i32
        %add3A_1247 = arith.addi %add3A_1084, %add3A_1246 : i32
        %get3A_1248 = arith.constant 0 : i32
        %get3A_1249 = arith.constant 0 : i32
        %get3A_1250 = tpu.memref_slice %arg7[%rem3A_101, %get3A_1248, %get3A_1249] : memref<2x256x128xf32, #tpu.memory_space<vmem>> -> memref<1x256x128xf32, #tpu.memory_space<vmem>>
        %get3A_1251 = tpu.memref_squeeze %get3A_1250 : memref<1x256x128xf32, #tpu.memory_space<vmem>> -> memref<256x128xf32, #tpu.memory_space<vmem>>
        %get3A_1252 = arith.index_cast %add3A_1247 : i32 to index
        %get3A_1253 = arith.constant 16 : index
        %get3A_1254 = tpu.vector_load %get3A_1251[%get3A_1252, %get3A_1253] {strides = array<i32>} : memref<256x128xf32, #tpu.memory_space<vmem>>, vector<16xf32>,
        %add3A_1255 = arith.constant 128 : i32
        %add3A_1256 = arith.addi %add3A_1084, %add3A_1255 : i32
        %get3A_1257 = arith.constant 0 : i32
        %get3A_1258 = arith.constant 0 : i32
        %get3A_1259 = tpu.memref_slice %arg7[%rem3A_101, %get3A_1257, %get3A_1258] : memref<2x256x128xf32, #tpu.memory_space<vmem>> -> memref<1x256x128xf32, #tpu.memory_space<vmem>>
        %get3A_1260 = tpu.memref_squeeze %get3A_1259 : memref<1x256x128xf32, #tpu.memory_space<vmem>> -> memref<256x128xf32, #tpu.memory_space<vmem>>
        %get3A_1261 = arith.index_cast %add3A_1256 : i32 to index
        %get3A_1262 = arith.constant 48 : index
        %get3A_1263 = tpu.vector_load %get3A_1260[%get3A_1261, %get3A_1262] {strides = array<i32>} : memref<256x128xf32, #tpu.memory_space<vmem>>, vector<16xf32>,
        %add3A_1264 = arith.constant 128 : i32
        %add3A_1265 = arith.addi %add3A_1084, %add3A_1264 : i32
        %get3A_1266 = arith.constant 0 : i32
        %get3A_1267 = arith.constant 0 : i32
        %get3A_1268 = tpu.memref_slice %arg7[%rem3A_101, %get3A_1266, %get3A_1267] : memref<2x256x128xf32, #tpu.memory_space<vmem>> -> memref<1x256x128xf32, #tpu.memory_space<vmem>>
        %get3A_1269 = tpu.memref_squeeze %get3A_1268 : memref<1x256x128xf32, #tpu.memory_space<vmem>> -> memref<256x128xf32, #tpu.memory_space<vmem>>
        %get3A_1270 = arith.index_cast %add3A_1265 : i32 to index
        %get3A_1271 = arith.constant 80 : index
        %get3A_1272 = tpu.vector_load %get3A_1269[%get3A_1270, %get3A_1271] {strides = array<i32>} : memref<256x128xf32, #tpu.memory_space<vmem>>, vector<16xf32>,
        %add3A_1273 = arith.constant 128 : i32
        %add3A_1274 = arith.addi %add3A_1084, %add3A_1273 : i32
        %get3A_1275 = arith.constant 0 : i32
        %get3A_1276 = arith.constant 0 : i32
        %get3A_1277 = tpu.memref_slice %arg7[%rem3A_101, %get3A_1275, %get3A_1276] : memref<2x256x128xf32, #tpu.memory_space<vmem>> -> memref<1x256x128xf32, #tpu.memory_space<vmem>>
        %get3A_1278 = tpu.memref_squeeze %get3A_1277 : memref<1x256x128xf32, #tpu.memory_space<vmem>> -> memref<256x128xf32, #tpu.memory_space<vmem>>
        %get3A_1279 = arith.index_cast %add3A_1274 : i32 to index
        %get3A_1280 = arith.constant 112 : index
        %get3A_1281 = tpu.vector_load %get3A_1278[%get3A_1279, %get3A_1280] {strides = array<i32>} : memref<256x128xf32, #tpu.memory_space<vmem>>, vector<16xf32>,
        %mul3A_1282 = arith.mulf %get3A_1224, %gather3A_1093 : vector<16xf32>
        %mul3A_1283 = arith.mulf %mul3A_1282, %gather3A_1101 : vector<16xf32>
        %mul3A_1284 = arith.mulf %get3A_1231, %gather3A_1093 : vector<16xf32>
        %mul3A_1285 = arith.mulf %mul3A_1284, %gather3A_1105 : vector<16xf32>
        %add3A_1286 = arith.addf %mul3A_1283, %mul3A_1285 : vector<16xf32>
        %mul3A_1287 = arith.mulf %get3A_1238, %gather3A_1097 : vector<16xf32>
        %mul3A_1288 = arith.mulf %mul3A_1287, %gather3A_1101 : vector<16xf32>
        %add3A_1289 = arith.addf %add3A_1286, %mul3A_1288 : vector<16xf32>
        %mul3A_1290 = arith.mulf %get3A_1245, %gather3A_1097 : vector<16xf32>
        %mul3A_1291 = arith.mulf %mul3A_1290, %gather3A_1105 : vector<16xf32>
        %add3A_1292 = arith.addf %add3A_1289, %mul3A_1291 : vector<16xf32>
        %mul3A_1293 = arith.mulf %get3A_1254, %gather3A_1109 : vector<16xf32>
        %mul3A_1294 = arith.mulf %mul3A_1293, %gather3A_1117 : vector<16xf32>
        %mul3A_1295 = arith.mulf %get3A_1263, %gather3A_1109 : vector<16xf32>
        %mul3A_1296 = arith.mulf %mul3A_1295, %gather3A_1121 : vector<16xf32>
        %add3A_1297 = arith.addf %mul3A_1294, %mul3A_1296 : vector<16xf32>
        %mul3A_1298 = arith.mulf %get3A_1272, %gather3A_1113 : vector<16xf32>
        %mul3A_1299 = arith.mulf %mul3A_1298, %gather3A_1117 : vector<16xf32>
        %add3A_1300 = arith.addf %add3A_1297, %mul3A_1299 : vector<16xf32>
        %mul3A_1301 = arith.mulf %get3A_1281, %gather3A_1113 : vector<16xf32>
        %mul3A_1302 = arith.mulf %mul3A_1301, %gather3A_1121 : vector<16xf32>
        %add3A_1303 = arith.addf %add3A_1300, %mul3A_1302 : vector<16xf32>
        %add3A_1304 = arith.addf %add3A_1292, %add3A_1303 : vector<16xf32>
        %mul3A_1305 = arith.constant 32 : i32
        %mul3A_1306 = arith.muli %add3A_1087, %mul3A_1305 : i32
        %add3A_1307 = arith.constant 16 : i32
        %add3A_1308 = arith.addi %mul3A_1306, %add3A_1307 : i32
        %swap3A_1309 = arith.constant 0 : i32
        %swap3A_1310 = arith.index_cast %rem3A_103 : i32 to index
        %swap3A_1311 = arith.index_cast %swap3A_1309 : i32 to index
        %swap3A_1312 = arith.index_cast %add3A_1308 : i32 to index
        %swap3A_1313 = tpu.vector_load %arg11[%swap3A_1310, %swap3A_1311, %swap3A_1312] {strides = array<i32>} : memref<2x1x20480xf32, #tpu.memory_space<vmem>>, vector<16xf32>,
        tpu.vector_store %arg11[%swap3A_1310, %swap3A_1311, %swap3A_1312], %add3A_1304 {strides = array<i32>} : memref<2x1x20480xf32, #tpu.memory_space<vmem>>, vector<16xf32>,
        %mul3A_1314 = arith.constant 16 : i32
        %mul3A_1315 = arith.muli %scan3A_150, %mul3A_1314 : i32
        %add3A_1316 = arith.constant 5 : i32
        %add3A_1317 = arith.addi %mul3A_1315, %add3A_1316 : i32
        %mul3A_1318 = arith.constant 128 : i32
        %mul3A_1319 = arith.muli %select_n3A_99, %mul3A_1318 : i32
        %add3A_1320 = arith.addi %mul3A_1319, %add3A_1317 : i32
        %add3A_1321 = vector.broadcast %add3A_1320 : i32 to vector<16xi32>
        %add3A_1322 = arith.addi %broadcast_in_dim3A_136, %add3A_1321 : vector<16xi32>
        %add3A_1323 = arith.constant 0 : i32
        %add3A_1324 = vector.broadcast %add3A_1323 : i32 to vector<16xi32>
        %add3A_1325 = arith.addi %broadcast_in_dim3A_136, %add3A_1324 : vector<16xi32>
        %gather3A_1326 = tpu.vector_load_idx %arg9[%add3A_1325, %add3A_1322] : memref<4x640xf32, #tpu.memory_space<vmem>>[vector<16xi32>, vector<16xi32>], vector<16xf32>,
        %add3A_1327 = arith.constant 1 : i32
        %add3A_1328 = vector.broadcast %add3A_1327 : i32 to vector<16xi32>
        %add3A_1329 = arith.addi %broadcast_in_dim3A_136, %add3A_1328 : vector<16xi32>
        %gather3A_1330 = tpu.vector_load_idx %arg9[%add3A_1329, %add3A_1322] : memref<4x640xf32, #tpu.memory_space<vmem>>[vector<16xi32>, vector<16xi32>], vector<16xf32>,
        %add3A_1331 = arith.constant 2 : i32
        %add3A_1332 = vector.broadcast %add3A_1331 : i32 to vector<16xi32>
        %add3A_1333 = arith.addi %broadcast_in_dim3A_136, %add3A_1332 : vector<16xi32>
        %gather3A_1334 = tpu.vector_load_idx %arg9[%add3A_1333, %add3A_1322] : memref<4x640xf32, #tpu.memory_space<vmem>>[vector<16xi32>, vector<16xi32>], vector<16xf32>,
        %add3A_1335 = arith.constant 3 : i32
        %add3A_1336 = vector.broadcast %add3A_1335 : i32 to vector<16xi32>
        %add3A_1337 = arith.addi %broadcast_in_dim3A_136, %add3A_1336 : vector<16xi32>
        %gather3A_1338 = tpu.vector_load_idx %arg9[%add3A_1337, %add3A_1322] : memref<4x640xf32, #tpu.memory_space<vmem>>[vector<16xi32>, vector<16xi32>], vector<16xf32>,
        %add3A_1339 = arith.constant 0 : i32
        %add3A_1340 = vector.broadcast %add3A_1339 : i32 to vector<16xi32>
        %add3A_1341 = arith.addi %broadcast_in_dim3A_136, %add3A_1340 : vector<16xi32>
        %gather3A_1342 = tpu.vector_load_idx %arg10[%add3A_1341, %add3A_1322] : memref<4x640xf32, #tpu.memory_space<vmem>>[vector<16xi32>, vector<16xi32>], vector<16xf32>,
        %add3A_1343 = arith.constant 1 : i32
        %add3A_1344 = vector.broadcast %add3A_1343 : i32 to vector<16xi32>
        %add3A_1345 = arith.addi %broadcast_in_dim3A_136, %add3A_1344 : vector<16xi32>
        %gather3A_1346 = tpu.vector_load_idx %arg10[%add3A_1345, %add3A_1322] : memref<4x640xf32, #tpu.memory_space<vmem>>[vector<16xi32>, vector<16xi32>], vector<16xf32>,
        %add3A_1347 = arith.constant 2 : i32
        %add3A_1348 = vector.broadcast %add3A_1347 : i32 to vector<16xi32>
        %add3A_1349 = arith.addi %broadcast_in_dim3A_136, %add3A_1348 : vector<16xi32>
        %gather3A_1350 = tpu.vector_load_idx %arg10[%add3A_1349, %add3A_1322] : memref<4x640xf32, #tpu.memory_space<vmem>>[vector<16xi32>, vector<16xi32>], vector<16xf32>,
        %add3A_1351 = arith.constant 3 : i32
        %add3A_1352 = vector.broadcast %add3A_1351 : i32 to vector<16xi32>
        %add3A_1353 = arith.addi %broadcast_in_dim3A_136, %add3A_1352 : vector<16xi32>
        %gather3A_1354 = tpu.vector_load_idx %arg10[%add3A_1353, %add3A_1322] : memref<4x640xf32, #tpu.memory_space<vmem>>[vector<16xi32>, vector<16xi32>], vector<16xf32>,
        %get3A_1355 = arith.constant 0 : i32
        %get3A_1356 = arith.constant 0 : i32
        %get3A_1357 = tpu.memref_slice %arg7[%rem3A_101, %get3A_1355, %get3A_1356] : memref<2x256x128xf32, #tpu.memory_space<vmem>> -> memref<1x256x128xf32, #tpu.memory_space<vmem>>
        %get3A_1358 = tpu.memref_squeeze %get3A_1357 : memref<1x256x128xf32, #tpu.memory_space<vmem>> -> memref<256x128xf32, #tpu.memory_space<vmem>>
        %get3A_1359 = arith.index_cast %add3A_1317 : i32 to index
        %get3A_1360 = arith.constant 0 : index
        %get3A_1361 = tpu.vector_load %get3A_1358[%get3A_1359, %get3A_1360] {strides = array<i32>} : memref<256x128xf32, #tpu.memory_space<vmem>>, vector<16xf32>,
        %get3A_1362 = arith.constant 0 : i32
        %get3A_1363 = arith.constant 0 : i32
        %get3A_1364 = tpu.memref_slice %arg7[%rem3A_101, %get3A_1362, %get3A_1363] : memref<2x256x128xf32, #tpu.memory_space<vmem>> -> memref<1x256x128xf32, #tpu.memory_space<vmem>>
        %get3A_1365 = tpu.memref_squeeze %get3A_1364 : memref<1x256x128xf32, #tpu.memory_space<vmem>> -> memref<256x128xf32, #tpu.memory_space<vmem>>
        %get3A_1366 = arith.index_cast %add3A_1317 : i32 to index
        %get3A_1367 = arith.constant 32 : index
        %get3A_1368 = tpu.vector_load %get3A_1365[%get3A_1366, %get3A_1367] {strides = array<i32>} : memref<256x128xf32, #tpu.memory_space<vmem>>, vector<16xf32>,
        %get3A_1369 = arith.constant 0 : i32
        %get3A_1370 = arith.constant 0 : i32
        %get3A_1371 = tpu.memref_slice %arg7[%rem3A_101, %get3A_1369, %get3A_1370] : memref<2x256x128xf32, #tpu.memory_space<vmem>> -> memref<1x256x128xf32, #tpu.memory_space<vmem>>
        %get3A_1372 = tpu.memref_squeeze %get3A_1371 : memref<1x256x128xf32, #tpu.memory_space<vmem>> -> memref<256x128xf32, #tpu.memory_space<vmem>>
        %get3A_1373 = arith.index_cast %add3A_1317 : i32 to index
        %get3A_1374 = arith.constant 64 : index
        %get3A_1375 = tpu.vector_load %get3A_1372[%get3A_1373, %get3A_1374] {strides = array<i32>} : memref<256x128xf32, #tpu.memory_space<vmem>>, vector<16xf32>,
        %get3A_1376 = arith.constant 0 : i32
        %get3A_1377 = arith.constant 0 : i32
        %get3A_1378 = tpu.memref_slice %arg7[%rem3A_101, %get3A_1376, %get3A_1377] : memref<2x256x128xf32, #tpu.memory_space<vmem>> -> memref<1x256x128xf32, #tpu.memory_space<vmem>>
        %get3A_1379 = tpu.memref_squeeze %get3A_1378 : memref<1x256x128xf32, #tpu.memory_space<vmem>> -> memref<256x128xf32, #tpu.memory_space<vmem>>
        %get3A_1380 = arith.index_cast %add3A_1317 : i32 to index
        %get3A_1381 = arith.constant 96 : index
        %get3A_1382 = tpu.vector_load %get3A_1379[%get3A_1380, %get3A_1381] {strides = array<i32>} : memref<256x128xf32, #tpu.memory_space<vmem>>, vector<16xf32>,
        %add3A_1383 = arith.constant 128 : i32
        %add3A_1384 = arith.addi %add3A_1317, %add3A_1383 : i32
        %get3A_1385 = arith.constant 0 : i32
        %get3A_1386 = arith.constant 0 : i32
        %get3A_1387 = tpu.memref_slice %arg7[%rem3A_101, %get3A_1385, %get3A_1386] : memref<2x256x128xf32, #tpu.memory_space<vmem>> -> memref<1x256x128xf32, #tpu.memory_space<vmem>>
        %get3A_1388 = tpu.memref_squeeze %get3A_1387 : memref<1x256x128xf32, #tpu.memory_space<vmem>> -> memref<256x128xf32, #tpu.memory_space<vmem>>
        %get3A_1389 = arith.index_cast %add3A_1384 : i32 to index
        %get3A_1390 = arith.constant 0 : index
        %get3A_1391 = tpu.vector_load %get3A_1388[%get3A_1389, %get3A_1390] {strides = array<i32>} : memref<256x128xf32, #tpu.memory_space<vmem>>, vector<16xf32>,
        %add3A_1392 = arith.constant 128 : i32
        %add3A_1393 = arith.addi %add3A_1317, %add3A_1392 : i32
        %get3A_1394 = arith.constant 0 : i32
        %get3A_1395 = arith.constant 0 : i32
        %get3A_1396 = tpu.memref_slice %arg7[%rem3A_101, %get3A_1394, %get3A_1395] : memref<2x256x128xf32, #tpu.memory_space<vmem>> -> memref<1x256x128xf32, #tpu.memory_space<vmem>>
        %get3A_1397 = tpu.memref_squeeze %get3A_1396 : memref<1x256x128xf32, #tpu.memory_space<vmem>> -> memref<256x128xf32, #tpu.memory_space<vmem>>
        %get3A_1398 = arith.index_cast %add3A_1393 : i32 to index
        %get3A_1399 = arith.constant 32 : index
        %get3A_1400 = tpu.vector_load %get3A_1397[%get3A_1398, %get3A_1399] {strides = array<i32>} : memref<256x128xf32, #tpu.memory_space<vmem>>, vector<16xf32>,
        %add3A_1401 = arith.constant 128 : i32
        %add3A_1402 = arith.addi %add3A_1317, %add3A_1401 : i32
        %get3A_1403 = arith.constant 0 : i32
        %get3A_1404 = arith.constant 0 : i32
        %get3A_1405 = tpu.memref_slice %arg7[%rem3A_101, %get3A_1403, %get3A_1404] : memref<2x256x128xf32, #tpu.memory_space<vmem>> -> memref<1x256x128xf32, #tpu.memory_space<vmem>>
        %get3A_1406 = tpu.memref_squeeze %get3A_1405 : memref<1x256x128xf32, #tpu.memory_space<vmem>> -> memref<256x128xf32, #tpu.memory_space<vmem>>
        %get3A_1407 = arith.index_cast %add3A_1402 : i32 to index
        %get3A_1408 = arith.constant 64 : index
        %get3A_1409 = tpu.vector_load %get3A_1406[%get3A_1407, %get3A_1408] {strides = array<i32>} : memref<256x128xf32, #tpu.memory_space<vmem>>, vector<16xf32>,
        %add3A_1410 = arith.constant 128 : i32
        %add3A_1411 = arith.addi %add3A_1317, %add3A_1410 : i32
        %get3A_1412 = arith.constant 0 : i32
        %get3A_1413 = arith.constant 0 : i32
        %get3A_1414 = tpu.memref_slice %arg7[%rem3A_101, %get3A_1412, %get3A_1413] : memref<2x256x128xf32, #tpu.memory_space<vmem>> -> memref<1x256x128xf32, #tpu.memory_space<vmem>>
        %get3A_1415 = tpu.memref_squeeze %get3A_1414 : memref<1x256x128xf32, #tpu.memory_space<vmem>> -> memref<256x128xf32, #tpu.memory_space<vmem>>
        %get3A_1416 = arith.index_cast %add3A_1411 : i32 to index
        %get3A_1417 = arith.constant 96 : index
        %get3A_1418 = tpu.vector_load %get3A_1415[%get3A_1416, %get3A_1417] {strides = array<i32>} : memref<256x128xf32, #tpu.memory_space<vmem>>, vector<16xf32>,
        %mul3A_1419 = arith.mulf %get3A_1361, %gather3A_1326 : vector<16xf32>
        %mul3A_1420 = arith.mulf %mul3A_1419, %gather3A_1334 : vector<16xf32>
        %mul3A_1421 = arith.mulf %get3A_1368, %gather3A_1326 : vector<16xf32>
        %mul3A_1422 = arith.mulf %mul3A_1421, %gather3A_1338 : vector<16xf32>
        %add3A_1423 = arith.addf %mul3A_1420, %mul3A_1422 : vector<16xf32>
        %mul3A_1424 = arith.mulf %get3A_1375, %gather3A_1330 : vector<16xf32>
        %mul3A_1425 = arith.mulf %mul3A_1424, %gather3A_1334 : vector<16xf32>
        %add3A_1426 = arith.addf %add3A_1423, %mul3A_1425 : vector<16xf32>
        %mul3A_1427 = arith.mulf %get3A_1382, %gather3A_1330 : vector<16xf32>
        %mul3A_1428 = arith.mulf %mul3A_1427, %gather3A_1338 : vector<16xf32>
        %add3A_1429 = arith.addf %add3A_1426, %mul3A_1428 : vector<16xf32>
        %mul3A_1430 = arith.mulf %get3A_1391, %gather3A_1342 : vector<16xf32>
        %mul3A_1431 = arith.mulf %mul3A_1430, %gather3A_1350 : vector<16xf32>
        %mul3A_1432 = arith.mulf %get3A_1400, %gather3A_1342 : vector<16xf32>
        %mul3A_1433 = arith.mulf %mul3A_1432, %gather3A_1354 : vector<16xf32>
        %add3A_1434 = arith.addf %mul3A_1431, %mul3A_1433 : vector<16xf32>
        %mul3A_1435 = arith.mulf %get3A_1409, %gather3A_1346 : vector<16xf32>
        %mul3A_1436 = arith.mulf %mul3A_1435, %gather3A_1350 : vector<16xf32>
        %add3A_1437 = arith.addf %add3A_1434, %mul3A_1436 : vector<16xf32>
        %mul3A_1438 = arith.mulf %get3A_1418, %gather3A_1346 : vector<16xf32>
        %mul3A_1439 = arith.mulf %mul3A_1438, %gather3A_1354 : vector<16xf32>
        %add3A_1440 = arith.addf %add3A_1437, %mul3A_1439 : vector<16xf32>
        %add3A_1441 = arith.addf %add3A_1429, %add3A_1440 : vector<16xf32>
        %mul3A_1442 = arith.constant 32 : i32
        %mul3A_1443 = arith.muli %add3A_1320, %mul3A_1442 : i32
        %add3A_1444 = arith.constant 0 : i32
        %add3A_1445 = arith.addi %mul3A_1443, %add3A_1444 : i32
        %swap3A_1446 = arith.constant 0 : i32
        %swap3A_1447 = arith.index_cast %rem3A_103 : i32 to index
        %swap3A_1448 = arith.index_cast %swap3A_1446 : i32 to index
        %swap3A_1449 = arith.index_cast %add3A_1445 : i32 to index
        %swap3A_1450 = tpu.vector_load %arg11[%swap3A_1447, %swap3A_1448, %swap3A_1449] {strides = array<i32>} : memref<2x1x20480xf32, #tpu.memory_space<vmem>>, vector<16xf32>,
        tpu.vector_store %arg11[%swap3A_1447, %swap3A_1448, %swap3A_1449], %add3A_1441 {strides = array<i32>} : memref<2x1x20480xf32, #tpu.memory_space<vmem>>, vector<16xf32>,
        %get3A_1451 = arith.constant 0 : i32
        %get3A_1452 = arith.constant 0 : i32
        %get3A_1453 = tpu.memref_slice %arg7[%rem3A_101, %get3A_1451, %get3A_1452] : memref<2x256x128xf32, #tpu.memory_space<vmem>> -> memref<1x256x128xf32, #tpu.memory_space<vmem>>
        %get3A_1454 = tpu.memref_squeeze %get3A_1453 : memref<1x256x128xf32, #tpu.memory_space<vmem>> -> memref<256x128xf32, #tpu.memory_space<vmem>>
        %get3A_1455 = arith.index_cast %add3A_1317 : i32 to index
        %get3A_1456 = arith.constant 16 : index
        %get3A_1457 = tpu.vector_load %get3A_1454[%get3A_1455, %get3A_1456] {strides = array<i32>} : memref<256x128xf32, #tpu.memory_space<vmem>>, vector<16xf32>,
        %get3A_1458 = arith.constant 0 : i32
        %get3A_1459 = arith.constant 0 : i32
        %get3A_1460 = tpu.memref_slice %arg7[%rem3A_101, %get3A_1458, %get3A_1459] : memref<2x256x128xf32, #tpu.memory_space<vmem>> -> memref<1x256x128xf32, #tpu.memory_space<vmem>>
        %get3A_1461 = tpu.memref_squeeze %get3A_1460 : memref<1x256x128xf32, #tpu.memory_space<vmem>> -> memref<256x128xf32, #tpu.memory_space<vmem>>
        %get3A_1462 = arith.index_cast %add3A_1317 : i32 to index
        %get3A_1463 = arith.constant 48 : index
        %get3A_1464 = tpu.vector_load %get3A_1461[%get3A_1462, %get3A_1463] {strides = array<i32>} : memref<256x128xf32, #tpu.memory_space<vmem>>, vector<16xf32>,
        %get3A_1465 = arith.constant 0 : i32
        %get3A_1466 = arith.constant 0 : i32
        %get3A_1467 = tpu.memref_slice %arg7[%rem3A_101, %get3A_1465, %get3A_1466] : memref<2x256x128xf32, #tpu.memory_space<vmem>> -> memref<1x256x128xf32, #tpu.memory_space<vmem>>
        %get3A_1468 = tpu.memref_squeeze %get3A_1467 : memref<1x256x128xf32, #tpu.memory_space<vmem>> -> memref<256x128xf32, #tpu.memory_space<vmem>>
        %get3A_1469 = arith.index_cast %add3A_1317 : i32 to index
        %get3A_1470 = arith.constant 80 : index
        %get3A_1471 = tpu.vector_load %get3A_1468[%get3A_1469, %get3A_1470] {strides = array<i32>} : memref<256x128xf32, #tpu.memory_space<vmem>>, vector<16xf32>,
        %get3A_1472 = arith.constant 0 : i32
        %get3A_1473 = arith.constant 0 : i32
        %get3A_1474 = tpu.memref_slice %arg7[%rem3A_101, %get3A_1472, %get3A_1473] : memref<2x256x128xf32, #tpu.memory_space<vmem>> -> memref<1x256x128xf32, #tpu.memory_space<vmem>>
        %get3A_1475 = tpu.memref_squeeze %get3A_1474 : memref<1x256x128xf32, #tpu.memory_space<vmem>> -> memref<256x128xf32, #tpu.memory_space<vmem>>
        %get3A_1476 = arith.index_cast %add3A_1317 : i32 to index
        %get3A_1477 = arith.constant 112 : index
        %get3A_1478 = tpu.vector_load %get3A_1475[%get3A_1476, %get3A_1477] {strides = array<i32>} : memref<256x128xf32, #tpu.memory_space<vmem>>, vector<16xf32>,
        %add3A_1479 = arith.constant 128 : i32
        %add3A_1480 = arith.addi %add3A_1317, %add3A_1479 : i32
        %get3A_1481 = arith.constant 0 : i32
        %get3A_1482 = arith.constant 0 : i32
        %get3A_1483 = tpu.memref_slice %arg7[%rem3A_101, %get3A_1481, %get3A_1482] : memref<2x256x128xf32, #tpu.memory_space<vmem>> -> memref<1x256x128xf32, #tpu.memory_space<vmem>>
        %get3A_1484 = tpu.memref_squeeze %get3A_1483 : memref<1x256x128xf32, #tpu.memory_space<vmem>> -> memref<256x128xf32, #tpu.memory_space<vmem>>
        %get3A_1485 = arith.index_cast %add3A_1480 : i32 to index
        %get3A_1486 = arith.constant 16 : index
        %get3A_1487 = tpu.vector_load %get3A_1484[%get3A_1485, %get3A_1486] {strides = array<i32>} : memref<256x128xf32, #tpu.memory_space<vmem>>, vector<16xf32>,
        %add3A_1488 = arith.constant 128 : i32
        %add3A_1489 = arith.addi %add3A_1317, %add3A_1488 : i32
        %get3A_1490 = arith.constant 0 : i32
        %get3A_1491 = arith.constant 0 : i32
        %get3A_1492 = tpu.memref_slice %arg7[%rem3A_101, %get3A_1490, %get3A_1491] : memref<2x256x128xf32, #tpu.memory_space<vmem>> -> memref<1x256x128xf32, #tpu.memory_space<vmem>>
        %get3A_1493 = tpu.memref_squeeze %get3A_1492 : memref<1x256x128xf32, #tpu.memory_space<vmem>> -> memref<256x128xf32, #tpu.memory_space<vmem>>
        %get3A_1494 = arith.index_cast %add3A_1489 : i32 to index
        %get3A_1495 = arith.constant 48 : index
        %get3A_1496 = tpu.vector_load %get3A_1493[%get3A_1494, %get3A_1495] {strides = array<i32>} : memref<256x128xf32, #tpu.memory_space<vmem>>, vector<16xf32>,
        %add3A_1497 = arith.constant 128 : i32
        %add3A_1498 = arith.addi %add3A_1317, %add3A_1497 : i32
        %get3A_1499 = arith.constant 0 : i32
        %get3A_1500 = arith.constant 0 : i32
        %get3A_1501 = tpu.memref_slice %arg7[%rem3A_101, %get3A_1499, %get3A_1500] : memref<2x256x128xf32, #tpu.memory_space<vmem>> -> memref<1x256x128xf32, #tpu.memory_space<vmem>>
        %get3A_1502 = tpu.memref_squeeze %get3A_1501 : memref<1x256x128xf32, #tpu.memory_space<vmem>> -> memref<256x128xf32, #tpu.memory_space<vmem>>
        %get3A_1503 = arith.index_cast %add3A_1498 : i32 to index
        %get3A_1504 = arith.constant 80 : index
        %get3A_1505 = tpu.vector_load %get3A_1502[%get3A_1503, %get3A_1504] {strides = array<i32>} : memref<256x128xf32, #tpu.memory_space<vmem>>, vector<16xf32>,
        %add3A_1506 = arith.constant 128 : i32
        %add3A_1507 = arith.addi %add3A_1317, %add3A_1506 : i32
        %get3A_1508 = arith.constant 0 : i32
        %get3A_1509 = arith.constant 0 : i32
        %get3A_1510 = tpu.memref_slice %arg7[%rem3A_101, %get3A_1508, %get3A_1509] : memref<2x256x128xf32, #tpu.memory_space<vmem>> -> memref<1x256x128xf32, #tpu.memory_space<vmem>>
        %get3A_1511 = tpu.memref_squeeze %get3A_1510 : memref<1x256x128xf32, #tpu.memory_space<vmem>> -> memref<256x128xf32, #tpu.memory_space<vmem>>
        %get3A_1512 = arith.index_cast %add3A_1507 : i32 to index
        %get3A_1513 = arith.constant 112 : index
        %get3A_1514 = tpu.vector_load %get3A_1511[%get3A_1512, %get3A_1513] {strides = array<i32>} : memref<256x128xf32, #tpu.memory_space<vmem>>, vector<16xf32>,
        %mul3A_1515 = arith.mulf %get3A_1457, %gather3A_1326 : vector<16xf32>
        %mul3A_1516 = arith.mulf %mul3A_1515, %gather3A_1334 : vector<16xf32>
        %mul3A_1517 = arith.mulf %get3A_1464, %gather3A_1326 : vector<16xf32>
        %mul3A_1518 = arith.mulf %mul3A_1517, %gather3A_1338 : vector<16xf32>
        %add3A_1519 = arith.addf %mul3A_1516, %mul3A_1518 : vector<16xf32>
        %mul3A_1520 = arith.mulf %get3A_1471, %gather3A_1330 : vector<16xf32>
        %mul3A_1521 = arith.mulf %mul3A_1520, %gather3A_1334 : vector<16xf32>
        %add3A_1522 = arith.addf %add3A_1519, %mul3A_1521 : vector<16xf32>
        %mul3A_1523 = arith.mulf %get3A_1478, %gather3A_1330 : vector<16xf32>
        %mul3A_1524 = arith.mulf %mul3A_1523, %gather3A_1338 : vector<16xf32>
        %add3A_1525 = arith.addf %add3A_1522, %mul3A_1524 : vector<16xf32>
        %mul3A_1526 = arith.mulf %get3A_1487, %gather3A_1342 : vector<16xf32>
        %mul3A_1527 = arith.mulf %mul3A_1526, %gather3A_1350 : vector<16xf32>
        %mul3A_1528 = arith.mulf %get3A_1496, %gather3A_1342 : vector<16xf32>
        %mul3A_1529 = arith.mulf %mul3A_1528, %gather3A_1354 : vector<16xf32>
        %add3A_1530 = arith.addf %mul3A_1527, %mul3A_1529 : vector<16xf32>
        %mul3A_1531 = arith.mulf %get3A_1505, %gather3A_1346 : vector<16xf32>
        %mul3A_1532 = arith.mulf %mul3A_1531, %gather3A_1350 : vector<16xf32>
        %add3A_1533 = arith.addf %add3A_1530, %mul3A_1532 : vector<16xf32>
        %mul3A_1534 = arith.mulf %get3A_1514, %gather3A_1346 : vector<16xf32>
        %mul3A_1535 = arith.mulf %mul3A_1534, %gather3A_1354 : vector<16xf32>
        %add3A_1536 = arith.addf %add3A_1533, %mul3A_1535 : vector<16xf32>
        %add3A_1537 = arith.addf %add3A_1525, %add3A_1536 : vector<16xf32>
        %mul3A_1538 = arith.constant 32 : i32
        %mul3A_1539 = arith.muli %add3A_1320, %mul3A_1538 : i32
        %add3A_1540 = arith.constant 16 : i32
        %add3A_1541 = arith.addi %mul3A_1539, %add3A_1540 : i32
        %swap3A_1542 = arith.constant 0 : i32
        %swap3A_1543 = arith.index_cast %rem3A_103 : i32 to index
        %swap3A_1544 = arith.index_cast %swap3A_1542 : i32 to index
        %swap3A_1545 = arith.index_cast %add3A_1541 : i32 to index
        %swap3A_1546 = tpu.vector_load %arg11[%swap3A_1543, %swap3A_1544, %swap3A_1545] {strides = array<i32>} : memref<2x1x20480xf32, #tpu.memory_space<vmem>>, vector<16xf32>,
        tpu.vector_store %arg11[%swap3A_1543, %swap3A_1544, %swap3A_1545], %add3A_1537 {strides = array<i32>} : memref<2x1x20480xf32, #tpu.memory_space<vmem>>, vector<16xf32>,
        %mul3A_1547 = arith.constant 16 : i32
        %mul3A_1548 = arith.muli %scan3A_150, %mul3A_1547 : i32
        %add3A_1549 = arith.constant 6 : i32
        %add3A_1550 = arith.addi %mul3A_1548, %add3A_1549 : i32
        %mul3A_1551 = arith.constant 128 : i32
        %mul3A_1552 = arith.muli %select_n3A_99, %mul3A_1551 : i32
        %add3A_1553 = arith.addi %mul3A_1552, %add3A_1550 : i32
        %add3A_1554 = vector.broadcast %add3A_1553 : i32 to vector<16xi32>
        %add3A_1555 = arith.addi %broadcast_in_dim3A_136, %add3A_1554 : vector<16xi32>
        %add3A_1556 = arith.constant 0 : i32
        %add3A_1557 = vector.broadcast %add3A_1556 : i32 to vector<16xi32>
        %add3A_1558 = arith.addi %broadcast_in_dim3A_136, %add3A_1557 : vector<16xi32>
        %gather3A_1559 = tpu.vector_load_idx %arg9[%add3A_1558, %add3A_1555] : memref<4x640xf32, #tpu.memory_space<vmem>>[vector<16xi32>, vector<16xi32>], vector<16xf32>,
        %add3A_1560 = arith.constant 1 : i32
        %add3A_1561 = vector.broadcast %add3A_1560 : i32 to vector<16xi32>
        %add3A_1562 = arith.addi %broadcast_in_dim3A_136, %add3A_1561 : vector<16xi32>
        %gather3A_1563 = tpu.vector_load_idx %arg9[%add3A_1562, %add3A_1555] : memref<4x640xf32, #tpu.memory_space<vmem>>[vector<16xi32>, vector<16xi32>], vector<16xf32>,
        %add3A_1564 = arith.constant 2 : i32
        %add3A_1565 = vector.broadcast %add3A_1564 : i32 to vector<16xi32>
        %add3A_1566 = arith.addi %broadcast_in_dim3A_136, %add3A_1565 : vector<16xi32>
        %gather3A_1567 = tpu.vector_load_idx %arg9[%add3A_1566, %add3A_1555] : memref<4x640xf32, #tpu.memory_space<vmem>>[vector<16xi32>, vector<16xi32>], vector<16xf32>,
        %add3A_1568 = arith.constant 3 : i32
        %add3A_1569 = vector.broadcast %add3A_1568 : i32 to vector<16xi32>
        %add3A_1570 = arith.addi %broadcast_in_dim3A_136, %add3A_1569 : vector<16xi32>
        %gather3A_1571 = tpu.vector_load_idx %arg9[%add3A_1570, %add3A_1555] : memref<4x640xf32, #tpu.memory_space<vmem>>[vector<16xi32>, vector<16xi32>], vector<16xf32>,
        %add3A_1572 = arith.constant 0 : i32
        %add3A_1573 = vector.broadcast %add3A_1572 : i32 to vector<16xi32>
        %add3A_1574 = arith.addi %broadcast_in_dim3A_136, %add3A_1573 : vector<16xi32>
        %gather3A_1575 = tpu.vector_load_idx %arg10[%add3A_1574, %add3A_1555] : memref<4x640xf32, #tpu.memory_space<vmem>>[vector<16xi32>, vector<16xi32>], vector<16xf32>,
        %add3A_1576 = arith.constant 1 : i32
        %add3A_1577 = vector.broadcast %add3A_1576 : i32 to vector<16xi32>
        %add3A_1578 = arith.addi %broadcast_in_dim3A_136, %add3A_1577 : vector<16xi32>
        %gather3A_1579 = tpu.vector_load_idx %arg10[%add3A_1578, %add3A_1555] : memref<4x640xf32, #tpu.memory_space<vmem>>[vector<16xi32>, vector<16xi32>], vector<16xf32>,
        %add3A_1580 = arith.constant 2 : i32
        %add3A_1581 = vector.broadcast %add3A_1580 : i32 to vector<16xi32>
        %add3A_1582 = arith.addi %broadcast_in_dim3A_136, %add3A_1581 : vector<16xi32>
        %gather3A_1583 = tpu.vector_load_idx %arg10[%add3A_1582, %add3A_1555] : memref<4x640xf32, #tpu.memory_space<vmem>>[vector<16xi32>, vector<16xi32>], vector<16xf32>,
        %add3A_1584 = arith.constant 3 : i32
        %add3A_1585 = vector.broadcast %add3A_1584 : i32 to vector<16xi32>
        %add3A_1586 = arith.addi %broadcast_in_dim3A_136, %add3A_1585 : vector<16xi32>
        %gather3A_1587 = tpu.vector_load_idx %arg10[%add3A_1586, %add3A_1555] : memref<4x640xf32, #tpu.memory_space<vmem>>[vector<16xi32>, vector<16xi32>], vector<16xf32>,
        %get3A_1588 = arith.constant 0 : i32
        %get3A_1589 = arith.constant 0 : i32
        %get3A_1590 = tpu.memref_slice %arg7[%rem3A_101, %get3A_1588, %get3A_1589] : memref<2x256x128xf32, #tpu.memory_space<vmem>> -> memref<1x256x128xf32, #tpu.memory_space<vmem>>
        %get3A_1591 = tpu.memref_squeeze %get3A_1590 : memref<1x256x128xf32, #tpu.memory_space<vmem>> -> memref<256x128xf32, #tpu.memory_space<vmem>>
        %get3A_1592 = arith.index_cast %add3A_1550 : i32 to index
        %get3A_1593 = arith.constant 0 : index
        %get3A_1594 = tpu.vector_load %get3A_1591[%get3A_1592, %get3A_1593] {strides = array<i32>} : memref<256x128xf32, #tpu.memory_space<vmem>>, vector<16xf32>,
        %get3A_1595 = arith.constant 0 : i32
        %get3A_1596 = arith.constant 0 : i32
        %get3A_1597 = tpu.memref_slice %arg7[%rem3A_101, %get3A_1595, %get3A_1596] : memref<2x256x128xf32, #tpu.memory_space<vmem>> -> memref<1x256x128xf32, #tpu.memory_space<vmem>>
        %get3A_1598 = tpu.memref_squeeze %get3A_1597 : memref<1x256x128xf32, #tpu.memory_space<vmem>> -> memref<256x128xf32, #tpu.memory_space<vmem>>
        %get3A_1599 = arith.index_cast %add3A_1550 : i32 to index
        %get3A_1600 = arith.constant 32 : index
        %get3A_1601 = tpu.vector_load %get3A_1598[%get3A_1599, %get3A_1600] {strides = array<i32>} : memref<256x128xf32, #tpu.memory_space<vmem>>, vector<16xf32>,
        %get3A_1602 = arith.constant 0 : i32
        %get3A_1603 = arith.constant 0 : i32
        %get3A_1604 = tpu.memref_slice %arg7[%rem3A_101, %get3A_1602, %get3A_1603] : memref<2x256x128xf32, #tpu.memory_space<vmem>> -> memref<1x256x128xf32, #tpu.memory_space<vmem>>
        %get3A_1605 = tpu.memref_squeeze %get3A_1604 : memref<1x256x128xf32, #tpu.memory_space<vmem>> -> memref<256x128xf32, #tpu.memory_space<vmem>>
        %get3A_1606 = arith.index_cast %add3A_1550 : i32 to index
        %get3A_1607 = arith.constant 64 : index
        %get3A_1608 = tpu.vector_load %get3A_1605[%get3A_1606, %get3A_1607] {strides = array<i32>} : memref<256x128xf32, #tpu.memory_space<vmem>>, vector<16xf32>,
        %get3A_1609 = arith.constant 0 : i32
        %get3A_1610 = arith.constant 0 : i32
        %get3A_1611 = tpu.memref_slice %arg7[%rem3A_101, %get3A_1609, %get3A_1610] : memref<2x256x128xf32, #tpu.memory_space<vmem>> -> memref<1x256x128xf32, #tpu.memory_space<vmem>>
        %get3A_1612 = tpu.memref_squeeze %get3A_1611 : memref<1x256x128xf32, #tpu.memory_space<vmem>> -> memref<256x128xf32, #tpu.memory_space<vmem>>
        %get3A_1613 = arith.index_cast %add3A_1550 : i32 to index
        %get3A_1614 = arith.constant 96 : index
        %get3A_1615 = tpu.vector_load %get3A_1612[%get3A_1613, %get3A_1614] {strides = array<i32>} : memref<256x128xf32, #tpu.memory_space<vmem>>, vector<16xf32>,
        %add3A_1616 = arith.constant 128 : i32
        %add3A_1617 = arith.addi %add3A_1550, %add3A_1616 : i32
        %get3A_1618 = arith.constant 0 : i32
        %get3A_1619 = arith.constant 0 : i32
        %get3A_1620 = tpu.memref_slice %arg7[%rem3A_101, %get3A_1618, %get3A_1619] : memref<2x256x128xf32, #tpu.memory_space<vmem>> -> memref<1x256x128xf32, #tpu.memory_space<vmem>>
        %get3A_1621 = tpu.memref_squeeze %get3A_1620 : memref<1x256x128xf32, #tpu.memory_space<vmem>> -> memref<256x128xf32, #tpu.memory_space<vmem>>
        %get3A_1622 = arith.index_cast %add3A_1617 : i32 to index
        %get3A_1623 = arith.constant 0 : index
        %get3A_1624 = tpu.vector_load %get3A_1621[%get3A_1622, %get3A_1623] {strides = array<i32>} : memref<256x128xf32, #tpu.memory_space<vmem>>, vector<16xf32>,
        %add3A_1625 = arith.constant 128 : i32
        %add3A_1626 = arith.addi %add3A_1550, %add3A_1625 : i32
        %get3A_1627 = arith.constant 0 : i32
        %get3A_1628 = arith.constant 0 : i32
        %get3A_1629 = tpu.memref_slice %arg7[%rem3A_101, %get3A_1627, %get3A_1628] : memref<2x256x128xf32, #tpu.memory_space<vmem>> -> memref<1x256x128xf32, #tpu.memory_space<vmem>>
        %get3A_1630 = tpu.memref_squeeze %get3A_1629 : memref<1x256x128xf32, #tpu.memory_space<vmem>> -> memref<256x128xf32, #tpu.memory_space<vmem>>
        %get3A_1631 = arith.index_cast %add3A_1626 : i32 to index
        %get3A_1632 = arith.constant 32 : index
        %get3A_1633 = tpu.vector_load %get3A_1630[%get3A_1631, %get3A_1632] {strides = array<i32>} : memref<256x128xf32, #tpu.memory_space<vmem>>, vector<16xf32>,
        %add3A_1634 = arith.constant 128 : i32
        %add3A_1635 = arith.addi %add3A_1550, %add3A_1634 : i32
        %get3A_1636 = arith.constant 0 : i32
        %get3A_1637 = arith.constant 0 : i32
        %get3A_1638 = tpu.memref_slice %arg7[%rem3A_101, %get3A_1636, %get3A_1637] : memref<2x256x128xf32, #tpu.memory_space<vmem>> -> memref<1x256x128xf32, #tpu.memory_space<vmem>>
        %get3A_1639 = tpu.memref_squeeze %get3A_1638 : memref<1x256x128xf32, #tpu.memory_space<vmem>> -> memref<256x128xf32, #tpu.memory_space<vmem>>
        %get3A_1640 = arith.index_cast %add3A_1635 : i32 to index
        %get3A_1641 = arith.constant 64 : index
        %get3A_1642 = tpu.vector_load %get3A_1639[%get3A_1640, %get3A_1641] {strides = array<i32>} : memref<256x128xf32, #tpu.memory_space<vmem>>, vector<16xf32>,
        %add3A_1643 = arith.constant 128 : i32
        %add3A_1644 = arith.addi %add3A_1550, %add3A_1643 : i32
        %get3A_1645 = arith.constant 0 : i32
        %get3A_1646 = arith.constant 0 : i32
        %get3A_1647 = tpu.memref_slice %arg7[%rem3A_101, %get3A_1645, %get3A_1646] : memref<2x256x128xf32, #tpu.memory_space<vmem>> -> memref<1x256x128xf32, #tpu.memory_space<vmem>>
        %get3A_1648 = tpu.memref_squeeze %get3A_1647 : memref<1x256x128xf32, #tpu.memory_space<vmem>> -> memref<256x128xf32, #tpu.memory_space<vmem>>
        %get3A_1649 = arith.index_cast %add3A_1644 : i32 to index
        %get3A_1650 = arith.constant 96 : index
        %get3A_1651 = tpu.vector_load %get3A_1648[%get3A_1649, %get3A_1650] {strides = array<i32>} : memref<256x128xf32, #tpu.memory_space<vmem>>, vector<16xf32>,
        %mul3A_1652 = arith.mulf %get3A_1594, %gather3A_1559 : vector<16xf32>
        %mul3A_1653 = arith.mulf %mul3A_1652, %gather3A_1567 : vector<16xf32>
        %mul3A_1654 = arith.mulf %get3A_1601, %gather3A_1559 : vector<16xf32>
        %mul3A_1655 = arith.mulf %mul3A_1654, %gather3A_1571 : vector<16xf32>
        %add3A_1656 = arith.addf %mul3A_1653, %mul3A_1655 : vector<16xf32>
        %mul3A_1657 = arith.mulf %get3A_1608, %gather3A_1563 : vector<16xf32>
        %mul3A_1658 = arith.mulf %mul3A_1657, %gather3A_1567 : vector<16xf32>
        %add3A_1659 = arith.addf %add3A_1656, %mul3A_1658 : vector<16xf32>
        %mul3A_1660 = arith.mulf %get3A_1615, %gather3A_1563 : vector<16xf32>
        %mul3A_1661 = arith.mulf %mul3A_1660, %gather3A_1571 : vector<16xf32>
        %add3A_1662 = arith.addf %add3A_1659, %mul3A_1661 : vector<16xf32>
        %mul3A_1663 = arith.mulf %get3A_1624, %gather3A_1575 : vector<16xf32>
        %mul3A_1664 = arith.mulf %mul3A_1663, %gather3A_1583 : vector<16xf32>
        %mul3A_1665 = arith.mulf %get3A_1633, %gather3A_1575 : vector<16xf32>
        %mul3A_1666 = arith.mulf %mul3A_1665, %gather3A_1587 : vector<16xf32>
        %add3A_1667 = arith.addf %mul3A_1664, %mul3A_1666 : vector<16xf32>
        %mul3A_1668 = arith.mulf %get3A_1642, %gather3A_1579 : vector<16xf32>
        %mul3A_1669 = arith.mulf %mul3A_1668, %gather3A_1583 : vector<16xf32>
        %add3A_1670 = arith.addf %add3A_1667, %mul3A_1669 : vector<16xf32>
        %mul3A_1671 = arith.mulf %get3A_1651, %gather3A_1579 : vector<16xf32>
        %mul3A_1672 = arith.mulf %mul3A_1671, %gather3A_1587 : vector<16xf32>
        %add3A_1673 = arith.addf %add3A_1670, %mul3A_1672 : vector<16xf32>
        %add3A_1674 = arith.addf %add3A_1662, %add3A_1673 : vector<16xf32>
        %mul3A_1675 = arith.constant 32 : i32
        %mul3A_1676 = arith.muli %add3A_1553, %mul3A_1675 : i32
        %add3A_1677 = arith.constant 0 : i32
        %add3A_1678 = arith.addi %mul3A_1676, %add3A_1677 : i32
        %swap3A_1679 = arith.constant 0 : i32
        %swap3A_1680 = arith.index_cast %rem3A_103 : i32 to index
        %swap3A_1681 = arith.index_cast %swap3A_1679 : i32 to index
        %swap3A_1682 = arith.index_cast %add3A_1678 : i32 to index
        %swap3A_1683 = tpu.vector_load %arg11[%swap3A_1680, %swap3A_1681, %swap3A_1682] {strides = array<i32>} : memref<2x1x20480xf32, #tpu.memory_space<vmem>>, vector<16xf32>,
        tpu.vector_store %arg11[%swap3A_1680, %swap3A_1681, %swap3A_1682], %add3A_1674 {strides = array<i32>} : memref<2x1x20480xf32, #tpu.memory_space<vmem>>, vector<16xf32>,
        %get3A_1684 = arith.constant 0 : i32
        %get3A_1685 = arith.constant 0 : i32
        %get3A_1686 = tpu.memref_slice %arg7[%rem3A_101, %get3A_1684, %get3A_1685] : memref<2x256x128xf32, #tpu.memory_space<vmem>> -> memref<1x256x128xf32, #tpu.memory_space<vmem>>
        %get3A_1687 = tpu.memref_squeeze %get3A_1686 : memref<1x256x128xf32, #tpu.memory_space<vmem>> -> memref<256x128xf32, #tpu.memory_space<vmem>>
        %get3A_1688 = arith.index_cast %add3A_1550 : i32 to index
        %get3A_1689 = arith.constant 16 : index
        %get3A_1690 = tpu.vector_load %get3A_1687[%get3A_1688, %get3A_1689] {strides = array<i32>} : memref<256x128xf32, #tpu.memory_space<vmem>>, vector<16xf32>,
        %get3A_1691 = arith.constant 0 : i32
        %get3A_1692 = arith.constant 0 : i32
        %get3A_1693 = tpu.memref_slice %arg7[%rem3A_101, %get3A_1691, %get3A_1692] : memref<2x256x128xf32, #tpu.memory_space<vmem>> -> memref<1x256x128xf32, #tpu.memory_space<vmem>>
        %get3A_1694 = tpu.memref_squeeze %get3A_1693 : memref<1x256x128xf32, #tpu.memory_space<vmem>> -> memref<256x128xf32, #tpu.memory_space<vmem>>
        %get3A_1695 = arith.index_cast %add3A_1550 : i32 to index
        %get3A_1696 = arith.constant 48 : index
        %get3A_1697 = tpu.vector_load %get3A_1694[%get3A_1695, %get3A_1696] {strides = array<i32>} : memref<256x128xf32, #tpu.memory_space<vmem>>, vector<16xf32>,
        %get3A_1698 = arith.constant 0 : i32
        %get3A_1699 = arith.constant 0 : i32
        %get3A_1700 = tpu.memref_slice %arg7[%rem3A_101, %get3A_1698, %get3A_1699] : memref<2x256x128xf32, #tpu.memory_space<vmem>> -> memref<1x256x128xf32, #tpu.memory_space<vmem>>
        %get3A_1701 = tpu.memref_squeeze %get3A_1700 : memref<1x256x128xf32, #tpu.memory_space<vmem>> -> memref<256x128xf32, #tpu.memory_space<vmem>>
        %get3A_1702 = arith.index_cast %add3A_1550 : i32 to index
        %get3A_1703 = arith.constant 80 : index
        %get3A_1704 = tpu.vector_load %get3A_1701[%get3A_1702, %get3A_1703] {strides = array<i32>} : memref<256x128xf32, #tpu.memory_space<vmem>>, vector<16xf32>,
        %get3A_1705 = arith.constant 0 : i32
        %get3A_1706 = arith.constant 0 : i32
        %get3A_1707 = tpu.memref_slice %arg7[%rem3A_101, %get3A_1705, %get3A_1706] : memref<2x256x128xf32, #tpu.memory_space<vmem>> -> memref<1x256x128xf32, #tpu.memory_space<vmem>>
        %get3A_1708 = tpu.memref_squeeze %get3A_1707 : memref<1x256x128xf32, #tpu.memory_space<vmem>> -> memref<256x128xf32, #tpu.memory_space<vmem>>
        %get3A_1709 = arith.index_cast %add3A_1550 : i32 to index
        %get3A_1710 = arith.constant 112 : index
        %get3A_1711 = tpu.vector_load %get3A_1708[%get3A_1709, %get3A_1710] {strides = array<i32>} : memref<256x128xf32, #tpu.memory_space<vmem>>, vector<16xf32>,
        %add3A_1712 = arith.constant 128 : i32
        %add3A_1713 = arith.addi %add3A_1550, %add3A_1712 : i32
        %get3A_1714 = arith.constant 0 : i32
        %get3A_1715 = arith.constant 0 : i32
        %get3A_1716 = tpu.memref_slice %arg7[%rem3A_101, %get3A_1714, %get3A_1715] : memref<2x256x128xf32, #tpu.memory_space<vmem>> -> memref<1x256x128xf32, #tpu.memory_space<vmem>>
        %get3A_1717 = tpu.memref_squeeze %get3A_1716 : memref<1x256x128xf32, #tpu.memory_space<vmem>> -> memref<256x128xf32, #tpu.memory_space<vmem>>
        %get3A_1718 = arith.index_cast %add3A_1713 : i32 to index
        %get3A_1719 = arith.constant 16 : index
        %get3A_1720 = tpu.vector_load %get3A_1717[%get3A_1718, %get3A_1719] {strides = array<i32>} : memref<256x128xf32, #tpu.memory_space<vmem>>, vector<16xf32>,
        %add3A_1721 = arith.constant 128 : i32
        %add3A_1722 = arith.addi %add3A_1550, %add3A_1721 : i32
        %get3A_1723 = arith.constant 0 : i32
        %get3A_1724 = arith.constant 0 : i32
        %get3A_1725 = tpu.memref_slice %arg7[%rem3A_101, %get3A_1723, %get3A_1724] : memref<2x256x128xf32, #tpu.memory_space<vmem>> -> memref<1x256x128xf32, #tpu.memory_space<vmem>>
        %get3A_1726 = tpu.memref_squeeze %get3A_1725 : memref<1x256x128xf32, #tpu.memory_space<vmem>> -> memref<256x128xf32, #tpu.memory_space<vmem>>
        %get3A_1727 = arith.index_cast %add3A_1722 : i32 to index
        %get3A_1728 = arith.constant 48 : index
        %get3A_1729 = tpu.vector_load %get3A_1726[%get3A_1727, %get3A_1728] {strides = array<i32>} : memref<256x128xf32, #tpu.memory_space<vmem>>, vector<16xf32>,
        %add3A_1730 = arith.constant 128 : i32
        %add3A_1731 = arith.addi %add3A_1550, %add3A_1730 : i32
        %get3A_1732 = arith.constant 0 : i32
        %get3A_1733 = arith.constant 0 : i32
        %get3A_1734 = tpu.memref_slice %arg7[%rem3A_101, %get3A_1732, %get3A_1733] : memref<2x256x128xf32, #tpu.memory_space<vmem>> -> memref<1x256x128xf32, #tpu.memory_space<vmem>>
        %get3A_1735 = tpu.memref_squeeze %get3A_1734 : memref<1x256x128xf32, #tpu.memory_space<vmem>> -> memref<256x128xf32, #tpu.memory_space<vmem>>
        %get3A_1736 = arith.index_cast %add3A_1731 : i32 to index
        %get3A_1737 = arith.constant 80 : index
        %get3A_1738 = tpu.vector_load %get3A_1735[%get3A_1736, %get3A_1737] {strides = array<i32>} : memref<256x128xf32, #tpu.memory_space<vmem>>, vector<16xf32>,
        %add3A_1739 = arith.constant 128 : i32
        %add3A_1740 = arith.addi %add3A_1550, %add3A_1739 : i32
        %get3A_1741 = arith.constant 0 : i32
        %get3A_1742 = arith.constant 0 : i32
        %get3A_1743 = tpu.memref_slice %arg7[%rem3A_101, %get3A_1741, %get3A_1742] : memref<2x256x128xf32, #tpu.memory_space<vmem>> -> memref<1x256x128xf32, #tpu.memory_space<vmem>>
        %get3A_1744 = tpu.memref_squeeze %get3A_1743 : memref<1x256x128xf32, #tpu.memory_space<vmem>> -> memref<256x128xf32, #tpu.memory_space<vmem>>
        %get3A_1745 = arith.index_cast %add3A_1740 : i32 to index
        %get3A_1746 = arith.constant 112 : index
        %get3A_1747 = tpu.vector_load %get3A_1744[%get3A_1745, %get3A_1746] {strides = array<i32>} : memref<256x128xf32, #tpu.memory_space<vmem>>, vector<16xf32>,
        %mul3A_1748 = arith.mulf %get3A_1690, %gather3A_1559 : vector<16xf32>
        %mul3A_1749 = arith.mulf %mul3A_1748, %gather3A_1567 : vector<16xf32>
        %mul3A_1750 = arith.mulf %get3A_1697, %gather3A_1559 : vector<16xf32>
        %mul3A_1751 = arith.mulf %mul3A_1750, %gather3A_1571 : vector<16xf32>
        %add3A_1752 = arith.addf %mul3A_1749, %mul3A_1751 : vector<16xf32>
        %mul3A_1753 = arith.mulf %get3A_1704, %gather3A_1563 : vector<16xf32>
        %mul3A_1754 = arith.mulf %mul3A_1753, %gather3A_1567 : vector<16xf32>
        %add3A_1755 = arith.addf %add3A_1752, %mul3A_1754 : vector<16xf32>
        %mul3A_1756 = arith.mulf %get3A_1711, %gather3A_1563 : vector<16xf32>
        %mul3A_1757 = arith.mulf %mul3A_1756, %gather3A_1571 : vector<16xf32>
        %add3A_1758 = arith.addf %add3A_1755, %mul3A_1757 : vector<16xf32>
        %mul3A_1759 = arith.mulf %get3A_1720, %gather3A_1575 : vector<16xf32>
        %mul3A_1760 = arith.mulf %mul3A_1759, %gather3A_1583 : vector<16xf32>
        %mul3A_1761 = arith.mulf %get3A_1729, %gather3A_1575 : vector<16xf32>
        %mul3A_1762 = arith.mulf %mul3A_1761, %gather3A_1587 : vector<16xf32>
        %add3A_1763 = arith.addf %mul3A_1760, %mul3A_1762 : vector<16xf32>
        %mul3A_1764 = arith.mulf %get3A_1738, %gather3A_1579 : vector<16xf32>
        %mul3A_1765 = arith.mulf %mul3A_1764, %gather3A_1583 : vector<16xf32>
        %add3A_1766 = arith.addf %add3A_1763, %mul3A_1765 : vector<16xf32>
        %mul3A_1767 = arith.mulf %get3A_1747, %gather3A_1579 : vector<16xf32>
        %mul3A_1768 = arith.mulf %mul3A_1767, %gather3A_1587 : vector<16xf32>
        %add3A_1769 = arith.addf %add3A_1766, %mul3A_1768 : vector<16xf32>
        %add3A_1770 = arith.addf %add3A_1758, %add3A_1769 : vector<16xf32>
        %mul3A_1771 = arith.constant 32 : i32
        %mul3A_1772 = arith.muli %add3A_1553, %mul3A_1771 : i32
        %add3A_1773 = arith.constant 16 : i32
        %add3A_1774 = arith.addi %mul3A_1772, %add3A_1773 : i32
        %swap3A_1775 = arith.constant 0 : i32
        %swap3A_1776 = arith.index_cast %rem3A_103 : i32 to index
        %swap3A_1777 = arith.index_cast %swap3A_1775 : i32 to index
        %swap3A_1778 = arith.index_cast %add3A_1774 : i32 to index
        %swap3A_1779 = tpu.vector_load %arg11[%swap3A_1776, %swap3A_1777, %swap3A_1778] {strides = array<i32>} : memref<2x1x20480xf32, #tpu.memory_space<vmem>>, vector<16xf32>,
        tpu.vector_store %arg11[%swap3A_1776, %swap3A_1777, %swap3A_1778], %add3A_1770 {strides = array<i32>} : memref<2x1x20480xf32, #tpu.memory_space<vmem>>, vector<16xf32>,
        %mul3A_1780 = arith.constant 16 : i32
        %mul3A_1781 = arith.muli %scan3A_150, %mul3A_1780 : i32
        %add3A_1782 = arith.constant 7 : i32
        %add3A_1783 = arith.addi %mul3A_1781, %add3A_1782 : i32
        %mul3A_1784 = arith.constant 128 : i32
        %mul3A_1785 = arith.muli %select_n3A_99, %mul3A_1784 : i32
        %add3A_1786 = arith.addi %mul3A_1785, %add3A_1783 : i32
        %add3A_1787 = vector.broadcast %add3A_1786 : i32 to vector<16xi32>
        %add3A_1788 = arith.addi %broadcast_in_dim3A_136, %add3A_1787 : vector<16xi32>
        %add3A_1789 = arith.constant 0 : i32
        %add3A_1790 = vector.broadcast %add3A_1789 : i32 to vector<16xi32>
        %add3A_1791 = arith.addi %broadcast_in_dim3A_136, %add3A_1790 : vector<16xi32>
        %gather3A_1792 = tpu.vector_load_idx %arg9[%add3A_1791, %add3A_1788] : memref<4x640xf32, #tpu.memory_space<vmem>>[vector<16xi32>, vector<16xi32>], vector<16xf32>,
        %add3A_1793 = arith.constant 1 : i32
        %add3A_1794 = vector.broadcast %add3A_1793 : i32 to vector<16xi32>
        %add3A_1795 = arith.addi %broadcast_in_dim3A_136, %add3A_1794 : vector<16xi32>
        %gather3A_1796 = tpu.vector_load_idx %arg9[%add3A_1795, %add3A_1788] : memref<4x640xf32, #tpu.memory_space<vmem>>[vector<16xi32>, vector<16xi32>], vector<16xf32>,
        %add3A_1797 = arith.constant 2 : i32
        %add3A_1798 = vector.broadcast %add3A_1797 : i32 to vector<16xi32>
        %add3A_1799 = arith.addi %broadcast_in_dim3A_136, %add3A_1798 : vector<16xi32>
        %gather3A_1800 = tpu.vector_load_idx %arg9[%add3A_1799, %add3A_1788] : memref<4x640xf32, #tpu.memory_space<vmem>>[vector<16xi32>, vector<16xi32>], vector<16xf32>,
        %add3A_1801 = arith.constant 3 : i32
        %add3A_1802 = vector.broadcast %add3A_1801 : i32 to vector<16xi32>
        %add3A_1803 = arith.addi %broadcast_in_dim3A_136, %add3A_1802 : vector<16xi32>
        %gather3A_1804 = tpu.vector_load_idx %arg9[%add3A_1803, %add3A_1788] : memref<4x640xf32, #tpu.memory_space<vmem>>[vector<16xi32>, vector<16xi32>], vector<16xf32>,
        %add3A_1805 = arith.constant 0 : i32
        %add3A_1806 = vector.broadcast %add3A_1805 : i32 to vector<16xi32>
        %add3A_1807 = arith.addi %broadcast_in_dim3A_136, %add3A_1806 : vector<16xi32>
        %gather3A_1808 = tpu.vector_load_idx %arg10[%add3A_1807, %add3A_1788] : memref<4x640xf32, #tpu.memory_space<vmem>>[vector<16xi32>, vector<16xi32>], vector<16xf32>,
        %add3A_1809 = arith.constant 1 : i32
        %add3A_1810 = vector.broadcast %add3A_1809 : i32 to vector<16xi32>
        %add3A_1811 = arith.addi %broadcast_in_dim3A_136, %add3A_1810 : vector<16xi32>
        %gather3A_1812 = tpu.vector_load_idx %arg10[%add3A_1811, %add3A_1788] : memref<4x640xf32, #tpu.memory_space<vmem>>[vector<16xi32>, vector<16xi32>], vector<16xf32>,
        %add3A_1813 = arith.constant 2 : i32
        %add3A_1814 = vector.broadcast %add3A_1813 : i32 to vector<16xi32>
        %add3A_1815 = arith.addi %broadcast_in_dim3A_136, %add3A_1814 : vector<16xi32>
        %gather3A_1816 = tpu.vector_load_idx %arg10[%add3A_1815, %add3A_1788] : memref<4x640xf32, #tpu.memory_space<vmem>>[vector<16xi32>, vector<16xi32>], vector<16xf32>,
        %add3A_1817 = arith.constant 3 : i32
        %add3A_1818 = vector.broadcast %add3A_1817 : i32 to vector<16xi32>
        %add3A_1819 = arith.addi %broadcast_in_dim3A_136, %add3A_1818 : vector<16xi32>
        %gather3A_1820 = tpu.vector_load_idx %arg10[%add3A_1819, %add3A_1788] : memref<4x640xf32, #tpu.memory_space<vmem>>[vector<16xi32>, vector<16xi32>], vector<16xf32>,
        %get3A_1821 = arith.constant 0 : i32
        %get3A_1822 = arith.constant 0 : i32
        %get3A_1823 = tpu.memref_slice %arg7[%rem3A_101, %get3A_1821, %get3A_1822] : memref<2x256x128xf32, #tpu.memory_space<vmem>> -> memref<1x256x128xf32, #tpu.memory_space<vmem>>
        %get3A_1824 = tpu.memref_squeeze %get3A_1823 : memref<1x256x128xf32, #tpu.memory_space<vmem>> -> memref<256x128xf32, #tpu.memory_space<vmem>>
        %get3A_1825 = arith.index_cast %add3A_1783 : i32 to index
        %get3A_1826 = arith.constant 0 : index
        %get3A_1827 = tpu.vector_load %get3A_1824[%get3A_1825, %get3A_1826] {strides = array<i32>} : memref<256x128xf32, #tpu.memory_space<vmem>>, vector<16xf32>,
        %get3A_1828 = arith.constant 0 : i32
        %get3A_1829 = arith.constant 0 : i32
        %get3A_1830 = tpu.memref_slice %arg7[%rem3A_101, %get3A_1828, %get3A_1829] : memref<2x256x128xf32, #tpu.memory_space<vmem>> -> memref<1x256x128xf32, #tpu.memory_space<vmem>>
        %get3A_1831 = tpu.memref_squeeze %get3A_1830 : memref<1x256x128xf32, #tpu.memory_space<vmem>> -> memref<256x128xf32, #tpu.memory_space<vmem>>
        %get3A_1832 = arith.index_cast %add3A_1783 : i32 to index
        %get3A_1833 = arith.constant 32 : index
        %get3A_1834 = tpu.vector_load %get3A_1831[%get3A_1832, %get3A_1833] {strides = array<i32>} : memref<256x128xf32, #tpu.memory_space<vmem>>, vector<16xf32>,
        %get3A_1835 = arith.constant 0 : i32
        %get3A_1836 = arith.constant 0 : i32
        %get3A_1837 = tpu.memref_slice %arg7[%rem3A_101, %get3A_1835, %get3A_1836] : memref<2x256x128xf32, #tpu.memory_space<vmem>> -> memref<1x256x128xf32, #tpu.memory_space<vmem>>
        %get3A_1838 = tpu.memref_squeeze %get3A_1837 : memref<1x256x128xf32, #tpu.memory_space<vmem>> -> memref<256x128xf32, #tpu.memory_space<vmem>>
        %get3A_1839 = arith.index_cast %add3A_1783 : i32 to index
        %get3A_1840 = arith.constant 64 : index
        %get3A_1841 = tpu.vector_load %get3A_1838[%get3A_1839, %get3A_1840] {strides = array<i32>} : memref<256x128xf32, #tpu.memory_space<vmem>>, vector<16xf32>,
        %get3A_1842 = arith.constant 0 : i32
        %get3A_1843 = arith.constant 0 : i32
        %get3A_1844 = tpu.memref_slice %arg7[%rem3A_101, %get3A_1842, %get3A_1843] : memref<2x256x128xf32, #tpu.memory_space<vmem>> -> memref<1x256x128xf32, #tpu.memory_space<vmem>>
        %get3A_1845 = tpu.memref_squeeze %get3A_1844 : memref<1x256x128xf32, #tpu.memory_space<vmem>> -> memref<256x128xf32, #tpu.memory_space<vmem>>
        %get3A_1846 = arith.index_cast %add3A_1783 : i32 to index
        %get3A_1847 = arith.constant 96 : index
        %get3A_1848 = tpu.vector_load %get3A_1845[%get3A_1846, %get3A_1847] {strides = array<i32>} : memref<256x128xf32, #tpu.memory_space<vmem>>, vector<16xf32>,
        %add3A_1849 = arith.constant 128 : i32
        %add3A_1850 = arith.addi %add3A_1783, %add3A_1849 : i32
        %get3A_1851 = arith.constant 0 : i32
        %get3A_1852 = arith.constant 0 : i32
        %get3A_1853 = tpu.memref_slice %arg7[%rem3A_101, %get3A_1851, %get3A_1852] : memref<2x256x128xf32, #tpu.memory_space<vmem>> -> memref<1x256x128xf32, #tpu.memory_space<vmem>>
        %get3A_1854 = tpu.memref_squeeze %get3A_1853 : memref<1x256x128xf32, #tpu.memory_space<vmem>> -> memref<256x128xf32, #tpu.memory_space<vmem>>
        %get3A_1855 = arith.index_cast %add3A_1850 : i32 to index
        %get3A_1856 = arith.constant 0 : index
        %get3A_1857 = tpu.vector_load %get3A_1854[%get3A_1855, %get3A_1856] {strides = array<i32>} : memref<256x128xf32, #tpu.memory_space<vmem>>, vector<16xf32>,
        %add3A_1858 = arith.constant 128 : i32
        %add3A_1859 = arith.addi %add3A_1783, %add3A_1858 : i32
        %get3A_1860 = arith.constant 0 : i32
        %get3A_1861 = arith.constant 0 : i32
        %get3A_1862 = tpu.memref_slice %arg7[%rem3A_101, %get3A_1860, %get3A_1861] : memref<2x256x128xf32, #tpu.memory_space<vmem>> -> memref<1x256x128xf32, #tpu.memory_space<vmem>>
        %get3A_1863 = tpu.memref_squeeze %get3A_1862 : memref<1x256x128xf32, #tpu.memory_space<vmem>> -> memref<256x128xf32, #tpu.memory_space<vmem>>
        %get3A_1864 = arith.index_cast %add3A_1859 : i32 to index
        %get3A_1865 = arith.constant 32 : index
        %get3A_1866 = tpu.vector_load %get3A_1863[%get3A_1864, %get3A_1865] {strides = array<i32>} : memref<256x128xf32, #tpu.memory_space<vmem>>, vector<16xf32>,
        %add3A_1867 = arith.constant 128 : i32
        %add3A_1868 = arith.addi %add3A_1783, %add3A_1867 : i32
        %get3A_1869 = arith.constant 0 : i32
        %get3A_1870 = arith.constant 0 : i32
        %get3A_1871 = tpu.memref_slice %arg7[%rem3A_101, %get3A_1869, %get3A_1870] : memref<2x256x128xf32, #tpu.memory_space<vmem>> -> memref<1x256x128xf32, #tpu.memory_space<vmem>>
        %get3A_1872 = tpu.memref_squeeze %get3A_1871 : memref<1x256x128xf32, #tpu.memory_space<vmem>> -> memref<256x128xf32, #tpu.memory_space<vmem>>
        %get3A_1873 = arith.index_cast %add3A_1868 : i32 to index
        %get3A_1874 = arith.constant 64 : index
        %get3A_1875 = tpu.vector_load %get3A_1872[%get3A_1873, %get3A_1874] {strides = array<i32>} : memref<256x128xf32, #tpu.memory_space<vmem>>, vector<16xf32>,
        %add3A_1876 = arith.constant 128 : i32
        %add3A_1877 = arith.addi %add3A_1783, %add3A_1876 : i32
        %get3A_1878 = arith.constant 0 : i32
        %get3A_1879 = arith.constant 0 : i32
        %get3A_1880 = tpu.memref_slice %arg7[%rem3A_101, %get3A_1878, %get3A_1879] : memref<2x256x128xf32, #tpu.memory_space<vmem>> -> memref<1x256x128xf32, #tpu.memory_space<vmem>>
        %get3A_1881 = tpu.memref_squeeze %get3A_1880 : memref<1x256x128xf32, #tpu.memory_space<vmem>> -> memref<256x128xf32, #tpu.memory_space<vmem>>
        %get3A_1882 = arith.index_cast %add3A_1877 : i32 to index
        %get3A_1883 = arith.constant 96 : index
        %get3A_1884 = tpu.vector_load %get3A_1881[%get3A_1882, %get3A_1883] {strides = array<i32>} : memref<256x128xf32, #tpu.memory_space<vmem>>, vector<16xf32>,
        %mul3A_1885 = arith.mulf %get3A_1827, %gather3A_1792 : vector<16xf32>
        %mul3A_1886 = arith.mulf %mul3A_1885, %gather3A_1800 : vector<16xf32>
        %mul3A_1887 = arith.mulf %get3A_1834, %gather3A_1792 : vector<16xf32>
        %mul3A_1888 = arith.mulf %mul3A_1887, %gather3A_1804 : vector<16xf32>
        %add3A_1889 = arith.addf %mul3A_1886, %mul3A_1888 : vector<16xf32>
        %mul3A_1890 = arith.mulf %get3A_1841, %gather3A_1796 : vector<16xf32>
        %mul3A_1891 = arith.mulf %mul3A_1890, %gather3A_1800 : vector<16xf32>
        %add3A_1892 = arith.addf %add3A_1889, %mul3A_1891 : vector<16xf32>
        %mul3A_1893 = arith.mulf %get3A_1848, %gather3A_1796 : vector<16xf32>
        %mul3A_1894 = arith.mulf %mul3A_1893, %gather3A_1804 : vector<16xf32>
        %add3A_1895 = arith.addf %add3A_1892, %mul3A_1894 : vector<16xf32>
        %mul3A_1896 = arith.mulf %get3A_1857, %gather3A_1808 : vector<16xf32>
        %mul3A_1897 = arith.mulf %mul3A_1896, %gather3A_1816 : vector<16xf32>
        %mul3A_1898 = arith.mulf %get3A_1866, %gather3A_1808 : vector<16xf32>
        %mul3A_1899 = arith.mulf %mul3A_1898, %gather3A_1820 : vector<16xf32>
        %add3A_1900 = arith.addf %mul3A_1897, %mul3A_1899 : vector<16xf32>
        %mul3A_1901 = arith.mulf %get3A_1875, %gather3A_1812 : vector<16xf32>
        %mul3A_1902 = arith.mulf %mul3A_1901, %gather3A_1816 : vector<16xf32>
        %add3A_1903 = arith.addf %add3A_1900, %mul3A_1902 : vector<16xf32>
        %mul3A_1904 = arith.mulf %get3A_1884, %gather3A_1812 : vector<16xf32>
        %mul3A_1905 = arith.mulf %mul3A_1904, %gather3A_1820 : vector<16xf32>
        %add3A_1906 = arith.addf %add3A_1903, %mul3A_1905 : vector<16xf32>
        %add3A_1907 = arith.addf %add3A_1895, %add3A_1906 : vector<16xf32>
        %mul3A_1908 = arith.constant 32 : i32
        %mul3A_1909 = arith.muli %add3A_1786, %mul3A_1908 : i32
        %add3A_1910 = arith.constant 0 : i32
        %add3A_1911 = arith.addi %mul3A_1909, %add3A_1910 : i32
        %swap3A_1912 = arith.constant 0 : i32
        %swap3A_1913 = arith.index_cast %rem3A_103 : i32 to index
        %swap3A_1914 = arith.index_cast %swap3A_1912 : i32 to index
        %swap3A_1915 = arith.index_cast %add3A_1911 : i32 to index
        %swap3A_1916 = tpu.vector_load %arg11[%swap3A_1913, %swap3A_1914, %swap3A_1915] {strides = array<i32>} : memref<2x1x20480xf32, #tpu.memory_space<vmem>>, vector<16xf32>,
        tpu.vector_store %arg11[%swap3A_1913, %swap3A_1914, %swap3A_1915], %add3A_1907 {strides = array<i32>} : memref<2x1x20480xf32, #tpu.memory_space<vmem>>, vector<16xf32>,
        %get3A_1917 = arith.constant 0 : i32
        %get3A_1918 = arith.constant 0 : i32
        %get3A_1919 = tpu.memref_slice %arg7[%rem3A_101, %get3A_1917, %get3A_1918] : memref<2x256x128xf32, #tpu.memory_space<vmem>> -> memref<1x256x128xf32, #tpu.memory_space<vmem>>
        %get3A_1920 = tpu.memref_squeeze %get3A_1919 : memref<1x256x128xf32, #tpu.memory_space<vmem>> -> memref<256x128xf32, #tpu.memory_space<vmem>>
        %get3A_1921 = arith.index_cast %add3A_1783 : i32 to index
        %get3A_1922 = arith.constant 16 : index
        %get3A_1923 = tpu.vector_load %get3A_1920[%get3A_1921, %get3A_1922] {strides = array<i32>} : memref<256x128xf32, #tpu.memory_space<vmem>>, vector<16xf32>,
        %get3A_1924 = arith.constant 0 : i32
        %get3A_1925 = arith.constant 0 : i32
        %get3A_1926 = tpu.memref_slice %arg7[%rem3A_101, %get3A_1924, %get3A_1925] : memref<2x256x128xf32, #tpu.memory_space<vmem>> -> memref<1x256x128xf32, #tpu.memory_space<vmem>>
        %get3A_1927 = tpu.memref_squeeze %get3A_1926 : memref<1x256x128xf32, #tpu.memory_space<vmem>> -> memref<256x128xf32, #tpu.memory_space<vmem>>
        %get3A_1928 = arith.index_cast %add3A_1783 : i32 to index
        %get3A_1929 = arith.constant 48 : index
        %get3A_1930 = tpu.vector_load %get3A_1927[%get3A_1928, %get3A_1929] {strides = array<i32>} : memref<256x128xf32, #tpu.memory_space<vmem>>, vector<16xf32>,
        %get3A_1931 = arith.constant 0 : i32
        %get3A_1932 = arith.constant 0 : i32
        %get3A_1933 = tpu.memref_slice %arg7[%rem3A_101, %get3A_1931, %get3A_1932] : memref<2x256x128xf32, #tpu.memory_space<vmem>> -> memref<1x256x128xf32, #tpu.memory_space<vmem>>
        %get3A_1934 = tpu.memref_squeeze %get3A_1933 : memref<1x256x128xf32, #tpu.memory_space<vmem>> -> memref<256x128xf32, #tpu.memory_space<vmem>>
        %get3A_1935 = arith.index_cast %add3A_1783 : i32 to index
        %get3A_1936 = arith.constant 80 : index
        %get3A_1937 = tpu.vector_load %get3A_1934[%get3A_1935, %get3A_1936] {strides = array<i32>} : memref<256x128xf32, #tpu.memory_space<vmem>>, vector<16xf32>,
        %get3A_1938 = arith.constant 0 : i32
        %get3A_1939 = arith.constant 0 : i32
        %get3A_1940 = tpu.memref_slice %arg7[%rem3A_101, %get3A_1938, %get3A_1939] : memref<2x256x128xf32, #tpu.memory_space<vmem>> -> memref<1x256x128xf32, #tpu.memory_space<vmem>>
        %get3A_1941 = tpu.memref_squeeze %get3A_1940 : memref<1x256x128xf32, #tpu.memory_space<vmem>> -> memref<256x128xf32, #tpu.memory_space<vmem>>
        %get3A_1942 = arith.index_cast %add3A_1783 : i32 to index
        %get3A_1943 = arith.constant 112 : index
        %get3A_1944 = tpu.vector_load %get3A_1941[%get3A_1942, %get3A_1943] {strides = array<i32>} : memref<256x128xf32, #tpu.memory_space<vmem>>, vector<16xf32>,
        %add3A_1945 = arith.constant 128 : i32
        %add3A_1946 = arith.addi %add3A_1783, %add3A_1945 : i32
        %get3A_1947 = arith.constant 0 : i32
        %get3A_1948 = arith.constant 0 : i32
        %get3A_1949 = tpu.memref_slice %arg7[%rem3A_101, %get3A_1947, %get3A_1948] : memref<2x256x128xf32, #tpu.memory_space<vmem>> -> memref<1x256x128xf32, #tpu.memory_space<vmem>>
        %get3A_1950 = tpu.memref_squeeze %get3A_1949 : memref<1x256x128xf32, #tpu.memory_space<vmem>> -> memref<256x128xf32, #tpu.memory_space<vmem>>
        %get3A_1951 = arith.index_cast %add3A_1946 : i32 to index
        %get3A_1952 = arith.constant 16 : index
        %get3A_1953 = tpu.vector_load %get3A_1950[%get3A_1951, %get3A_1952] {strides = array<i32>} : memref<256x128xf32, #tpu.memory_space<vmem>>, vector<16xf32>,
        %add3A_1954 = arith.constant 128 : i32
        %add3A_1955 = arith.addi %add3A_1783, %add3A_1954 : i32
        %get3A_1956 = arith.constant 0 : i32
        %get3A_1957 = arith.constant 0 : i32
        %get3A_1958 = tpu.memref_slice %arg7[%rem3A_101, %get3A_1956, %get3A_1957] : memref<2x256x128xf32, #tpu.memory_space<vmem>> -> memref<1x256x128xf32, #tpu.memory_space<vmem>>
        %get3A_1959 = tpu.memref_squeeze %get3A_1958 : memref<1x256x128xf32, #tpu.memory_space<vmem>> -> memref<256x128xf32, #tpu.memory_space<vmem>>
        %get3A_1960 = arith.index_cast %add3A_1955 : i32 to index
        %get3A_1961 = arith.constant 48 : index
        %get3A_1962 = tpu.vector_load %get3A_1959[%get3A_1960, %get3A_1961] {strides = array<i32>} : memref<256x128xf32, #tpu.memory_space<vmem>>, vector<16xf32>,
        %add3A_1963 = arith.constant 128 : i32
        %add3A_1964 = arith.addi %add3A_1783, %add3A_1963 : i32
        %get3A_1965 = arith.constant 0 : i32
        %get3A_1966 = arith.constant 0 : i32
        %get3A_1967 = tpu.memref_slice %arg7[%rem3A_101, %get3A_1965, %get3A_1966] : memref<2x256x128xf32, #tpu.memory_space<vmem>> -> memref<1x256x128xf32, #tpu.memory_space<vmem>>
        %get3A_1968 = tpu.memref_squeeze %get3A_1967 : memref<1x256x128xf32, #tpu.memory_space<vmem>> -> memref<256x128xf32, #tpu.memory_space<vmem>>
        %get3A_1969 = arith.index_cast %add3A_1964 : i32 to index
        %get3A_1970 = arith.constant 80 : index
        %get3A_1971 = tpu.vector_load %get3A_1968[%get3A_1969, %get3A_1970] {strides = array<i32>} : memref<256x128xf32, #tpu.memory_space<vmem>>, vector<16xf32>,
        %add3A_1972 = arith.constant 128 : i32
        %add3A_1973 = arith.addi %add3A_1783, %add3A_1972 : i32
        %get3A_1974 = arith.constant 0 : i32
        %get3A_1975 = arith.constant 0 : i32
        %get3A_1976 = tpu.memref_slice %arg7[%rem3A_101, %get3A_1974, %get3A_1975] : memref<2x256x128xf32, #tpu.memory_space<vmem>> -> memref<1x256x128xf32, #tpu.memory_space<vmem>>
        %get3A_1977 = tpu.memref_squeeze %get3A_1976 : memref<1x256x128xf32, #tpu.memory_space<vmem>> -> memref<256x128xf32, #tpu.memory_space<vmem>>
        %get3A_1978 = arith.index_cast %add3A_1973 : i32 to index
        %get3A_1979 = arith.constant 112 : index
        %get3A_1980 = tpu.vector_load %get3A_1977[%get3A_1978, %get3A_1979] {strides = array<i32>} : memref<256x128xf32, #tpu.memory_space<vmem>>, vector<16xf32>,
        %mul3A_1981 = arith.mulf %get3A_1923, %gather3A_1792 : vector<16xf32>
        %mul3A_1982 = arith.mulf %mul3A_1981, %gather3A_1800 : vector<16xf32>
        %mul3A_1983 = arith.mulf %get3A_1930, %gather3A_1792 : vector<16xf32>
        %mul3A_1984 = arith.mulf %mul3A_1983, %gather3A_1804 : vector<16xf32>
        %add3A_1985 = arith.addf %mul3A_1982, %mul3A_1984 : vector<16xf32>
        %mul3A_1986 = arith.mulf %get3A_1937, %gather3A_1796 : vector<16xf32>
        %mul3A_1987 = arith.mulf %mul3A_1986, %gather3A_1800 : vector<16xf32>
        %add3A_1988 = arith.addf %add3A_1985, %mul3A_1987 : vector<16xf32>
        %mul3A_1989 = arith.mulf %get3A_1944, %gather3A_1796 : vector<16xf32>
        %mul3A_1990 = arith.mulf %mul3A_1989, %gather3A_1804 : vector<16xf32>
        %add3A_1991 = arith.addf %add3A_1988, %mul3A_1990 : vector<16xf32>
        %mul3A_1992 = arith.mulf %get3A_1953, %gather3A_1808 : vector<16xf32>
        %mul3A_1993 = arith.mulf %mul3A_1992, %gather3A_1816 : vector<16xf32>
        %mul3A_1994 = arith.mulf %get3A_1962, %gather3A_1808 : vector<16xf32>
        %mul3A_1995 = arith.mulf %mul3A_1994, %gather3A_1820 : vector<16xf32>
        %add3A_1996 = arith.addf %mul3A_1993, %mul3A_1995 : vector<16xf32>
        %mul3A_1997 = arith.mulf %get3A_1971, %gather3A_1812 : vector<16xf32>
        %mul3A_1998 = arith.mulf %mul3A_1997, %gather3A_1816 : vector<16xf32>
        %add3A_1999 = arith.addf %add3A_1996, %mul3A_1998 : vector<16xf32>
        %mul3A_2000 = arith.mulf %get3A_1980, %gather3A_1812 : vector<16xf32>
        %mul3A_2001 = arith.mulf %mul3A_2000, %gather3A_1820 : vector<16xf32>
        %add3A_2002 = arith.addf %add3A_1999, %mul3A_2001 : vector<16xf32>
        %add3A_2003 = arith.addf %add3A_1991, %add3A_2002 : vector<16xf32>
        %mul3A_2004 = arith.constant 32 : i32
        %mul3A_2005 = arith.muli %add3A_1786, %mul3A_2004 : i32
        %add3A_2006 = arith.constant 16 : i32
        %add3A_2007 = arith.addi %mul3A_2005, %add3A_2006 : i32
        %swap3A_2008 = arith.constant 0 : i32
        %swap3A_2009 = arith.index_cast %rem3A_103 : i32 to index
        %swap3A_2010 = arith.index_cast %swap3A_2008 : i32 to index
        %swap3A_2011 = arith.index_cast %add3A_2007 : i32 to index
        %swap3A_2012 = tpu.vector_load %arg11[%swap3A_2009, %swap3A_2010, %swap3A_2011] {strides = array<i32>} : memref<2x1x20480xf32, #tpu.memory_space<vmem>>, vector<16xf32>,
        tpu.vector_store %arg11[%swap3A_2009, %swap3A_2010, %swap3A_2011], %add3A_2003 {strides = array<i32>} : memref<2x1x20480xf32, #tpu.memory_space<vmem>>, vector<16xf32>,
        %mul3A_2013 = arith.constant 16 : i32
        %mul3A_2014 = arith.muli %scan3A_150, %mul3A_2013 : i32
        %add3A_2015 = arith.constant 8 : i32
        %add3A_2016 = arith.addi %mul3A_2014, %add3A_2015 : i32
        %mul3A_2017 = arith.constant 128 : i32
        %mul3A_2018 = arith.muli %select_n3A_99, %mul3A_2017 : i32
        %add3A_2019 = arith.addi %mul3A_2018, %add3A_2016 : i32
        %add3A_2020 = vector.broadcast %add3A_2019 : i32 to vector<16xi32>
        %add3A_2021 = arith.addi %broadcast_in_dim3A_136, %add3A_2020 : vector<16xi32>
        %add3A_2022 = arith.constant 0 : i32
        %add3A_2023 = vector.broadcast %add3A_2022 : i32 to vector<16xi32>
        %add3A_2024 = arith.addi %broadcast_in_dim3A_136, %add3A_2023 : vector<16xi32>
        %gather3A_2025 = tpu.vector_load_idx %arg9[%add3A_2024, %add3A_2021] : memref<4x640xf32, #tpu.memory_space<vmem>>[vector<16xi32>, vector<16xi32>], vector<16xf32>,
        %add3A_2026 = arith.constant 1 : i32
        %add3A_2027 = vector.broadcast %add3A_2026 : i32 to vector<16xi32>
        %add3A_2028 = arith.addi %broadcast_in_dim3A_136, %add3A_2027 : vector<16xi32>
        %gather3A_2029 = tpu.vector_load_idx %arg9[%add3A_2028, %add3A_2021] : memref<4x640xf32, #tpu.memory_space<vmem>>[vector<16xi32>, vector<16xi32>], vector<16xf32>,
        %add3A_2030 = arith.constant 2 : i32
        %add3A_2031 = vector.broadcast %add3A_2030 : i32 to vector<16xi32>
        %add3A_2032 = arith.addi %broadcast_in_dim3A_136, %add3A_2031 : vector<16xi32>
        %gather3A_2033 = tpu.vector_load_idx %arg9[%add3A_2032, %add3A_2021] : memref<4x640xf32, #tpu.memory_space<vmem>>[vector<16xi32>, vector<16xi32>], vector<16xf32>,
        %add3A_2034 = arith.constant 3 : i32
        %add3A_2035 = vector.broadcast %add3A_2034 : i32 to vector<16xi32>
        %add3A_2036 = arith.addi %broadcast_in_dim3A_136, %add3A_2035 : vector<16xi32>
        %gather3A_2037 = tpu.vector_load_idx %arg9[%add3A_2036, %add3A_2021] : memref<4x640xf32, #tpu.memory_space<vmem>>[vector<16xi32>, vector<16xi32>], vector<16xf32>,
        %add3A_2038 = arith.constant 0 : i32
        %add3A_2039 = vector.broadcast %add3A_2038 : i32 to vector<16xi32>
        %add3A_2040 = arith.addi %broadcast_in_dim3A_136, %add3A_2039 : vector<16xi32>
        %gather3A_2041 = tpu.vector_load_idx %arg10[%add3A_2040, %add3A_2021] : memref<4x640xf32, #tpu.memory_space<vmem>>[vector<16xi32>, vector<16xi32>], vector<16xf32>,
        %add3A_2042 = arith.constant 1 : i32
        %add3A_2043 = vector.broadcast %add3A_2042 : i32 to vector<16xi32>
        %add3A_2044 = arith.addi %broadcast_in_dim3A_136, %add3A_2043 : vector<16xi32>
        %gather3A_2045 = tpu.vector_load_idx %arg10[%add3A_2044, %add3A_2021] : memref<4x640xf32, #tpu.memory_space<vmem>>[vector<16xi32>, vector<16xi32>], vector<16xf32>,
        %add3A_2046 = arith.constant 2 : i32
        %add3A_2047 = vector.broadcast %add3A_2046 : i32 to vector<16xi32>
        %add3A_2048 = arith.addi %broadcast_in_dim3A_136, %add3A_2047 : vector<16xi32>
        %gather3A_2049 = tpu.vector_load_idx %arg10[%add3A_2048, %add3A_2021] : memref<4x640xf32, #tpu.memory_space<vmem>>[vector<16xi32>, vector<16xi32>], vector<16xf32>,
        %add3A_2050 = arith.constant 3 : i32
        %add3A_2051 = vector.broadcast %add3A_2050 : i32 to vector<16xi32>
        %add3A_2052 = arith.addi %broadcast_in_dim3A_136, %add3A_2051 : vector<16xi32>
        %gather3A_2053 = tpu.vector_load_idx %arg10[%add3A_2052, %add3A_2021] : memref<4x640xf32, #tpu.memory_space<vmem>>[vector<16xi32>, vector<16xi32>], vector<16xf32>,
        %get3A_2054 = arith.constant 0 : i32
        %get3A_2055 = arith.constant 0 : i32
        %get3A_2056 = tpu.memref_slice %arg7[%rem3A_101, %get3A_2054, %get3A_2055] : memref<2x256x128xf32, #tpu.memory_space<vmem>> -> memref<1x256x128xf32, #tpu.memory_space<vmem>>
        %get3A_2057 = tpu.memref_squeeze %get3A_2056 : memref<1x256x128xf32, #tpu.memory_space<vmem>> -> memref<256x128xf32, #tpu.memory_space<vmem>>
        %get3A_2058 = arith.index_cast %add3A_2016 : i32 to index
        %get3A_2059 = arith.constant 0 : index
        %get3A_2060 = tpu.vector_load %get3A_2057[%get3A_2058, %get3A_2059] {strides = array<i32>} : memref<256x128xf32, #tpu.memory_space<vmem>>, vector<16xf32>,
        %get3A_2061 = arith.constant 0 : i32
        %get3A_2062 = arith.constant 0 : i32
        %get3A_2063 = tpu.memref_slice %arg7[%rem3A_101, %get3A_2061, %get3A_2062] : memref<2x256x128xf32, #tpu.memory_space<vmem>> -> memref<1x256x128xf32, #tpu.memory_space<vmem>>
        %get3A_2064 = tpu.memref_squeeze %get3A_2063 : memref<1x256x128xf32, #tpu.memory_space<vmem>> -> memref<256x128xf32, #tpu.memory_space<vmem>>
        %get3A_2065 = arith.index_cast %add3A_2016 : i32 to index
        %get3A_2066 = arith.constant 32 : index
        %get3A_2067 = tpu.vector_load %get3A_2064[%get3A_2065, %get3A_2066] {strides = array<i32>} : memref<256x128xf32, #tpu.memory_space<vmem>>, vector<16xf32>,
        %get3A_2068 = arith.constant 0 : i32
        %get3A_2069 = arith.constant 0 : i32
        %get3A_2070 = tpu.memref_slice %arg7[%rem3A_101, %get3A_2068, %get3A_2069] : memref<2x256x128xf32, #tpu.memory_space<vmem>> -> memref<1x256x128xf32, #tpu.memory_space<vmem>>
        %get3A_2071 = tpu.memref_squeeze %get3A_2070 : memref<1x256x128xf32, #tpu.memory_space<vmem>> -> memref<256x128xf32, #tpu.memory_space<vmem>>
        %get3A_2072 = arith.index_cast %add3A_2016 : i32 to index
        %get3A_2073 = arith.constant 64 : index
        %get3A_2074 = tpu.vector_load %get3A_2071[%get3A_2072, %get3A_2073] {strides = array<i32>} : memref<256x128xf32, #tpu.memory_space<vmem>>, vector<16xf32>,
        %get3A_2075 = arith.constant 0 : i32
        %get3A_2076 = arith.constant 0 : i32
        %get3A_2077 = tpu.memref_slice %arg7[%rem3A_101, %get3A_2075, %get3A_2076] : memref<2x256x128xf32, #tpu.memory_space<vmem>> -> memref<1x256x128xf32, #tpu.memory_space<vmem>>
        %get3A_2078 = tpu.memref_squeeze %get3A_2077 : memref<1x256x128xf32, #tpu.memory_space<vmem>> -> memref<256x128xf32, #tpu.memory_space<vmem>>
        %get3A_2079 = arith.index_cast %add3A_2016 : i32 to index
        %get3A_2080 = arith.constant 96 : index
        %get3A_2081 = tpu.vector_load %get3A_2078[%get3A_2079, %get3A_2080] {strides = array<i32>} : memref<256x128xf32, #tpu.memory_space<vmem>>, vector<16xf32>,
        %add3A_2082 = arith.constant 128 : i32
        %add3A_2083 = arith.addi %add3A_2016, %add3A_2082 : i32
        %get3A_2084 = arith.constant 0 : i32
        %get3A_2085 = arith.constant 0 : i32
        %get3A_2086 = tpu.memref_slice %arg7[%rem3A_101, %get3A_2084, %get3A_2085] : memref<2x256x128xf32, #tpu.memory_space<vmem>> -> memref<1x256x128xf32, #tpu.memory_space<vmem>>
        %get3A_2087 = tpu.memref_squeeze %get3A_2086 : memref<1x256x128xf32, #tpu.memory_space<vmem>> -> memref<256x128xf32, #tpu.memory_space<vmem>>
        %get3A_2088 = arith.index_cast %add3A_2083 : i32 to index
        %get3A_2089 = arith.constant 0 : index
        %get3A_2090 = tpu.vector_load %get3A_2087[%get3A_2088, %get3A_2089] {strides = array<i32>} : memref<256x128xf32, #tpu.memory_space<vmem>>, vector<16xf32>,
        %add3A_2091 = arith.constant 128 : i32
        %add3A_2092 = arith.addi %add3A_2016, %add3A_2091 : i32
        %get3A_2093 = arith.constant 0 : i32
        %get3A_2094 = arith.constant 0 : i32
        %get3A_2095 = tpu.memref_slice %arg7[%rem3A_101, %get3A_2093, %get3A_2094] : memref<2x256x128xf32, #tpu.memory_space<vmem>> -> memref<1x256x128xf32, #tpu.memory_space<vmem>>
        %get3A_2096 = tpu.memref_squeeze %get3A_2095 : memref<1x256x128xf32, #tpu.memory_space<vmem>> -> memref<256x128xf32, #tpu.memory_space<vmem>>
        %get3A_2097 = arith.index_cast %add3A_2092 : i32 to index
        %get3A_2098 = arith.constant 32 : index
        %get3A_2099 = tpu.vector_load %get3A_2096[%get3A_2097, %get3A_2098] {strides = array<i32>} : memref<256x128xf32, #tpu.memory_space<vmem>>, vector<16xf32>,
        %add3A_2100 = arith.constant 128 : i32
        %add3A_2101 = arith.addi %add3A_2016, %add3A_2100 : i32
        %get3A_2102 = arith.constant 0 : i32
        %get3A_2103 = arith.constant 0 : i32
        %get3A_2104 = tpu.memref_slice %arg7[%rem3A_101, %get3A_2102, %get3A_2103] : memref<2x256x128xf32, #tpu.memory_space<vmem>> -> memref<1x256x128xf32, #tpu.memory_space<vmem>>
        %get3A_2105 = tpu.memref_squeeze %get3A_2104 : memref<1x256x128xf32, #tpu.memory_space<vmem>> -> memref<256x128xf32, #tpu.memory_space<vmem>>
        %get3A_2106 = arith.index_cast %add3A_2101 : i32 to index
        %get3A_2107 = arith.constant 64 : index
        %get3A_2108 = tpu.vector_load %get3A_2105[%get3A_2106, %get3A_2107] {strides = array<i32>} : memref<256x128xf32, #tpu.memory_space<vmem>>, vector<16xf32>,
        %add3A_2109 = arith.constant 128 : i32
        %add3A_2110 = arith.addi %add3A_2016, %add3A_2109 : i32
        %get3A_2111 = arith.constant 0 : i32
        %get3A_2112 = arith.constant 0 : i32
        %get3A_2113 = tpu.memref_slice %arg7[%rem3A_101, %get3A_2111, %get3A_2112] : memref<2x256x128xf32, #tpu.memory_space<vmem>> -> memref<1x256x128xf32, #tpu.memory_space<vmem>>
        %get3A_2114 = tpu.memref_squeeze %get3A_2113 : memref<1x256x128xf32, #tpu.memory_space<vmem>> -> memref<256x128xf32, #tpu.memory_space<vmem>>
        %get3A_2115 = arith.index_cast %add3A_2110 : i32 to index
        %get3A_2116 = arith.constant 96 : index
        %get3A_2117 = tpu.vector_load %get3A_2114[%get3A_2115, %get3A_2116] {strides = array<i32>} : memref<256x128xf32, #tpu.memory_space<vmem>>, vector<16xf32>,
        %mul3A_2118 = arith.mulf %get3A_2060, %gather3A_2025 : vector<16xf32>
        %mul3A_2119 = arith.mulf %mul3A_2118, %gather3A_2033 : vector<16xf32>
        %mul3A_2120 = arith.mulf %get3A_2067, %gather3A_2025 : vector<16xf32>
        %mul3A_2121 = arith.mulf %mul3A_2120, %gather3A_2037 : vector<16xf32>
        %add3A_2122 = arith.addf %mul3A_2119, %mul3A_2121 : vector<16xf32>
        %mul3A_2123 = arith.mulf %get3A_2074, %gather3A_2029 : vector<16xf32>
        %mul3A_2124 = arith.mulf %mul3A_2123, %gather3A_2033 : vector<16xf32>
        %add3A_2125 = arith.addf %add3A_2122, %mul3A_2124 : vector<16xf32>
        %mul3A_2126 = arith.mulf %get3A_2081, %gather3A_2029 : vector<16xf32>
        %mul3A_2127 = arith.mulf %mul3A_2126, %gather3A_2037 : vector<16xf32>
        %add3A_2128 = arith.addf %add3A_2125, %mul3A_2127 : vector<16xf32>
        %mul3A_2129 = arith.mulf %get3A_2090, %gather3A_2041 : vector<16xf32>
        %mul3A_2130 = arith.mulf %mul3A_2129, %gather3A_2049 : vector<16xf32>
        %mul3A_2131 = arith.mulf %get3A_2099, %gather3A_2041 : vector<16xf32>
        %mul3A_2132 = arith.mulf %mul3A_2131, %gather3A_2053 : vector<16xf32>
        %add3A_2133 = arith.addf %mul3A_2130, %mul3A_2132 : vector<16xf32>
        %mul3A_2134 = arith.mulf %get3A_2108, %gather3A_2045 : vector<16xf32>
        %mul3A_2135 = arith.mulf %mul3A_2134, %gather3A_2049 : vector<16xf32>
        %add3A_2136 = arith.addf %add3A_2133, %mul3A_2135 : vector<16xf32>
        %mul3A_2137 = arith.mulf %get3A_2117, %gather3A_2045 : vector<16xf32>
        %mul3A_2138 = arith.mulf %mul3A_2137, %gather3A_2053 : vector<16xf32>
        %add3A_2139 = arith.addf %add3A_2136, %mul3A_2138 : vector<16xf32>
        %add3A_2140 = arith.addf %add3A_2128, %add3A_2139 : vector<16xf32>
        %mul3A_2141 = arith.constant 32 : i32
        %mul3A_2142 = arith.muli %add3A_2019, %mul3A_2141 : i32
        %add3A_2143 = arith.constant 0 : i32
        %add3A_2144 = arith.addi %mul3A_2142, %add3A_2143 : i32
        %swap3A_2145 = arith.constant 0 : i32
        %swap3A_2146 = arith.index_cast %rem3A_103 : i32 to index
        %swap3A_2147 = arith.index_cast %swap3A_2145 : i32 to index
        %swap3A_2148 = arith.index_cast %add3A_2144 : i32 to index
        %swap3A_2149 = tpu.vector_load %arg11[%swap3A_2146, %swap3A_2147, %swap3A_2148] {strides = array<i32>} : memref<2x1x20480xf32, #tpu.memory_space<vmem>>, vector<16xf32>,
        tpu.vector_store %arg11[%swap3A_2146, %swap3A_2147, %swap3A_2148], %add3A_2140 {strides = array<i32>} : memref<2x1x20480xf32, #tpu.memory_space<vmem>>, vector<16xf32>,
        %get3A_2150 = arith.constant 0 : i32
        %get3A_2151 = arith.constant 0 : i32
        %get3A_2152 = tpu.memref_slice %arg7[%rem3A_101, %get3A_2150, %get3A_2151] : memref<2x256x128xf32, #tpu.memory_space<vmem>> -> memref<1x256x128xf32, #tpu.memory_space<vmem>>
        %get3A_2153 = tpu.memref_squeeze %get3A_2152 : memref<1x256x128xf32, #tpu.memory_space<vmem>> -> memref<256x128xf32, #tpu.memory_space<vmem>>
        %get3A_2154 = arith.index_cast %add3A_2016 : i32 to index
        %get3A_2155 = arith.constant 16 : index
        %get3A_2156 = tpu.vector_load %get3A_2153[%get3A_2154, %get3A_2155] {strides = array<i32>} : memref<256x128xf32, #tpu.memory_space<vmem>>, vector<16xf32>,
        %get3A_2157 = arith.constant 0 : i32
        %get3A_2158 = arith.constant 0 : i32
        %get3A_2159 = tpu.memref_slice %arg7[%rem3A_101, %get3A_2157, %get3A_2158] : memref<2x256x128xf32, #tpu.memory_space<vmem>> -> memref<1x256x128xf32, #tpu.memory_space<vmem>>
        %get3A_2160 = tpu.memref_squeeze %get3A_2159 : memref<1x256x128xf32, #tpu.memory_space<vmem>> -> memref<256x128xf32, #tpu.memory_space<vmem>>
        %get3A_2161 = arith.index_cast %add3A_2016 : i32 to index
        %get3A_2162 = arith.constant 48 : index
        %get3A_2163 = tpu.vector_load %get3A_2160[%get3A_2161, %get3A_2162] {strides = array<i32>} : memref<256x128xf32, #tpu.memory_space<vmem>>, vector<16xf32>,
        %get3A_2164 = arith.constant 0 : i32
        %get3A_2165 = arith.constant 0 : i32
        %get3A_2166 = tpu.memref_slice %arg7[%rem3A_101, %get3A_2164, %get3A_2165] : memref<2x256x128xf32, #tpu.memory_space<vmem>> -> memref<1x256x128xf32, #tpu.memory_space<vmem>>
        %get3A_2167 = tpu.memref_squeeze %get3A_2166 : memref<1x256x128xf32, #tpu.memory_space<vmem>> -> memref<256x128xf32, #tpu.memory_space<vmem>>
        %get3A_2168 = arith.index_cast %add3A_2016 : i32 to index
        %get3A_2169 = arith.constant 80 : index
        %get3A_2170 = tpu.vector_load %get3A_2167[%get3A_2168, %get3A_2169] {strides = array<i32>} : memref<256x128xf32, #tpu.memory_space<vmem>>, vector<16xf32>,
        %get3A_2171 = arith.constant 0 : i32
        %get3A_2172 = arith.constant 0 : i32
        %get3A_2173 = tpu.memref_slice %arg7[%rem3A_101, %get3A_2171, %get3A_2172] : memref<2x256x128xf32, #tpu.memory_space<vmem>> -> memref<1x256x128xf32, #tpu.memory_space<vmem>>
        %get3A_2174 = tpu.memref_squeeze %get3A_2173 : memref<1x256x128xf32, #tpu.memory_space<vmem>> -> memref<256x128xf32, #tpu.memory_space<vmem>>
        %get3A_2175 = arith.index_cast %add3A_2016 : i32 to index
        %get3A_2176 = arith.constant 112 : index
        %get3A_2177 = tpu.vector_load %get3A_2174[%get3A_2175, %get3A_2176] {strides = array<i32>} : memref<256x128xf32, #tpu.memory_space<vmem>>, vector<16xf32>,
        %add3A_2178 = arith.constant 128 : i32
        %add3A_2179 = arith.addi %add3A_2016, %add3A_2178 : i32
        %get3A_2180 = arith.constant 0 : i32
        %get3A_2181 = arith.constant 0 : i32
        %get3A_2182 = tpu.memref_slice %arg7[%rem3A_101, %get3A_2180, %get3A_2181] : memref<2x256x128xf32, #tpu.memory_space<vmem>> -> memref<1x256x128xf32, #tpu.memory_space<vmem>>
        %get3A_2183 = tpu.memref_squeeze %get3A_2182 : memref<1x256x128xf32, #tpu.memory_space<vmem>> -> memref<256x128xf32, #tpu.memory_space<vmem>>
        %get3A_2184 = arith.index_cast %add3A_2179 : i32 to index
        %get3A_2185 = arith.constant 16 : index
        %get3A_2186 = tpu.vector_load %get3A_2183[%get3A_2184, %get3A_2185] {strides = array<i32>} : memref<256x128xf32, #tpu.memory_space<vmem>>, vector<16xf32>,
        %add3A_2187 = arith.constant 128 : i32
        %add3A_2188 = arith.addi %add3A_2016, %add3A_2187 : i32
        %get3A_2189 = arith.constant 0 : i32
        %get3A_2190 = arith.constant 0 : i32
        %get3A_2191 = tpu.memref_slice %arg7[%rem3A_101, %get3A_2189, %get3A_2190] : memref<2x256x128xf32, #tpu.memory_space<vmem>> -> memref<1x256x128xf32, #tpu.memory_space<vmem>>
        %get3A_2192 = tpu.memref_squeeze %get3A_2191 : memref<1x256x128xf32, #tpu.memory_space<vmem>> -> memref<256x128xf32, #tpu.memory_space<vmem>>
        %get3A_2193 = arith.index_cast %add3A_2188 : i32 to index
        %get3A_2194 = arith.constant 48 : index
        %get3A_2195 = tpu.vector_load %get3A_2192[%get3A_2193, %get3A_2194] {strides = array<i32>} : memref<256x128xf32, #tpu.memory_space<vmem>>, vector<16xf32>,
        %add3A_2196 = arith.constant 128 : i32
        %add3A_2197 = arith.addi %add3A_2016, %add3A_2196 : i32
        %get3A_2198 = arith.constant 0 : i32
        %get3A_2199 = arith.constant 0 : i32
        %get3A_2200 = tpu.memref_slice %arg7[%rem3A_101, %get3A_2198, %get3A_2199] : memref<2x256x128xf32, #tpu.memory_space<vmem>> -> memref<1x256x128xf32, #tpu.memory_space<vmem>>
        %get3A_2201 = tpu.memref_squeeze %get3A_2200 : memref<1x256x128xf32, #tpu.memory_space<vmem>> -> memref<256x128xf32, #tpu.memory_space<vmem>>
        %get3A_2202 = arith.index_cast %add3A_2197 : i32 to index
        %get3A_2203 = arith.constant 80 : index
        %get3A_2204 = tpu.vector_load %get3A_2201[%get3A_2202, %get3A_2203] {strides = array<i32>} : memref<256x128xf32, #tpu.memory_space<vmem>>, vector<16xf32>,
        %add3A_2205 = arith.constant 128 : i32
        %add3A_2206 = arith.addi %add3A_2016, %add3A_2205 : i32
        %get3A_2207 = arith.constant 0 : i32
        %get3A_2208 = arith.constant 0 : i32
        %get3A_2209 = tpu.memref_slice %arg7[%rem3A_101, %get3A_2207, %get3A_2208] : memref<2x256x128xf32, #tpu.memory_space<vmem>> -> memref<1x256x128xf32, #tpu.memory_space<vmem>>
        %get3A_2210 = tpu.memref_squeeze %get3A_2209 : memref<1x256x128xf32, #tpu.memory_space<vmem>> -> memref<256x128xf32, #tpu.memory_space<vmem>>
        %get3A_2211 = arith.index_cast %add3A_2206 : i32 to index
        %get3A_2212 = arith.constant 112 : index
        %get3A_2213 = tpu.vector_load %get3A_2210[%get3A_2211, %get3A_2212] {strides = array<i32>} : memref<256x128xf32, #tpu.memory_space<vmem>>, vector<16xf32>,
        %mul3A_2214 = arith.mulf %get3A_2156, %gather3A_2025 : vector<16xf32>
        %mul3A_2215 = arith.mulf %mul3A_2214, %gather3A_2033 : vector<16xf32>
        %mul3A_2216 = arith.mulf %get3A_2163, %gather3A_2025 : vector<16xf32>
        %mul3A_2217 = arith.mulf %mul3A_2216, %gather3A_2037 : vector<16xf32>
        %add3A_2218 = arith.addf %mul3A_2215, %mul3A_2217 : vector<16xf32>
        %mul3A_2219 = arith.mulf %get3A_2170, %gather3A_2029 : vector<16xf32>
        %mul3A_2220 = arith.mulf %mul3A_2219, %gather3A_2033 : vector<16xf32>
        %add3A_2221 = arith.addf %add3A_2218, %mul3A_2220 : vector<16xf32>
        %mul3A_2222 = arith.mulf %get3A_2177, %gather3A_2029 : vector<16xf32>
        %mul3A_2223 = arith.mulf %mul3A_2222, %gather3A_2037 : vector<16xf32>
        %add3A_2224 = arith.addf %add3A_2221, %mul3A_2223 : vector<16xf32>
        %mul3A_2225 = arith.mulf %get3A_2186, %gather3A_2041 : vector<16xf32>
        %mul3A_2226 = arith.mulf %mul3A_2225, %gather3A_2049 : vector<16xf32>
        %mul3A_2227 = arith.mulf %get3A_2195, %gather3A_2041 : vector<16xf32>
        %mul3A_2228 = arith.mulf %mul3A_2227, %gather3A_2053 : vector<16xf32>
        %add3A_2229 = arith.addf %mul3A_2226, %mul3A_2228 : vector<16xf32>
        %mul3A_2230 = arith.mulf %get3A_2204, %gather3A_2045 : vector<16xf32>
        %mul3A_2231 = arith.mulf %mul3A_2230, %gather3A_2049 : vector<16xf32>
        %add3A_2232 = arith.addf %add3A_2229, %mul3A_2231 : vector<16xf32>
        %mul3A_2233 = arith.mulf %get3A_2213, %gather3A_2045 : vector<16xf32>
        %mul3A_2234 = arith.mulf %mul3A_2233, %gather3A_2053 : vector<16xf32>
        %add3A_2235 = arith.addf %add3A_2232, %mul3A_2234 : vector<16xf32>
        %add3A_2236 = arith.addf %add3A_2224, %add3A_2235 : vector<16xf32>
        %mul3A_2237 = arith.constant 32 : i32
        %mul3A_2238 = arith.muli %add3A_2019, %mul3A_2237 : i32
        %add3A_2239 = arith.constant 16 : i32
        %add3A_2240 = arith.addi %mul3A_2238, %add3A_2239 : i32
        %swap3A_2241 = arith.constant 0 : i32
        %swap3A_2242 = arith.index_cast %rem3A_103 : i32 to index
        %swap3A_2243 = arith.index_cast %swap3A_2241 : i32 to index
        %swap3A_2244 = arith.index_cast %add3A_2240 : i32 to index
        %swap3A_2245 = tpu.vector_load %arg11[%swap3A_2242, %swap3A_2243, %swap3A_2244] {strides = array<i32>} : memref<2x1x20480xf32, #tpu.memory_space<vmem>>, vector<16xf32>,
        tpu.vector_store %arg11[%swap3A_2242, %swap3A_2243, %swap3A_2244], %add3A_2236 {strides = array<i32>} : memref<2x1x20480xf32, #tpu.memory_space<vmem>>, vector<16xf32>,
        %mul3A_2246 = arith.constant 16 : i32
        %mul3A_2247 = arith.muli %scan3A_150, %mul3A_2246 : i32
        %add3A_2248 = arith.constant 9 : i32
        %add3A_2249 = arith.addi %mul3A_2247, %add3A_2248 : i32
        %mul3A_2250 = arith.constant 128 : i32
        %mul3A_2251 = arith.muli %select_n3A_99, %mul3A_2250 : i32
        %add3A_2252 = arith.addi %mul3A_2251, %add3A_2249 : i32
        %add3A_2253 = vector.broadcast %add3A_2252 : i32 to vector<16xi32>
        %add3A_2254 = arith.addi %broadcast_in_dim3A_136, %add3A_2253 : vector<16xi32>
        %add3A_2255 = arith.constant 0 : i32
        %add3A_2256 = vector.broadcast %add3A_2255 : i32 to vector<16xi32>
        %add3A_2257 = arith.addi %broadcast_in_dim3A_136, %add3A_2256 : vector<16xi32>
        %gather3A_2258 = tpu.vector_load_idx %arg9[%add3A_2257, %add3A_2254] : memref<4x640xf32, #tpu.memory_space<vmem>>[vector<16xi32>, vector<16xi32>], vector<16xf32>,
        %add3A_2259 = arith.constant 1 : i32
        %add3A_2260 = vector.broadcast %add3A_2259 : i32 to vector<16xi32>
        %add3A_2261 = arith.addi %broadcast_in_dim3A_136, %add3A_2260 : vector<16xi32>
        %gather3A_2262 = tpu.vector_load_idx %arg9[%add3A_2261, %add3A_2254] : memref<4x640xf32, #tpu.memory_space<vmem>>[vector<16xi32>, vector<16xi32>], vector<16xf32>,
        %add3A_2263 = arith.constant 2 : i32
        %add3A_2264 = vector.broadcast %add3A_2263 : i32 to vector<16xi32>
        %add3A_2265 = arith.addi %broadcast_in_dim3A_136, %add3A_2264 : vector<16xi32>
        %gather3A_2266 = tpu.vector_load_idx %arg9[%add3A_2265, %add3A_2254] : memref<4x640xf32, #tpu.memory_space<vmem>>[vector<16xi32>, vector<16xi32>], vector<16xf32>,
        %add3A_2267 = arith.constant 3 : i32
        %add3A_2268 = vector.broadcast %add3A_2267 : i32 to vector<16xi32>
        %add3A_2269 = arith.addi %broadcast_in_dim3A_136, %add3A_2268 : vector<16xi32>
        %gather3A_2270 = tpu.vector_load_idx %arg9[%add3A_2269, %add3A_2254] : memref<4x640xf32, #tpu.memory_space<vmem>>[vector<16xi32>, vector<16xi32>], vector<16xf32>,
        %add3A_2271 = arith.constant 0 : i32
        %add3A_2272 = vector.broadcast %add3A_2271 : i32 to vector<16xi32>
        %add3A_2273 = arith.addi %broadcast_in_dim3A_136, %add3A_2272 : vector<16xi32>
        %gather3A_2274 = tpu.vector_load_idx %arg10[%add3A_2273, %add3A_2254] : memref<4x640xf32, #tpu.memory_space<vmem>>[vector<16xi32>, vector<16xi32>], vector<16xf32>,
        %add3A_2275 = arith.constant 1 : i32
        %add3A_2276 = vector.broadcast %add3A_2275 : i32 to vector<16xi32>
        %add3A_2277 = arith.addi %broadcast_in_dim3A_136, %add3A_2276 : vector<16xi32>
        %gather3A_2278 = tpu.vector_load_idx %arg10[%add3A_2277, %add3A_2254] : memref<4x640xf32, #tpu.memory_space<vmem>>[vector<16xi32>, vector<16xi32>], vector<16xf32>,
        %add3A_2279 = arith.constant 2 : i32
        %add3A_2280 = vector.broadcast %add3A_2279 : i32 to vector<16xi32>
        %add3A_2281 = arith.addi %broadcast_in_dim3A_136, %add3A_2280 : vector<16xi32>
        %gather3A_2282 = tpu.vector_load_idx %arg10[%add3A_2281, %add3A_2254] : memref<4x640xf32, #tpu.memory_space<vmem>>[vector<16xi32>, vector<16xi32>], vector<16xf32>,
        %add3A_2283 = arith.constant 3 : i32
        %add3A_2284 = vector.broadcast %add3A_2283 : i32 to vector<16xi32>
        %add3A_2285 = arith.addi %broadcast_in_dim3A_136, %add3A_2284 : vector<16xi32>
        %gather3A_2286 = tpu.vector_load_idx %arg10[%add3A_2285, %add3A_2254] : memref<4x640xf32, #tpu.memory_space<vmem>>[vector<16xi32>, vector<16xi32>], vector<16xf32>,
        %get3A_2287 = arith.constant 0 : i32
        %get3A_2288 = arith.constant 0 : i32
        %get3A_2289 = tpu.memref_slice %arg7[%rem3A_101, %get3A_2287, %get3A_2288] : memref<2x256x128xf32, #tpu.memory_space<vmem>> -> memref<1x256x128xf32, #tpu.memory_space<vmem>>
        %get3A_2290 = tpu.memref_squeeze %get3A_2289 : memref<1x256x128xf32, #tpu.memory_space<vmem>> -> memref<256x128xf32, #tpu.memory_space<vmem>>
        %get3A_2291 = arith.index_cast %add3A_2249 : i32 to index
        %get3A_2292 = arith.constant 0 : index
        %get3A_2293 = tpu.vector_load %get3A_2290[%get3A_2291, %get3A_2292] {strides = array<i32>} : memref<256x128xf32, #tpu.memory_space<vmem>>, vector<16xf32>,
        %get3A_2294 = arith.constant 0 : i32
        %get3A_2295 = arith.constant 0 : i32
        %get3A_2296 = tpu.memref_slice %arg7[%rem3A_101, %get3A_2294, %get3A_2295] : memref<2x256x128xf32, #tpu.memory_space<vmem>> -> memref<1x256x128xf32, #tpu.memory_space<vmem>>
        %get3A_2297 = tpu.memref_squeeze %get3A_2296 : memref<1x256x128xf32, #tpu.memory_space<vmem>> -> memref<256x128xf32, #tpu.memory_space<vmem>>
        %get3A_2298 = arith.index_cast %add3A_2249 : i32 to index
        %get3A_2299 = arith.constant 32 : index
        %get3A_2300 = tpu.vector_load %get3A_2297[%get3A_2298, %get3A_2299] {strides = array<i32>} : memref<256x128xf32, #tpu.memory_space<vmem>>, vector<16xf32>,
        %get3A_2301 = arith.constant 0 : i32
        %get3A_2302 = arith.constant 0 : i32
        %get3A_2303 = tpu.memref_slice %arg7[%rem3A_101, %get3A_2301, %get3A_2302] : memref<2x256x128xf32, #tpu.memory_space<vmem>> -> memref<1x256x128xf32, #tpu.memory_space<vmem>>
        %get3A_2304 = tpu.memref_squeeze %get3A_2303 : memref<1x256x128xf32, #tpu.memory_space<vmem>> -> memref<256x128xf32, #tpu.memory_space<vmem>>
        %get3A_2305 = arith.index_cast %add3A_2249 : i32 to index
        %get3A_2306 = arith.constant 64 : index
        %get3A_2307 = tpu.vector_load %get3A_2304[%get3A_2305, %get3A_2306] {strides = array<i32>} : memref<256x128xf32, #tpu.memory_space<vmem>>, vector<16xf32>,
        %get3A_2308 = arith.constant 0 : i32
        %get3A_2309 = arith.constant 0 : i32
        %get3A_2310 = tpu.memref_slice %arg7[%rem3A_101, %get3A_2308, %get3A_2309] : memref<2x256x128xf32, #tpu.memory_space<vmem>> -> memref<1x256x128xf32, #tpu.memory_space<vmem>>
        %get3A_2311 = tpu.memref_squeeze %get3A_2310 : memref<1x256x128xf32, #tpu.memory_space<vmem>> -> memref<256x128xf32, #tpu.memory_space<vmem>>
        %get3A_2312 = arith.index_cast %add3A_2249 : i32 to index
        %get3A_2313 = arith.constant 96 : index
        %get3A_2314 = tpu.vector_load %get3A_2311[%get3A_2312, %get3A_2313] {strides = array<i32>} : memref<256x128xf32, #tpu.memory_space<vmem>>, vector<16xf32>,
        %add3A_2315 = arith.constant 128 : i32
        %add3A_2316 = arith.addi %add3A_2249, %add3A_2315 : i32
        %get3A_2317 = arith.constant 0 : i32
        %get3A_2318 = arith.constant 0 : i32
        %get3A_2319 = tpu.memref_slice %arg7[%rem3A_101, %get3A_2317, %get3A_2318] : memref<2x256x128xf32, #tpu.memory_space<vmem>> -> memref<1x256x128xf32, #tpu.memory_space<vmem>>
        %get3A_2320 = tpu.memref_squeeze %get3A_2319 : memref<1x256x128xf32, #tpu.memory_space<vmem>> -> memref<256x128xf32, #tpu.memory_space<vmem>>
        %get3A_2321 = arith.index_cast %add3A_2316 : i32 to index
        %get3A_2322 = arith.constant 0 : index
        %get3A_2323 = tpu.vector_load %get3A_2320[%get3A_2321, %get3A_2322] {strides = array<i32>} : memref<256x128xf32, #tpu.memory_space<vmem>>, vector<16xf32>,
        %add3A_2324 = arith.constant 128 : i32
        %add3A_2325 = arith.addi %add3A_2249, %add3A_2324 : i32
        %get3A_2326 = arith.constant 0 : i32
        %get3A_2327 = arith.constant 0 : i32
        %get3A_2328 = tpu.memref_slice %arg7[%rem3A_101, %get3A_2326, %get3A_2327] : memref<2x256x128xf32, #tpu.memory_space<vmem>> -> memref<1x256x128xf32, #tpu.memory_space<vmem>>
        %get3A_2329 = tpu.memref_squeeze %get3A_2328 : memref<1x256x128xf32, #tpu.memory_space<vmem>> -> memref<256x128xf32, #tpu.memory_space<vmem>>
        %get3A_2330 = arith.index_cast %add3A_2325 : i32 to index
        %get3A_2331 = arith.constant 32 : index
        %get3A_2332 = tpu.vector_load %get3A_2329[%get3A_2330, %get3A_2331] {strides = array<i32>} : memref<256x128xf32, #tpu.memory_space<vmem>>, vector<16xf32>,
        %add3A_2333 = arith.constant 128 : i32
        %add3A_2334 = arith.addi %add3A_2249, %add3A_2333 : i32
        %get3A_2335 = arith.constant 0 : i32
        %get3A_2336 = arith.constant 0 : i32
        %get3A_2337 = tpu.memref_slice %arg7[%rem3A_101, %get3A_2335, %get3A_2336] : memref<2x256x128xf32, #tpu.memory_space<vmem>> -> memref<1x256x128xf32, #tpu.memory_space<vmem>>
        %get3A_2338 = tpu.memref_squeeze %get3A_2337 : memref<1x256x128xf32, #tpu.memory_space<vmem>> -> memref<256x128xf32, #tpu.memory_space<vmem>>
        %get3A_2339 = arith.index_cast %add3A_2334 : i32 to index
        %get3A_2340 = arith.constant 64 : index
        %get3A_2341 = tpu.vector_load %get3A_2338[%get3A_2339, %get3A_2340] {strides = array<i32>} : memref<256x128xf32, #tpu.memory_space<vmem>>, vector<16xf32>,
        %add3A_2342 = arith.constant 128 : i32
        %add3A_2343 = arith.addi %add3A_2249, %add3A_2342 : i32
        %get3A_2344 = arith.constant 0 : i32
        %get3A_2345 = arith.constant 0 : i32
        %get3A_2346 = tpu.memref_slice %arg7[%rem3A_101, %get3A_2344, %get3A_2345] : memref<2x256x128xf32, #tpu.memory_space<vmem>> -> memref<1x256x128xf32, #tpu.memory_space<vmem>>
        %get3A_2347 = tpu.memref_squeeze %get3A_2346 : memref<1x256x128xf32, #tpu.memory_space<vmem>> -> memref<256x128xf32, #tpu.memory_space<vmem>>
        %get3A_2348 = arith.index_cast %add3A_2343 : i32 to index
        %get3A_2349 = arith.constant 96 : index
        %get3A_2350 = tpu.vector_load %get3A_2347[%get3A_2348, %get3A_2349] {strides = array<i32>} : memref<256x128xf32, #tpu.memory_space<vmem>>, vector<16xf32>,
        %mul3A_2351 = arith.mulf %get3A_2293, %gather3A_2258 : vector<16xf32>
        %mul3A_2352 = arith.mulf %mul3A_2351, %gather3A_2266 : vector<16xf32>
        %mul3A_2353 = arith.mulf %get3A_2300, %gather3A_2258 : vector<16xf32>
        %mul3A_2354 = arith.mulf %mul3A_2353, %gather3A_2270 : vector<16xf32>
        %add3A_2355 = arith.addf %mul3A_2352, %mul3A_2354 : vector<16xf32>
        %mul3A_2356 = arith.mulf %get3A_2307, %gather3A_2262 : vector<16xf32>
        %mul3A_2357 = arith.mulf %mul3A_2356, %gather3A_2266 : vector<16xf32>
        %add3A_2358 = arith.addf %add3A_2355, %mul3A_2357 : vector<16xf32>
        %mul3A_2359 = arith.mulf %get3A_2314, %gather3A_2262 : vector<16xf32>
        %mul3A_2360 = arith.mulf %mul3A_2359, %gather3A_2270 : vector<16xf32>
        %add3A_2361 = arith.addf %add3A_2358, %mul3A_2360 : vector<16xf32>
        %mul3A_2362 = arith.mulf %get3A_2323, %gather3A_2274 : vector<16xf32>
        %mul3A_2363 = arith.mulf %mul3A_2362, %gather3A_2282 : vector<16xf32>
        %mul3A_2364 = arith.mulf %get3A_2332, %gather3A_2274 : vector<16xf32>
        %mul3A_2365 = arith.mulf %mul3A_2364, %gather3A_2286 : vector<16xf32>
        %add3A_2366 = arith.addf %mul3A_2363, %mul3A_2365 : vector<16xf32>
        %mul3A_2367 = arith.mulf %get3A_2341, %gather3A_2278 : vector<16xf32>
        %mul3A_2368 = arith.mulf %mul3A_2367, %gather3A_2282 : vector<16xf32>
        %add3A_2369 = arith.addf %add3A_2366, %mul3A_2368 : vector<16xf32>
        %mul3A_2370 = arith.mulf %get3A_2350, %gather3A_2278 : vector<16xf32>
        %mul3A_2371 = arith.mulf %mul3A_2370, %gather3A_2286 : vector<16xf32>
        %add3A_2372 = arith.addf %add3A_2369, %mul3A_2371 : vector<16xf32>
        %add3A_2373 = arith.addf %add3A_2361, %add3A_2372 : vector<16xf32>
        %mul3A_2374 = arith.constant 32 : i32
        %mul3A_2375 = arith.muli %add3A_2252, %mul3A_2374 : i32
        %add3A_2376 = arith.constant 0 : i32
        %add3A_2377 = arith.addi %mul3A_2375, %add3A_2376 : i32
        %swap3A_2378 = arith.constant 0 : i32
        %swap3A_2379 = arith.index_cast %rem3A_103 : i32 to index
        %swap3A_2380 = arith.index_cast %swap3A_2378 : i32 to index
        %swap3A_2381 = arith.index_cast %add3A_2377 : i32 to index
        %swap3A_2382 = tpu.vector_load %arg11[%swap3A_2379, %swap3A_2380, %swap3A_2381] {strides = array<i32>} : memref<2x1x20480xf32, #tpu.memory_space<vmem>>, vector<16xf32>,
        tpu.vector_store %arg11[%swap3A_2379, %swap3A_2380, %swap3A_2381], %add3A_2373 {strides = array<i32>} : memref<2x1x20480xf32, #tpu.memory_space<vmem>>, vector<16xf32>,
        %get3A_2383 = arith.constant 0 : i32
        %get3A_2384 = arith.constant 0 : i32
        %get3A_2385 = tpu.memref_slice %arg7[%rem3A_101, %get3A_2383, %get3A_2384] : memref<2x256x128xf32, #tpu.memory_space<vmem>> -> memref<1x256x128xf32, #tpu.memory_space<vmem>>
        %get3A_2386 = tpu.memref_squeeze %get3A_2385 : memref<1x256x128xf32, #tpu.memory_space<vmem>> -> memref<256x128xf32, #tpu.memory_space<vmem>>
        %get3A_2387 = arith.index_cast %add3A_2249 : i32 to index
        %get3A_2388 = arith.constant 16 : index
        %get3A_2389 = tpu.vector_load %get3A_2386[%get3A_2387, %get3A_2388] {strides = array<i32>} : memref<256x128xf32, #tpu.memory_space<vmem>>, vector<16xf32>,
        %get3A_2390 = arith.constant 0 : i32
        %get3A_2391 = arith.constant 0 : i32
        %get3A_2392 = tpu.memref_slice %arg7[%rem3A_101, %get3A_2390, %get3A_2391] : memref<2x256x128xf32, #tpu.memory_space<vmem>> -> memref<1x256x128xf32, #tpu.memory_space<vmem>>
        %get3A_2393 = tpu.memref_squeeze %get3A_2392 : memref<1x256x128xf32, #tpu.memory_space<vmem>> -> memref<256x128xf32, #tpu.memory_space<vmem>>
        %get3A_2394 = arith.index_cast %add3A_2249 : i32 to index
        %get3A_2395 = arith.constant 48 : index
        %get3A_2396 = tpu.vector_load %get3A_2393[%get3A_2394, %get3A_2395] {strides = array<i32>} : memref<256x128xf32, #tpu.memory_space<vmem>>, vector<16xf32>,
        %get3A_2397 = arith.constant 0 : i32
        %get3A_2398 = arith.constant 0 : i32
        %get3A_2399 = tpu.memref_slice %arg7[%rem3A_101, %get3A_2397, %get3A_2398] : memref<2x256x128xf32, #tpu.memory_space<vmem>> -> memref<1x256x128xf32, #tpu.memory_space<vmem>>
        %get3A_2400 = tpu.memref_squeeze %get3A_2399 : memref<1x256x128xf32, #tpu.memory_space<vmem>> -> memref<256x128xf32, #tpu.memory_space<vmem>>
        %get3A_2401 = arith.index_cast %add3A_2249 : i32 to index
        %get3A_2402 = arith.constant 80 : index
        %get3A_2403 = tpu.vector_load %get3A_2400[%get3A_2401, %get3A_2402] {strides = array<i32>} : memref<256x128xf32, #tpu.memory_space<vmem>>, vector<16xf32>,
        %get3A_2404 = arith.constant 0 : i32
        %get3A_2405 = arith.constant 0 : i32
        %get3A_2406 = tpu.memref_slice %arg7[%rem3A_101, %get3A_2404, %get3A_2405] : memref<2x256x128xf32, #tpu.memory_space<vmem>> -> memref<1x256x128xf32, #tpu.memory_space<vmem>>
        %get3A_2407 = tpu.memref_squeeze %get3A_2406 : memref<1x256x128xf32, #tpu.memory_space<vmem>> -> memref<256x128xf32, #tpu.memory_space<vmem>>
        %get3A_2408 = arith.index_cast %add3A_2249 : i32 to index
        %get3A_2409 = arith.constant 112 : index
        %get3A_2410 = tpu.vector_load %get3A_2407[%get3A_2408, %get3A_2409] {strides = array<i32>} : memref<256x128xf32, #tpu.memory_space<vmem>>, vector<16xf32>,
        %add3A_2411 = arith.constant 128 : i32
        %add3A_2412 = arith.addi %add3A_2249, %add3A_2411 : i32
        %get3A_2413 = arith.constant 0 : i32
        %get3A_2414 = arith.constant 0 : i32
        %get3A_2415 = tpu.memref_slice %arg7[%rem3A_101, %get3A_2413, %get3A_2414] : memref<2x256x128xf32, #tpu.memory_space<vmem>> -> memref<1x256x128xf32, #tpu.memory_space<vmem>>
        %get3A_2416 = tpu.memref_squeeze %get3A_2415 : memref<1x256x128xf32, #tpu.memory_space<vmem>> -> memref<256x128xf32, #tpu.memory_space<vmem>>
        %get3A_2417 = arith.index_cast %add3A_2412 : i32 to index
        %get3A_2418 = arith.constant 16 : index
        %get3A_2419 = tpu.vector_load %get3A_2416[%get3A_2417, %get3A_2418] {strides = array<i32>} : memref<256x128xf32, #tpu.memory_space<vmem>>, vector<16xf32>,
        %add3A_2420 = arith.constant 128 : i32
        %add3A_2421 = arith.addi %add3A_2249, %add3A_2420 : i32
        %get3A_2422 = arith.constant 0 : i32
        %get3A_2423 = arith.constant 0 : i32
        %get3A_2424 = tpu.memref_slice %arg7[%rem3A_101, %get3A_2422, %get3A_2423] : memref<2x256x128xf32, #tpu.memory_space<vmem>> -> memref<1x256x128xf32, #tpu.memory_space<vmem>>
        %get3A_2425 = tpu.memref_squeeze %get3A_2424 : memref<1x256x128xf32, #tpu.memory_space<vmem>> -> memref<256x128xf32, #tpu.memory_space<vmem>>
        %get3A_2426 = arith.index_cast %add3A_2421 : i32 to index
        %get3A_2427 = arith.constant 48 : index
        %get3A_2428 = tpu.vector_load %get3A_2425[%get3A_2426, %get3A_2427] {strides = array<i32>} : memref<256x128xf32, #tpu.memory_space<vmem>>, vector<16xf32>,
        %add3A_2429 = arith.constant 128 : i32
        %add3A_2430 = arith.addi %add3A_2249, %add3A_2429 : i32
        %get3A_2431 = arith.constant 0 : i32
        %get3A_2432 = arith.constant 0 : i32
        %get3A_2433 = tpu.memref_slice %arg7[%rem3A_101, %get3A_2431, %get3A_2432] : memref<2x256x128xf32, #tpu.memory_space<vmem>> -> memref<1x256x128xf32, #tpu.memory_space<vmem>>
        %get3A_2434 = tpu.memref_squeeze %get3A_2433 : memref<1x256x128xf32, #tpu.memory_space<vmem>> -> memref<256x128xf32, #tpu.memory_space<vmem>>
        %get3A_2435 = arith.index_cast %add3A_2430 : i32 to index
        %get3A_2436 = arith.constant 80 : index
        %get3A_2437 = tpu.vector_load %get3A_2434[%get3A_2435, %get3A_2436] {strides = array<i32>} : memref<256x128xf32, #tpu.memory_space<vmem>>, vector<16xf32>,
        %add3A_2438 = arith.constant 128 : i32
        %add3A_2439 = arith.addi %add3A_2249, %add3A_2438 : i32
        %get3A_2440 = arith.constant 0 : i32
        %get3A_2441 = arith.constant 0 : i32
        %get3A_2442 = tpu.memref_slice %arg7[%rem3A_101, %get3A_2440, %get3A_2441] : memref<2x256x128xf32, #tpu.memory_space<vmem>> -> memref<1x256x128xf32, #tpu.memory_space<vmem>>
        %get3A_2443 = tpu.memref_squeeze %get3A_2442 : memref<1x256x128xf32, #tpu.memory_space<vmem>> -> memref<256x128xf32, #tpu.memory_space<vmem>>
        %get3A_2444 = arith.index_cast %add3A_2439 : i32 to index
        %get3A_2445 = arith.constant 112 : index
        %get3A_2446 = tpu.vector_load %get3A_2443[%get3A_2444, %get3A_2445] {strides = array<i32>} : memref<256x128xf32, #tpu.memory_space<vmem>>, vector<16xf32>,
        %mul3A_2447 = arith.mulf %get3A_2389, %gather3A_2258 : vector<16xf32>
        %mul3A_2448 = arith.mulf %mul3A_2447, %gather3A_2266 : vector<16xf32>
        %mul3A_2449 = arith.mulf %get3A_2396, %gather3A_2258 : vector<16xf32>
        %mul3A_2450 = arith.mulf %mul3A_2449, %gather3A_2270 : vector<16xf32>
        %add3A_2451 = arith.addf %mul3A_2448, %mul3A_2450 : vector<16xf32>
        %mul3A_2452 = arith.mulf %get3A_2403, %gather3A_2262 : vector<16xf32>
        %mul3A_2453 = arith.mulf %mul3A_2452, %gather3A_2266 : vector<16xf32>
        %add3A_2454 = arith.addf %add3A_2451, %mul3A_2453 : vector<16xf32>
        %mul3A_2455 = arith.mulf %get3A_2410, %gather3A_2262 : vector<16xf32>
        %mul3A_2456 = arith.mulf %mul3A_2455, %gather3A_2270 : vector<16xf32>
        %add3A_2457 = arith.addf %add3A_2454, %mul3A_2456 : vector<16xf32>
        %mul3A_2458 = arith.mulf %get3A_2419, %gather3A_2274 : vector<16xf32>
        %mul3A_2459 = arith.mulf %mul3A_2458, %gather3A_2282 : vector<16xf32>
        %mul3A_2460 = arith.mulf %get3A_2428, %gather3A_2274 : vector<16xf32>
        %mul3A_2461 = arith.mulf %mul3A_2460, %gather3A_2286 : vector<16xf32>
        %add3A_2462 = arith.addf %mul3A_2459, %mul3A_2461 : vector<16xf32>
        %mul3A_2463 = arith.mulf %get3A_2437, %gather3A_2278 : vector<16xf32>
        %mul3A_2464 = arith.mulf %mul3A_2463, %gather3A_2282 : vector<16xf32>
        %add3A_2465 = arith.addf %add3A_2462, %mul3A_2464 : vector<16xf32>
        %mul3A_2466 = arith.mulf %get3A_2446, %gather3A_2278 : vector<16xf32>
        %mul3A_2467 = arith.mulf %mul3A_2466, %gather3A_2286 : vector<16xf32>
        %add3A_2468 = arith.addf %add3A_2465, %mul3A_2467 : vector<16xf32>
        %add3A_2469 = arith.addf %add3A_2457, %add3A_2468 : vector<16xf32>
        %mul3A_2470 = arith.constant 32 : i32
        %mul3A_2471 = arith.muli %add3A_2252, %mul3A_2470 : i32
        %add3A_2472 = arith.constant 16 : i32
        %add3A_2473 = arith.addi %mul3A_2471, %add3A_2472 : i32
        %swap3A_2474 = arith.constant 0 : i32
        %swap3A_2475 = arith.index_cast %rem3A_103 : i32 to index
        %swap3A_2476 = arith.index_cast %swap3A_2474 : i32 to index
        %swap3A_2477 = arith.index_cast %add3A_2473 : i32 to index
        %swap3A_2478 = tpu.vector_load %arg11[%swap3A_2475, %swap3A_2476, %swap3A_2477] {strides = array<i32>} : memref<2x1x20480xf32, #tpu.memory_space<vmem>>, vector<16xf32>,
        tpu.vector_store %arg11[%swap3A_2475, %swap3A_2476, %swap3A_2477], %add3A_2469 {strides = array<i32>} : memref<2x1x20480xf32, #tpu.memory_space<vmem>>, vector<16xf32>,
        %mul3A_2479 = arith.constant 16 : i32
        %mul3A_2480 = arith.muli %scan3A_150, %mul3A_2479 : i32
        %add3A_2481 = arith.constant 10 : i32
        %add3A_2482 = arith.addi %mul3A_2480, %add3A_2481 : i32
        %mul3A_2483 = arith.constant 128 : i32
        %mul3A_2484 = arith.muli %select_n3A_99, %mul3A_2483 : i32
        %add3A_2485 = arith.addi %mul3A_2484, %add3A_2482 : i32
        %add3A_2486 = vector.broadcast %add3A_2485 : i32 to vector<16xi32>
        %add3A_2487 = arith.addi %broadcast_in_dim3A_136, %add3A_2486 : vector<16xi32>
        %add3A_2488 = arith.constant 0 : i32
        %add3A_2489 = vector.broadcast %add3A_2488 : i32 to vector<16xi32>
        %add3A_2490 = arith.addi %broadcast_in_dim3A_136, %add3A_2489 : vector<16xi32>
        %gather3A_2491 = tpu.vector_load_idx %arg9[%add3A_2490, %add3A_2487] : memref<4x640xf32, #tpu.memory_space<vmem>>[vector<16xi32>, vector<16xi32>], vector<16xf32>,
        %add3A_2492 = arith.constant 1 : i32
        %add3A_2493 = vector.broadcast %add3A_2492 : i32 to vector<16xi32>
        %add3A_2494 = arith.addi %broadcast_in_dim3A_136, %add3A_2493 : vector<16xi32>
        %gather3A_2495 = tpu.vector_load_idx %arg9[%add3A_2494, %add3A_2487] : memref<4x640xf32, #tpu.memory_space<vmem>>[vector<16xi32>, vector<16xi32>], vector<16xf32>,
        %add3A_2496 = arith.constant 2 : i32
        %add3A_2497 = vector.broadcast %add3A_2496 : i32 to vector<16xi32>
        %add3A_2498 = arith.addi %broadcast_in_dim3A_136, %add3A_2497 : vector<16xi32>
        %gather3A_2499 = tpu.vector_load_idx %arg9[%add3A_2498, %add3A_2487] : memref<4x640xf32, #tpu.memory_space<vmem>>[vector<16xi32>, vector<16xi32>], vector<16xf32>,
        %add3A_2500 = arith.constant 3 : i32
        %add3A_2501 = vector.broadcast %add3A_2500 : i32 to vector<16xi32>
        %add3A_2502 = arith.addi %broadcast_in_dim3A_136, %add3A_2501 : vector<16xi32>
        %gather3A_2503 = tpu.vector_load_idx %arg9[%add3A_2502, %add3A_2487] : memref<4x640xf32, #tpu.memory_space<vmem>>[vector<16xi32>, vector<16xi32>], vector<16xf32>,
        %add3A_2504 = arith.constant 0 : i32
        %add3A_2505 = vector.broadcast %add3A_2504 : i32 to vector<16xi32>
        %add3A_2506 = arith.addi %broadcast_in_dim3A_136, %add3A_2505 : vector<16xi32>
        %gather3A_2507 = tpu.vector_load_idx %arg10[%add3A_2506, %add3A_2487] : memref<4x640xf32, #tpu.memory_space<vmem>>[vector<16xi32>, vector<16xi32>], vector<16xf32>,
        %add3A_2508 = arith.constant 1 : i32
        %add3A_2509 = vector.broadcast %add3A_2508 : i32 to vector<16xi32>
        %add3A_2510 = arith.addi %broadcast_in_dim3A_136, %add3A_2509 : vector<16xi32>
        %gather3A_2511 = tpu.vector_load_idx %arg10[%add3A_2510, %add3A_2487] : memref<4x640xf32, #tpu.memory_space<vmem>>[vector<16xi32>, vector<16xi32>], vector<16xf32>,
        %add3A_2512 = arith.constant 2 : i32
        %add3A_2513 = vector.broadcast %add3A_2512 : i32 to vector<16xi32>
        %add3A_2514 = arith.addi %broadcast_in_dim3A_136, %add3A_2513 : vector<16xi32>
        %gather3A_2515 = tpu.vector_load_idx %arg10[%add3A_2514, %add3A_2487] : memref<4x640xf32, #tpu.memory_space<vmem>>[vector<16xi32>, vector<16xi32>], vector<16xf32>,
        %add3A_2516 = arith.constant 3 : i32
        %add3A_2517 = vector.broadcast %add3A_2516 : i32 to vector<16xi32>
        %add3A_2518 = arith.addi %broadcast_in_dim3A_136, %add3A_2517 : vector<16xi32>
        %gather3A_2519 = tpu.vector_load_idx %arg10[%add3A_2518, %add3A_2487] : memref<4x640xf32, #tpu.memory_space<vmem>>[vector<16xi32>, vector<16xi32>], vector<16xf32>,
        %get3A_2520 = arith.constant 0 : i32
        %get3A_2521 = arith.constant 0 : i32
        %get3A_2522 = tpu.memref_slice %arg7[%rem3A_101, %get3A_2520, %get3A_2521] : memref<2x256x128xf32, #tpu.memory_space<vmem>> -> memref<1x256x128xf32, #tpu.memory_space<vmem>>
        %get3A_2523 = tpu.memref_squeeze %get3A_2522 : memref<1x256x128xf32, #tpu.memory_space<vmem>> -> memref<256x128xf32, #tpu.memory_space<vmem>>
        %get3A_2524 = arith.index_cast %add3A_2482 : i32 to index
        %get3A_2525 = arith.constant 0 : index
        %get3A_2526 = tpu.vector_load %get3A_2523[%get3A_2524, %get3A_2525] {strides = array<i32>} : memref<256x128xf32, #tpu.memory_space<vmem>>, vector<16xf32>,
        %get3A_2527 = arith.constant 0 : i32
        %get3A_2528 = arith.constant 0 : i32
        %get3A_2529 = tpu.memref_slice %arg7[%rem3A_101, %get3A_2527, %get3A_2528] : memref<2x256x128xf32, #tpu.memory_space<vmem>> -> memref<1x256x128xf32, #tpu.memory_space<vmem>>
        %get3A_2530 = tpu.memref_squeeze %get3A_2529 : memref<1x256x128xf32, #tpu.memory_space<vmem>> -> memref<256x128xf32, #tpu.memory_space<vmem>>
        %get3A_2531 = arith.index_cast %add3A_2482 : i32 to index
        %get3A_2532 = arith.constant 32 : index
        %get3A_2533 = tpu.vector_load %get3A_2530[%get3A_2531, %get3A_2532] {strides = array<i32>} : memref<256x128xf32, #tpu.memory_space<vmem>>, vector<16xf32>,
        %get3A_2534 = arith.constant 0 : i32
        %get3A_2535 = arith.constant 0 : i32
        %get3A_2536 = tpu.memref_slice %arg7[%rem3A_101, %get3A_2534, %get3A_2535] : memref<2x256x128xf32, #tpu.memory_space<vmem>> -> memref<1x256x128xf32, #tpu.memory_space<vmem>>
        %get3A_2537 = tpu.memref_squeeze %get3A_2536 : memref<1x256x128xf32, #tpu.memory_space<vmem>> -> memref<256x128xf32, #tpu.memory_space<vmem>>
        %get3A_2538 = arith.index_cast %add3A_2482 : i32 to index
        %get3A_2539 = arith.constant 64 : index
        %get3A_2540 = tpu.vector_load %get3A_2537[%get3A_2538, %get3A_2539] {strides = array<i32>} : memref<256x128xf32, #tpu.memory_space<vmem>>, vector<16xf32>,
        %get3A_2541 = arith.constant 0 : i32
        %get3A_2542 = arith.constant 0 : i32
        %get3A_2543 = tpu.memref_slice %arg7[%rem3A_101, %get3A_2541, %get3A_2542] : memref<2x256x128xf32, #tpu.memory_space<vmem>> -> memref<1x256x128xf32, #tpu.memory_space<vmem>>
        %get3A_2544 = tpu.memref_squeeze %get3A_2543 : memref<1x256x128xf32, #tpu.memory_space<vmem>> -> memref<256x128xf32, #tpu.memory_space<vmem>>
        %get3A_2545 = arith.index_cast %add3A_2482 : i32 to index
        %get3A_2546 = arith.constant 96 : index
        %get3A_2547 = tpu.vector_load %get3A_2544[%get3A_2545, %get3A_2546] {strides = array<i32>} : memref<256x128xf32, #tpu.memory_space<vmem>>, vector<16xf32>,
        %add3A_2548 = arith.constant 128 : i32
        %add3A_2549 = arith.addi %add3A_2482, %add3A_2548 : i32
        %get3A_2550 = arith.constant 0 : i32
        %get3A_2551 = arith.constant 0 : i32
        %get3A_2552 = tpu.memref_slice %arg7[%rem3A_101, %get3A_2550, %get3A_2551] : memref<2x256x128xf32, #tpu.memory_space<vmem>> -> memref<1x256x128xf32, #tpu.memory_space<vmem>>
        %get3A_2553 = tpu.memref_squeeze %get3A_2552 : memref<1x256x128xf32, #tpu.memory_space<vmem>> -> memref<256x128xf32, #tpu.memory_space<vmem>>
        %get3A_2554 = arith.index_cast %add3A_2549 : i32 to index
        %get3A_2555 = arith.constant 0 : index
        %get3A_2556 = tpu.vector_load %get3A_2553[%get3A_2554, %get3A_2555] {strides = array<i32>} : memref<256x128xf32, #tpu.memory_space<vmem>>, vector<16xf32>,
        %add3A_2557 = arith.constant 128 : i32
        %add3A_2558 = arith.addi %add3A_2482, %add3A_2557 : i32
        %get3A_2559 = arith.constant 0 : i32
        %get3A_2560 = arith.constant 0 : i32
        %get3A_2561 = tpu.memref_slice %arg7[%rem3A_101, %get3A_2559, %get3A_2560] : memref<2x256x128xf32, #tpu.memory_space<vmem>> -> memref<1x256x128xf32, #tpu.memory_space<vmem>>
        %get3A_2562 = tpu.memref_squeeze %get3A_2561 : memref<1x256x128xf32, #tpu.memory_space<vmem>> -> memref<256x128xf32, #tpu.memory_space<vmem>>
        %get3A_2563 = arith.index_cast %add3A_2558 : i32 to index
        %get3A_2564 = arith.constant 32 : index
        %get3A_2565 = tpu.vector_load %get3A_2562[%get3A_2563, %get3A_2564] {strides = array<i32>} : memref<256x128xf32, #tpu.memory_space<vmem>>, vector<16xf32>,
        %add3A_2566 = arith.constant 128 : i32
        %add3A_2567 = arith.addi %add3A_2482, %add3A_2566 : i32
        %get3A_2568 = arith.constant 0 : i32
        %get3A_2569 = arith.constant 0 : i32
        %get3A_2570 = tpu.memref_slice %arg7[%rem3A_101, %get3A_2568, %get3A_2569] : memref<2x256x128xf32, #tpu.memory_space<vmem>> -> memref<1x256x128xf32, #tpu.memory_space<vmem>>
        %get3A_2571 = tpu.memref_squeeze %get3A_2570 : memref<1x256x128xf32, #tpu.memory_space<vmem>> -> memref<256x128xf32, #tpu.memory_space<vmem>>
        %get3A_2572 = arith.index_cast %add3A_2567 : i32 to index
        %get3A_2573 = arith.constant 64 : index
        %get3A_2574 = tpu.vector_load %get3A_2571[%get3A_2572, %get3A_2573] {strides = array<i32>} : memref<256x128xf32, #tpu.memory_space<vmem>>, vector<16xf32>,
        %add3A_2575 = arith.constant 128 : i32
        %add3A_2576 = arith.addi %add3A_2482, %add3A_2575 : i32
        %get3A_2577 = arith.constant 0 : i32
        %get3A_2578 = arith.constant 0 : i32
        %get3A_2579 = tpu.memref_slice %arg7[%rem3A_101, %get3A_2577, %get3A_2578] : memref<2x256x128xf32, #tpu.memory_space<vmem>> -> memref<1x256x128xf32, #tpu.memory_space<vmem>>
        %get3A_2580 = tpu.memref_squeeze %get3A_2579 : memref<1x256x128xf32, #tpu.memory_space<vmem>> -> memref<256x128xf32, #tpu.memory_space<vmem>>
        %get3A_2581 = arith.index_cast %add3A_2576 : i32 to index
        %get3A_2582 = arith.constant 96 : index
        %get3A_2583 = tpu.vector_load %get3A_2580[%get3A_2581, %get3A_2582] {strides = array<i32>} : memref<256x128xf32, #tpu.memory_space<vmem>>, vector<16xf32>,
        %mul3A_2584 = arith.mulf %get3A_2526, %gather3A_2491 : vector<16xf32>
        %mul3A_2585 = arith.mulf %mul3A_2584, %gather3A_2499 : vector<16xf32>
        %mul3A_2586 = arith.mulf %get3A_2533, %gather3A_2491 : vector<16xf32>
        %mul3A_2587 = arith.mulf %mul3A_2586, %gather3A_2503 : vector<16xf32>
        %add3A_2588 = arith.addf %mul3A_2585, %mul3A_2587 : vector<16xf32>
        %mul3A_2589 = arith.mulf %get3A_2540, %gather3A_2495 : vector<16xf32>
        %mul3A_2590 = arith.mulf %mul3A_2589, %gather3A_2499 : vector<16xf32>
        %add3A_2591 = arith.addf %add3A_2588, %mul3A_2590 : vector<16xf32>
        %mul3A_2592 = arith.mulf %get3A_2547, %gather3A_2495 : vector<16xf32>
        %mul3A_2593 = arith.mulf %mul3A_2592, %gather3A_2503 : vector<16xf32>
        %add3A_2594 = arith.addf %add3A_2591, %mul3A_2593 : vector<16xf32>
        %mul3A_2595 = arith.mulf %get3A_2556, %gather3A_2507 : vector<16xf32>
        %mul3A_2596 = arith.mulf %mul3A_2595, %gather3A_2515 : vector<16xf32>
        %mul3A_2597 = arith.mulf %get3A_2565, %gather3A_2507 : vector<16xf32>
        %mul3A_2598 = arith.mulf %mul3A_2597, %gather3A_2519 : vector<16xf32>
        %add3A_2599 = arith.addf %mul3A_2596, %mul3A_2598 : vector<16xf32>
        %mul3A_2600 = arith.mulf %get3A_2574, %gather3A_2511 : vector<16xf32>
        %mul3A_2601 = arith.mulf %mul3A_2600, %gather3A_2515 : vector<16xf32>
        %add3A_2602 = arith.addf %add3A_2599, %mul3A_2601 : vector<16xf32>
        %mul3A_2603 = arith.mulf %get3A_2583, %gather3A_2511 : vector<16xf32>
        %mul3A_2604 = arith.mulf %mul3A_2603, %gather3A_2519 : vector<16xf32>
        %add3A_2605 = arith.addf %add3A_2602, %mul3A_2604 : vector<16xf32>
        %add3A_2606 = arith.addf %add3A_2594, %add3A_2605 : vector<16xf32>
        %mul3A_2607 = arith.constant 32 : i32
        %mul3A_2608 = arith.muli %add3A_2485, %mul3A_2607 : i32
        %add3A_2609 = arith.constant 0 : i32
        %add3A_2610 = arith.addi %mul3A_2608, %add3A_2609 : i32
        %swap3A_2611 = arith.constant 0 : i32
        %swap3A_2612 = arith.index_cast %rem3A_103 : i32 to index
        %swap3A_2613 = arith.index_cast %swap3A_2611 : i32 to index
        %swap3A_2614 = arith.index_cast %add3A_2610 : i32 to index
        %swap3A_2615 = tpu.vector_load %arg11[%swap3A_2612, %swap3A_2613, %swap3A_2614] {strides = array<i32>} : memref<2x1x20480xf32, #tpu.memory_space<vmem>>, vector<16xf32>,
        tpu.vector_store %arg11[%swap3A_2612, %swap3A_2613, %swap3A_2614], %add3A_2606 {strides = array<i32>} : memref<2x1x20480xf32, #tpu.memory_space<vmem>>, vector<16xf32>,
        %get3A_2616 = arith.constant 0 : i32
        %get3A_2617 = arith.constant 0 : i32
        %get3A_2618 = tpu.memref_slice %arg7[%rem3A_101, %get3A_2616, %get3A_2617] : memref<2x256x128xf32, #tpu.memory_space<vmem>> -> memref<1x256x128xf32, #tpu.memory_space<vmem>>
        %get3A_2619 = tpu.memref_squeeze %get3A_2618 : memref<1x256x128xf32, #tpu.memory_space<vmem>> -> memref<256x128xf32, #tpu.memory_space<vmem>>
        %get3A_2620 = arith.index_cast %add3A_2482 : i32 to index
        %get3A_2621 = arith.constant 16 : index
        %get3A_2622 = tpu.vector_load %get3A_2619[%get3A_2620, %get3A_2621] {strides = array<i32>} : memref<256x128xf32, #tpu.memory_space<vmem>>, vector<16xf32>,
        %get3A_2623 = arith.constant 0 : i32
        %get3A_2624 = arith.constant 0 : i32
        %get3A_2625 = tpu.memref_slice %arg7[%rem3A_101, %get3A_2623, %get3A_2624] : memref<2x256x128xf32, #tpu.memory_space<vmem>> -> memref<1x256x128xf32, #tpu.memory_space<vmem>>
        %get3A_2626 = tpu.memref_squeeze %get3A_2625 : memref<1x256x128xf32, #tpu.memory_space<vmem>> -> memref<256x128xf32, #tpu.memory_space<vmem>>
        %get3A_2627 = arith.index_cast %add3A_2482 : i32 to index
        %get3A_2628 = arith.constant 48 : index
        %get3A_2629 = tpu.vector_load %get3A_2626[%get3A_2627, %get3A_2628] {strides = array<i32>} : memref<256x128xf32, #tpu.memory_space<vmem>>, vector<16xf32>,
        %get3A_2630 = arith.constant 0 : i32
        %get3A_2631 = arith.constant 0 : i32
        %get3A_2632 = tpu.memref_slice %arg7[%rem3A_101, %get3A_2630, %get3A_2631] : memref<2x256x128xf32, #tpu.memory_space<vmem>> -> memref<1x256x128xf32, #tpu.memory_space<vmem>>
        %get3A_2633 = tpu.memref_squeeze %get3A_2632 : memref<1x256x128xf32, #tpu.memory_space<vmem>> -> memref<256x128xf32, #tpu.memory_space<vmem>>
        %get3A_2634 = arith.index_cast %add3A_2482 : i32 to index
        %get3A_2635 = arith.constant 80 : index
        %get3A_2636 = tpu.vector_load %get3A_2633[%get3A_2634, %get3A_2635] {strides = array<i32>} : memref<256x128xf32, #tpu.memory_space<vmem>>, vector<16xf32>,
        %get3A_2637 = arith.constant 0 : i32
        %get3A_2638 = arith.constant 0 : i32
        %get3A_2639 = tpu.memref_slice %arg7[%rem3A_101, %get3A_2637, %get3A_2638] : memref<2x256x128xf32, #tpu.memory_space<vmem>> -> memref<1x256x128xf32, #tpu.memory_space<vmem>>
        %get3A_2640 = tpu.memref_squeeze %get3A_2639 : memref<1x256x128xf32, #tpu.memory_space<vmem>> -> memref<256x128xf32, #tpu.memory_space<vmem>>
        %get3A_2641 = arith.index_cast %add3A_2482 : i32 to index
        %get3A_2642 = arith.constant 112 : index
        %get3A_2643 = tpu.vector_load %get3A_2640[%get3A_2641, %get3A_2642] {strides = array<i32>} : memref<256x128xf32, #tpu.memory_space<vmem>>, vector<16xf32>,
        %add3A_2644 = arith.constant 128 : i32
        %add3A_2645 = arith.addi %add3A_2482, %add3A_2644 : i32
        %get3A_2646 = arith.constant 0 : i32
        %get3A_2647 = arith.constant 0 : i32
        %get3A_2648 = tpu.memref_slice %arg7[%rem3A_101, %get3A_2646, %get3A_2647] : memref<2x256x128xf32, #tpu.memory_space<vmem>> -> memref<1x256x128xf32, #tpu.memory_space<vmem>>
        %get3A_2649 = tpu.memref_squeeze %get3A_2648 : memref<1x256x128xf32, #tpu.memory_space<vmem>> -> memref<256x128xf32, #tpu.memory_space<vmem>>
        %get3A_2650 = arith.index_cast %add3A_2645 : i32 to index
        %get3A_2651 = arith.constant 16 : index
        %get3A_2652 = tpu.vector_load %get3A_2649[%get3A_2650, %get3A_2651] {strides = array<i32>} : memref<256x128xf32, #tpu.memory_space<vmem>>, vector<16xf32>,
        %add3A_2653 = arith.constant 128 : i32
        %add3A_2654 = arith.addi %add3A_2482, %add3A_2653 : i32
        %get3A_2655 = arith.constant 0 : i32
        %get3A_2656 = arith.constant 0 : i32
        %get3A_2657 = tpu.memref_slice %arg7[%rem3A_101, %get3A_2655, %get3A_2656] : memref<2x256x128xf32, #tpu.memory_space<vmem>> -> memref<1x256x128xf32, #tpu.memory_space<vmem>>
        %get3A_2658 = tpu.memref_squeeze %get3A_2657 : memref<1x256x128xf32, #tpu.memory_space<vmem>> -> memref<256x128xf32, #tpu.memory_space<vmem>>
        %get3A_2659 = arith.index_cast %add3A_2654 : i32 to index
        %get3A_2660 = arith.constant 48 : index
        %get3A_2661 = tpu.vector_load %get3A_2658[%get3A_2659, %get3A_2660] {strides = array<i32>} : memref<256x128xf32, #tpu.memory_space<vmem>>, vector<16xf32>,
        %add3A_2662 = arith.constant 128 : i32
        %add3A_2663 = arith.addi %add3A_2482, %add3A_2662 : i32
        %get3A_2664 = arith.constant 0 : i32
        %get3A_2665 = arith.constant 0 : i32
        %get3A_2666 = tpu.memref_slice %arg7[%rem3A_101, %get3A_2664, %get3A_2665] : memref<2x256x128xf32, #tpu.memory_space<vmem>> -> memref<1x256x128xf32, #tpu.memory_space<vmem>>
        %get3A_2667 = tpu.memref_squeeze %get3A_2666 : memref<1x256x128xf32, #tpu.memory_space<vmem>> -> memref<256x128xf32, #tpu.memory_space<vmem>>
        %get3A_2668 = arith.index_cast %add3A_2663 : i32 to index
        %get3A_2669 = arith.constant 80 : index
        %get3A_2670 = tpu.vector_load %get3A_2667[%get3A_2668, %get3A_2669] {strides = array<i32>} : memref<256x128xf32, #tpu.memory_space<vmem>>, vector<16xf32>,
        %add3A_2671 = arith.constant 128 : i32
        %add3A_2672 = arith.addi %add3A_2482, %add3A_2671 : i32
        %get3A_2673 = arith.constant 0 : i32
        %get3A_2674 = arith.constant 0 : i32
        %get3A_2675 = tpu.memref_slice %arg7[%rem3A_101, %get3A_2673, %get3A_2674] : memref<2x256x128xf32, #tpu.memory_space<vmem>> -> memref<1x256x128xf32, #tpu.memory_space<vmem>>
        %get3A_2676 = tpu.memref_squeeze %get3A_2675 : memref<1x256x128xf32, #tpu.memory_space<vmem>> -> memref<256x128xf32, #tpu.memory_space<vmem>>
        %get3A_2677 = arith.index_cast %add3A_2672 : i32 to index
        %get3A_2678 = arith.constant 112 : index
        %get3A_2679 = tpu.vector_load %get3A_2676[%get3A_2677, %get3A_2678] {strides = array<i32>} : memref<256x128xf32, #tpu.memory_space<vmem>>, vector<16xf32>,
        %mul3A_2680 = arith.mulf %get3A_2622, %gather3A_2491 : vector<16xf32>
        %mul3A_2681 = arith.mulf %mul3A_2680, %gather3A_2499 : vector<16xf32>
        %mul3A_2682 = arith.mulf %get3A_2629, %gather3A_2491 : vector<16xf32>
        %mul3A_2683 = arith.mulf %mul3A_2682, %gather3A_2503 : vector<16xf32>
        %add3A_2684 = arith.addf %mul3A_2681, %mul3A_2683 : vector<16xf32>
        %mul3A_2685 = arith.mulf %get3A_2636, %gather3A_2495 : vector<16xf32>
        %mul3A_2686 = arith.mulf %mul3A_2685, %gather3A_2499 : vector<16xf32>
        %add3A_2687 = arith.addf %add3A_2684, %mul3A_2686 : vector<16xf32>
        %mul3A_2688 = arith.mulf %get3A_2643, %gather3A_2495 : vector<16xf32>
        %mul3A_2689 = arith.mulf %mul3A_2688, %gather3A_2503 : vector<16xf32>
        %add3A_2690 = arith.addf %add3A_2687, %mul3A_2689 : vector<16xf32>
        %mul3A_2691 = arith.mulf %get3A_2652, %gather3A_2507 : vector<16xf32>
        %mul3A_2692 = arith.mulf %mul3A_2691, %gather3A_2515 : vector<16xf32>
        %mul3A_2693 = arith.mulf %get3A_2661, %gather3A_2507 : vector<16xf32>
        %mul3A_2694 = arith.mulf %mul3A_2693, %gather3A_2519 : vector<16xf32>
        %add3A_2695 = arith.addf %mul3A_2692, %mul3A_2694 : vector<16xf32>
        %mul3A_2696 = arith.mulf %get3A_2670, %gather3A_2511 : vector<16xf32>
        %mul3A_2697 = arith.mulf %mul3A_2696, %gather3A_2515 : vector<16xf32>
        %add3A_2698 = arith.addf %add3A_2695, %mul3A_2697 : vector<16xf32>
        %mul3A_2699 = arith.mulf %get3A_2679, %gather3A_2511 : vector<16xf32>
        %mul3A_2700 = arith.mulf %mul3A_2699, %gather3A_2519 : vector<16xf32>
        %add3A_2701 = arith.addf %add3A_2698, %mul3A_2700 : vector<16xf32>
        %add3A_2702 = arith.addf %add3A_2690, %add3A_2701 : vector<16xf32>
        %mul3A_2703 = arith.constant 32 : i32
        %mul3A_2704 = arith.muli %add3A_2485, %mul3A_2703 : i32
        %add3A_2705 = arith.constant 16 : i32
        %add3A_2706 = arith.addi %mul3A_2704, %add3A_2705 : i32
        %swap3A_2707 = arith.constant 0 : i32
        %swap3A_2708 = arith.index_cast %rem3A_103 : i32 to index
        %swap3A_2709 = arith.index_cast %swap3A_2707 : i32 to index
        %swap3A_2710 = arith.index_cast %add3A_2706 : i32 to index
        %swap3A_2711 = tpu.vector_load %arg11[%swap3A_2708, %swap3A_2709, %swap3A_2710] {strides = array<i32>} : memref<2x1x20480xf32, #tpu.memory_space<vmem>>, vector<16xf32>,
        tpu.vector_store %arg11[%swap3A_2708, %swap3A_2709, %swap3A_2710], %add3A_2702 {strides = array<i32>} : memref<2x1x20480xf32, #tpu.memory_space<vmem>>, vector<16xf32>,
        %mul3A_2712 = arith.constant 16 : i32
        %mul3A_2713 = arith.muli %scan3A_150, %mul3A_2712 : i32
        %add3A_2714 = arith.constant 11 : i32
        %add3A_2715 = arith.addi %mul3A_2713, %add3A_2714 : i32
        %mul3A_2716 = arith.constant 128 : i32
        %mul3A_2717 = arith.muli %select_n3A_99, %mul3A_2716 : i32
        %add3A_2718 = arith.addi %mul3A_2717, %add3A_2715 : i32
        %add3A_2719 = vector.broadcast %add3A_2718 : i32 to vector<16xi32>
        %add3A_2720 = arith.addi %broadcast_in_dim3A_136, %add3A_2719 : vector<16xi32>
        %add3A_2721 = arith.constant 0 : i32
        %add3A_2722 = vector.broadcast %add3A_2721 : i32 to vector<16xi32>
        %add3A_2723 = arith.addi %broadcast_in_dim3A_136, %add3A_2722 : vector<16xi32>
        %gather3A_2724 = tpu.vector_load_idx %arg9[%add3A_2723, %add3A_2720] : memref<4x640xf32, #tpu.memory_space<vmem>>[vector<16xi32>, vector<16xi32>], vector<16xf32>,
        %add3A_2725 = arith.constant 1 : i32
        %add3A_2726 = vector.broadcast %add3A_2725 : i32 to vector<16xi32>
        %add3A_2727 = arith.addi %broadcast_in_dim3A_136, %add3A_2726 : vector<16xi32>
        %gather3A_2728 = tpu.vector_load_idx %arg9[%add3A_2727, %add3A_2720] : memref<4x640xf32, #tpu.memory_space<vmem>>[vector<16xi32>, vector<16xi32>], vector<16xf32>,
        %add3A_2729 = arith.constant 2 : i32
        %add3A_2730 = vector.broadcast %add3A_2729 : i32 to vector<16xi32>
        %add3A_2731 = arith.addi %broadcast_in_dim3A_136, %add3A_2730 : vector<16xi32>
        %gather3A_2732 = tpu.vector_load_idx %arg9[%add3A_2731, %add3A_2720] : memref<4x640xf32, #tpu.memory_space<vmem>>[vector<16xi32>, vector<16xi32>], vector<16xf32>,
        %add3A_2733 = arith.constant 3 : i32
        %add3A_2734 = vector.broadcast %add3A_2733 : i32 to vector<16xi32>
        %add3A_2735 = arith.addi %broadcast_in_dim3A_136, %add3A_2734 : vector<16xi32>
        %gather3A_2736 = tpu.vector_load_idx %arg9[%add3A_2735, %add3A_2720] : memref<4x640xf32, #tpu.memory_space<vmem>>[vector<16xi32>, vector<16xi32>], vector<16xf32>,
        %add3A_2737 = arith.constant 0 : i32
        %add3A_2738 = vector.broadcast %add3A_2737 : i32 to vector<16xi32>
        %add3A_2739 = arith.addi %broadcast_in_dim3A_136, %add3A_2738 : vector<16xi32>
        %gather3A_2740 = tpu.vector_load_idx %arg10[%add3A_2739, %add3A_2720] : memref<4x640xf32, #tpu.memory_space<vmem>>[vector<16xi32>, vector<16xi32>], vector<16xf32>,
        %add3A_2741 = arith.constant 1 : i32
        %add3A_2742 = vector.broadcast %add3A_2741 : i32 to vector<16xi32>
        %add3A_2743 = arith.addi %broadcast_in_dim3A_136, %add3A_2742 : vector<16xi32>
        %gather3A_2744 = tpu.vector_load_idx %arg10[%add3A_2743, %add3A_2720] : memref<4x640xf32, #tpu.memory_space<vmem>>[vector<16xi32>, vector<16xi32>], vector<16xf32>,
        %add3A_2745 = arith.constant 2 : i32
        %add3A_2746 = vector.broadcast %add3A_2745 : i32 to vector<16xi32>
        %add3A_2747 = arith.addi %broadcast_in_dim3A_136, %add3A_2746 : vector<16xi32>
        %gather3A_2748 = tpu.vector_load_idx %arg10[%add3A_2747, %add3A_2720] : memref<4x640xf32, #tpu.memory_space<vmem>>[vector<16xi32>, vector<16xi32>], vector<16xf32>,
        %add3A_2749 = arith.constant 3 : i32
        %add3A_2750 = vector.broadcast %add3A_2749 : i32 to vector<16xi32>
        %add3A_2751 = arith.addi %broadcast_in_dim3A_136, %add3A_2750 : vector<16xi32>
        %gather3A_2752 = tpu.vector_load_idx %arg10[%add3A_2751, %add3A_2720] : memref<4x640xf32, #tpu.memory_space<vmem>>[vector<16xi32>, vector<16xi32>], vector<16xf32>,
        %get3A_2753 = arith.constant 0 : i32
        %get3A_2754 = arith.constant 0 : i32
        %get3A_2755 = tpu.memref_slice %arg7[%rem3A_101, %get3A_2753, %get3A_2754] : memref<2x256x128xf32, #tpu.memory_space<vmem>> -> memref<1x256x128xf32, #tpu.memory_space<vmem>>
        %get3A_2756 = tpu.memref_squeeze %get3A_2755 : memref<1x256x128xf32, #tpu.memory_space<vmem>> -> memref<256x128xf32, #tpu.memory_space<vmem>>
        %get3A_2757 = arith.index_cast %add3A_2715 : i32 to index
        %get3A_2758 = arith.constant 0 : index
        %get3A_2759 = tpu.vector_load %get3A_2756[%get3A_2757, %get3A_2758] {strides = array<i32>} : memref<256x128xf32, #tpu.memory_space<vmem>>, vector<16xf32>,
        %get3A_2760 = arith.constant 0 : i32
        %get3A_2761 = arith.constant 0 : i32
        %get3A_2762 = tpu.memref_slice %arg7[%rem3A_101, %get3A_2760, %get3A_2761] : memref<2x256x128xf32, #tpu.memory_space<vmem>> -> memref<1x256x128xf32, #tpu.memory_space<vmem>>
        %get3A_2763 = tpu.memref_squeeze %get3A_2762 : memref<1x256x128xf32, #tpu.memory_space<vmem>> -> memref<256x128xf32, #tpu.memory_space<vmem>>
        %get3A_2764 = arith.index_cast %add3A_2715 : i32 to index
        %get3A_2765 = arith.constant 32 : index
        %get3A_2766 = tpu.vector_load %get3A_2763[%get3A_2764, %get3A_2765] {strides = array<i32>} : memref<256x128xf32, #tpu.memory_space<vmem>>, vector<16xf32>,
        %get3A_2767 = arith.constant 0 : i32
        %get3A_2768 = arith.constant 0 : i32
        %get3A_2769 = tpu.memref_slice %arg7[%rem3A_101, %get3A_2767, %get3A_2768] : memref<2x256x128xf32, #tpu.memory_space<vmem>> -> memref<1x256x128xf32, #tpu.memory_space<vmem>>
        %get3A_2770 = tpu.memref_squeeze %get3A_2769 : memref<1x256x128xf32, #tpu.memory_space<vmem>> -> memref<256x128xf32, #tpu.memory_space<vmem>>
        %get3A_2771 = arith.index_cast %add3A_2715 : i32 to index
        %get3A_2772 = arith.constant 64 : index
        %get3A_2773 = tpu.vector_load %get3A_2770[%get3A_2771, %get3A_2772] {strides = array<i32>} : memref<256x128xf32, #tpu.memory_space<vmem>>, vector<16xf32>,
        %get3A_2774 = arith.constant 0 : i32
        %get3A_2775 = arith.constant 0 : i32
        %get3A_2776 = tpu.memref_slice %arg7[%rem3A_101, %get3A_2774, %get3A_2775] : memref<2x256x128xf32, #tpu.memory_space<vmem>> -> memref<1x256x128xf32, #tpu.memory_space<vmem>>
        %get3A_2777 = tpu.memref_squeeze %get3A_2776 : memref<1x256x128xf32, #tpu.memory_space<vmem>> -> memref<256x128xf32, #tpu.memory_space<vmem>>
        %get3A_2778 = arith.index_cast %add3A_2715 : i32 to index
        %get3A_2779 = arith.constant 96 : index
        %get3A_2780 = tpu.vector_load %get3A_2777[%get3A_2778, %get3A_2779] {strides = array<i32>} : memref<256x128xf32, #tpu.memory_space<vmem>>, vector<16xf32>,
        %add3A_2781 = arith.constant 128 : i32
        %add3A_2782 = arith.addi %add3A_2715, %add3A_2781 : i32
        %get3A_2783 = arith.constant 0 : i32
        %get3A_2784 = arith.constant 0 : i32
        %get3A_2785 = tpu.memref_slice %arg7[%rem3A_101, %get3A_2783, %get3A_2784] : memref<2x256x128xf32, #tpu.memory_space<vmem>> -> memref<1x256x128xf32, #tpu.memory_space<vmem>>
        %get3A_2786 = tpu.memref_squeeze %get3A_2785 : memref<1x256x128xf32, #tpu.memory_space<vmem>> -> memref<256x128xf32, #tpu.memory_space<vmem>>
        %get3A_2787 = arith.index_cast %add3A_2782 : i32 to index
        %get3A_2788 = arith.constant 0 : index
        %get3A_2789 = tpu.vector_load %get3A_2786[%get3A_2787, %get3A_2788] {strides = array<i32>} : memref<256x128xf32, #tpu.memory_space<vmem>>, vector<16xf32>,
        %add3A_2790 = arith.constant 128 : i32
        %add3A_2791 = arith.addi %add3A_2715, %add3A_2790 : i32
        %get3A_2792 = arith.constant 0 : i32
        %get3A_2793 = arith.constant 0 : i32
        %get3A_2794 = tpu.memref_slice %arg7[%rem3A_101, %get3A_2792, %get3A_2793] : memref<2x256x128xf32, #tpu.memory_space<vmem>> -> memref<1x256x128xf32, #tpu.memory_space<vmem>>
        %get3A_2795 = tpu.memref_squeeze %get3A_2794 : memref<1x256x128xf32, #tpu.memory_space<vmem>> -> memref<256x128xf32, #tpu.memory_space<vmem>>
        %get3A_2796 = arith.index_cast %add3A_2791 : i32 to index
        %get3A_2797 = arith.constant 32 : index
        %get3A_2798 = tpu.vector_load %get3A_2795[%get3A_2796, %get3A_2797] {strides = array<i32>} : memref<256x128xf32, #tpu.memory_space<vmem>>, vector<16xf32>,
        %add3A_2799 = arith.constant 128 : i32
        %add3A_2800 = arith.addi %add3A_2715, %add3A_2799 : i32
        %get3A_2801 = arith.constant 0 : i32
        %get3A_2802 = arith.constant 0 : i32
        %get3A_2803 = tpu.memref_slice %arg7[%rem3A_101, %get3A_2801, %get3A_2802] : memref<2x256x128xf32, #tpu.memory_space<vmem>> -> memref<1x256x128xf32, #tpu.memory_space<vmem>>
        %get3A_2804 = tpu.memref_squeeze %get3A_2803 : memref<1x256x128xf32, #tpu.memory_space<vmem>> -> memref<256x128xf32, #tpu.memory_space<vmem>>
        %get3A_2805 = arith.index_cast %add3A_2800 : i32 to index
        %get3A_2806 = arith.constant 64 : index
        %get3A_2807 = tpu.vector_load %get3A_2804[%get3A_2805, %get3A_2806] {strides = array<i32>} : memref<256x128xf32, #tpu.memory_space<vmem>>, vector<16xf32>,
        %add3A_2808 = arith.constant 128 : i32
        %add3A_2809 = arith.addi %add3A_2715, %add3A_2808 : i32
        %get3A_2810 = arith.constant 0 : i32
        %get3A_2811 = arith.constant 0 : i32
        %get3A_2812 = tpu.memref_slice %arg7[%rem3A_101, %get3A_2810, %get3A_2811] : memref<2x256x128xf32, #tpu.memory_space<vmem>> -> memref<1x256x128xf32, #tpu.memory_space<vmem>>
        %get3A_2813 = tpu.memref_squeeze %get3A_2812 : memref<1x256x128xf32, #tpu.memory_space<vmem>> -> memref<256x128xf32, #tpu.memory_space<vmem>>
        %get3A_2814 = arith.index_cast %add3A_2809 : i32 to index
        %get3A_2815 = arith.constant 96 : index
        %get3A_2816 = tpu.vector_load %get3A_2813[%get3A_2814, %get3A_2815] {strides = array<i32>} : memref<256x128xf32, #tpu.memory_space<vmem>>, vector<16xf32>,
        %mul3A_2817 = arith.mulf %get3A_2759, %gather3A_2724 : vector<16xf32>
        %mul3A_2818 = arith.mulf %mul3A_2817, %gather3A_2732 : vector<16xf32>
        %mul3A_2819 = arith.mulf %get3A_2766, %gather3A_2724 : vector<16xf32>
        %mul3A_2820 = arith.mulf %mul3A_2819, %gather3A_2736 : vector<16xf32>
        %add3A_2821 = arith.addf %mul3A_2818, %mul3A_2820 : vector<16xf32>
        %mul3A_2822 = arith.mulf %get3A_2773, %gather3A_2728 : vector<16xf32>
        %mul3A_2823 = arith.mulf %mul3A_2822, %gather3A_2732 : vector<16xf32>
        %add3A_2824 = arith.addf %add3A_2821, %mul3A_2823 : vector<16xf32>
        %mul3A_2825 = arith.mulf %get3A_2780, %gather3A_2728 : vector<16xf32>
        %mul3A_2826 = arith.mulf %mul3A_2825, %gather3A_2736 : vector<16xf32>
        %add3A_2827 = arith.addf %add3A_2824, %mul3A_2826 : vector<16xf32>
        %mul3A_2828 = arith.mulf %get3A_2789, %gather3A_2740 : vector<16xf32>
        %mul3A_2829 = arith.mulf %mul3A_2828, %gather3A_2748 : vector<16xf32>
        %mul3A_2830 = arith.mulf %get3A_2798, %gather3A_2740 : vector<16xf32>
        %mul3A_2831 = arith.mulf %mul3A_2830, %gather3A_2752 : vector<16xf32>
        %add3A_2832 = arith.addf %mul3A_2829, %mul3A_2831 : vector<16xf32>
        %mul3A_2833 = arith.mulf %get3A_2807, %gather3A_2744 : vector<16xf32>
        %mul3A_2834 = arith.mulf %mul3A_2833, %gather3A_2748 : vector<16xf32>
        %add3A_2835 = arith.addf %add3A_2832, %mul3A_2834 : vector<16xf32>
        %mul3A_2836 = arith.mulf %get3A_2816, %gather3A_2744 : vector<16xf32>
        %mul3A_2837 = arith.mulf %mul3A_2836, %gather3A_2752 : vector<16xf32>
        %add3A_2838 = arith.addf %add3A_2835, %mul3A_2837 : vector<16xf32>
        %add3A_2839 = arith.addf %add3A_2827, %add3A_2838 : vector<16xf32>
        %mul3A_2840 = arith.constant 32 : i32
        %mul3A_2841 = arith.muli %add3A_2718, %mul3A_2840 : i32
        %add3A_2842 = arith.constant 0 : i32
        %add3A_2843 = arith.addi %mul3A_2841, %add3A_2842 : i32
        %swap3A_2844 = arith.constant 0 : i32
        %swap3A_2845 = arith.index_cast %rem3A_103 : i32 to index
        %swap3A_2846 = arith.index_cast %swap3A_2844 : i32 to index
        %swap3A_2847 = arith.index_cast %add3A_2843 : i32 to index
        %swap3A_2848 = tpu.vector_load %arg11[%swap3A_2845, %swap3A_2846, %swap3A_2847] {strides = array<i32>} : memref<2x1x20480xf32, #tpu.memory_space<vmem>>, vector<16xf32>,
        tpu.vector_store %arg11[%swap3A_2845, %swap3A_2846, %swap3A_2847], %add3A_2839 {strides = array<i32>} : memref<2x1x20480xf32, #tpu.memory_space<vmem>>, vector<16xf32>,
        %get3A_2849 = arith.constant 0 : i32
        %get3A_2850 = arith.constant 0 : i32
        %get3A_2851 = tpu.memref_slice %arg7[%rem3A_101, %get3A_2849, %get3A_2850] : memref<2x256x128xf32, #tpu.memory_space<vmem>> -> memref<1x256x128xf32, #tpu.memory_space<vmem>>
        %get3A_2852 = tpu.memref_squeeze %get3A_2851 : memref<1x256x128xf32, #tpu.memory_space<vmem>> -> memref<256x128xf32, #tpu.memory_space<vmem>>
        %get3A_2853 = arith.index_cast %add3A_2715 : i32 to index
        %get3A_2854 = arith.constant 16 : index
        %get3A_2855 = tpu.vector_load %get3A_2852[%get3A_2853, %get3A_2854] {strides = array<i32>} : memref<256x128xf32, #tpu.memory_space<vmem>>, vector<16xf32>,
        %get3A_2856 = arith.constant 0 : i32
        %get3A_2857 = arith.constant 0 : i32
        %get3A_2858 = tpu.memref_slice %arg7[%rem3A_101, %get3A_2856, %get3A_2857] : memref<2x256x128xf32, #tpu.memory_space<vmem>> -> memref<1x256x128xf32, #tpu.memory_space<vmem>>
        %get3A_2859 = tpu.memref_squeeze %get3A_2858 : memref<1x256x128xf32, #tpu.memory_space<vmem>> -> memref<256x128xf32, #tpu.memory_space<vmem>>
        %get3A_2860 = arith.index_cast %add3A_2715 : i32 to index
        %get3A_2861 = arith.constant 48 : index
        %get3A_2862 = tpu.vector_load %get3A_2859[%get3A_2860, %get3A_2861] {strides = array<i32>} : memref<256x128xf32, #tpu.memory_space<vmem>>, vector<16xf32>,
        %get3A_2863 = arith.constant 0 : i32
        %get3A_2864 = arith.constant 0 : i32
        %get3A_2865 = tpu.memref_slice %arg7[%rem3A_101, %get3A_2863, %get3A_2864] : memref<2x256x128xf32, #tpu.memory_space<vmem>> -> memref<1x256x128xf32, #tpu.memory_space<vmem>>
        %get3A_2866 = tpu.memref_squeeze %get3A_2865 : memref<1x256x128xf32, #tpu.memory_space<vmem>> -> memref<256x128xf32, #tpu.memory_space<vmem>>
        %get3A_2867 = arith.index_cast %add3A_2715 : i32 to index
        %get3A_2868 = arith.constant 80 : index
        %get3A_2869 = tpu.vector_load %get3A_2866[%get3A_2867, %get3A_2868] {strides = array<i32>} : memref<256x128xf32, #tpu.memory_space<vmem>>, vector<16xf32>,
        %get3A_2870 = arith.constant 0 : i32
        %get3A_2871 = arith.constant 0 : i32
        %get3A_2872 = tpu.memref_slice %arg7[%rem3A_101, %get3A_2870, %get3A_2871] : memref<2x256x128xf32, #tpu.memory_space<vmem>> -> memref<1x256x128xf32, #tpu.memory_space<vmem>>
        %get3A_2873 = tpu.memref_squeeze %get3A_2872 : memref<1x256x128xf32, #tpu.memory_space<vmem>> -> memref<256x128xf32, #tpu.memory_space<vmem>>
        %get3A_2874 = arith.index_cast %add3A_2715 : i32 to index
        %get3A_2875 = arith.constant 112 : index
        %get3A_2876 = tpu.vector_load %get3A_2873[%get3A_2874, %get3A_2875] {strides = array<i32>} : memref<256x128xf32, #tpu.memory_space<vmem>>, vector<16xf32>,
        %add3A_2877 = arith.constant 128 : i32
        %add3A_2878 = arith.addi %add3A_2715, %add3A_2877 : i32
        %get3A_2879 = arith.constant 0 : i32
        %get3A_2880 = arith.constant 0 : i32
        %get3A_2881 = tpu.memref_slice %arg7[%rem3A_101, %get3A_2879, %get3A_2880] : memref<2x256x128xf32, #tpu.memory_space<vmem>> -> memref<1x256x128xf32, #tpu.memory_space<vmem>>
        %get3A_2882 = tpu.memref_squeeze %get3A_2881 : memref<1x256x128xf32, #tpu.memory_space<vmem>> -> memref<256x128xf32, #tpu.memory_space<vmem>>
        %get3A_2883 = arith.index_cast %add3A_2878 : i32 to index
        %get3A_2884 = arith.constant 16 : index
        %get3A_2885 = tpu.vector_load %get3A_2882[%get3A_2883, %get3A_2884] {strides = array<i32>} : memref<256x128xf32, #tpu.memory_space<vmem>>, vector<16xf32>,
        %add3A_2886 = arith.constant 128 : i32
        %add3A_2887 = arith.addi %add3A_2715, %add3A_2886 : i32
        %get3A_2888 = arith.constant 0 : i32
        %get3A_2889 = arith.constant 0 : i32
        %get3A_2890 = tpu.memref_slice %arg7[%rem3A_101, %get3A_2888, %get3A_2889] : memref<2x256x128xf32, #tpu.memory_space<vmem>> -> memref<1x256x128xf32, #tpu.memory_space<vmem>>
        %get3A_2891 = tpu.memref_squeeze %get3A_2890 : memref<1x256x128xf32, #tpu.memory_space<vmem>> -> memref<256x128xf32, #tpu.memory_space<vmem>>
        %get3A_2892 = arith.index_cast %add3A_2887 : i32 to index
        %get3A_2893 = arith.constant 48 : index
        %get3A_2894 = tpu.vector_load %get3A_2891[%get3A_2892, %get3A_2893] {strides = array<i32>} : memref<256x128xf32, #tpu.memory_space<vmem>>, vector<16xf32>,
        %add3A_2895 = arith.constant 128 : i32
        %add3A_2896 = arith.addi %add3A_2715, %add3A_2895 : i32
        %get3A_2897 = arith.constant 0 : i32
        %get3A_2898 = arith.constant 0 : i32
        %get3A_2899 = tpu.memref_slice %arg7[%rem3A_101, %get3A_2897, %get3A_2898] : memref<2x256x128xf32, #tpu.memory_space<vmem>> -> memref<1x256x128xf32, #tpu.memory_space<vmem>>
        %get3A_2900 = tpu.memref_squeeze %get3A_2899 : memref<1x256x128xf32, #tpu.memory_space<vmem>> -> memref<256x128xf32, #tpu.memory_space<vmem>>
        %get3A_2901 = arith.index_cast %add3A_2896 : i32 to index
        %get3A_2902 = arith.constant 80 : index
        %get3A_2903 = tpu.vector_load %get3A_2900[%get3A_2901, %get3A_2902] {strides = array<i32>} : memref<256x128xf32, #tpu.memory_space<vmem>>, vector<16xf32>,
        %add3A_2904 = arith.constant 128 : i32
        %add3A_2905 = arith.addi %add3A_2715, %add3A_2904 : i32
        %get3A_2906 = arith.constant 0 : i32
        %get3A_2907 = arith.constant 0 : i32
        %get3A_2908 = tpu.memref_slice %arg7[%rem3A_101, %get3A_2906, %get3A_2907] : memref<2x256x128xf32, #tpu.memory_space<vmem>> -> memref<1x256x128xf32, #tpu.memory_space<vmem>>
        %get3A_2909 = tpu.memref_squeeze %get3A_2908 : memref<1x256x128xf32, #tpu.memory_space<vmem>> -> memref<256x128xf32, #tpu.memory_space<vmem>>
        %get3A_2910 = arith.index_cast %add3A_2905 : i32 to index
        %get3A_2911 = arith.constant 112 : index
        %get3A_2912 = tpu.vector_load %get3A_2909[%get3A_2910, %get3A_2911] {strides = array<i32>} : memref<256x128xf32, #tpu.memory_space<vmem>>, vector<16xf32>,
        %mul3A_2913 = arith.mulf %get3A_2855, %gather3A_2724 : vector<16xf32>
        %mul3A_2914 = arith.mulf %mul3A_2913, %gather3A_2732 : vector<16xf32>
        %mul3A_2915 = arith.mulf %get3A_2862, %gather3A_2724 : vector<16xf32>
        %mul3A_2916 = arith.mulf %mul3A_2915, %gather3A_2736 : vector<16xf32>
        %add3A_2917 = arith.addf %mul3A_2914, %mul3A_2916 : vector<16xf32>
        %mul3A_2918 = arith.mulf %get3A_2869, %gather3A_2728 : vector<16xf32>
        %mul3A_2919 = arith.mulf %mul3A_2918, %gather3A_2732 : vector<16xf32>
        %add3A_2920 = arith.addf %add3A_2917, %mul3A_2919 : vector<16xf32>
        %mul3A_2921 = arith.mulf %get3A_2876, %gather3A_2728 : vector<16xf32>
        %mul3A_2922 = arith.mulf %mul3A_2921, %gather3A_2736 : vector<16xf32>
        %add3A_2923 = arith.addf %add3A_2920, %mul3A_2922 : vector<16xf32>
        %mul3A_2924 = arith.mulf %get3A_2885, %gather3A_2740 : vector<16xf32>
        %mul3A_2925 = arith.mulf %mul3A_2924, %gather3A_2748 : vector<16xf32>
        %mul3A_2926 = arith.mulf %get3A_2894, %gather3A_2740 : vector<16xf32>
        %mul3A_2927 = arith.mulf %mul3A_2926, %gather3A_2752 : vector<16xf32>
        %add3A_2928 = arith.addf %mul3A_2925, %mul3A_2927 : vector<16xf32>
        %mul3A_2929 = arith.mulf %get3A_2903, %gather3A_2744 : vector<16xf32>
        %mul3A_2930 = arith.mulf %mul3A_2929, %gather3A_2748 : vector<16xf32>
        %add3A_2931 = arith.addf %add3A_2928, %mul3A_2930 : vector<16xf32>
        %mul3A_2932 = arith.mulf %get3A_2912, %gather3A_2744 : vector<16xf32>
        %mul3A_2933 = arith.mulf %mul3A_2932, %gather3A_2752 : vector<16xf32>
        %add3A_2934 = arith.addf %add3A_2931, %mul3A_2933 : vector<16xf32>
        %add3A_2935 = arith.addf %add3A_2923, %add3A_2934 : vector<16xf32>
        %mul3A_2936 = arith.constant 32 : i32
        %mul3A_2937 = arith.muli %add3A_2718, %mul3A_2936 : i32
        %add3A_2938 = arith.constant 16 : i32
        %add3A_2939 = arith.addi %mul3A_2937, %add3A_2938 : i32
        %swap3A_2940 = arith.constant 0 : i32
        %swap3A_2941 = arith.index_cast %rem3A_103 : i32 to index
        %swap3A_2942 = arith.index_cast %swap3A_2940 : i32 to index
        %swap3A_2943 = arith.index_cast %add3A_2939 : i32 to index
        %swap3A_2944 = tpu.vector_load %arg11[%swap3A_2941, %swap3A_2942, %swap3A_2943] {strides = array<i32>} : memref<2x1x20480xf32, #tpu.memory_space<vmem>>, vector<16xf32>,
        tpu.vector_store %arg11[%swap3A_2941, %swap3A_2942, %swap3A_2943], %add3A_2935 {strides = array<i32>} : memref<2x1x20480xf32, #tpu.memory_space<vmem>>, vector<16xf32>,
        %mul3A_2945 = arith.constant 16 : i32
        %mul3A_2946 = arith.muli %scan3A_150, %mul3A_2945 : i32
        %add3A_2947 = arith.constant 12 : i32
        %add3A_2948 = arith.addi %mul3A_2946, %add3A_2947 : i32
        %mul3A_2949 = arith.constant 128 : i32
        %mul3A_2950 = arith.muli %select_n3A_99, %mul3A_2949 : i32
        %add3A_2951 = arith.addi %mul3A_2950, %add3A_2948 : i32
        %add3A_2952 = vector.broadcast %add3A_2951 : i32 to vector<16xi32>
        %add3A_2953 = arith.addi %broadcast_in_dim3A_136, %add3A_2952 : vector<16xi32>
        %add3A_2954 = arith.constant 0 : i32
        %add3A_2955 = vector.broadcast %add3A_2954 : i32 to vector<16xi32>
        %add3A_2956 = arith.addi %broadcast_in_dim3A_136, %add3A_2955 : vector<16xi32>
        %gather3A_2957 = tpu.vector_load_idx %arg9[%add3A_2956, %add3A_2953] : memref<4x640xf32, #tpu.memory_space<vmem>>[vector<16xi32>, vector<16xi32>], vector<16xf32>,
        %add3A_2958 = arith.constant 1 : i32
        %add3A_2959 = vector.broadcast %add3A_2958 : i32 to vector<16xi32>
        %add3A_2960 = arith.addi %broadcast_in_dim3A_136, %add3A_2959 : vector<16xi32>
        %gather3A_2961 = tpu.vector_load_idx %arg9[%add3A_2960, %add3A_2953] : memref<4x640xf32, #tpu.memory_space<vmem>>[vector<16xi32>, vector<16xi32>], vector<16xf32>,
        %add3A_2962 = arith.constant 2 : i32
        %add3A_2963 = vector.broadcast %add3A_2962 : i32 to vector<16xi32>
        %add3A_2964 = arith.addi %broadcast_in_dim3A_136, %add3A_2963 : vector<16xi32>
        %gather3A_2965 = tpu.vector_load_idx %arg9[%add3A_2964, %add3A_2953] : memref<4x640xf32, #tpu.memory_space<vmem>>[vector<16xi32>, vector<16xi32>], vector<16xf32>,
        %add3A_2966 = arith.constant 3 : i32
        %add3A_2967 = vector.broadcast %add3A_2966 : i32 to vector<16xi32>
        %add3A_2968 = arith.addi %broadcast_in_dim3A_136, %add3A_2967 : vector<16xi32>
        %gather3A_2969 = tpu.vector_load_idx %arg9[%add3A_2968, %add3A_2953] : memref<4x640xf32, #tpu.memory_space<vmem>>[vector<16xi32>, vector<16xi32>], vector<16xf32>,
        %add3A_2970 = arith.constant 0 : i32
        %add3A_2971 = vector.broadcast %add3A_2970 : i32 to vector<16xi32>
        %add3A_2972 = arith.addi %broadcast_in_dim3A_136, %add3A_2971 : vector<16xi32>
        %gather3A_2973 = tpu.vector_load_idx %arg10[%add3A_2972, %add3A_2953] : memref<4x640xf32, #tpu.memory_space<vmem>>[vector<16xi32>, vector<16xi32>], vector<16xf32>,
        %add3A_2974 = arith.constant 1 : i32
        %add3A_2975 = vector.broadcast %add3A_2974 : i32 to vector<16xi32>
        %add3A_2976 = arith.addi %broadcast_in_dim3A_136, %add3A_2975 : vector<16xi32>
        %gather3A_2977 = tpu.vector_load_idx %arg10[%add3A_2976, %add3A_2953] : memref<4x640xf32, #tpu.memory_space<vmem>>[vector<16xi32>, vector<16xi32>], vector<16xf32>,
        %add3A_2978 = arith.constant 2 : i32
        %add3A_2979 = vector.broadcast %add3A_2978 : i32 to vector<16xi32>
        %add3A_2980 = arith.addi %broadcast_in_dim3A_136, %add3A_2979 : vector<16xi32>
        %gather3A_2981 = tpu.vector_load_idx %arg10[%add3A_2980, %add3A_2953] : memref<4x640xf32, #tpu.memory_space<vmem>>[vector<16xi32>, vector<16xi32>], vector<16xf32>,
        %add3A_2982 = arith.constant 3 : i32
        %add3A_2983 = vector.broadcast %add3A_2982 : i32 to vector<16xi32>
        %add3A_2984 = arith.addi %broadcast_in_dim3A_136, %add3A_2983 : vector<16xi32>
        %gather3A_2985 = tpu.vector_load_idx %arg10[%add3A_2984, %add3A_2953] : memref<4x640xf32, #tpu.memory_space<vmem>>[vector<16xi32>, vector<16xi32>], vector<16xf32>,
        %get3A_2986 = arith.constant 0 : i32
        %get3A_2987 = arith.constant 0 : i32
        %get3A_2988 = tpu.memref_slice %arg7[%rem3A_101, %get3A_2986, %get3A_2987] : memref<2x256x128xf32, #tpu.memory_space<vmem>> -> memref<1x256x128xf32, #tpu.memory_space<vmem>>
        %get3A_2989 = tpu.memref_squeeze %get3A_2988 : memref<1x256x128xf32, #tpu.memory_space<vmem>> -> memref<256x128xf32, #tpu.memory_space<vmem>>
        %get3A_2990 = arith.index_cast %add3A_2948 : i32 to index
        %get3A_2991 = arith.constant 0 : index
        %get3A_2992 = tpu.vector_load %get3A_2989[%get3A_2990, %get3A_2991] {strides = array<i32>} : memref<256x128xf32, #tpu.memory_space<vmem>>, vector<16xf32>,
        %get3A_2993 = arith.constant 0 : i32
        %get3A_2994 = arith.constant 0 : i32
        %get3A_2995 = tpu.memref_slice %arg7[%rem3A_101, %get3A_2993, %get3A_2994] : memref<2x256x128xf32, #tpu.memory_space<vmem>> -> memref<1x256x128xf32, #tpu.memory_space<vmem>>
        %get3A_2996 = tpu.memref_squeeze %get3A_2995 : memref<1x256x128xf32, #tpu.memory_space<vmem>> -> memref<256x128xf32, #tpu.memory_space<vmem>>
        %get3A_2997 = arith.index_cast %add3A_2948 : i32 to index
        %get3A_2998 = arith.constant 32 : index
        %get3A_2999 = tpu.vector_load %get3A_2996[%get3A_2997, %get3A_2998] {strides = array<i32>} : memref<256x128xf32, #tpu.memory_space<vmem>>, vector<16xf32>,
        %get3A_3000 = arith.constant 0 : i32
        %get3A_3001 = arith.constant 0 : i32
        %get3A_3002 = tpu.memref_slice %arg7[%rem3A_101, %get3A_3000, %get3A_3001] : memref<2x256x128xf32, #tpu.memory_space<vmem>> -> memref<1x256x128xf32, #tpu.memory_space<vmem>>
        %get3A_3003 = tpu.memref_squeeze %get3A_3002 : memref<1x256x128xf32, #tpu.memory_space<vmem>> -> memref<256x128xf32, #tpu.memory_space<vmem>>
        %get3A_3004 = arith.index_cast %add3A_2948 : i32 to index
        %get3A_3005 = arith.constant 64 : index
        %get3A_3006 = tpu.vector_load %get3A_3003[%get3A_3004, %get3A_3005] {strides = array<i32>} : memref<256x128xf32, #tpu.memory_space<vmem>>, vector<16xf32>,
        %get3A_3007 = arith.constant 0 : i32
        %get3A_3008 = arith.constant 0 : i32
        %get3A_3009 = tpu.memref_slice %arg7[%rem3A_101, %get3A_3007, %get3A_3008] : memref<2x256x128xf32, #tpu.memory_space<vmem>> -> memref<1x256x128xf32, #tpu.memory_space<vmem>>
        %get3A_3010 = tpu.memref_squeeze %get3A_3009 : memref<1x256x128xf32, #tpu.memory_space<vmem>> -> memref<256x128xf32, #tpu.memory_space<vmem>>
        %get3A_3011 = arith.index_cast %add3A_2948 : i32 to index
        %get3A_3012 = arith.constant 96 : index
        %get3A_3013 = tpu.vector_load %get3A_3010[%get3A_3011, %get3A_3012] {strides = array<i32>} : memref<256x128xf32, #tpu.memory_space<vmem>>, vector<16xf32>,
        %add3A_3014 = arith.constant 128 : i32
        %add3A_3015 = arith.addi %add3A_2948, %add3A_3014 : i32
        %get3A_3016 = arith.constant 0 : i32
        %get3A_3017 = arith.constant 0 : i32
        %get3A_3018 = tpu.memref_slice %arg7[%rem3A_101, %get3A_3016, %get3A_3017] : memref<2x256x128xf32, #tpu.memory_space<vmem>> -> memref<1x256x128xf32, #tpu.memory_space<vmem>>
        %get3A_3019 = tpu.memref_squeeze %get3A_3018 : memref<1x256x128xf32, #tpu.memory_space<vmem>> -> memref<256x128xf32, #tpu.memory_space<vmem>>
        %get3A_3020 = arith.index_cast %add3A_3015 : i32 to index
        %get3A_3021 = arith.constant 0 : index
        %get3A_3022 = tpu.vector_load %get3A_3019[%get3A_3020, %get3A_3021] {strides = array<i32>} : memref<256x128xf32, #tpu.memory_space<vmem>>, vector<16xf32>,
        %add3A_3023 = arith.constant 128 : i32
        %add3A_3024 = arith.addi %add3A_2948, %add3A_3023 : i32
        %get3A_3025 = arith.constant 0 : i32
        %get3A_3026 = arith.constant 0 : i32
        %get3A_3027 = tpu.memref_slice %arg7[%rem3A_101, %get3A_3025, %get3A_3026] : memref<2x256x128xf32, #tpu.memory_space<vmem>> -> memref<1x256x128xf32, #tpu.memory_space<vmem>>
        %get3A_3028 = tpu.memref_squeeze %get3A_3027 : memref<1x256x128xf32, #tpu.memory_space<vmem>> -> memref<256x128xf32, #tpu.memory_space<vmem>>
        %get3A_3029 = arith.index_cast %add3A_3024 : i32 to index
        %get3A_3030 = arith.constant 32 : index
        %get3A_3031 = tpu.vector_load %get3A_3028[%get3A_3029, %get3A_3030] {strides = array<i32>} : memref<256x128xf32, #tpu.memory_space<vmem>>, vector<16xf32>,
        %add3A_3032 = arith.constant 128 : i32
        %add3A_3033 = arith.addi %add3A_2948, %add3A_3032 : i32
        %get3A_3034 = arith.constant 0 : i32
        %get3A_3035 = arith.constant 0 : i32
        %get3A_3036 = tpu.memref_slice %arg7[%rem3A_101, %get3A_3034, %get3A_3035] : memref<2x256x128xf32, #tpu.memory_space<vmem>> -> memref<1x256x128xf32, #tpu.memory_space<vmem>>
        %get3A_3037 = tpu.memref_squeeze %get3A_3036 : memref<1x256x128xf32, #tpu.memory_space<vmem>> -> memref<256x128xf32, #tpu.memory_space<vmem>>
        %get3A_3038 = arith.index_cast %add3A_3033 : i32 to index
        %get3A_3039 = arith.constant 64 : index
        %get3A_3040 = tpu.vector_load %get3A_3037[%get3A_3038, %get3A_3039] {strides = array<i32>} : memref<256x128xf32, #tpu.memory_space<vmem>>, vector<16xf32>,
        %add3A_3041 = arith.constant 128 : i32
        %add3A_3042 = arith.addi %add3A_2948, %add3A_3041 : i32
        %get3A_3043 = arith.constant 0 : i32
        %get3A_3044 = arith.constant 0 : i32
        %get3A_3045 = tpu.memref_slice %arg7[%rem3A_101, %get3A_3043, %get3A_3044] : memref<2x256x128xf32, #tpu.memory_space<vmem>> -> memref<1x256x128xf32, #tpu.memory_space<vmem>>
        %get3A_3046 = tpu.memref_squeeze %get3A_3045 : memref<1x256x128xf32, #tpu.memory_space<vmem>> -> memref<256x128xf32, #tpu.memory_space<vmem>>
        %get3A_3047 = arith.index_cast %add3A_3042 : i32 to index
        %get3A_3048 = arith.constant 96 : index
        %get3A_3049 = tpu.vector_load %get3A_3046[%get3A_3047, %get3A_3048] {strides = array<i32>} : memref<256x128xf32, #tpu.memory_space<vmem>>, vector<16xf32>,
        %mul3A_3050 = arith.mulf %get3A_2992, %gather3A_2957 : vector<16xf32>
        %mul3A_3051 = arith.mulf %mul3A_3050, %gather3A_2965 : vector<16xf32>
        %mul3A_3052 = arith.mulf %get3A_2999, %gather3A_2957 : vector<16xf32>
        %mul3A_3053 = arith.mulf %mul3A_3052, %gather3A_2969 : vector<16xf32>
        %add3A_3054 = arith.addf %mul3A_3051, %mul3A_3053 : vector<16xf32>
        %mul3A_3055 = arith.mulf %get3A_3006, %gather3A_2961 : vector<16xf32>
        %mul3A_3056 = arith.mulf %mul3A_3055, %gather3A_2965 : vector<16xf32>
        %add3A_3057 = arith.addf %add3A_3054, %mul3A_3056 : vector<16xf32>
        %mul3A_3058 = arith.mulf %get3A_3013, %gather3A_2961 : vector<16xf32>
        %mul3A_3059 = arith.mulf %mul3A_3058, %gather3A_2969 : vector<16xf32>
        %add3A_3060 = arith.addf %add3A_3057, %mul3A_3059 : vector<16xf32>
        %mul3A_3061 = arith.mulf %get3A_3022, %gather3A_2973 : vector<16xf32>
        %mul3A_3062 = arith.mulf %mul3A_3061, %gather3A_2981 : vector<16xf32>
        %mul3A_3063 = arith.mulf %get3A_3031, %gather3A_2973 : vector<16xf32>
        %mul3A_3064 = arith.mulf %mul3A_3063, %gather3A_2985 : vector<16xf32>
        %add3A_3065 = arith.addf %mul3A_3062, %mul3A_3064 : vector<16xf32>
        %mul3A_3066 = arith.mulf %get3A_3040, %gather3A_2977 : vector<16xf32>
        %mul3A_3067 = arith.mulf %mul3A_3066, %gather3A_2981 : vector<16xf32>
        %add3A_3068 = arith.addf %add3A_3065, %mul3A_3067 : vector<16xf32>
        %mul3A_3069 = arith.mulf %get3A_3049, %gather3A_2977 : vector<16xf32>
        %mul3A_3070 = arith.mulf %mul3A_3069, %gather3A_2985 : vector<16xf32>
        %add3A_3071 = arith.addf %add3A_3068, %mul3A_3070 : vector<16xf32>
        %add3A_3072 = arith.addf %add3A_3060, %add3A_3071 : vector<16xf32>
        %mul3A_3073 = arith.constant 32 : i32
        %mul3A_3074 = arith.muli %add3A_2951, %mul3A_3073 : i32
        %add3A_3075 = arith.constant 0 : i32
        %add3A_3076 = arith.addi %mul3A_3074, %add3A_3075 : i32
        %swap3A_3077 = arith.constant 0 : i32
        %swap3A_3078 = arith.index_cast %rem3A_103 : i32 to index
        %swap3A_3079 = arith.index_cast %swap3A_3077 : i32 to index
        %swap3A_3080 = arith.index_cast %add3A_3076 : i32 to index
        %swap3A_3081 = tpu.vector_load %arg11[%swap3A_3078, %swap3A_3079, %swap3A_3080] {strides = array<i32>} : memref<2x1x20480xf32, #tpu.memory_space<vmem>>, vector<16xf32>,
        tpu.vector_store %arg11[%swap3A_3078, %swap3A_3079, %swap3A_3080], %add3A_3072 {strides = array<i32>} : memref<2x1x20480xf32, #tpu.memory_space<vmem>>, vector<16xf32>,
        %get3A_3082 = arith.constant 0 : i32
        %get3A_3083 = arith.constant 0 : i32
        %get3A_3084 = tpu.memref_slice %arg7[%rem3A_101, %get3A_3082, %get3A_3083] : memref<2x256x128xf32, #tpu.memory_space<vmem>> -> memref<1x256x128xf32, #tpu.memory_space<vmem>>
        %get3A_3085 = tpu.memref_squeeze %get3A_3084 : memref<1x256x128xf32, #tpu.memory_space<vmem>> -> memref<256x128xf32, #tpu.memory_space<vmem>>
        %get3A_3086 = arith.index_cast %add3A_2948 : i32 to index
        %get3A_3087 = arith.constant 16 : index
        %get3A_3088 = tpu.vector_load %get3A_3085[%get3A_3086, %get3A_3087] {strides = array<i32>} : memref<256x128xf32, #tpu.memory_space<vmem>>, vector<16xf32>,
        %get3A_3089 = arith.constant 0 : i32
        %get3A_3090 = arith.constant 0 : i32
        %get3A_3091 = tpu.memref_slice %arg7[%rem3A_101, %get3A_3089, %get3A_3090] : memref<2x256x128xf32, #tpu.memory_space<vmem>> -> memref<1x256x128xf32, #tpu.memory_space<vmem>>
        %get3A_3092 = tpu.memref_squeeze %get3A_3091 : memref<1x256x128xf32, #tpu.memory_space<vmem>> -> memref<256x128xf32, #tpu.memory_space<vmem>>
        %get3A_3093 = arith.index_cast %add3A_2948 : i32 to index
        %get3A_3094 = arith.constant 48 : index
        %get3A_3095 = tpu.vector_load %get3A_3092[%get3A_3093, %get3A_3094] {strides = array<i32>} : memref<256x128xf32, #tpu.memory_space<vmem>>, vector<16xf32>,
        %get3A_3096 = arith.constant 0 : i32
        %get3A_3097 = arith.constant 0 : i32
        %get3A_3098 = tpu.memref_slice %arg7[%rem3A_101, %get3A_3096, %get3A_3097] : memref<2x256x128xf32, #tpu.memory_space<vmem>> -> memref<1x256x128xf32, #tpu.memory_space<vmem>>
        %get3A_3099 = tpu.memref_squeeze %get3A_3098 : memref<1x256x128xf32, #tpu.memory_space<vmem>> -> memref<256x128xf32, #tpu.memory_space<vmem>>
        %get3A_3100 = arith.index_cast %add3A_2948 : i32 to index
        %get3A_3101 = arith.constant 80 : index
        %get3A_3102 = tpu.vector_load %get3A_3099[%get3A_3100, %get3A_3101] {strides = array<i32>} : memref<256x128xf32, #tpu.memory_space<vmem>>, vector<16xf32>,
        %get3A_3103 = arith.constant 0 : i32
        %get3A_3104 = arith.constant 0 : i32
        %get3A_3105 = tpu.memref_slice %arg7[%rem3A_101, %get3A_3103, %get3A_3104] : memref<2x256x128xf32, #tpu.memory_space<vmem>> -> memref<1x256x128xf32, #tpu.memory_space<vmem>>
        %get3A_3106 = tpu.memref_squeeze %get3A_3105 : memref<1x256x128xf32, #tpu.memory_space<vmem>> -> memref<256x128xf32, #tpu.memory_space<vmem>>
        %get3A_3107 = arith.index_cast %add3A_2948 : i32 to index
        %get3A_3108 = arith.constant 112 : index
        %get3A_3109 = tpu.vector_load %get3A_3106[%get3A_3107, %get3A_3108] {strides = array<i32>} : memref<256x128xf32, #tpu.memory_space<vmem>>, vector<16xf32>,
        %add3A_3110 = arith.constant 128 : i32
        %add3A_3111 = arith.addi %add3A_2948, %add3A_3110 : i32
        %get3A_3112 = arith.constant 0 : i32
        %get3A_3113 = arith.constant 0 : i32
        %get3A_3114 = tpu.memref_slice %arg7[%rem3A_101, %get3A_3112, %get3A_3113] : memref<2x256x128xf32, #tpu.memory_space<vmem>> -> memref<1x256x128xf32, #tpu.memory_space<vmem>>
        %get3A_3115 = tpu.memref_squeeze %get3A_3114 : memref<1x256x128xf32, #tpu.memory_space<vmem>> -> memref<256x128xf32, #tpu.memory_space<vmem>>
        %get3A_3116 = arith.index_cast %add3A_3111 : i32 to index
        %get3A_3117 = arith.constant 16 : index
        %get3A_3118 = tpu.vector_load %get3A_3115[%get3A_3116, %get3A_3117] {strides = array<i32>} : memref<256x128xf32, #tpu.memory_space<vmem>>, vector<16xf32>,
        %add3A_3119 = arith.constant 128 : i32
        %add3A_3120 = arith.addi %add3A_2948, %add3A_3119 : i32
        %get3A_3121 = arith.constant 0 : i32
        %get3A_3122 = arith.constant 0 : i32
        %get3A_3123 = tpu.memref_slice %arg7[%rem3A_101, %get3A_3121, %get3A_3122] : memref<2x256x128xf32, #tpu.memory_space<vmem>> -> memref<1x256x128xf32, #tpu.memory_space<vmem>>
        %get3A_3124 = tpu.memref_squeeze %get3A_3123 : memref<1x256x128xf32, #tpu.memory_space<vmem>> -> memref<256x128xf32, #tpu.memory_space<vmem>>
        %get3A_3125 = arith.index_cast %add3A_3120 : i32 to index
        %get3A_3126 = arith.constant 48 : index
        %get3A_3127 = tpu.vector_load %get3A_3124[%get3A_3125, %get3A_3126] {strides = array<i32>} : memref<256x128xf32, #tpu.memory_space<vmem>>, vector<16xf32>,
        %add3A_3128 = arith.constant 128 : i32
        %add3A_3129 = arith.addi %add3A_2948, %add3A_3128 : i32
        %get3A_3130 = arith.constant 0 : i32
        %get3A_3131 = arith.constant 0 : i32
        %get3A_3132 = tpu.memref_slice %arg7[%rem3A_101, %get3A_3130, %get3A_3131] : memref<2x256x128xf32, #tpu.memory_space<vmem>> -> memref<1x256x128xf32, #tpu.memory_space<vmem>>
        %get3A_3133 = tpu.memref_squeeze %get3A_3132 : memref<1x256x128xf32, #tpu.memory_space<vmem>> -> memref<256x128xf32, #tpu.memory_space<vmem>>
        %get3A_3134 = arith.index_cast %add3A_3129 : i32 to index
        %get3A_3135 = arith.constant 80 : index
        %get3A_3136 = tpu.vector_load %get3A_3133[%get3A_3134, %get3A_3135] {strides = array<i32>} : memref<256x128xf32, #tpu.memory_space<vmem>>, vector<16xf32>,
        %add3A_3137 = arith.constant 128 : i32
        %add3A_3138 = arith.addi %add3A_2948, %add3A_3137 : i32
        %get3A_3139 = arith.constant 0 : i32
        %get3A_3140 = arith.constant 0 : i32
        %get3A_3141 = tpu.memref_slice %arg7[%rem3A_101, %get3A_3139, %get3A_3140] : memref<2x256x128xf32, #tpu.memory_space<vmem>> -> memref<1x256x128xf32, #tpu.memory_space<vmem>>
        %get3A_3142 = tpu.memref_squeeze %get3A_3141 : memref<1x256x128xf32, #tpu.memory_space<vmem>> -> memref<256x128xf32, #tpu.memory_space<vmem>>
        %get3A_3143 = arith.index_cast %add3A_3138 : i32 to index
        %get3A_3144 = arith.constant 112 : index
        %get3A_3145 = tpu.vector_load %get3A_3142[%get3A_3143, %get3A_3144] {strides = array<i32>} : memref<256x128xf32, #tpu.memory_space<vmem>>, vector<16xf32>,
        %mul3A_3146 = arith.mulf %get3A_3088, %gather3A_2957 : vector<16xf32>
        %mul3A_3147 = arith.mulf %mul3A_3146, %gather3A_2965 : vector<16xf32>
        %mul3A_3148 = arith.mulf %get3A_3095, %gather3A_2957 : vector<16xf32>
        %mul3A_3149 = arith.mulf %mul3A_3148, %gather3A_2969 : vector<16xf32>
        %add3A_3150 = arith.addf %mul3A_3147, %mul3A_3149 : vector<16xf32>
        %mul3A_3151 = arith.mulf %get3A_3102, %gather3A_2961 : vector<16xf32>
        %mul3A_3152 = arith.mulf %mul3A_3151, %gather3A_2965 : vector<16xf32>
        %add3A_3153 = arith.addf %add3A_3150, %mul3A_3152 : vector<16xf32>
        %mul3A_3154 = arith.mulf %get3A_3109, %gather3A_2961 : vector<16xf32>
        %mul3A_3155 = arith.mulf %mul3A_3154, %gather3A_2969 : vector<16xf32>
        %add3A_3156 = arith.addf %add3A_3153, %mul3A_3155 : vector<16xf32>
        %mul3A_3157 = arith.mulf %get3A_3118, %gather3A_2973 : vector<16xf32>
        %mul3A_3158 = arith.mulf %mul3A_3157, %gather3A_2981 : vector<16xf32>
        %mul3A_3159 = arith.mulf %get3A_3127, %gather3A_2973 : vector<16xf32>
        %mul3A_3160 = arith.mulf %mul3A_3159, %gather3A_2985 : vector<16xf32>
        %add3A_3161 = arith.addf %mul3A_3158, %mul3A_3160 : vector<16xf32>
        %mul3A_3162 = arith.mulf %get3A_3136, %gather3A_2977 : vector<16xf32>
        %mul3A_3163 = arith.mulf %mul3A_3162, %gather3A_2981 : vector<16xf32>
        %add3A_3164 = arith.addf %add3A_3161, %mul3A_3163 : vector<16xf32>
        %mul3A_3165 = arith.mulf %get3A_3145, %gather3A_2977 : vector<16xf32>
        %mul3A_3166 = arith.mulf %mul3A_3165, %gather3A_2985 : vector<16xf32>
        %add3A_3167 = arith.addf %add3A_3164, %mul3A_3166 : vector<16xf32>
        %add3A_3168 = arith.addf %add3A_3156, %add3A_3167 : vector<16xf32>
        %mul3A_3169 = arith.constant 32 : i32
        %mul3A_3170 = arith.muli %add3A_2951, %mul3A_3169 : i32
        %add3A_3171 = arith.constant 16 : i32
        %add3A_3172 = arith.addi %mul3A_3170, %add3A_3171 : i32
        %swap3A_3173 = arith.constant 0 : i32
        %swap3A_3174 = arith.index_cast %rem3A_103 : i32 to index
        %swap3A_3175 = arith.index_cast %swap3A_3173 : i32 to index
        %swap3A_3176 = arith.index_cast %add3A_3172 : i32 to index
        %swap3A_3177 = tpu.vector_load %arg11[%swap3A_3174, %swap3A_3175, %swap3A_3176] {strides = array<i32>} : memref<2x1x20480xf32, #tpu.memory_space<vmem>>, vector<16xf32>,
        tpu.vector_store %arg11[%swap3A_3174, %swap3A_3175, %swap3A_3176], %add3A_3168 {strides = array<i32>} : memref<2x1x20480xf32, #tpu.memory_space<vmem>>, vector<16xf32>,
        %mul3A_3178 = arith.constant 16 : i32
        %mul3A_3179 = arith.muli %scan3A_150, %mul3A_3178 : i32
        %add3A_3180 = arith.constant 13 : i32
        %add3A_3181 = arith.addi %mul3A_3179, %add3A_3180 : i32
        %mul3A_3182 = arith.constant 128 : i32
        %mul3A_3183 = arith.muli %select_n3A_99, %mul3A_3182 : i32
        %add3A_3184 = arith.addi %mul3A_3183, %add3A_3181 : i32
        %add3A_3185 = vector.broadcast %add3A_3184 : i32 to vector<16xi32>
        %add3A_3186 = arith.addi %broadcast_in_dim3A_136, %add3A_3185 : vector<16xi32>
        %add3A_3187 = arith.constant 0 : i32
        %add3A_3188 = vector.broadcast %add3A_3187 : i32 to vector<16xi32>
        %add3A_3189 = arith.addi %broadcast_in_dim3A_136, %add3A_3188 : vector<16xi32>
        %gather3A_3190 = tpu.vector_load_idx %arg9[%add3A_3189, %add3A_3186] : memref<4x640xf32, #tpu.memory_space<vmem>>[vector<16xi32>, vector<16xi32>], vector<16xf32>,
        %add3A_3191 = arith.constant 1 : i32
        %add3A_3192 = vector.broadcast %add3A_3191 : i32 to vector<16xi32>
        %add3A_3193 = arith.addi %broadcast_in_dim3A_136, %add3A_3192 : vector<16xi32>
        %gather3A_3194 = tpu.vector_load_idx %arg9[%add3A_3193, %add3A_3186] : memref<4x640xf32, #tpu.memory_space<vmem>>[vector<16xi32>, vector<16xi32>], vector<16xf32>,
        %add3A_3195 = arith.constant 2 : i32
        %add3A_3196 = vector.broadcast %add3A_3195 : i32 to vector<16xi32>
        %add3A_3197 = arith.addi %broadcast_in_dim3A_136, %add3A_3196 : vector<16xi32>
        %gather3A_3198 = tpu.vector_load_idx %arg9[%add3A_3197, %add3A_3186] : memref<4x640xf32, #tpu.memory_space<vmem>>[vector<16xi32>, vector<16xi32>], vector<16xf32>,
        %add3A_3199 = arith.constant 3 : i32
        %add3A_3200 = vector.broadcast %add3A_3199 : i32 to vector<16xi32>
        %add3A_3201 = arith.addi %broadcast_in_dim3A_136, %add3A_3200 : vector<16xi32>
        %gather3A_3202 = tpu.vector_load_idx %arg9[%add3A_3201, %add3A_3186] : memref<4x640xf32, #tpu.memory_space<vmem>>[vector<16xi32>, vector<16xi32>], vector<16xf32>,
        %add3A_3203 = arith.constant 0 : i32
        %add3A_3204 = vector.broadcast %add3A_3203 : i32 to vector<16xi32>
        %add3A_3205 = arith.addi %broadcast_in_dim3A_136, %add3A_3204 : vector<16xi32>
        %gather3A_3206 = tpu.vector_load_idx %arg10[%add3A_3205, %add3A_3186] : memref<4x640xf32, #tpu.memory_space<vmem>>[vector<16xi32>, vector<16xi32>], vector<16xf32>,
        %add3A_3207 = arith.constant 1 : i32
        %add3A_3208 = vector.broadcast %add3A_3207 : i32 to vector<16xi32>
        %add3A_3209 = arith.addi %broadcast_in_dim3A_136, %add3A_3208 : vector<16xi32>
        %gather3A_3210 = tpu.vector_load_idx %arg10[%add3A_3209, %add3A_3186] : memref<4x640xf32, #tpu.memory_space<vmem>>[vector<16xi32>, vector<16xi32>], vector<16xf32>,
        %add3A_3211 = arith.constant 2 : i32
        %add3A_3212 = vector.broadcast %add3A_3211 : i32 to vector<16xi32>
        %add3A_3213 = arith.addi %broadcast_in_dim3A_136, %add3A_3212 : vector<16xi32>
        %gather3A_3214 = tpu.vector_load_idx %arg10[%add3A_3213, %add3A_3186] : memref<4x640xf32, #tpu.memory_space<vmem>>[vector<16xi32>, vector<16xi32>], vector<16xf32>,
        %add3A_3215 = arith.constant 3 : i32
        %add3A_3216 = vector.broadcast %add3A_3215 : i32 to vector<16xi32>
        %add3A_3217 = arith.addi %broadcast_in_dim3A_136, %add3A_3216 : vector<16xi32>
        %gather3A_3218 = tpu.vector_load_idx %arg10[%add3A_3217, %add3A_3186] : memref<4x640xf32, #tpu.memory_space<vmem>>[vector<16xi32>, vector<16xi32>], vector<16xf32>,
        %get3A_3219 = arith.constant 0 : i32
        %get3A_3220 = arith.constant 0 : i32
        %get3A_3221 = tpu.memref_slice %arg7[%rem3A_101, %get3A_3219, %get3A_3220] : memref<2x256x128xf32, #tpu.memory_space<vmem>> -> memref<1x256x128xf32, #tpu.memory_space<vmem>>
        %get3A_3222 = tpu.memref_squeeze %get3A_3221 : memref<1x256x128xf32, #tpu.memory_space<vmem>> -> memref<256x128xf32, #tpu.memory_space<vmem>>
        %get3A_3223 = arith.index_cast %add3A_3181 : i32 to index
        %get3A_3224 = arith.constant 0 : index
        %get3A_3225 = tpu.vector_load %get3A_3222[%get3A_3223, %get3A_3224] {strides = array<i32>} : memref<256x128xf32, #tpu.memory_space<vmem>>, vector<16xf32>,
        %get3A_3226 = arith.constant 0 : i32
        %get3A_3227 = arith.constant 0 : i32
        %get3A_3228 = tpu.memref_slice %arg7[%rem3A_101, %get3A_3226, %get3A_3227] : memref<2x256x128xf32, #tpu.memory_space<vmem>> -> memref<1x256x128xf32, #tpu.memory_space<vmem>>
        %get3A_3229 = tpu.memref_squeeze %get3A_3228 : memref<1x256x128xf32, #tpu.memory_space<vmem>> -> memref<256x128xf32, #tpu.memory_space<vmem>>
        %get3A_3230 = arith.index_cast %add3A_3181 : i32 to index
        %get3A_3231 = arith.constant 32 : index
        %get3A_3232 = tpu.vector_load %get3A_3229[%get3A_3230, %get3A_3231] {strides = array<i32>} : memref<256x128xf32, #tpu.memory_space<vmem>>, vector<16xf32>,
        %get3A_3233 = arith.constant 0 : i32
        %get3A_3234 = arith.constant 0 : i32
        %get3A_3235 = tpu.memref_slice %arg7[%rem3A_101, %get3A_3233, %get3A_3234] : memref<2x256x128xf32, #tpu.memory_space<vmem>> -> memref<1x256x128xf32, #tpu.memory_space<vmem>>
        %get3A_3236 = tpu.memref_squeeze %get3A_3235 : memref<1x256x128xf32, #tpu.memory_space<vmem>> -> memref<256x128xf32, #tpu.memory_space<vmem>>
        %get3A_3237 = arith.index_cast %add3A_3181 : i32 to index
        %get3A_3238 = arith.constant 64 : index
        %get3A_3239 = tpu.vector_load %get3A_3236[%get3A_3237, %get3A_3238] {strides = array<i32>} : memref<256x128xf32, #tpu.memory_space<vmem>>, vector<16xf32>,
        %get3A_3240 = arith.constant 0 : i32
        %get3A_3241 = arith.constant 0 : i32
        %get3A_3242 = tpu.memref_slice %arg7[%rem3A_101, %get3A_3240, %get3A_3241] : memref<2x256x128xf32, #tpu.memory_space<vmem>> -> memref<1x256x128xf32, #tpu.memory_space<vmem>>
        %get3A_3243 = tpu.memref_squeeze %get3A_3242 : memref<1x256x128xf32, #tpu.memory_space<vmem>> -> memref<256x128xf32, #tpu.memory_space<vmem>>
        %get3A_3244 = arith.index_cast %add3A_3181 : i32 to index
        %get3A_3245 = arith.constant 96 : index
        %get3A_3246 = tpu.vector_load %get3A_3243[%get3A_3244, %get3A_3245] {strides = array<i32>} : memref<256x128xf32, #tpu.memory_space<vmem>>, vector<16xf32>,
        %add3A_3247 = arith.constant 128 : i32
        %add3A_3248 = arith.addi %add3A_3181, %add3A_3247 : i32
        %get3A_3249 = arith.constant 0 : i32
        %get3A_3250 = arith.constant 0 : i32
        %get3A_3251 = tpu.memref_slice %arg7[%rem3A_101, %get3A_3249, %get3A_3250] : memref<2x256x128xf32, #tpu.memory_space<vmem>> -> memref<1x256x128xf32, #tpu.memory_space<vmem>>
        %get3A_3252 = tpu.memref_squeeze %get3A_3251 : memref<1x256x128xf32, #tpu.memory_space<vmem>> -> memref<256x128xf32, #tpu.memory_space<vmem>>
        %get3A_3253 = arith.index_cast %add3A_3248 : i32 to index
        %get3A_3254 = arith.constant 0 : index
        %get3A_3255 = tpu.vector_load %get3A_3252[%get3A_3253, %get3A_3254] {strides = array<i32>} : memref<256x128xf32, #tpu.memory_space<vmem>>, vector<16xf32>,
        %add3A_3256 = arith.constant 128 : i32
        %add3A_3257 = arith.addi %add3A_3181, %add3A_3256 : i32
        %get3A_3258 = arith.constant 0 : i32
        %get3A_3259 = arith.constant 0 : i32
        %get3A_3260 = tpu.memref_slice %arg7[%rem3A_101, %get3A_3258, %get3A_3259] : memref<2x256x128xf32, #tpu.memory_space<vmem>> -> memref<1x256x128xf32, #tpu.memory_space<vmem>>
        %get3A_3261 = tpu.memref_squeeze %get3A_3260 : memref<1x256x128xf32, #tpu.memory_space<vmem>> -> memref<256x128xf32, #tpu.memory_space<vmem>>
        %get3A_3262 = arith.index_cast %add3A_3257 : i32 to index
        %get3A_3263 = arith.constant 32 : index
        %get3A_3264 = tpu.vector_load %get3A_3261[%get3A_3262, %get3A_3263] {strides = array<i32>} : memref<256x128xf32, #tpu.memory_space<vmem>>, vector<16xf32>,
        %add3A_3265 = arith.constant 128 : i32
        %add3A_3266 = arith.addi %add3A_3181, %add3A_3265 : i32
        %get3A_3267 = arith.constant 0 : i32
        %get3A_3268 = arith.constant 0 : i32
        %get3A_3269 = tpu.memref_slice %arg7[%rem3A_101, %get3A_3267, %get3A_3268] : memref<2x256x128xf32, #tpu.memory_space<vmem>> -> memref<1x256x128xf32, #tpu.memory_space<vmem>>
        %get3A_3270 = tpu.memref_squeeze %get3A_3269 : memref<1x256x128xf32, #tpu.memory_space<vmem>> -> memref<256x128xf32, #tpu.memory_space<vmem>>
        %get3A_3271 = arith.index_cast %add3A_3266 : i32 to index
        %get3A_3272 = arith.constant 64 : index
        %get3A_3273 = tpu.vector_load %get3A_3270[%get3A_3271, %get3A_3272] {strides = array<i32>} : memref<256x128xf32, #tpu.memory_space<vmem>>, vector<16xf32>,
        %add3A_3274 = arith.constant 128 : i32
        %add3A_3275 = arith.addi %add3A_3181, %add3A_3274 : i32
        %get3A_3276 = arith.constant 0 : i32
        %get3A_3277 = arith.constant 0 : i32
        %get3A_3278 = tpu.memref_slice %arg7[%rem3A_101, %get3A_3276, %get3A_3277] : memref<2x256x128xf32, #tpu.memory_space<vmem>> -> memref<1x256x128xf32, #tpu.memory_space<vmem>>
        %get3A_3279 = tpu.memref_squeeze %get3A_3278 : memref<1x256x128xf32, #tpu.memory_space<vmem>> -> memref<256x128xf32, #tpu.memory_space<vmem>>
        %get3A_3280 = arith.index_cast %add3A_3275 : i32 to index
        %get3A_3281 = arith.constant 96 : index
        %get3A_3282 = tpu.vector_load %get3A_3279[%get3A_3280, %get3A_3281] {strides = array<i32>} : memref<256x128xf32, #tpu.memory_space<vmem>>, vector<16xf32>,
        %mul3A_3283 = arith.mulf %get3A_3225, %gather3A_3190 : vector<16xf32>
        %mul3A_3284 = arith.mulf %mul3A_3283, %gather3A_3198 : vector<16xf32>
        %mul3A_3285 = arith.mulf %get3A_3232, %gather3A_3190 : vector<16xf32>
        %mul3A_3286 = arith.mulf %mul3A_3285, %gather3A_3202 : vector<16xf32>
        %add3A_3287 = arith.addf %mul3A_3284, %mul3A_3286 : vector<16xf32>
        %mul3A_3288 = arith.mulf %get3A_3239, %gather3A_3194 : vector<16xf32>
        %mul3A_3289 = arith.mulf %mul3A_3288, %gather3A_3198 : vector<16xf32>
        %add3A_3290 = arith.addf %add3A_3287, %mul3A_3289 : vector<16xf32>
        %mul3A_3291 = arith.mulf %get3A_3246, %gather3A_3194 : vector<16xf32>
        %mul3A_3292 = arith.mulf %mul3A_3291, %gather3A_3202 : vector<16xf32>
        %add3A_3293 = arith.addf %add3A_3290, %mul3A_3292 : vector<16xf32>
        %mul3A_3294 = arith.mulf %get3A_3255, %gather3A_3206 : vector<16xf32>
        %mul3A_3295 = arith.mulf %mul3A_3294, %gather3A_3214 : vector<16xf32>
        %mul3A_3296 = arith.mulf %get3A_3264, %gather3A_3206 : vector<16xf32>
        %mul3A_3297 = arith.mulf %mul3A_3296, %gather3A_3218 : vector<16xf32>
        %add3A_3298 = arith.addf %mul3A_3295, %mul3A_3297 : vector<16xf32>
        %mul3A_3299 = arith.mulf %get3A_3273, %gather3A_3210 : vector<16xf32>
        %mul3A_3300 = arith.mulf %mul3A_3299, %gather3A_3214 : vector<16xf32>
        %add3A_3301 = arith.addf %add3A_3298, %mul3A_3300 : vector<16xf32>
        %mul3A_3302 = arith.mulf %get3A_3282, %gather3A_3210 : vector<16xf32>
        %mul3A_3303 = arith.mulf %mul3A_3302, %gather3A_3218 : vector<16xf32>
        %add3A_3304 = arith.addf %add3A_3301, %mul3A_3303 : vector<16xf32>
        %add3A_3305 = arith.addf %add3A_3293, %add3A_3304 : vector<16xf32>
        %mul3A_3306 = arith.constant 32 : i32
        %mul3A_3307 = arith.muli %add3A_3184, %mul3A_3306 : i32
        %add3A_3308 = arith.constant 0 : i32
        %add3A_3309 = arith.addi %mul3A_3307, %add3A_3308 : i32
        %swap3A_3310 = arith.constant 0 : i32
        %swap3A_3311 = arith.index_cast %rem3A_103 : i32 to index
        %swap3A_3312 = arith.index_cast %swap3A_3310 : i32 to index
        %swap3A_3313 = arith.index_cast %add3A_3309 : i32 to index
        %swap3A_3314 = tpu.vector_load %arg11[%swap3A_3311, %swap3A_3312, %swap3A_3313] {strides = array<i32>} : memref<2x1x20480xf32, #tpu.memory_space<vmem>>, vector<16xf32>,
        tpu.vector_store %arg11[%swap3A_3311, %swap3A_3312, %swap3A_3313], %add3A_3305 {strides = array<i32>} : memref<2x1x20480xf32, #tpu.memory_space<vmem>>, vector<16xf32>,
        %get3A_3315 = arith.constant 0 : i32
        %get3A_3316 = arith.constant 0 : i32
        %get3A_3317 = tpu.memref_slice %arg7[%rem3A_101, %get3A_3315, %get3A_3316] : memref<2x256x128xf32, #tpu.memory_space<vmem>> -> memref<1x256x128xf32, #tpu.memory_space<vmem>>
        %get3A_3318 = tpu.memref_squeeze %get3A_3317 : memref<1x256x128xf32, #tpu.memory_space<vmem>> -> memref<256x128xf32, #tpu.memory_space<vmem>>
        %get3A_3319 = arith.index_cast %add3A_3181 : i32 to index
        %get3A_3320 = arith.constant 16 : index
        %get3A_3321 = tpu.vector_load %get3A_3318[%get3A_3319, %get3A_3320] {strides = array<i32>} : memref<256x128xf32, #tpu.memory_space<vmem>>, vector<16xf32>,
        %get3A_3322 = arith.constant 0 : i32
        %get3A_3323 = arith.constant 0 : i32
        %get3A_3324 = tpu.memref_slice %arg7[%rem3A_101, %get3A_3322, %get3A_3323] : memref<2x256x128xf32, #tpu.memory_space<vmem>> -> memref<1x256x128xf32, #tpu.memory_space<vmem>>
        %get3A_3325 = tpu.memref_squeeze %get3A_3324 : memref<1x256x128xf32, #tpu.memory_space<vmem>> -> memref<256x128xf32, #tpu.memory_space<vmem>>
        %get3A_3326 = arith.index_cast %add3A_3181 : i32 to index
        %get3A_3327 = arith.constant 48 : index
        %get3A_3328 = tpu.vector_load %get3A_3325[%get3A_3326, %get3A_3327] {strides = array<i32>} : memref<256x128xf32, #tpu.memory_space<vmem>>, vector<16xf32>,
        %get3A_3329 = arith.constant 0 : i32
        %get3A_3330 = arith.constant 0 : i32
        %get3A_3331 = tpu.memref_slice %arg7[%rem3A_101, %get3A_3329, %get3A_3330] : memref<2x256x128xf32, #tpu.memory_space<vmem>> -> memref<1x256x128xf32, #tpu.memory_space<vmem>>
        %get3A_3332 = tpu.memref_squeeze %get3A_3331 : memref<1x256x128xf32, #tpu.memory_space<vmem>> -> memref<256x128xf32, #tpu.memory_space<vmem>>
        %get3A_3333 = arith.index_cast %add3A_3181 : i32 to index
        %get3A_3334 = arith.constant 80 : index
        %get3A_3335 = tpu.vector_load %get3A_3332[%get3A_3333, %get3A_3334] {strides = array<i32>} : memref<256x128xf32, #tpu.memory_space<vmem>>, vector<16xf32>,
        %get3A_3336 = arith.constant 0 : i32
        %get3A_3337 = arith.constant 0 : i32
        %get3A_3338 = tpu.memref_slice %arg7[%rem3A_101, %get3A_3336, %get3A_3337] : memref<2x256x128xf32, #tpu.memory_space<vmem>> -> memref<1x256x128xf32, #tpu.memory_space<vmem>>
        %get3A_3339 = tpu.memref_squeeze %get3A_3338 : memref<1x256x128xf32, #tpu.memory_space<vmem>> -> memref<256x128xf32, #tpu.memory_space<vmem>>
        %get3A_3340 = arith.index_cast %add3A_3181 : i32 to index
        %get3A_3341 = arith.constant 112 : index
        %get3A_3342 = tpu.vector_load %get3A_3339[%get3A_3340, %get3A_3341] {strides = array<i32>} : memref<256x128xf32, #tpu.memory_space<vmem>>, vector<16xf32>,
        %add3A_3343 = arith.constant 128 : i32
        %add3A_3344 = arith.addi %add3A_3181, %add3A_3343 : i32
        %get3A_3345 = arith.constant 0 : i32
        %get3A_3346 = arith.constant 0 : i32
        %get3A_3347 = tpu.memref_slice %arg7[%rem3A_101, %get3A_3345, %get3A_3346] : memref<2x256x128xf32, #tpu.memory_space<vmem>> -> memref<1x256x128xf32, #tpu.memory_space<vmem>>
        %get3A_3348 = tpu.memref_squeeze %get3A_3347 : memref<1x256x128xf32, #tpu.memory_space<vmem>> -> memref<256x128xf32, #tpu.memory_space<vmem>>
        %get3A_3349 = arith.index_cast %add3A_3344 : i32 to index
        %get3A_3350 = arith.constant 16 : index
        %get3A_3351 = tpu.vector_load %get3A_3348[%get3A_3349, %get3A_3350] {strides = array<i32>} : memref<256x128xf32, #tpu.memory_space<vmem>>, vector<16xf32>,
        %add3A_3352 = arith.constant 128 : i32
        %add3A_3353 = arith.addi %add3A_3181, %add3A_3352 : i32
        %get3A_3354 = arith.constant 0 : i32
        %get3A_3355 = arith.constant 0 : i32
        %get3A_3356 = tpu.memref_slice %arg7[%rem3A_101, %get3A_3354, %get3A_3355] : memref<2x256x128xf32, #tpu.memory_space<vmem>> -> memref<1x256x128xf32, #tpu.memory_space<vmem>>
        %get3A_3357 = tpu.memref_squeeze %get3A_3356 : memref<1x256x128xf32, #tpu.memory_space<vmem>> -> memref<256x128xf32, #tpu.memory_space<vmem>>
        %get3A_3358 = arith.index_cast %add3A_3353 : i32 to index
        %get3A_3359 = arith.constant 48 : index
        %get3A_3360 = tpu.vector_load %get3A_3357[%get3A_3358, %get3A_3359] {strides = array<i32>} : memref<256x128xf32, #tpu.memory_space<vmem>>, vector<16xf32>,
        %add3A_3361 = arith.constant 128 : i32
        %add3A_3362 = arith.addi %add3A_3181, %add3A_3361 : i32
        %get3A_3363 = arith.constant 0 : i32
        %get3A_3364 = arith.constant 0 : i32
        %get3A_3365 = tpu.memref_slice %arg7[%rem3A_101, %get3A_3363, %get3A_3364] : memref<2x256x128xf32, #tpu.memory_space<vmem>> -> memref<1x256x128xf32, #tpu.memory_space<vmem>>
        %get3A_3366 = tpu.memref_squeeze %get3A_3365 : memref<1x256x128xf32, #tpu.memory_space<vmem>> -> memref<256x128xf32, #tpu.memory_space<vmem>>
        %get3A_3367 = arith.index_cast %add3A_3362 : i32 to index
        %get3A_3368 = arith.constant 80 : index
        %get3A_3369 = tpu.vector_load %get3A_3366[%get3A_3367, %get3A_3368] {strides = array<i32>} : memref<256x128xf32, #tpu.memory_space<vmem>>, vector<16xf32>,
        %add3A_3370 = arith.constant 128 : i32
        %add3A_3371 = arith.addi %add3A_3181, %add3A_3370 : i32
        %get3A_3372 = arith.constant 0 : i32
        %get3A_3373 = arith.constant 0 : i32
        %get3A_3374 = tpu.memref_slice %arg7[%rem3A_101, %get3A_3372, %get3A_3373] : memref<2x256x128xf32, #tpu.memory_space<vmem>> -> memref<1x256x128xf32, #tpu.memory_space<vmem>>
        %get3A_3375 = tpu.memref_squeeze %get3A_3374 : memref<1x256x128xf32, #tpu.memory_space<vmem>> -> memref<256x128xf32, #tpu.memory_space<vmem>>
        %get3A_3376 = arith.index_cast %add3A_3371 : i32 to index
        %get3A_3377 = arith.constant 112 : index
        %get3A_3378 = tpu.vector_load %get3A_3375[%get3A_3376, %get3A_3377] {strides = array<i32>} : memref<256x128xf32, #tpu.memory_space<vmem>>, vector<16xf32>,
        %mul3A_3379 = arith.mulf %get3A_3321, %gather3A_3190 : vector<16xf32>
        %mul3A_3380 = arith.mulf %mul3A_3379, %gather3A_3198 : vector<16xf32>
        %mul3A_3381 = arith.mulf %get3A_3328, %gather3A_3190 : vector<16xf32>
        %mul3A_3382 = arith.mulf %mul3A_3381, %gather3A_3202 : vector<16xf32>
        %add3A_3383 = arith.addf %mul3A_3380, %mul3A_3382 : vector<16xf32>
        %mul3A_3384 = arith.mulf %get3A_3335, %gather3A_3194 : vector<16xf32>
        %mul3A_3385 = arith.mulf %mul3A_3384, %gather3A_3198 : vector<16xf32>
        %add3A_3386 = arith.addf %add3A_3383, %mul3A_3385 : vector<16xf32>
        %mul3A_3387 = arith.mulf %get3A_3342, %gather3A_3194 : vector<16xf32>
        %mul3A_3388 = arith.mulf %mul3A_3387, %gather3A_3202 : vector<16xf32>
        %add3A_3389 = arith.addf %add3A_3386, %mul3A_3388 : vector<16xf32>
        %mul3A_3390 = arith.mulf %get3A_3351, %gather3A_3206 : vector<16xf32>
        %mul3A_3391 = arith.mulf %mul3A_3390, %gather3A_3214 : vector<16xf32>
        %mul3A_3392 = arith.mulf %get3A_3360, %gather3A_3206 : vector<16xf32>
        %mul3A_3393 = arith.mulf %mul3A_3392, %gather3A_3218 : vector<16xf32>
        %add3A_3394 = arith.addf %mul3A_3391, %mul3A_3393 : vector<16xf32>
        %mul3A_3395 = arith.mulf %get3A_3369, %gather3A_3210 : vector<16xf32>
        %mul3A_3396 = arith.mulf %mul3A_3395, %gather3A_3214 : vector<16xf32>
        %add3A_3397 = arith.addf %add3A_3394, %mul3A_3396 : vector<16xf32>
        %mul3A_3398 = arith.mulf %get3A_3378, %gather3A_3210 : vector<16xf32>
        %mul3A_3399 = arith.mulf %mul3A_3398, %gather3A_3218 : vector<16xf32>
        %add3A_3400 = arith.addf %add3A_3397, %mul3A_3399 : vector<16xf32>
        %add3A_3401 = arith.addf %add3A_3389, %add3A_3400 : vector<16xf32>
        %mul3A_3402 = arith.constant 32 : i32
        %mul3A_3403 = arith.muli %add3A_3184, %mul3A_3402 : i32
        %add3A_3404 = arith.constant 16 : i32
        %add3A_3405 = arith.addi %mul3A_3403, %add3A_3404 : i32
        %swap3A_3406 = arith.constant 0 : i32
        %swap3A_3407 = arith.index_cast %rem3A_103 : i32 to index
        %swap3A_3408 = arith.index_cast %swap3A_3406 : i32 to index
        %swap3A_3409 = arith.index_cast %add3A_3405 : i32 to index
        %swap3A_3410 = tpu.vector_load %arg11[%swap3A_3407, %swap3A_3408, %swap3A_3409] {strides = array<i32>} : memref<2x1x20480xf32, #tpu.memory_space<vmem>>, vector<16xf32>,
        tpu.vector_store %arg11[%swap3A_3407, %swap3A_3408, %swap3A_3409], %add3A_3401 {strides = array<i32>} : memref<2x1x20480xf32, #tpu.memory_space<vmem>>, vector<16xf32>,
        %mul3A_3411 = arith.constant 16 : i32
        %mul3A_3412 = arith.muli %scan3A_150, %mul3A_3411 : i32
        %add3A_3413 = arith.constant 14 : i32
        %add3A_3414 = arith.addi %mul3A_3412, %add3A_3413 : i32
        %mul3A_3415 = arith.constant 128 : i32
        %mul3A_3416 = arith.muli %select_n3A_99, %mul3A_3415 : i32
        %add3A_3417 = arith.addi %mul3A_3416, %add3A_3414 : i32
        %add3A_3418 = vector.broadcast %add3A_3417 : i32 to vector<16xi32>
        %add3A_3419 = arith.addi %broadcast_in_dim3A_136, %add3A_3418 : vector<16xi32>
        %add3A_3420 = arith.constant 0 : i32
        %add3A_3421 = vector.broadcast %add3A_3420 : i32 to vector<16xi32>
        %add3A_3422 = arith.addi %broadcast_in_dim3A_136, %add3A_3421 : vector<16xi32>
        %gather3A_3423 = tpu.vector_load_idx %arg9[%add3A_3422, %add3A_3419] : memref<4x640xf32, #tpu.memory_space<vmem>>[vector<16xi32>, vector<16xi32>], vector<16xf32>,
        %add3A_3424 = arith.constant 1 : i32
        %add3A_3425 = vector.broadcast %add3A_3424 : i32 to vector<16xi32>
        %add3A_3426 = arith.addi %broadcast_in_dim3A_136, %add3A_3425 : vector<16xi32>
        %gather3A_3427 = tpu.vector_load_idx %arg9[%add3A_3426, %add3A_3419] : memref<4x640xf32, #tpu.memory_space<vmem>>[vector<16xi32>, vector<16xi32>], vector<16xf32>,
        %add3A_3428 = arith.constant 2 : i32
        %add3A_3429 = vector.broadcast %add3A_3428 : i32 to vector<16xi32>
        %add3A_3430 = arith.addi %broadcast_in_dim3A_136, %add3A_3429 : vector<16xi32>
        %gather3A_3431 = tpu.vector_load_idx %arg9[%add3A_3430, %add3A_3419] : memref<4x640xf32, #tpu.memory_space<vmem>>[vector<16xi32>, vector<16xi32>], vector<16xf32>,
        %add3A_3432 = arith.constant 3 : i32
        %add3A_3433 = vector.broadcast %add3A_3432 : i32 to vector<16xi32>
        %add3A_3434 = arith.addi %broadcast_in_dim3A_136, %add3A_3433 : vector<16xi32>
        %gather3A_3435 = tpu.vector_load_idx %arg9[%add3A_3434, %add3A_3419] : memref<4x640xf32, #tpu.memory_space<vmem>>[vector<16xi32>, vector<16xi32>], vector<16xf32>,
        %add3A_3436 = arith.constant 0 : i32
        %add3A_3437 = vector.broadcast %add3A_3436 : i32 to vector<16xi32>
        %add3A_3438 = arith.addi %broadcast_in_dim3A_136, %add3A_3437 : vector<16xi32>
        %gather3A_3439 = tpu.vector_load_idx %arg10[%add3A_3438, %add3A_3419] : memref<4x640xf32, #tpu.memory_space<vmem>>[vector<16xi32>, vector<16xi32>], vector<16xf32>,
        %add3A_3440 = arith.constant 1 : i32
        %add3A_3441 = vector.broadcast %add3A_3440 : i32 to vector<16xi32>
        %add3A_3442 = arith.addi %broadcast_in_dim3A_136, %add3A_3441 : vector<16xi32>
        %gather3A_3443 = tpu.vector_load_idx %arg10[%add3A_3442, %add3A_3419] : memref<4x640xf32, #tpu.memory_space<vmem>>[vector<16xi32>, vector<16xi32>], vector<16xf32>,
        %add3A_3444 = arith.constant 2 : i32
        %add3A_3445 = vector.broadcast %add3A_3444 : i32 to vector<16xi32>
        %add3A_3446 = arith.addi %broadcast_in_dim3A_136, %add3A_3445 : vector<16xi32>
        %gather3A_3447 = tpu.vector_load_idx %arg10[%add3A_3446, %add3A_3419] : memref<4x640xf32, #tpu.memory_space<vmem>>[vector<16xi32>, vector<16xi32>], vector<16xf32>,
        %add3A_3448 = arith.constant 3 : i32
        %add3A_3449 = vector.broadcast %add3A_3448 : i32 to vector<16xi32>
        %add3A_3450 = arith.addi %broadcast_in_dim3A_136, %add3A_3449 : vector<16xi32>
        %gather3A_3451 = tpu.vector_load_idx %arg10[%add3A_3450, %add3A_3419] : memref<4x640xf32, #tpu.memory_space<vmem>>[vector<16xi32>, vector<16xi32>], vector<16xf32>,
        %get3A_3452 = arith.constant 0 : i32
        %get3A_3453 = arith.constant 0 : i32
        %get3A_3454 = tpu.memref_slice %arg7[%rem3A_101, %get3A_3452, %get3A_3453] : memref<2x256x128xf32, #tpu.memory_space<vmem>> -> memref<1x256x128xf32, #tpu.memory_space<vmem>>
        %get3A_3455 = tpu.memref_squeeze %get3A_3454 : memref<1x256x128xf32, #tpu.memory_space<vmem>> -> memref<256x128xf32, #tpu.memory_space<vmem>>
        %get3A_3456 = arith.index_cast %add3A_3414 : i32 to index
        %get3A_3457 = arith.constant 0 : index
        %get3A_3458 = tpu.vector_load %get3A_3455[%get3A_3456, %get3A_3457] {strides = array<i32>} : memref<256x128xf32, #tpu.memory_space<vmem>>, vector<16xf32>,
        %get3A_3459 = arith.constant 0 : i32
        %get3A_3460 = arith.constant 0 : i32
        %get3A_3461 = tpu.memref_slice %arg7[%rem3A_101, %get3A_3459, %get3A_3460] : memref<2x256x128xf32, #tpu.memory_space<vmem>> -> memref<1x256x128xf32, #tpu.memory_space<vmem>>
        %get3A_3462 = tpu.memref_squeeze %get3A_3461 : memref<1x256x128xf32, #tpu.memory_space<vmem>> -> memref<256x128xf32, #tpu.memory_space<vmem>>
        %get3A_3463 = arith.index_cast %add3A_3414 : i32 to index
        %get3A_3464 = arith.constant 32 : index
        %get3A_3465 = tpu.vector_load %get3A_3462[%get3A_3463, %get3A_3464] {strides = array<i32>} : memref<256x128xf32, #tpu.memory_space<vmem>>, vector<16xf32>,
        %get3A_3466 = arith.constant 0 : i32
        %get3A_3467 = arith.constant 0 : i32
        %get3A_3468 = tpu.memref_slice %arg7[%rem3A_101, %get3A_3466, %get3A_3467] : memref<2x256x128xf32, #tpu.memory_space<vmem>> -> memref<1x256x128xf32, #tpu.memory_space<vmem>>
        %get3A_3469 = tpu.memref_squeeze %get3A_3468 : memref<1x256x128xf32, #tpu.memory_space<vmem>> -> memref<256x128xf32, #tpu.memory_space<vmem>>
        %get3A_3470 = arith.index_cast %add3A_3414 : i32 to index
        %get3A_3471 = arith.constant 64 : index
        %get3A_3472 = tpu.vector_load %get3A_3469[%get3A_3470, %get3A_3471] {strides = array<i32>} : memref<256x128xf32, #tpu.memory_space<vmem>>, vector<16xf32>,
        %get3A_3473 = arith.constant 0 : i32
        %get3A_3474 = arith.constant 0 : i32
        %get3A_3475 = tpu.memref_slice %arg7[%rem3A_101, %get3A_3473, %get3A_3474] : memref<2x256x128xf32, #tpu.memory_space<vmem>> -> memref<1x256x128xf32, #tpu.memory_space<vmem>>
        %get3A_3476 = tpu.memref_squeeze %get3A_3475 : memref<1x256x128xf32, #tpu.memory_space<vmem>> -> memref<256x128xf32, #tpu.memory_space<vmem>>
        %get3A_3477 = arith.index_cast %add3A_3414 : i32 to index
        %get3A_3478 = arith.constant 96 : index
        %get3A_3479 = tpu.vector_load %get3A_3476[%get3A_3477, %get3A_3478] {strides = array<i32>} : memref<256x128xf32, #tpu.memory_space<vmem>>, vector<16xf32>,
        %add3A_3480 = arith.constant 128 : i32
        %add3A_3481 = arith.addi %add3A_3414, %add3A_3480 : i32
        %get3A_3482 = arith.constant 0 : i32
        %get3A_3483 = arith.constant 0 : i32
        %get3A_3484 = tpu.memref_slice %arg7[%rem3A_101, %get3A_3482, %get3A_3483] : memref<2x256x128xf32, #tpu.memory_space<vmem>> -> memref<1x256x128xf32, #tpu.memory_space<vmem>>
        %get3A_3485 = tpu.memref_squeeze %get3A_3484 : memref<1x256x128xf32, #tpu.memory_space<vmem>> -> memref<256x128xf32, #tpu.memory_space<vmem>>
        %get3A_3486 = arith.index_cast %add3A_3481 : i32 to index
        %get3A_3487 = arith.constant 0 : index
        %get3A_3488 = tpu.vector_load %get3A_3485[%get3A_3486, %get3A_3487] {strides = array<i32>} : memref<256x128xf32, #tpu.memory_space<vmem>>, vector<16xf32>,
        %add3A_3489 = arith.constant 128 : i32
        %add3A_3490 = arith.addi %add3A_3414, %add3A_3489 : i32
        %get3A_3491 = arith.constant 0 : i32
        %get3A_3492 = arith.constant 0 : i32
        %get3A_3493 = tpu.memref_slice %arg7[%rem3A_101, %get3A_3491, %get3A_3492] : memref<2x256x128xf32, #tpu.memory_space<vmem>> -> memref<1x256x128xf32, #tpu.memory_space<vmem>>
        %get3A_3494 = tpu.memref_squeeze %get3A_3493 : memref<1x256x128xf32, #tpu.memory_space<vmem>> -> memref<256x128xf32, #tpu.memory_space<vmem>>
        %get3A_3495 = arith.index_cast %add3A_3490 : i32 to index
        %get3A_3496 = arith.constant 32 : index
        %get3A_3497 = tpu.vector_load %get3A_3494[%get3A_3495, %get3A_3496] {strides = array<i32>} : memref<256x128xf32, #tpu.memory_space<vmem>>, vector<16xf32>,
        %add3A_3498 = arith.constant 128 : i32
        %add3A_3499 = arith.addi %add3A_3414, %add3A_3498 : i32
        %get3A_3500 = arith.constant 0 : i32
        %get3A_3501 = arith.constant 0 : i32
        %get3A_3502 = tpu.memref_slice %arg7[%rem3A_101, %get3A_3500, %get3A_3501] : memref<2x256x128xf32, #tpu.memory_space<vmem>> -> memref<1x256x128xf32, #tpu.memory_space<vmem>>
        %get3A_3503 = tpu.memref_squeeze %get3A_3502 : memref<1x256x128xf32, #tpu.memory_space<vmem>> -> memref<256x128xf32, #tpu.memory_space<vmem>>
        %get3A_3504 = arith.index_cast %add3A_3499 : i32 to index
        %get3A_3505 = arith.constant 64 : index
        %get3A_3506 = tpu.vector_load %get3A_3503[%get3A_3504, %get3A_3505] {strides = array<i32>} : memref<256x128xf32, #tpu.memory_space<vmem>>, vector<16xf32>,
        %add3A_3507 = arith.constant 128 : i32
        %add3A_3508 = arith.addi %add3A_3414, %add3A_3507 : i32
        %get3A_3509 = arith.constant 0 : i32
        %get3A_3510 = arith.constant 0 : i32
        %get3A_3511 = tpu.memref_slice %arg7[%rem3A_101, %get3A_3509, %get3A_3510] : memref<2x256x128xf32, #tpu.memory_space<vmem>> -> memref<1x256x128xf32, #tpu.memory_space<vmem>>
        %get3A_3512 = tpu.memref_squeeze %get3A_3511 : memref<1x256x128xf32, #tpu.memory_space<vmem>> -> memref<256x128xf32, #tpu.memory_space<vmem>>
        %get3A_3513 = arith.index_cast %add3A_3508 : i32 to index
        %get3A_3514 = arith.constant 96 : index
        %get3A_3515 = tpu.vector_load %get3A_3512[%get3A_3513, %get3A_3514] {strides = array<i32>} : memref<256x128xf32, #tpu.memory_space<vmem>>, vector<16xf32>,
        %mul3A_3516 = arith.mulf %get3A_3458, %gather3A_3423 : vector<16xf32>
        %mul3A_3517 = arith.mulf %mul3A_3516, %gather3A_3431 : vector<16xf32>
        %mul3A_3518 = arith.mulf %get3A_3465, %gather3A_3423 : vector<16xf32>
        %mul3A_3519 = arith.mulf %mul3A_3518, %gather3A_3435 : vector<16xf32>
        %add3A_3520 = arith.addf %mul3A_3517, %mul3A_3519 : vector<16xf32>
        %mul3A_3521 = arith.mulf %get3A_3472, %gather3A_3427 : vector<16xf32>
        %mul3A_3522 = arith.mulf %mul3A_3521, %gather3A_3431 : vector<16xf32>
        %add3A_3523 = arith.addf %add3A_3520, %mul3A_3522 : vector<16xf32>
        %mul3A_3524 = arith.mulf %get3A_3479, %gather3A_3427 : vector<16xf32>
        %mul3A_3525 = arith.mulf %mul3A_3524, %gather3A_3435 : vector<16xf32>
        %add3A_3526 = arith.addf %add3A_3523, %mul3A_3525 : vector<16xf32>
        %mul3A_3527 = arith.mulf %get3A_3488, %gather3A_3439 : vector<16xf32>
        %mul3A_3528 = arith.mulf %mul3A_3527, %gather3A_3447 : vector<16xf32>
        %mul3A_3529 = arith.mulf %get3A_3497, %gather3A_3439 : vector<16xf32>
        %mul3A_3530 = arith.mulf %mul3A_3529, %gather3A_3451 : vector<16xf32>
        %add3A_3531 = arith.addf %mul3A_3528, %mul3A_3530 : vector<16xf32>
        %mul3A_3532 = arith.mulf %get3A_3506, %gather3A_3443 : vector<16xf32>
        %mul3A_3533 = arith.mulf %mul3A_3532, %gather3A_3447 : vector<16xf32>
        %add3A_3534 = arith.addf %add3A_3531, %mul3A_3533 : vector<16xf32>
        %mul3A_3535 = arith.mulf %get3A_3515, %gather3A_3443 : vector<16xf32>
        %mul3A_3536 = arith.mulf %mul3A_3535, %gather3A_3451 : vector<16xf32>
        %add3A_3537 = arith.addf %add3A_3534, %mul3A_3536 : vector<16xf32>
        %add3A_3538 = arith.addf %add3A_3526, %add3A_3537 : vector<16xf32>
        %mul3A_3539 = arith.constant 32 : i32
        %mul3A_3540 = arith.muli %add3A_3417, %mul3A_3539 : i32
        %add3A_3541 = arith.constant 0 : i32
        %add3A_3542 = arith.addi %mul3A_3540, %add3A_3541 : i32
        %swap3A_3543 = arith.constant 0 : i32
        %swap3A_3544 = arith.index_cast %rem3A_103 : i32 to index
        %swap3A_3545 = arith.index_cast %swap3A_3543 : i32 to index
        %swap3A_3546 = arith.index_cast %add3A_3542 : i32 to index
        %swap3A_3547 = tpu.vector_load %arg11[%swap3A_3544, %swap3A_3545, %swap3A_3546] {strides = array<i32>} : memref<2x1x20480xf32, #tpu.memory_space<vmem>>, vector<16xf32>,
        tpu.vector_store %arg11[%swap3A_3544, %swap3A_3545, %swap3A_3546], %add3A_3538 {strides = array<i32>} : memref<2x1x20480xf32, #tpu.memory_space<vmem>>, vector<16xf32>,
        %get3A_3548 = arith.constant 0 : i32
        %get3A_3549 = arith.constant 0 : i32
        %get3A_3550 = tpu.memref_slice %arg7[%rem3A_101, %get3A_3548, %get3A_3549] : memref<2x256x128xf32, #tpu.memory_space<vmem>> -> memref<1x256x128xf32, #tpu.memory_space<vmem>>
        %get3A_3551 = tpu.memref_squeeze %get3A_3550 : memref<1x256x128xf32, #tpu.memory_space<vmem>> -> memref<256x128xf32, #tpu.memory_space<vmem>>
        %get3A_3552 = arith.index_cast %add3A_3414 : i32 to index
        %get3A_3553 = arith.constant 16 : index
        %get3A_3554 = tpu.vector_load %get3A_3551[%get3A_3552, %get3A_3553] {strides = array<i32>} : memref<256x128xf32, #tpu.memory_space<vmem>>, vector<16xf32>,
        %get3A_3555 = arith.constant 0 : i32
        %get3A_3556 = arith.constant 0 : i32
        %get3A_3557 = tpu.memref_slice %arg7[%rem3A_101, %get3A_3555, %get3A_3556] : memref<2x256x128xf32, #tpu.memory_space<vmem>> -> memref<1x256x128xf32, #tpu.memory_space<vmem>>
        %get3A_3558 = tpu.memref_squeeze %get3A_3557 : memref<1x256x128xf32, #tpu.memory_space<vmem>> -> memref<256x128xf32, #tpu.memory_space<vmem>>
        %get3A_3559 = arith.index_cast %add3A_3414 : i32 to index
        %get3A_3560 = arith.constant 48 : index
        %get3A_3561 = tpu.vector_load %get3A_3558[%get3A_3559, %get3A_3560] {strides = array<i32>} : memref<256x128xf32, #tpu.memory_space<vmem>>, vector<16xf32>,
        %get3A_3562 = arith.constant 0 : i32
        %get3A_3563 = arith.constant 0 : i32
        %get3A_3564 = tpu.memref_slice %arg7[%rem3A_101, %get3A_3562, %get3A_3563] : memref<2x256x128xf32, #tpu.memory_space<vmem>> -> memref<1x256x128xf32, #tpu.memory_space<vmem>>
        %get3A_3565 = tpu.memref_squeeze %get3A_3564 : memref<1x256x128xf32, #tpu.memory_space<vmem>> -> memref<256x128xf32, #tpu.memory_space<vmem>>
        %get3A_3566 = arith.index_cast %add3A_3414 : i32 to index
        %get3A_3567 = arith.constant 80 : index
        %get3A_3568 = tpu.vector_load %get3A_3565[%get3A_3566, %get3A_3567] {strides = array<i32>} : memref<256x128xf32, #tpu.memory_space<vmem>>, vector<16xf32>,
        %get3A_3569 = arith.constant 0 : i32
        %get3A_3570 = arith.constant 0 : i32
        %get3A_3571 = tpu.memref_slice %arg7[%rem3A_101, %get3A_3569, %get3A_3570] : memref<2x256x128xf32, #tpu.memory_space<vmem>> -> memref<1x256x128xf32, #tpu.memory_space<vmem>>
        %get3A_3572 = tpu.memref_squeeze %get3A_3571 : memref<1x256x128xf32, #tpu.memory_space<vmem>> -> memref<256x128xf32, #tpu.memory_space<vmem>>
        %get3A_3573 = arith.index_cast %add3A_3414 : i32 to index
        %get3A_3574 = arith.constant 112 : index
        %get3A_3575 = tpu.vector_load %get3A_3572[%get3A_3573, %get3A_3574] {strides = array<i32>} : memref<256x128xf32, #tpu.memory_space<vmem>>, vector<16xf32>,
        %add3A_3576 = arith.constant 128 : i32
        %add3A_3577 = arith.addi %add3A_3414, %add3A_3576 : i32
        %get3A_3578 = arith.constant 0 : i32
        %get3A_3579 = arith.constant 0 : i32
        %get3A_3580 = tpu.memref_slice %arg7[%rem3A_101, %get3A_3578, %get3A_3579] : memref<2x256x128xf32, #tpu.memory_space<vmem>> -> memref<1x256x128xf32, #tpu.memory_space<vmem>>
        %get3A_3581 = tpu.memref_squeeze %get3A_3580 : memref<1x256x128xf32, #tpu.memory_space<vmem>> -> memref<256x128xf32, #tpu.memory_space<vmem>>
        %get3A_3582 = arith.index_cast %add3A_3577 : i32 to index
        %get3A_3583 = arith.constant 16 : index
        %get3A_3584 = tpu.vector_load %get3A_3581[%get3A_3582, %get3A_3583] {strides = array<i32>} : memref<256x128xf32, #tpu.memory_space<vmem>>, vector<16xf32>,
        %add3A_3585 = arith.constant 128 : i32
        %add3A_3586 = arith.addi %add3A_3414, %add3A_3585 : i32
        %get3A_3587 = arith.constant 0 : i32
        %get3A_3588 = arith.constant 0 : i32
        %get3A_3589 = tpu.memref_slice %arg7[%rem3A_101, %get3A_3587, %get3A_3588] : memref<2x256x128xf32, #tpu.memory_space<vmem>> -> memref<1x256x128xf32, #tpu.memory_space<vmem>>
        %get3A_3590 = tpu.memref_squeeze %get3A_3589 : memref<1x256x128xf32, #tpu.memory_space<vmem>> -> memref<256x128xf32, #tpu.memory_space<vmem>>
        %get3A_3591 = arith.index_cast %add3A_3586 : i32 to index
        %get3A_3592 = arith.constant 48 : index
        %get3A_3593 = tpu.vector_load %get3A_3590[%get3A_3591, %get3A_3592] {strides = array<i32>} : memref<256x128xf32, #tpu.memory_space<vmem>>, vector<16xf32>,
        %add3A_3594 = arith.constant 128 : i32
        %add3A_3595 = arith.addi %add3A_3414, %add3A_3594 : i32
        %get3A_3596 = arith.constant 0 : i32
        %get3A_3597 = arith.constant 0 : i32
        %get3A_3598 = tpu.memref_slice %arg7[%rem3A_101, %get3A_3596, %get3A_3597] : memref<2x256x128xf32, #tpu.memory_space<vmem>> -> memref<1x256x128xf32, #tpu.memory_space<vmem>>
        %get3A_3599 = tpu.memref_squeeze %get3A_3598 : memref<1x256x128xf32, #tpu.memory_space<vmem>> -> memref<256x128xf32, #tpu.memory_space<vmem>>
        %get3A_3600 = arith.index_cast %add3A_3595 : i32 to index
        %get3A_3601 = arith.constant 80 : index
        %get3A_3602 = tpu.vector_load %get3A_3599[%get3A_3600, %get3A_3601] {strides = array<i32>} : memref<256x128xf32, #tpu.memory_space<vmem>>, vector<16xf32>,
        %add3A_3603 = arith.constant 128 : i32
        %add3A_3604 = arith.addi %add3A_3414, %add3A_3603 : i32
        %get3A_3605 = arith.constant 0 : i32
        %get3A_3606 = arith.constant 0 : i32
        %get3A_3607 = tpu.memref_slice %arg7[%rem3A_101, %get3A_3605, %get3A_3606] : memref<2x256x128xf32, #tpu.memory_space<vmem>> -> memref<1x256x128xf32, #tpu.memory_space<vmem>>
        %get3A_3608 = tpu.memref_squeeze %get3A_3607 : memref<1x256x128xf32, #tpu.memory_space<vmem>> -> memref<256x128xf32, #tpu.memory_space<vmem>>
        %get3A_3609 = arith.index_cast %add3A_3604 : i32 to index
        %get3A_3610 = arith.constant 112 : index
        %get3A_3611 = tpu.vector_load %get3A_3608[%get3A_3609, %get3A_3610] {strides = array<i32>} : memref<256x128xf32, #tpu.memory_space<vmem>>, vector<16xf32>,
        %mul3A_3612 = arith.mulf %get3A_3554, %gather3A_3423 : vector<16xf32>
        %mul3A_3613 = arith.mulf %mul3A_3612, %gather3A_3431 : vector<16xf32>
        %mul3A_3614 = arith.mulf %get3A_3561, %gather3A_3423 : vector<16xf32>
        %mul3A_3615 = arith.mulf %mul3A_3614, %gather3A_3435 : vector<16xf32>
        %add3A_3616 = arith.addf %mul3A_3613, %mul3A_3615 : vector<16xf32>
        %mul3A_3617 = arith.mulf %get3A_3568, %gather3A_3427 : vector<16xf32>
        %mul3A_3618 = arith.mulf %mul3A_3617, %gather3A_3431 : vector<16xf32>
        %add3A_3619 = arith.addf %add3A_3616, %mul3A_3618 : vector<16xf32>
        %mul3A_3620 = arith.mulf %get3A_3575, %gather3A_3427 : vector<16xf32>
        %mul3A_3621 = arith.mulf %mul3A_3620, %gather3A_3435 : vector<16xf32>
        %add3A_3622 = arith.addf %add3A_3619, %mul3A_3621 : vector<16xf32>
        %mul3A_3623 = arith.mulf %get3A_3584, %gather3A_3439 : vector<16xf32>
        %mul3A_3624 = arith.mulf %mul3A_3623, %gather3A_3447 : vector<16xf32>
        %mul3A_3625 = arith.mulf %get3A_3593, %gather3A_3439 : vector<16xf32>
        %mul3A_3626 = arith.mulf %mul3A_3625, %gather3A_3451 : vector<16xf32>
        %add3A_3627 = arith.addf %mul3A_3624, %mul3A_3626 : vector<16xf32>
        %mul3A_3628 = arith.mulf %get3A_3602, %gather3A_3443 : vector<16xf32>
        %mul3A_3629 = arith.mulf %mul3A_3628, %gather3A_3447 : vector<16xf32>
        %add3A_3630 = arith.addf %add3A_3627, %mul3A_3629 : vector<16xf32>
        %mul3A_3631 = arith.mulf %get3A_3611, %gather3A_3443 : vector<16xf32>
        %mul3A_3632 = arith.mulf %mul3A_3631, %gather3A_3451 : vector<16xf32>
        %add3A_3633 = arith.addf %add3A_3630, %mul3A_3632 : vector<16xf32>
        %add3A_3634 = arith.addf %add3A_3622, %add3A_3633 : vector<16xf32>
        %mul3A_3635 = arith.constant 32 : i32
        %mul3A_3636 = arith.muli %add3A_3417, %mul3A_3635 : i32
        %add3A_3637 = arith.constant 16 : i32
        %add3A_3638 = arith.addi %mul3A_3636, %add3A_3637 : i32
        %swap3A_3639 = arith.constant 0 : i32
        %swap3A_3640 = arith.index_cast %rem3A_103 : i32 to index
        %swap3A_3641 = arith.index_cast %swap3A_3639 : i32 to index
        %swap3A_3642 = arith.index_cast %add3A_3638 : i32 to index
        %swap3A_3643 = tpu.vector_load %arg11[%swap3A_3640, %swap3A_3641, %swap3A_3642] {strides = array<i32>} : memref<2x1x20480xf32, #tpu.memory_space<vmem>>, vector<16xf32>,
        tpu.vector_store %arg11[%swap3A_3640, %swap3A_3641, %swap3A_3642], %add3A_3634 {strides = array<i32>} : memref<2x1x20480xf32, #tpu.memory_space<vmem>>, vector<16xf32>,
        %mul3A_3644 = arith.constant 16 : i32
        %mul3A_3645 = arith.muli %scan3A_150, %mul3A_3644 : i32
        %add3A_3646 = arith.constant 15 : i32
        %add3A_3647 = arith.addi %mul3A_3645, %add3A_3646 : i32
        %mul3A_3648 = arith.constant 128 : i32
        %mul3A_3649 = arith.muli %select_n3A_99, %mul3A_3648 : i32
        %add3A_3650 = arith.addi %mul3A_3649, %add3A_3647 : i32
        %add3A_3651 = vector.broadcast %add3A_3650 : i32 to vector<16xi32>
        %add3A_3652 = arith.addi %broadcast_in_dim3A_136, %add3A_3651 : vector<16xi32>
        %add3A_3653 = arith.constant 0 : i32
        %add3A_3654 = vector.broadcast %add3A_3653 : i32 to vector<16xi32>
        %add3A_3655 = arith.addi %broadcast_in_dim3A_136, %add3A_3654 : vector<16xi32>
        %gather3A_3656 = tpu.vector_load_idx %arg9[%add3A_3655, %add3A_3652] : memref<4x640xf32, #tpu.memory_space<vmem>>[vector<16xi32>, vector<16xi32>], vector<16xf32>,
        %add3A_3657 = arith.constant 1 : i32
        %add3A_3658 = vector.broadcast %add3A_3657 : i32 to vector<16xi32>
        %add3A_3659 = arith.addi %broadcast_in_dim3A_136, %add3A_3658 : vector<16xi32>
        %gather3A_3660 = tpu.vector_load_idx %arg9[%add3A_3659, %add3A_3652] : memref<4x640xf32, #tpu.memory_space<vmem>>[vector<16xi32>, vector<16xi32>], vector<16xf32>,
        %add3A_3661 = arith.constant 2 : i32
        %add3A_3662 = vector.broadcast %add3A_3661 : i32 to vector<16xi32>
        %add3A_3663 = arith.addi %broadcast_in_dim3A_136, %add3A_3662 : vector<16xi32>
        %gather3A_3664 = tpu.vector_load_idx %arg9[%add3A_3663, %add3A_3652] : memref<4x640xf32, #tpu.memory_space<vmem>>[vector<16xi32>, vector<16xi32>], vector<16xf32>,
        %add3A_3665 = arith.constant 3 : i32
        %add3A_3666 = vector.broadcast %add3A_3665 : i32 to vector<16xi32>
        %add3A_3667 = arith.addi %broadcast_in_dim3A_136, %add3A_3666 : vector<16xi32>
        %gather3A_3668 = tpu.vector_load_idx %arg9[%add3A_3667, %add3A_3652] : memref<4x640xf32, #tpu.memory_space<vmem>>[vector<16xi32>, vector<16xi32>], vector<16xf32>,
        %add3A_3669 = arith.constant 0 : i32
        %add3A_3670 = vector.broadcast %add3A_3669 : i32 to vector<16xi32>
        %add3A_3671 = arith.addi %broadcast_in_dim3A_136, %add3A_3670 : vector<16xi32>
        %gather3A_3672 = tpu.vector_load_idx %arg10[%add3A_3671, %add3A_3652] : memref<4x640xf32, #tpu.memory_space<vmem>>[vector<16xi32>, vector<16xi32>], vector<16xf32>,
        %add3A_3673 = arith.constant 1 : i32
        %add3A_3674 = vector.broadcast %add3A_3673 : i32 to vector<16xi32>
        %add3A_3675 = arith.addi %broadcast_in_dim3A_136, %add3A_3674 : vector<16xi32>
        %gather3A_3676 = tpu.vector_load_idx %arg10[%add3A_3675, %add3A_3652] : memref<4x640xf32, #tpu.memory_space<vmem>>[vector<16xi32>, vector<16xi32>], vector<16xf32>,
        %add3A_3677 = arith.constant 2 : i32
        %add3A_3678 = vector.broadcast %add3A_3677 : i32 to vector<16xi32>
        %add3A_3679 = arith.addi %broadcast_in_dim3A_136, %add3A_3678 : vector<16xi32>
        %gather3A_3680 = tpu.vector_load_idx %arg10[%add3A_3679, %add3A_3652] : memref<4x640xf32, #tpu.memory_space<vmem>>[vector<16xi32>, vector<16xi32>], vector<16xf32>,
        %add3A_3681 = arith.constant 3 : i32
        %add3A_3682 = vector.broadcast %add3A_3681 : i32 to vector<16xi32>
        %add3A_3683 = arith.addi %broadcast_in_dim3A_136, %add3A_3682 : vector<16xi32>
        %gather3A_3684 = tpu.vector_load_idx %arg10[%add3A_3683, %add3A_3652] : memref<4x640xf32, #tpu.memory_space<vmem>>[vector<16xi32>, vector<16xi32>], vector<16xf32>,
        %get3A_3685 = arith.constant 0 : i32
        %get3A_3686 = arith.constant 0 : i32
        %get3A_3687 = tpu.memref_slice %arg7[%rem3A_101, %get3A_3685, %get3A_3686] : memref<2x256x128xf32, #tpu.memory_space<vmem>> -> memref<1x256x128xf32, #tpu.memory_space<vmem>>
        %get3A_3688 = tpu.memref_squeeze %get3A_3687 : memref<1x256x128xf32, #tpu.memory_space<vmem>> -> memref<256x128xf32, #tpu.memory_space<vmem>>
        %get3A_3689 = arith.index_cast %add3A_3647 : i32 to index
        %get3A_3690 = arith.constant 0 : index
        %get3A_3691 = tpu.vector_load %get3A_3688[%get3A_3689, %get3A_3690] {strides = array<i32>} : memref<256x128xf32, #tpu.memory_space<vmem>>, vector<16xf32>,
        %get3A_3692 = arith.constant 0 : i32
        %get3A_3693 = arith.constant 0 : i32
        %get3A_3694 = tpu.memref_slice %arg7[%rem3A_101, %get3A_3692, %get3A_3693] : memref<2x256x128xf32, #tpu.memory_space<vmem>> -> memref<1x256x128xf32, #tpu.memory_space<vmem>>
        %get3A_3695 = tpu.memref_squeeze %get3A_3694 : memref<1x256x128xf32, #tpu.memory_space<vmem>> -> memref<256x128xf32, #tpu.memory_space<vmem>>
        %get3A_3696 = arith.index_cast %add3A_3647 : i32 to index
        %get3A_3697 = arith.constant 32 : index
        %get3A_3698 = tpu.vector_load %get3A_3695[%get3A_3696, %get3A_3697] {strides = array<i32>} : memref<256x128xf32, #tpu.memory_space<vmem>>, vector<16xf32>,
        %get3A_3699 = arith.constant 0 : i32
        %get3A_3700 = arith.constant 0 : i32
        %get3A_3701 = tpu.memref_slice %arg7[%rem3A_101, %get3A_3699, %get3A_3700] : memref<2x256x128xf32, #tpu.memory_space<vmem>> -> memref<1x256x128xf32, #tpu.memory_space<vmem>>
        %get3A_3702 = tpu.memref_squeeze %get3A_3701 : memref<1x256x128xf32, #tpu.memory_space<vmem>> -> memref<256x128xf32, #tpu.memory_space<vmem>>
        %get3A_3703 = arith.index_cast %add3A_3647 : i32 to index
        %get3A_3704 = arith.constant 64 : index
        %get3A_3705 = tpu.vector_load %get3A_3702[%get3A_3703, %get3A_3704] {strides = array<i32>} : memref<256x128xf32, #tpu.memory_space<vmem>>, vector<16xf32>,
        %get3A_3706 = arith.constant 0 : i32
        %get3A_3707 = arith.constant 0 : i32
        %get3A_3708 = tpu.memref_slice %arg7[%rem3A_101, %get3A_3706, %get3A_3707] : memref<2x256x128xf32, #tpu.memory_space<vmem>> -> memref<1x256x128xf32, #tpu.memory_space<vmem>>
        %get3A_3709 = tpu.memref_squeeze %get3A_3708 : memref<1x256x128xf32, #tpu.memory_space<vmem>> -> memref<256x128xf32, #tpu.memory_space<vmem>>
        %get3A_3710 = arith.index_cast %add3A_3647 : i32 to index
        %get3A_3711 = arith.constant 96 : index
        %get3A_3712 = tpu.vector_load %get3A_3709[%get3A_3710, %get3A_3711] {strides = array<i32>} : memref<256x128xf32, #tpu.memory_space<vmem>>, vector<16xf32>,
        %add3A_3713 = arith.constant 128 : i32
        %add3A_3714 = arith.addi %add3A_3647, %add3A_3713 : i32
        %get3A_3715 = arith.constant 0 : i32
        %get3A_3716 = arith.constant 0 : i32
        %get3A_3717 = tpu.memref_slice %arg7[%rem3A_101, %get3A_3715, %get3A_3716] : memref<2x256x128xf32, #tpu.memory_space<vmem>> -> memref<1x256x128xf32, #tpu.memory_space<vmem>>
        %get3A_3718 = tpu.memref_squeeze %get3A_3717 : memref<1x256x128xf32, #tpu.memory_space<vmem>> -> memref<256x128xf32, #tpu.memory_space<vmem>>
        %get3A_3719 = arith.index_cast %add3A_3714 : i32 to index
        %get3A_3720 = arith.constant 0 : index
        %get3A_3721 = tpu.vector_load %get3A_3718[%get3A_3719, %get3A_3720] {strides = array<i32>} : memref<256x128xf32, #tpu.memory_space<vmem>>, vector<16xf32>,
        %add3A_3722 = arith.constant 128 : i32
        %add3A_3723 = arith.addi %add3A_3647, %add3A_3722 : i32
        %get3A_3724 = arith.constant 0 : i32
        %get3A_3725 = arith.constant 0 : i32
        %get3A_3726 = tpu.memref_slice %arg7[%rem3A_101, %get3A_3724, %get3A_3725] : memref<2x256x128xf32, #tpu.memory_space<vmem>> -> memref<1x256x128xf32, #tpu.memory_space<vmem>>
        %get3A_3727 = tpu.memref_squeeze %get3A_3726 : memref<1x256x128xf32, #tpu.memory_space<vmem>> -> memref<256x128xf32, #tpu.memory_space<vmem>>
        %get3A_3728 = arith.index_cast %add3A_3723 : i32 to index
        %get3A_3729 = arith.constant 32 : index
        %get3A_3730 = tpu.vector_load %get3A_3727[%get3A_3728, %get3A_3729] {strides = array<i32>} : memref<256x128xf32, #tpu.memory_space<vmem>>, vector<16xf32>,
        %add3A_3731 = arith.constant 128 : i32
        %add3A_3732 = arith.addi %add3A_3647, %add3A_3731 : i32
        %get3A_3733 = arith.constant 0 : i32
        %get3A_3734 = arith.constant 0 : i32
        %get3A_3735 = tpu.memref_slice %arg7[%rem3A_101, %get3A_3733, %get3A_3734] : memref<2x256x128xf32, #tpu.memory_space<vmem>> -> memref<1x256x128xf32, #tpu.memory_space<vmem>>
        %get3A_3736 = tpu.memref_squeeze %get3A_3735 : memref<1x256x128xf32, #tpu.memory_space<vmem>> -> memref<256x128xf32, #tpu.memory_space<vmem>>
        %get3A_3737 = arith.index_cast %add3A_3732 : i32 to index
        %get3A_3738 = arith.constant 64 : index
        %get3A_3739 = tpu.vector_load %get3A_3736[%get3A_3737, %get3A_3738] {strides = array<i32>} : memref<256x128xf32, #tpu.memory_space<vmem>>, vector<16xf32>,
        %add3A_3740 = arith.constant 128 : i32
        %add3A_3741 = arith.addi %add3A_3647, %add3A_3740 : i32
        %get3A_3742 = arith.constant 0 : i32
        %get3A_3743 = arith.constant 0 : i32
        %get3A_3744 = tpu.memref_slice %arg7[%rem3A_101, %get3A_3742, %get3A_3743] : memref<2x256x128xf32, #tpu.memory_space<vmem>> -> memref<1x256x128xf32, #tpu.memory_space<vmem>>
        %get3A_3745 = tpu.memref_squeeze %get3A_3744 : memref<1x256x128xf32, #tpu.memory_space<vmem>> -> memref<256x128xf32, #tpu.memory_space<vmem>>
        %get3A_3746 = arith.index_cast %add3A_3741 : i32 to index
        %get3A_3747 = arith.constant 96 : index
        %get3A_3748 = tpu.vector_load %get3A_3745[%get3A_3746, %get3A_3747] {strides = array<i32>} : memref<256x128xf32, #tpu.memory_space<vmem>>, vector<16xf32>,
        %mul3A_3749 = arith.mulf %get3A_3691, %gather3A_3656 : vector<16xf32>
        %mul3A_3750 = arith.mulf %mul3A_3749, %gather3A_3664 : vector<16xf32>
        %mul3A_3751 = arith.mulf %get3A_3698, %gather3A_3656 : vector<16xf32>
        %mul3A_3752 = arith.mulf %mul3A_3751, %gather3A_3668 : vector<16xf32>
        %add3A_3753 = arith.addf %mul3A_3750, %mul3A_3752 : vector<16xf32>
        %mul3A_3754 = arith.mulf %get3A_3705, %gather3A_3660 : vector<16xf32>
        %mul3A_3755 = arith.mulf %mul3A_3754, %gather3A_3664 : vector<16xf32>
        %add3A_3756 = arith.addf %add3A_3753, %mul3A_3755 : vector<16xf32>
        %mul3A_3757 = arith.mulf %get3A_3712, %gather3A_3660 : vector<16xf32>
        %mul3A_3758 = arith.mulf %mul3A_3757, %gather3A_3668 : vector<16xf32>
        %add3A_3759 = arith.addf %add3A_3756, %mul3A_3758 : vector<16xf32>
        %mul3A_3760 = arith.mulf %get3A_3721, %gather3A_3672 : vector<16xf32>
        %mul3A_3761 = arith.mulf %mul3A_3760, %gather3A_3680 : vector<16xf32>
        %mul3A_3762 = arith.mulf %get3A_3730, %gather3A_3672 : vector<16xf32>
        %mul3A_3763 = arith.mulf %mul3A_3762, %gather3A_3684 : vector<16xf32>
        %add3A_3764 = arith.addf %mul3A_3761, %mul3A_3763 : vector<16xf32>
        %mul3A_3765 = arith.mulf %get3A_3739, %gather3A_3676 : vector<16xf32>
        %mul3A_3766 = arith.mulf %mul3A_3765, %gather3A_3680 : vector<16xf32>
        %add3A_3767 = arith.addf %add3A_3764, %mul3A_3766 : vector<16xf32>
        %mul3A_3768 = arith.mulf %get3A_3748, %gather3A_3676 : vector<16xf32>
        %mul3A_3769 = arith.mulf %mul3A_3768, %gather3A_3684 : vector<16xf32>
        %add3A_3770 = arith.addf %add3A_3767, %mul3A_3769 : vector<16xf32>
        %add3A_3771 = arith.addf %add3A_3759, %add3A_3770 : vector<16xf32>
        %mul3A_3772 = arith.constant 32 : i32
        %mul3A_3773 = arith.muli %add3A_3650, %mul3A_3772 : i32
        %add3A_3774 = arith.constant 0 : i32
        %add3A_3775 = arith.addi %mul3A_3773, %add3A_3774 : i32
        %swap3A_3776 = arith.constant 0 : i32
        %swap3A_3777 = arith.index_cast %rem3A_103 : i32 to index
        %swap3A_3778 = arith.index_cast %swap3A_3776 : i32 to index
        %swap3A_3779 = arith.index_cast %add3A_3775 : i32 to index
        %swap3A_3780 = tpu.vector_load %arg11[%swap3A_3777, %swap3A_3778, %swap3A_3779] {strides = array<i32>} : memref<2x1x20480xf32, #tpu.memory_space<vmem>>, vector<16xf32>,
        tpu.vector_store %arg11[%swap3A_3777, %swap3A_3778, %swap3A_3779], %add3A_3771 {strides = array<i32>} : memref<2x1x20480xf32, #tpu.memory_space<vmem>>, vector<16xf32>,
        %get3A_3781 = arith.constant 0 : i32
        %get3A_3782 = arith.constant 0 : i32
        %get3A_3783 = tpu.memref_slice %arg7[%rem3A_101, %get3A_3781, %get3A_3782] : memref<2x256x128xf32, #tpu.memory_space<vmem>> -> memref<1x256x128xf32, #tpu.memory_space<vmem>>
        %get3A_3784 = tpu.memref_squeeze %get3A_3783 : memref<1x256x128xf32, #tpu.memory_space<vmem>> -> memref<256x128xf32, #tpu.memory_space<vmem>>
        %get3A_3785 = arith.index_cast %add3A_3647 : i32 to index
        %get3A_3786 = arith.constant 16 : index
        %get3A_3787 = tpu.vector_load %get3A_3784[%get3A_3785, %get3A_3786] {strides = array<i32>} : memref<256x128xf32, #tpu.memory_space<vmem>>, vector<16xf32>,
        %get3A_3788 = arith.constant 0 : i32
        %get3A_3789 = arith.constant 0 : i32
        %get3A_3790 = tpu.memref_slice %arg7[%rem3A_101, %get3A_3788, %get3A_3789] : memref<2x256x128xf32, #tpu.memory_space<vmem>> -> memref<1x256x128xf32, #tpu.memory_space<vmem>>
        %get3A_3791 = tpu.memref_squeeze %get3A_3790 : memref<1x256x128xf32, #tpu.memory_space<vmem>> -> memref<256x128xf32, #tpu.memory_space<vmem>>
        %get3A_3792 = arith.index_cast %add3A_3647 : i32 to index
        %get3A_3793 = arith.constant 48 : index
        %get3A_3794 = tpu.vector_load %get3A_3791[%get3A_3792, %get3A_3793] {strides = array<i32>} : memref<256x128xf32, #tpu.memory_space<vmem>>, vector<16xf32>,
        %get3A_3795 = arith.constant 0 : i32
        %get3A_3796 = arith.constant 0 : i32
        %get3A_3797 = tpu.memref_slice %arg7[%rem3A_101, %get3A_3795, %get3A_3796] : memref<2x256x128xf32, #tpu.memory_space<vmem>> -> memref<1x256x128xf32, #tpu.memory_space<vmem>>
        %get3A_3798 = tpu.memref_squeeze %get3A_3797 : memref<1x256x128xf32, #tpu.memory_space<vmem>> -> memref<256x128xf32, #tpu.memory_space<vmem>>
        %get3A_3799 = arith.index_cast %add3A_3647 : i32 to index
        %get3A_3800 = arith.constant 80 : index
        %get3A_3801 = tpu.vector_load %get3A_3798[%get3A_3799, %get3A_3800] {strides = array<i32>} : memref<256x128xf32, #tpu.memory_space<vmem>>, vector<16xf32>,
        %get3A_3802 = arith.constant 0 : i32
        %get3A_3803 = arith.constant 0 : i32
        %get3A_3804 = tpu.memref_slice %arg7[%rem3A_101, %get3A_3802, %get3A_3803] : memref<2x256x128xf32, #tpu.memory_space<vmem>> -> memref<1x256x128xf32, #tpu.memory_space<vmem>>
        %get3A_3805 = tpu.memref_squeeze %get3A_3804 : memref<1x256x128xf32, #tpu.memory_space<vmem>> -> memref<256x128xf32, #tpu.memory_space<vmem>>
        %get3A_3806 = arith.index_cast %add3A_3647 : i32 to index
        %get3A_3807 = arith.constant 112 : index
        %get3A_3808 = tpu.vector_load %get3A_3805[%get3A_3806, %get3A_3807] {strides = array<i32>} : memref<256x128xf32, #tpu.memory_space<vmem>>, vector<16xf32>,
        %add3A_3809 = arith.constant 128 : i32
        %add3A_3810 = arith.addi %add3A_3647, %add3A_3809 : i32
        %get3A_3811 = arith.constant 0 : i32
        %get3A_3812 = arith.constant 0 : i32
        %get3A_3813 = tpu.memref_slice %arg7[%rem3A_101, %get3A_3811, %get3A_3812] : memref<2x256x128xf32, #tpu.memory_space<vmem>> -> memref<1x256x128xf32, #tpu.memory_space<vmem>>
        %get3A_3814 = tpu.memref_squeeze %get3A_3813 : memref<1x256x128xf32, #tpu.memory_space<vmem>> -> memref<256x128xf32, #tpu.memory_space<vmem>>
        %get3A_3815 = arith.index_cast %add3A_3810 : i32 to index
        %get3A_3816 = arith.constant 16 : index
        %get3A_3817 = tpu.vector_load %get3A_3814[%get3A_3815, %get3A_3816] {strides = array<i32>} : memref<256x128xf32, #tpu.memory_space<vmem>>, vector<16xf32>,
        %add3A_3818 = arith.constant 128 : i32
        %add3A_3819 = arith.addi %add3A_3647, %add3A_3818 : i32
        %get3A_3820 = arith.constant 0 : i32
        %get3A_3821 = arith.constant 0 : i32
        %get3A_3822 = tpu.memref_slice %arg7[%rem3A_101, %get3A_3820, %get3A_3821] : memref<2x256x128xf32, #tpu.memory_space<vmem>> -> memref<1x256x128xf32, #tpu.memory_space<vmem>>
        %get3A_3823 = tpu.memref_squeeze %get3A_3822 : memref<1x256x128xf32, #tpu.memory_space<vmem>> -> memref<256x128xf32, #tpu.memory_space<vmem>>
        %get3A_3824 = arith.index_cast %add3A_3819 : i32 to index
        %get3A_3825 = arith.constant 48 : index
        %get3A_3826 = tpu.vector_load %get3A_3823[%get3A_3824, %get3A_3825] {strides = array<i32>} : memref<256x128xf32, #tpu.memory_space<vmem>>, vector<16xf32>,
        %add3A_3827 = arith.constant 128 : i32
        %add3A_3828 = arith.addi %add3A_3647, %add3A_3827 : i32
        %get3A_3829 = arith.constant 0 : i32
        %get3A_3830 = arith.constant 0 : i32
        %get3A_3831 = tpu.memref_slice %arg7[%rem3A_101, %get3A_3829, %get3A_3830] : memref<2x256x128xf32, #tpu.memory_space<vmem>> -> memref<1x256x128xf32, #tpu.memory_space<vmem>>
        %get3A_3832 = tpu.memref_squeeze %get3A_3831 : memref<1x256x128xf32, #tpu.memory_space<vmem>> -> memref<256x128xf32, #tpu.memory_space<vmem>>
        %get3A_3833 = arith.index_cast %add3A_3828 : i32 to index
        %get3A_3834 = arith.constant 80 : index
        %get3A_3835 = tpu.vector_load %get3A_3832[%get3A_3833, %get3A_3834] {strides = array<i32>} : memref<256x128xf32, #tpu.memory_space<vmem>>, vector<16xf32>,
        %add3A_3836 = arith.constant 128 : i32
        %add3A_3837 = arith.addi %add3A_3647, %add3A_3836 : i32
        %get3A_3838 = arith.constant 0 : i32
        %get3A_3839 = arith.constant 0 : i32
        %get3A_3840 = tpu.memref_slice %arg7[%rem3A_101, %get3A_3838, %get3A_3839] : memref<2x256x128xf32, #tpu.memory_space<vmem>> -> memref<1x256x128xf32, #tpu.memory_space<vmem>>
        %get3A_3841 = tpu.memref_squeeze %get3A_3840 : memref<1x256x128xf32, #tpu.memory_space<vmem>> -> memref<256x128xf32, #tpu.memory_space<vmem>>
        %get3A_3842 = arith.index_cast %add3A_3837 : i32 to index
        %get3A_3843 = arith.constant 112 : index
        %get3A_3844 = tpu.vector_load %get3A_3841[%get3A_3842, %get3A_3843] {strides = array<i32>} : memref<256x128xf32, #tpu.memory_space<vmem>>, vector<16xf32>,
        %mul3A_3845 = arith.mulf %get3A_3787, %gather3A_3656 : vector<16xf32>
        %mul3A_3846 = arith.mulf %mul3A_3845, %gather3A_3664 : vector<16xf32>
        %mul3A_3847 = arith.mulf %get3A_3794, %gather3A_3656 : vector<16xf32>
        %mul3A_3848 = arith.mulf %mul3A_3847, %gather3A_3668 : vector<16xf32>
        %add3A_3849 = arith.addf %mul3A_3846, %mul3A_3848 : vector<16xf32>
        %mul3A_3850 = arith.mulf %get3A_3801, %gather3A_3660 : vector<16xf32>
        %mul3A_3851 = arith.mulf %mul3A_3850, %gather3A_3664 : vector<16xf32>
        %add3A_3852 = arith.addf %add3A_3849, %mul3A_3851 : vector<16xf32>
        %mul3A_3853 = arith.mulf %get3A_3808, %gather3A_3660 : vector<16xf32>
        %mul3A_3854 = arith.mulf %mul3A_3853, %gather3A_3668 : vector<16xf32>
        %add3A_3855 = arith.addf %add3A_3852, %mul3A_3854 : vector<16xf32>
        %mul3A_3856 = arith.mulf %get3A_3817, %gather3A_3672 : vector<16xf32>
        %mul3A_3857 = arith.mulf %mul3A_3856, %gather3A_3680 : vector<16xf32>
        %mul3A_3858 = arith.mulf %get3A_3826, %gather3A_3672 : vector<16xf32>
        %mul3A_3859 = arith.mulf %mul3A_3858, %gather3A_3684 : vector<16xf32>
        %add3A_3860 = arith.addf %mul3A_3857, %mul3A_3859 : vector<16xf32>
        %mul3A_3861 = arith.mulf %get3A_3835, %gather3A_3676 : vector<16xf32>
        %mul3A_3862 = arith.mulf %mul3A_3861, %gather3A_3680 : vector<16xf32>
        %add3A_3863 = arith.addf %add3A_3860, %mul3A_3862 : vector<16xf32>
        %mul3A_3864 = arith.mulf %get3A_3844, %gather3A_3676 : vector<16xf32>
        %mul3A_3865 = arith.mulf %mul3A_3864, %gather3A_3684 : vector<16xf32>
        %add3A_3866 = arith.addf %add3A_3863, %mul3A_3865 : vector<16xf32>
        %add3A_3867 = arith.addf %add3A_3855, %add3A_3866 : vector<16xf32>
        %mul3A_3868 = arith.constant 32 : i32
        %mul3A_3869 = arith.muli %add3A_3650, %mul3A_3868 : i32
        %add3A_3870 = arith.constant 16 : i32
        %add3A_3871 = arith.addi %mul3A_3869, %add3A_3870 : i32
        %swap3A_3872 = arith.constant 0 : i32
        %swap3A_3873 = arith.index_cast %rem3A_103 : i32 to index
        %swap3A_3874 = arith.index_cast %swap3A_3872 : i32 to index
        %swap3A_3875 = arith.index_cast %add3A_3871 : i32 to index
        %swap3A_3876 = tpu.vector_load %arg11[%swap3A_3873, %swap3A_3874, %swap3A_3875] {strides = array<i32>} : memref<2x1x20480xf32, #tpu.memory_space<vmem>>, vector<16xf32>,
        tpu.vector_store %arg11[%swap3A_3873, %swap3A_3874, %swap3A_3875], %add3A_3867 {strides = array<i32>} : memref<2x1x20480xf32, #tpu.memory_space<vmem>>, vector<16xf32>,
        %scan3A_3877 = arith.constant 0 : i32
        scf.yield %scan3A_3877 : i32
      }
      %scan3A_143 = arith.constant 8 : i32
      %eq3A_144 = arith.constant 4 : i32
      %eq3A_145 = arith.cmpi eq, %select_n3A_99, %eq3A_144 : i32
      %convert_element_type3A_146 = arith.extui %eq3A_145 : i1 to i32
      %cond3A_147 = arith.constant 0 : i32
      %cond3A_148 = arith.cmpi ne, %convert_element_type3A_146, %cond3A_147 : i32
      scf.if %cond3A_148 {
        %mul3A_150 = arith.constant 32 : i32
        %mul3A_151 = arith.muli %mul3A_2, %mul3A_150 : i32
        %dma_start3A_152 = arith.constant 0 : i32
        %dma_start3A_153 = arith.constant 0 : i32
        %dma_start3A_154 = tpu.memref_slice %arg11[%rem3A_103, %dma_start3A_152, %dma_start3A_153] : memref<2x1x20480xf32, #tpu.memory_space<vmem>> -> memref<1x1x20480xf32, #tpu.memory_space<vmem>>
        %dma_start3A_155 = tpu.memref_squeeze %dma_start3A_154 : memref<1x1x20480xf32, #tpu.memory_space<vmem>> -> memref<1x20480xf32, #tpu.memory_space<vmem>>
        %dma_start3A_156 = tpu.memref_slice %arg6[%select_n3A, %mul3A_151] : memref<49x655360xf32, #tpu.memory_space<hbm>> -> memref<1x20480xf32, #tpu.memory_space<hbm>>
        %dma_start3A_157 = tpu.memref_slice %arg6[%select_n3A, %mul3A_151] : memref<49x655360xf32, #tpu.memory_space<hbm>> -> memref<1x20480xf32, #tpu.memory_space<hbm>>
        %dma_start3A_158 = arith.constant 0 : i32
        %dma_start3A_159 = arith.constant 0 : i32
        %dma_start3A_160 = tpu.memref_slice %arg11[%rem3A_103, %dma_start3A_158, %dma_start3A_159] : memref<2x1x20480xf32, #tpu.memory_space<vmem>> -> memref<1x1x20480xf32, #tpu.memory_space<vmem>>
        %dma_start3A_161 = tpu.memref_squeeze %dma_start3A_160 : memref<1x1x20480xf32, #tpu.memory_space<vmem>> -> memref<1x20480xf32, #tpu.memory_space<vmem>>
        tpu.enqueue_dma source(%dma_start3A_161 : memref<1x20480xf32, #tpu.memory_space<vmem>>) target(%dma_start3A_157 : memref<1x20480xf32, #tpu.memory_space<hbm>>) target_semaphore(%arg13 : memref<!tpu.dma_semaphore, #tpu.memory_space<semaphore_mem>>)
      } else {
      }
      %scan3A_149 = arith.constant 0 : i32
      scf.yield %scan3A_149 : i32
    }
    %scan3A_38 = arith.constant 245 : i32
    %mul3A_39 = arith.constant 32 : i32
    %mul3A_40 = arith.muli %mul3A_2, %mul3A_39 : i32
    %dma_wait3A = arith.constant 1 : i32
    %dma_wait3A_41 = arith.constant 0 : i32
    %dma_wait3A_42 = arith.constant 0 : i32
    %dma_wait3A_43 = tpu.memref_slice %arg11[%dma_wait3A, %dma_wait3A_41, %dma_wait3A_42] : memref<2x1x20480xf32, #tpu.memory_space<vmem>> -> memref<1x1x20480xf32, #tpu.memory_space<vmem>>
    %dma_wait3A_44 = tpu.memref_squeeze %dma_wait3A_43 : memref<1x1x20480xf32, #tpu.memory_space<vmem>> -> memref<1x20480xf32, #tpu.memory_space<vmem>>
    %dma_wait3A_45 = arith.constant 47 : i32
    %dma_wait3A_46 = tpu.memref_slice %arg6[%dma_wait3A_45, %mul3A_40] : memref<49x655360xf32, #tpu.memory_space<hbm>> -> memref<1x20480xf32, #tpu.memory_space<hbm>>
    %dma_wait3A_47 = arith.constant 47 : i32
    %dma_wait3A_48 = tpu.memref_slice %arg6[%dma_wait3A_47, %mul3A_40] : memref<49x655360xf32, #tpu.memory_space<hbm>> -> memref<1x20480xf32, #tpu.memory_space<hbm>>
    %dma_wait3A_49 = arith.constant 0 : i32
    %dma_wait3A_50 = arith.constant 0 : i32
    %dma_wait3A_51 = tpu.memref_slice %arg11[%dma_wait3A, %dma_wait3A_49, %dma_wait3A_50] : memref<2x1x20480xf32, #tpu.memory_space<vmem>> -> memref<1x1x20480xf32, #tpu.memory_space<vmem>>
    %dma_wait3A_52 = tpu.memref_squeeze %dma_wait3A_51 : memref<1x1x20480xf32, #tpu.memory_space<vmem>> -> memref<1x20480xf32, #tpu.memory_space<vmem>>
    tpu.wait_dma2 semaphore(%arg13 : memref<!tpu.dma_semaphore, #tpu.memory_space<semaphore_mem>>) src(%dma_wait3A_52 : memref<1x20480xf32, #tpu.memory_space<vmem>>) dst(%dma_wait3A_48 : memref<1x20480xf32, #tpu.memory_space<hbm>>)
    %mul3A_53 = arith.constant 32 : i32
    %mul3A_54 = arith.muli %mul3A_2, %mul3A_53 : i32
    %dma_wait3A_55 = arith.constant 0 : i32
    %dma_wait3A_56 = arith.constant 0 : i32
    %dma_wait3A_57 = arith.constant 0 : i32
    %dma_wait3A_58 = tpu.memref_slice %arg11[%dma_wait3A_55, %dma_wait3A_56, %dma_wait3A_57] : memref<2x1x20480xf32, #tpu.memory_space<vmem>> -> memref<1x1x20480xf32, #tpu.memory_space<vmem>>
    %dma_wait3A_59 = tpu.memref_squeeze %dma_wait3A_58 : memref<1x1x20480xf32, #tpu.memory_space<vmem>> -> memref<1x20480xf32, #tpu.memory_space<vmem>>
    %dma_wait3A_60 = arith.constant 48 : i32
    %dma_wait3A_61 = tpu.memref_slice %arg6[%dma_wait3A_60, %mul3A_54] : memref<49x655360xf32, #tpu.memory_space<hbm>> -> memref<1x20480xf32, #tpu.memory_space<hbm>>
    %dma_wait3A_62 = arith.constant 48 : i32
    %dma_wait3A_63 = tpu.memref_slice %arg6[%dma_wait3A_62, %mul3A_54] : memref<49x655360xf32, #tpu.memory_space<hbm>> -> memref<1x20480xf32, #tpu.memory_space<hbm>>
    %dma_wait3A_64 = arith.constant 0 : i32
    %dma_wait3A_65 = arith.constant 0 : i32
    %dma_wait3A_66 = tpu.memref_slice %arg11[%dma_wait3A_55, %dma_wait3A_64, %dma_wait3A_65] : memref<2x1x20480xf32, #tpu.memory_space<vmem>> -> memref<1x1x20480xf32, #tpu.memory_space<vmem>>
    %dma_wait3A_67 = tpu.memref_squeeze %dma_wait3A_66 : memref<1x1x20480xf32, #tpu.memory_space<vmem>> -> memref<1x20480xf32, #tpu.memory_space<vmem>>
    tpu.wait_dma2 semaphore(%arg13 : memref<!tpu.dma_semaphore, #tpu.memory_space<semaphore_mem>>) src(%dma_wait3A_67 : memref<1x20480xf32, #tpu.memory_space<vmem>>) dst(%dma_wait3A_63 : memref<1x20480xf32, #tpu.memory_space<hbm>>)
    return
  }
}

module attributes {stable_mosaic.version = 14 : i64} {
  func.func @_mlp_body(%arg0: i32, %arg1: memref<1xf32, #tpu.memory_space<smem>>, %arg2: memref<16x1568xf32, #tpu.memory_space<vmem>>, %arg3: memref<16x1xf32, #tpu.memory_space<vmem>>, %arg4: memref<1568x512xf32, #tpu.memory_space<vmem>>, %arg5: memref<16x512xf32, #tpu.memory_space<vmem>>) attributes {dimension_semantics = [#tpu.dimension_semantics<arbitrary>], iteration_bounds = array<i64: 40>, scalar_prefetch = 0 : i64, scratch_operands = 0 : i64, tpu.core_type = #tpu.core_type<tc>, window_params = [{transform_indices = @transform_0, window_bounds = array<i64: 1>}, {pipeline_mode = #tpu.pipeline_mode<synchronous>, transform_indices = @transform_1, window_bounds = array<i64: 16, 1568>}, {pipeline_mode = #tpu.pipeline_mode<synchronous>, transform_indices = @transform_2, window_bounds = array<i64: 16, 1>}, {transform_indices = @transform_3, window_bounds = array<i64: 1568, 512>}, {transform_indices = @transform_4, window_bounds = array<i64: 16, 512>}]} {
    %get3A = arith.constant 0 : index
    %get3A_0 = arith.constant 0 : index
    %get3A_1 = vector.load %arg4[%get3A, %get3A_0] : memref<1568x512xf32, #tpu.memory_space<vmem>>, vector<1568x512xf32>
    %get3A_2 = arith.constant 0 : index
    %get3A_3 = memref.load %arg1[%get3A_2] : memref<1xf32, #tpu.memory_space<smem>>
    %div3A = vector.broadcast %get3A_3 : f32 to vector<1568x512xf32>
    %div3A_4 = arith.divf %get3A_1, %div3A : vector<1568x512xf32>
    %convert_element_type3A = arith.truncf %div3A_4 : vector<1568x512xf32> to vector<1568x512xbf16>
    %get3A_5 = arith.constant 0 : index
    %get3A_6 = arith.constant 0 : index
    %get3A_7 = vector.load %arg2[%get3A_5, %get3A_6] : memref<16x1568xf32, #tpu.memory_space<vmem>>, vector<16x1568xf32>
    %convert_element_type3A_8 = arith.truncf %get3A_7 : vector<16x1568xf32> to vector<16x1568xbf16>
    %dot_general3A = arith.constant dense<0.000000e+00> : vector<16x512xf32>
    %dot_general3A_9 = tpu.matmul %convert_element_type3A_8, %convert_element_type3A, %dot_general3A {dimension_numbers = #tpu.dot_dimension_numbers<[1], [0], [0], [1], [0, 0, 1, 1], [], []>, transpose_lhs_hint = false} : vector<16x1568xbf16>, vector<1568x512xbf16>, vector<16x512xf32> -> vector<16x512xf32>
    %get3A_10 = arith.constant 0 : index
    %get3A_11 = arith.constant 0 : index
    %get3A_12 = vector.load %arg3[%get3A_10, %get3A_11] : memref<16x1xf32, #tpu.memory_space<vmem>>, vector<16x1xf32>
    %add3A = vector.broadcast %get3A_12 : vector<16x1xf32> to vector<16x512xf32>
    %add3A_13 = arith.addf %dot_general3A_9, %add3A : vector<16x512xf32>
    %swap3A = arith.constant 0 : index
    %swap3A_14 = arith.constant 0 : index
    %swap3A_15 = vector.load %arg5[%swap3A, %swap3A_14] : memref<16x512xf32, #tpu.memory_space<vmem>>, vector<16x512xf32>
    tpu.vector_store %arg5[%swap3A, %swap3A_14], %add3A_13 {strides = array<i32>} : memref<16x512xf32, #tpu.memory_space<vmem>>, vector<16x512xf32>,
    return
  }
  func.func @transform_0(%arg0: i32) -> i32 {
    %c0_i32 = arith.constant 0 : i32
    %c0_i32_0 = arith.constant 0 : i32
    return %c0_i32 : i32
  }
  func.func @transform_1(%arg0: i32) -> (i32, i32) {
    %c0_i32 = arith.constant 0 : i32
    %c0_i32_0 = arith.constant 0 : i32
    %c0_i32_1 = arith.constant 0 : i32
    return %c0_i32, %c0_i32_0 : i32, i32
  }
  func.func @transform_2(%arg0: i32) -> (i32, i32) {
    %c0_i32 = arith.constant 0 : i32
    %c0_i32_0 = arith.constant 0 : i32
    %c0_i32_1 = arith.constant 0 : i32
    return %c0_i32, %c0_i32_0 : i32, i32
  }
  func.func @transform_3(%arg0: i32) -> (i32, i32) {
    %c0_i32 = arith.constant 0 : i32
    %c0_i32_0 = arith.constant 0 : i32
    return %c0_i32, %arg0 : i32, i32
  }
  func.func @transform_4(%arg0: i32) -> (i32, i32) {
    %c0_i32 = arith.constant 0 : i32
    %c0_i32_0 = arith.constant 0 : i32
    return %c0_i32, %arg0 : i32, i32
  }
}

module attributes {stable_mosaic.version = 14 : i64} {
  func.func @_nms_body(%arg0: memref<6x160x128xf32, #tpu.memory_space<vmem>>, %arg1: memref<16x160x128xf32, #tpu.memory_space<vmem>>, %arg2: memref<8x128xi32, #tpu.memory_space<vmem>>) attributes {dimension_semantics = [], scalar_prefetch = 0 : i64, scratch_operands = 0 : i64, tpu.core_type = #tpu.core_type<tc>} {
    %get3A = arith.constant 0 : index
    %get3A_0 = arith.constant 0 : index
    %get3A_1 = arith.constant 0 : index
    %get3A_2 = vector.load %arg0[%get3A, %get3A_0, %get3A_1] : memref<6x160x128xf32, #tpu.memory_space<vmem>>, vector<1x160x128xf32>
    %get3A_3 = vector.shape_cast %get3A_2 : vector<1x160x128xf32> to vector<160x128xf32>
    %get3A_4 = arith.constant 2 : index
    %get3A_5 = arith.constant 0 : index
    %get3A_6 = arith.constant 0 : index
    %get3A_7 = vector.load %arg0[%get3A_4, %get3A_5, %get3A_6] : memref<6x160x128xf32, #tpu.memory_space<vmem>>, vector<1x160x128xf32>
    %get3A_8 = vector.shape_cast %get3A_7 : vector<1x160x128xf32> to vector<160x128xf32>
    %get3A_9 = arith.constant 3 : index
    %get3A_10 = arith.constant 0 : index
    %get3A_11 = arith.constant 0 : index
    %get3A_12 = vector.load %arg0[%get3A_9, %get3A_10, %get3A_11] : memref<6x160x128xf32, #tpu.memory_space<vmem>>, vector<1x160x128xf32>
    %get3A_13 = vector.shape_cast %get3A_12 : vector<1x160x128xf32> to vector<160x128xf32>
    %get3A_14 = arith.constant 5 : index
    %get3A_15 = arith.constant 0 : index
    %get3A_16 = arith.constant 0 : index
    %get3A_17 = vector.load %arg0[%get3A_14, %get3A_15, %get3A_16] : memref<6x160x128xf32, #tpu.memory_space<vmem>>, vector<1x160x128xf32>
    %get3A_18 = vector.shape_cast %get3A_17 : vector<1x160x128xf32> to vector<160x128xf32>
    %mul3A = arith.constant -5.000000e-01 : f32
    %mul3A_19 = vector.broadcast %mul3A : f32 to vector<160x128xf32>
    %mul3A_20 = arith.mulf %mul3A_19, %get3A_13 : vector<160x128xf32>
    %add3A = arith.addf %get3A_3, %mul3A_20 : vector<160x128xf32>
    %get3A_21 = arith.constant 4 : index
    %get3A_22 = arith.constant 0 : index
    %get3A_23 = arith.constant 0 : index
    %get3A_24 = vector.load %arg1[%get3A_21, %get3A_22, %get3A_23] : memref<16x160x128xf32, #tpu.memory_space<vmem>>, vector<1x160x128xf32>
    %get3A_25 = vector.shape_cast %get3A_24 : vector<1x160x128xf32> to vector<160x128xf32>
    %add3A_26 = arith.addf %add3A, %get3A_25 : vector<160x128xf32>
    %mul3A_27 = arith.constant 5.000000e-01 : f32
    %mul3A_28 = vector.broadcast %mul3A_27 : f32 to vector<160x128xf32>
    %mul3A_29 = arith.mulf %mul3A_28, %get3A_13 : vector<160x128xf32>
    %add3A_30 = arith.addf %get3A_3, %mul3A_29 : vector<160x128xf32>
    %get3A_31 = arith.constant 5 : index
    %get3A_32 = arith.constant 0 : index
    %get3A_33 = arith.constant 0 : index
    %get3A_34 = vector.load %arg1[%get3A_31, %get3A_32, %get3A_33] : memref<16x160x128xf32, #tpu.memory_space<vmem>>, vector<1x160x128xf32>
    %get3A_35 = vector.shape_cast %get3A_34 : vector<1x160x128xf32> to vector<160x128xf32>
    %add3A_36 = arith.addf %add3A_30, %get3A_35 : vector<160x128xf32>
    %mul3A_37 = arith.constant 5.000000e-01 : f32
    %mul3A_38 = vector.broadcast %mul3A_37 : f32 to vector<160x128xf32>
    %mul3A_39 = arith.mulf %mul3A_38, %get3A_13 : vector<160x128xf32>
    %add3A_40 = arith.addf %get3A_3, %mul3A_39 : vector<160x128xf32>
    %get3A_41 = arith.constant 6 : index
    %get3A_42 = arith.constant 0 : index
    %get3A_43 = arith.constant 0 : index
    %get3A_44 = vector.load %arg1[%get3A_41, %get3A_42, %get3A_43] : memref<16x160x128xf32, #tpu.memory_space<vmem>>, vector<1x160x128xf32>
    %get3A_45 = vector.shape_cast %get3A_44 : vector<1x160x128xf32> to vector<160x128xf32>
    %add3A_46 = arith.addf %add3A_40, %get3A_45 : vector<160x128xf32>
    %mul3A_47 = arith.constant -5.000000e-01 : f32
    %mul3A_48 = vector.broadcast %mul3A_47 : f32 to vector<160x128xf32>
    %mul3A_49 = arith.mulf %mul3A_48, %get3A_13 : vector<160x128xf32>
    %add3A_50 = arith.addf %get3A_3, %mul3A_49 : vector<160x128xf32>
    %get3A_51 = arith.constant 7 : index
    %get3A_52 = arith.constant 0 : index
    %get3A_53 = arith.constant 0 : index
    %get3A_54 = vector.load %arg1[%get3A_51, %get3A_52, %get3A_53] : memref<16x160x128xf32, #tpu.memory_space<vmem>>, vector<1x160x128xf32>
    %get3A_55 = vector.shape_cast %get3A_54 : vector<1x160x128xf32> to vector<160x128xf32>
    %add3A_56 = arith.addf %add3A_50, %get3A_55 : vector<160x128xf32>
    %mul3A_57 = arith.constant -5.000000e-01 : f32
    %mul3A_58 = vector.broadcast %mul3A_57 : f32 to vector<160x128xf32>
    %mul3A_59 = arith.mulf %mul3A_58, %get3A_18 : vector<160x128xf32>
    %add3A_60 = arith.addf %get3A_8, %mul3A_59 : vector<160x128xf32>
    %get3A_61 = arith.constant 8 : index
    %get3A_62 = arith.constant 0 : index
    %get3A_63 = arith.constant 0 : index
    %get3A_64 = vector.load %arg1[%get3A_61, %get3A_62, %get3A_63] : memref<16x160x128xf32, #tpu.memory_space<vmem>>, vector<1x160x128xf32>
    %get3A_65 = vector.shape_cast %get3A_64 : vector<1x160x128xf32> to vector<160x128xf32>
    %add3A_66 = arith.addf %add3A_60, %get3A_65 : vector<160x128xf32>
    %mul3A_67 = arith.constant -5.000000e-01 : f32
    %mul3A_68 = vector.broadcast %mul3A_67 : f32 to vector<160x128xf32>
    %mul3A_69 = arith.mulf %mul3A_68, %get3A_18 : vector<160x128xf32>
    %add3A_70 = arith.addf %get3A_8, %mul3A_69 : vector<160x128xf32>
    %get3A_71 = arith.constant 9 : index
    %get3A_72 = arith.constant 0 : index
    %get3A_73 = arith.constant 0 : index
    %get3A_74 = vector.load %arg1[%get3A_71, %get3A_72, %get3A_73] : memref<16x160x128xf32, #tpu.memory_space<vmem>>, vector<1x160x128xf32>
    %get3A_75 = vector.shape_cast %get3A_74 : vector<1x160x128xf32> to vector<160x128xf32>
    %add3A_76 = arith.addf %add3A_70, %get3A_75 : vector<160x128xf32>
    %mul3A_77 = arith.constant 5.000000e-01 : f32
    %mul3A_78 = vector.broadcast %mul3A_77 : f32 to vector<160x128xf32>
    %mul3A_79 = arith.mulf %mul3A_78, %get3A_18 : vector<160x128xf32>
    %add3A_80 = arith.addf %get3A_8, %mul3A_79 : vector<160x128xf32>
    %get3A_81 = arith.constant 10 : index
    %get3A_82 = arith.constant 0 : index
    %get3A_83 = arith.constant 0 : index
    %get3A_84 = vector.load %arg1[%get3A_81, %get3A_82, %get3A_83] : memref<16x160x128xf32, #tpu.memory_space<vmem>>, vector<1x160x128xf32>
    %get3A_85 = vector.shape_cast %get3A_84 : vector<1x160x128xf32> to vector<160x128xf32>
    %add3A_86 = arith.addf %add3A_80, %get3A_85 : vector<160x128xf32>
    %mul3A_87 = arith.constant 5.000000e-01 : f32
    %mul3A_88 = vector.broadcast %mul3A_87 : f32 to vector<160x128xf32>
    %mul3A_89 = arith.mulf %mul3A_88, %get3A_18 : vector<160x128xf32>
    %add3A_90 = arith.addf %get3A_8, %mul3A_89 : vector<160x128xf32>
    %get3A_91 = arith.constant 11 : index
    %get3A_92 = arith.constant 0 : index
    %get3A_93 = arith.constant 0 : index
    %get3A_94 = vector.load %arg1[%get3A_91, %get3A_92, %get3A_93] : memref<16x160x128xf32, #tpu.memory_space<vmem>>, vector<1x160x128xf32>
    %get3A_95 = vector.shape_cast %get3A_94 : vector<1x160x128xf32> to vector<160x128xf32>
    %add3A_96 = arith.addf %add3A_90, %get3A_95 : vector<160x128xf32>
    %add3A_97 = arith.addf %add3A_26, %add3A_36 : vector<160x128xf32>
    %add3A_98 = arith.addf %add3A_97, %add3A_46 : vector<160x128xf32>
    %add3A_99 = arith.addf %add3A_98, %add3A_56 : vector<160x128xf32>
    %mul3A_100 = arith.constant 2.500000e-01 : f32
    %mul3A_101 = vector.broadcast %mul3A_100 : f32 to vector<160x128xf32>
    %mul3A_102 = arith.mulf %add3A_99, %mul3A_101 : vector<160x128xf32>
    %add3A_103 = arith.addf %add3A_66, %add3A_76 : vector<160x128xf32>
    %add3A_104 = arith.addf %add3A_103, %add3A_86 : vector<160x128xf32>
    %add3A_105 = arith.addf %add3A_104, %add3A_96 : vector<160x128xf32>
    %mul3A_106 = arith.constant 2.500000e-01 : f32
    %mul3A_107 = vector.broadcast %mul3A_106 : f32 to vector<160x128xf32>
    %mul3A_108 = arith.mulf %add3A_105, %mul3A_107 : vector<160x128xf32>
    %max3A = arith.maximumf %add3A_26, %add3A_36 : vector<160x128xf32>
    %max3A_109 = arith.maximumf %add3A_46, %add3A_56 : vector<160x128xf32>
    %max3A_110 = arith.maximumf %max3A, %max3A_109 : vector<160x128xf32>
    %min3A = arith.minimumf %add3A_26, %add3A_36 : vector<160x128xf32>
    %min3A_111 = arith.minimumf %add3A_46, %add3A_56 : vector<160x128xf32>
    %min3A_112 = arith.minimumf %min3A, %min3A_111 : vector<160x128xf32>
    %sub3A = arith.subf %max3A_110, %min3A_112 : vector<160x128xf32>
    %max3A_113 = arith.maximumf %add3A_66, %add3A_76 : vector<160x128xf32>
    %max3A_114 = arith.maximumf %add3A_86, %add3A_96 : vector<160x128xf32>
    %max3A_115 = arith.maximumf %max3A_113, %max3A_114 : vector<160x128xf32>
    %min3A_116 = arith.minimumf %add3A_66, %add3A_76 : vector<160x128xf32>
    %min3A_117 = arith.minimumf %add3A_86, %add3A_96 : vector<160x128xf32>
    %min3A_118 = arith.minimumf %min3A_116, %min3A_117 : vector<160x128xf32>
    %sub3A_119 = arith.subf %max3A_115, %min3A_118 : vector<160x128xf32>
    %mul3A_120 = arith.constant 5.000000e-01 : f32
    %mul3A_121 = vector.broadcast %mul3A_120 : f32 to vector<160x128xf32>
    %mul3A_122 = arith.mulf %sub3A, %mul3A_121 : vector<160x128xf32>
    %sub3A_123 = arith.subf %mul3A_102, %mul3A_122 : vector<160x128xf32>
    %mul3A_124 = arith.constant 5.000000e-01 : f32
    %mul3A_125 = vector.broadcast %mul3A_124 : f32 to vector<160x128xf32>
    %mul3A_126 = arith.mulf %sub3A, %mul3A_125 : vector<160x128xf32>
    %add3A_127 = arith.addf %mul3A_102, %mul3A_126 : vector<160x128xf32>
    %mul3A_128 = arith.constant 5.000000e-01 : f32
    %mul3A_129 = vector.broadcast %mul3A_128 : f32 to vector<160x128xf32>
    %mul3A_130 = arith.mulf %sub3A_119, %mul3A_129 : vector<160x128xf32>
    %sub3A_131 = arith.subf %mul3A_108, %mul3A_130 : vector<160x128xf32>
    %mul3A_132 = arith.constant 5.000000e-01 : f32
    %mul3A_133 = vector.broadcast %mul3A_132 : f32 to vector<160x128xf32>
    %mul3A_134 = arith.mulf %sub3A_119, %mul3A_133 : vector<160x128xf32>
    %add3A_135 = arith.addf %mul3A_108, %mul3A_134 : vector<160x128xf32>
    %sub3A_136 = arith.subf %add3A_127, %sub3A_123 : vector<160x128xf32>
    %sub3A_137 = arith.subf %add3A_135, %sub3A_131 : vector<160x128xf32>
    %mul3A_138 = arith.mulf %sub3A_136, %sub3A_137 : vector<160x128xf32>
    %get3A_139 = arith.constant 1 : index
    %get3A_140 = arith.constant 0 : index
    %get3A_141 = arith.constant 0 : index
    %get3A_142 = vector.load %arg1[%get3A_139, %get3A_140, %get3A_141] : memref<16x160x128xf32, #tpu.memory_space<vmem>>, vector<1x160x128xf32>
    %get3A_143 = vector.shape_cast %get3A_142 : vector<1x160x128xf32> to vector<160x128xf32>
    %get3A_144 = arith.constant 2 : index
    %get3A_145 = arith.constant 0 : index
    %get3A_146 = arith.constant 0 : index
    %get3A_147 = vector.load %arg1[%get3A_144, %get3A_145, %get3A_146] : memref<16x160x128xf32, #tpu.memory_space<vmem>>, vector<1x160x128xf32>
    %get3A_148 = vector.shape_cast %get3A_147 : vector<1x160x128xf32> to vector<160x128xf32>
    %max3A_149 = arith.maximumf %get3A_143, %get3A_148 : vector<160x128xf32>
    %get3A_150 = arith.constant 3 : index
    %get3A_151 = arith.constant 0 : index
    %get3A_152 = arith.constant 0 : index
    %get3A_153 = vector.load %arg1[%get3A_150, %get3A_151, %get3A_152] : memref<16x160x128xf32, #tpu.memory_space<vmem>>, vector<1x160x128xf32>
    %get3A_154 = vector.shape_cast %get3A_153 : vector<1x160x128xf32> to vector<160x128xf32>
    %max3A_155 = arith.maximumf %max3A_149, %get3A_154 : vector<160x128xf32>
    %iota3A = tpu.iota {dimensions = array<i32: 0>} : vector<160x128xi32>
    %mul3A_156 = arith.constant 128 : i32
    %mul3A_157 = vector.broadcast %mul3A_156 : i32 to vector<160x128xi32>
    %mul3A_158 = arith.muli %iota3A, %mul3A_157 : vector<160x128xi32>
    %iota3A_159 = tpu.iota {dimensions = array<i32: 1>} : vector<160x128xi32>
    %add3A_160 = arith.addi %mul3A_158, %iota3A_159 : vector<160x128xi32>
    %iota3A_161 = tpu.iota {dimensions = array<i32: 0>} : vector<8x128xi32>
    %mul3A_162 = arith.constant 128 : i32
    %mul3A_163 = vector.broadcast %mul3A_162 : i32 to vector<8x128xi32>
    %mul3A_164 = arith.muli %iota3A_161, %mul3A_163 : vector<8x128xi32>
    %iota3A_165 = tpu.iota {dimensions = array<i32: 1>} : vector<8x128xi32>
    %add3A_166 = arith.addi %mul3A_164, %iota3A_165 : vector<8x128xi32>
    %lt3A = arith.constant 20000 : i32
    %lt3A_167 = vector.broadcast %lt3A : i32 to vector<160x128xi32>
    %lt3A_168 = arith.cmpi slt, %add3A_160, %lt3A_167 : vector<160x128xi32>
    %convert_element_type3A = arith.extui %lt3A_168 : vector<160x128xi1> to vector<160x128xi32>
    %convert_element_type3A_169 = arith.sitofp %convert_element_type3A : vector<160x128xi32> to vector<160x128xf32>
    %broadcast_in_dim3A = arith.constant 0 : i32
    %broadcast_in_dim3A_170 = vector.broadcast %broadcast_in_dim3A : i32 to vector<8x128xi32>
    %scan3A = arith.constant 0 : i32
    %scan3A_171 = arith.constant 100 : i32
    %scan3A_172 = arith.addi %scan3A, %scan3A_171 : i32
    %scan3A_173 = arith.constant 1 : i32
    %scan3A_174:2 = scf.for %scan3A_178 = %scan3A to %scan3A_172 step %scan3A_173 iter_args(%scan3A_179 = %convert_element_type3A_169, %scan3A_180 = %broadcast_in_dim3A_170) -> (vector<160x128xf32>, vector<8x128xi32>)  : i32 {
      %gt3A = arith.constant 5.000000e-01 : f32
      %gt3A_181 = vector.broadcast %gt3A : f32 to vector<160x128xf32>
      %gt3A_182 = arith.cmpf ogt, %scan3A_179, %gt3A_181 : vector<160x128xf32>
      %jit3A = arith.constant -1.000000e+30 : f32
      %broadcast_in_dim3A_183 = vector.broadcast %jit3A : f32 to vector<160x128xf32>
      %select_n3A = arith.select %gt3A_182, %max3A_155, %broadcast_in_dim3A_183 : vector<160x128xi1>, vector<160x128xf32>
      %reduce_max3A = vector.shape_cast %select_n3A : vector<160x128xf32> to vector<1x160x128xf32>
      %reduce_max3A_184 = arith.constant dense<0xFF800000> : vector<1xf32>
      %reduce_max3A_185 = vector.multi_reduction <maximumf>, %reduce_max3A, %reduce_max3A_184 [1, 2] : vector<1x160x128xf32> to vector<1xf32>
      %reduce_max3A_186 = vector.shape_cast %reduce_max3A_185 : vector<1xf32> to vector<1x1x1xf32>
      %reduce_max3A_187 = vector.extract %reduce_max3A_186[0, 0, 0] : f32 from vector<1x1x1xf32>
      %eq3A = vector.broadcast %reduce_max3A_187 : f32 to vector<160x128xf32>
      %eq3A_188 = arith.cmpf oeq, %select_n3A, %eq3A : vector<160x128xf32>
      %jit3A_189 = arith.constant 2147483647 : i32
      %broadcast_in_dim3A_190 = vector.broadcast %jit3A_189 : i32 to vector<160x128xi32>
      %select_n3A_191 = arith.select %eq3A_188, %add3A_160, %broadcast_in_dim3A_190 : vector<160x128xi1>, vector<160x128xi32>
      %reduce_min3A = vector.shape_cast %select_n3A_191 : vector<160x128xi32> to vector<1x160x128xi32>
      %reduce_min3A_192 = arith.constant dense<2147483647> : vector<1xi32>
      %reduce_min3A_193 = vector.multi_reduction <minsi>, %reduce_min3A, %reduce_min3A_192 [1, 2] : vector<1x160x128xi32> to vector<1xi32>
      %reduce_min3A_194 = vector.shape_cast %reduce_min3A_193 : vector<1xi32> to vector<1x1x1xi32>
      %reduce_min3A_195 = vector.extract %reduce_min3A_194[0, 0, 0] : i32 from vector<1x1x1xi32>
      %eq3A_196 = vector.broadcast %reduce_min3A_195 : i32 to vector<160x128xi32>
      %eq3A_197 = arith.cmpi eq, %add3A_160, %eq3A_196 : vector<160x128xi32>
      %jit3A_198 = arith.constant 0.000000e+00 : f32
      %broadcast_in_dim3A_199 = vector.broadcast %jit3A_198 : f32 to vector<160x128xf32>
      %select_n3A_200 = arith.select %eq3A_197, %sub3A_123, %broadcast_in_dim3A_199 : vector<160x128xi1>, vector<160x128xf32>
      %reduce_sum3A = vector.shape_cast %select_n3A_200 : vector<160x128xf32> to vector<1x160x128xf32>
      %reduce_sum3A_201 = arith.constant dense<0.000000e+00> : vector<1xf32>
      %reduce_sum3A_202 = vector.multi_reduction <add>, %reduce_sum3A, %reduce_sum3A_201 [1, 2] : vector<1x160x128xf32> to vector<1xf32>
      %reduce_sum3A_203 = vector.shape_cast %reduce_sum3A_202 : vector<1xf32> to vector<1x1x1xf32>
      %reduce_sum3A_204 = vector.extract %reduce_sum3A_203[0, 0, 0] : f32 from vector<1x1x1xf32>
      %jit3A_205 = arith.constant 0.000000e+00 : f32
      %broadcast_in_dim3A_206 = vector.broadcast %jit3A_205 : f32 to vector<160x128xf32>
      %select_n3A_207 = arith.select %eq3A_197, %sub3A_131, %broadcast_in_dim3A_206 : vector<160x128xi1>, vector<160x128xf32>
      %reduce_sum3A_208 = vector.shape_cast %select_n3A_207 : vector<160x128xf32> to vector<1x160x128xf32>
      %reduce_sum3A_209 = arith.constant dense<0.000000e+00> : vector<1xf32>
      %reduce_sum3A_210 = vector.multi_reduction <add>, %reduce_sum3A_208, %reduce_sum3A_209 [1, 2] : vector<1x160x128xf32> to vector<1xf32>
      %reduce_sum3A_211 = vector.shape_cast %reduce_sum3A_210 : vector<1xf32> to vector<1x1x1xf32>
      %reduce_sum3A_212 = vector.extract %reduce_sum3A_211[0, 0, 0] : f32 from vector<1x1x1xf32>
      %jit3A_213 = arith.constant 0.000000e+00 : f32
      %broadcast_in_dim3A_214 = vector.broadcast %jit3A_213 : f32 to vector<160x128xf32>
      %select_n3A_215 = arith.select %eq3A_197, %add3A_127, %broadcast_in_dim3A_214 : vector<160x128xi1>, vector<160x128xf32>
      %reduce_sum3A_216 = vector.shape_cast %select_n3A_215 : vector<160x128xf32> to vector<1x160x128xf32>
      %reduce_sum3A_217 = arith.constant dense<0.000000e+00> : vector<1xf32>
      %reduce_sum3A_218 = vector.multi_reduction <add>, %reduce_sum3A_216, %reduce_sum3A_217 [1, 2] : vector<1x160x128xf32> to vector<1xf32>
      %reduce_sum3A_219 = vector.shape_cast %reduce_sum3A_218 : vector<1xf32> to vector<1x1x1xf32>
      %reduce_sum3A_220 = vector.extract %reduce_sum3A_219[0, 0, 0] : f32 from vector<1x1x1xf32>
      %jit3A_221 = arith.constant 0.000000e+00 : f32
      %broadcast_in_dim3A_222 = vector.broadcast %jit3A_221 : f32 to vector<160x128xf32>
      %select_n3A_223 = arith.select %eq3A_197, %add3A_135, %broadcast_in_dim3A_222 : vector<160x128xi1>, vector<160x128xf32>
      %reduce_sum3A_224 = vector.shape_cast %select_n3A_223 : vector<160x128xf32> to vector<1x160x128xf32>
      %reduce_sum3A_225 = arith.constant dense<0.000000e+00> : vector<1xf32>
      %reduce_sum3A_226 = vector.multi_reduction <add>, %reduce_sum3A_224, %reduce_sum3A_225 [1, 2] : vector<1x160x128xf32> to vector<1xf32>
      %reduce_sum3A_227 = vector.shape_cast %reduce_sum3A_226 : vector<1xf32> to vector<1x1x1xf32>
      %reduce_sum3A_228 = vector.extract %reduce_sum3A_227[0, 0, 0] : f32 from vector<1x1x1xf32>
      %jit3A_229 = arith.constant 0.000000e+00 : f32
      %broadcast_in_dim3A_230 = vector.broadcast %jit3A_229 : f32 to vector<160x128xf32>
      %select_n3A_231 = arith.select %eq3A_197, %mul3A_138, %broadcast_in_dim3A_230 : vector<160x128xi1>, vector<160x128xf32>
      %reduce_sum3A_232 = vector.shape_cast %select_n3A_231 : vector<160x128xf32> to vector<1x160x128xf32>
      %reduce_sum3A_233 = arith.constant dense<0.000000e+00> : vector<1xf32>
      %reduce_sum3A_234 = vector.multi_reduction <add>, %reduce_sum3A_232, %reduce_sum3A_233 [1, 2] : vector<1x160x128xf32> to vector<1xf32>
      %reduce_sum3A_235 = vector.shape_cast %reduce_sum3A_234 : vector<1xf32> to vector<1x1x1xf32>
      %reduce_sum3A_236 = vector.extract %reduce_sum3A_235[0, 0, 0] : f32 from vector<1x1x1xf32>
      %max3A_237 = vector.broadcast %reduce_sum3A_204 : f32 to vector<160x128xf32>
      %max3A_238 = arith.maximumf %max3A_237, %sub3A_123 : vector<160x128xf32>
      %max3A_239 = vector.broadcast %reduce_sum3A_212 : f32 to vector<160x128xf32>
      %max3A_240 = arith.maximumf %max3A_239, %sub3A_131 : vector<160x128xf32>
      %min3A_241 = vector.broadcast %reduce_sum3A_220 : f32 to vector<160x128xf32>
      %min3A_242 = arith.minimumf %min3A_241, %add3A_127 : vector<160x128xf32>
      %min3A_243 = vector.broadcast %reduce_sum3A_228 : f32 to vector<160x128xf32>
      %min3A_244 = arith.minimumf %min3A_243, %add3A_135 : vector<160x128xf32>
      %sub3A_245 = arith.subf %min3A_242, %max3A_238 : vector<160x128xf32>
      %max3A_246 = arith.constant 0.000000e+00 : f32
      %max3A_247 = vector.broadcast %max3A_246 : f32 to vector<160x128xf32>
      %max3A_248 = arith.maximumf %sub3A_245, %max3A_247 : vector<160x128xf32>
      %sub3A_249 = arith.subf %min3A_244, %max3A_240 : vector<160x128xf32>
      %max3A_250 = arith.constant 0.000000e+00 : f32
      %max3A_251 = vector.broadcast %max3A_250 : f32 to vector<160x128xf32>
      %max3A_252 = arith.maximumf %sub3A_249, %max3A_251 : vector<160x128xf32>
      %mul3A_253 = arith.mulf %max3A_248, %max3A_252 : vector<160x128xf32>
      %add3A_254 = vector.broadcast %reduce_sum3A_236 : f32 to vector<160x128xf32>
      %add3A_255 = arith.addf %add3A_254, %mul3A_138 : vector<160x128xf32>
      %sub3A_256 = arith.subf %add3A_255, %mul3A_253 : vector<160x128xf32>
      %add3A_257 = arith.constant 9.99999993E-9 : f32
      %add3A_258 = vector.broadcast %add3A_257 : f32 to vector<160x128xf32>
      %add3A_259 = arith.addf %sub3A_256, %add3A_258 : vector<160x128xf32>
      %div3A = arith.divf %mul3A_253, %add3A_259 : vector<160x128xf32>
      %le3A = arith.constant 0.00999999977 : f32
      %le3A_260 = vector.broadcast %le3A : f32 to vector<160x128xf32>
      %le3A_261 = arith.cmpf ole, %div3A, %le3A_260 : vector<160x128xf32>
      %not3A = arith.constant dense<true> : vector<160x128xi1>
      %not3A_262 = arith.xori %eq3A_197, %not3A : vector<160x128xi1>
      %and3A = arith.andi %le3A_261, %not3A_262 : vector<160x128xi1>
      %jit3A_263 = arith.constant 0.000000e+00 : f32
      %broadcast_in_dim3A_264 = vector.broadcast %jit3A_263 : f32 to vector<160x128xf32>
      %select_n3A_265 = arith.select %and3A, %scan3A_179, %broadcast_in_dim3A_264 : vector<160x128xi1>, vector<160x128xf32>
      %eq3A_266 = vector.broadcast %scan3A_178 : i32 to vector<8x128xi32>
      %eq3A_267 = arith.cmpi eq, %add3A_166, %eq3A_266 : vector<8x128xi32>
      %broadcast_in_dim3A_268 = vector.broadcast %reduce_min3A_195 : i32 to vector<8x128xi32>
      %select_n3A_269 = arith.select %eq3A_267, %broadcast_in_dim3A_268, %scan3A_180 : vector<8x128xi1>, vector<8x128xi32>
      scf.yield %select_n3A_265, %select_n3A_269 : vector<160x128xf32>, vector<8x128xi32>
    }
    %scan3A_175 = arith.constant 100 : i32
    %swap3A = arith.constant 0 : index
    %swap3A_176 = arith.constant 0 : index
    %swap3A_177 = vector.load %arg2[%swap3A, %swap3A_176] : memref<8x128xi32, #tpu.memory_space<vmem>>, vector<8x128xi32>
    tpu.vector_store %arg2[%swap3A, %swap3A_176], %scan3A_174#1 {strides = array<i32>} : memref<8x128xi32, #tpu.memory_space<vmem>>, vector<8x128xi32>,
    return
  }
}

</mosaic_0001>

<sc_bundles>
// kernel: kernel.5.cloned.1.call-start
scs
__scs_entry_jumppad:
0x0: {  	(pc) =	sbr.rel $0x88, $3  }
0x1: {  	(tag) =	ssettag $0x0;
	lr =	simm.s32 $0x1  }
0x2: {  	[smem:$0x3F93] =	sst lr;
	_ =	strace $0xD0000000  }
0x3: {  	_ = 	snop  }
0x4: {  	_ = 	snop  }
0x5: {  	_ = 	snop  }
0x6: {  	_ = 	snop  }
0x7: {  	_ = 	snop  }
__scs_overlays_trampoline_lowered:
0x8: {  	[smem:$0x3FA2] =	sst s0  }
0x9: {  	[smem:$0x3FA3] =	sst s1  }
0xa: {  	[smem:$0x3FA4] =	sst s2  }
0xb: {  	[smem:$0x3FA5] =	sst s3  }
0xc: {  	[smem:$0x3FA6] =	sst s4  }
0xd: {  	[smem:$0x3FA7] =	sst s5  }
0xe: {  	[smem:$0x3FA8] =	sst s6  }
0xf: {  	[smem:$0x3FA9] =	sst s7  }
0x10: {  	[smem:$0x3FAA] =	sst s8  }
0x11: {  	[smem:$0x3FAB] =	sst s9;
	s0 =	simm.s32 @!p0 $0x0  }
0x12: {  	s1 =	sld [smem:$0x3F91];
	s0 =	simm.s32 @p0 $0x1  }
0x13: {  	[smem:$0x3FAC] =	sst s0;
	s0 =	simm.s32 @!p1 $0x0  }
0x14: {  	s2 =	sld [smem:$0x3F90];
	s0 =	simm.s32 @p1 $0x1  }
0x15: {  	[smem:$0x3FAD] =	sst s0;
	s0 =	simm.s32 @!p2 $0x0  }
0x16: {  	s3 =	sld [smem:$0x3FDB];
	s0 =	simm.s32 @p2 $0x1  }
0x17: {  	s4 =	simm.s32 $0x1BF5;
	[smem:$0x3FAF] =	sst s0  }
0x18: {  	s0 =	sld [smem:$0x3F92];
	_ =	swait.ge [sflag:s4], $0x0  }
0x19: {  	s7 =	sld [smem:$0x3F93]  }
0x1a: {  	s8 =	sadd.s32 $0xFFFFE003, lr  }
0x1b: {  	s9 =	sadd.s32 $0xFFFFFEF7, lr;
	s5 =	simm.s32 $0xFFFFFFFF;
	p2 =	slt.u32 s8, $0xFFFFF086  }
0x1c: {  	p1 =	slt.u32 s9, $0xF7A;
	s5 =	simm.s32 @!p2 $0x0  }
0x1d: {  	s5 =	simm.s32 @p1 $0x1;
	p0 =	seq.s32 s7, s2  }
0x1e: {  	s7 =	smul.u32 @!p0 $0xF7A, s2;
	p2 =	seq.s32 @!p0 s5, $0x0  }
0x1f: {  	s9 =	smul.u32 $0xF7A, s1;
	s8 =	simm.s32 @!p0 $0x1BF5;
	p2 =	por !p2, p0  }
0x20: {  	[sflag:s8] =	ssyncset.s32 @!p0 $0xFFFFF086;
	s6 =	sadd.s32 @!p0 s3, s7;
	s7 =	simm.s32 @!p0 $0x108  }
0x21: {  	s3 =	sadd.s32 s3, s9;
	s6 =	sadd.s32 @!p0 $0x88, s6;
	s7 =	simm.s32 @p2 $0x1082  }
0x22: {  	[simem:s7], [sflag:s8] =	dma.local @!p0 [hbm:s6], $0xF7A  }
0x23: {  	s9 =	sor.u32 $0xD0000000, s2;
	s6 =	simm.s32 $0x108;
	_ =	swait.ge @!p0 [sflag:s8], $0x0  }
0x24: {  	s3 =	sadd.s32 $0x88, s3;
	s6 =	simm.s32 @!p1 $0x1082;
	[sflag:s4] =	ssyncset.s32 $0xFFFFF086  }
0x25: {  	[simem:s6], [sflag:s4] =	dma.local [hbm:s3], $0xF7A  }
0x26: {  	[smem:$0x3F93] =	sst s1;
	(tag) =	ssettag s2;
	_ =	strace s9  }
0x27: {  	s1 =	sld [smem:$0x3FA3]  }
0x28: {  	s2 =	sld [smem:$0x3FA4]  }
0x29: {  	s4 =	sld [smem:$0x3FA6]  }
0x2a: {  	p0 =	seq.s32 s5, $0x0;
	s5 =	sld [smem:$0x3FA7]  }
0x2b: {  	s6 =	sld [smem:$0x3FA8]  }
0x2c: {  	s7 =	sld [smem:$0x3FA9]  }
0x2d: {  	s3 =	simm.s32 $0x108;
	s8 =	sld [smem:$0x3FAA]  }
0x2e: {  	s3 =	simm.s32 @!p0 $0x1082;
	s9 =	sld [smem:$0x3FAB]  }
0x2f: {  	lr =	sadd.s32 s0, s3;
	s0 =	sld [smem:$0x3FA2]  }
0x30: {  	s3 =	sld [smem:$0x3FA5]  }
0x31: {  	[smem:$0x3FAE] =	sst s10  }
0x32: {  	s10 =	sld [smem:$0x3FAC];
	_ =	sdelay $0x3  }
0x33: {  	p0 =	seq.s32 s10, $0x1;
	s10 =	sld [smem:$0x3FAE];
	_ =	sdelay $0x3  }
0x34: {  	[smem:$0x3FAE] =	sst s10  }
0x35: {  	s10 =	sld [smem:$0x3FAD];
	_ =	sdelay $0x3  }
0x36: {  	p1 =	seq.s32 s10, $0x1;
	s10 =	sld [smem:$0x3FAE];
	_ =	sdelay $0x3  }
0x37: {  	[smem:$0x3FAE] =	sst s10  }
0x38: {  	s10 =	sld [smem:$0x3FAF]  }
0x39: {  	_ = 	snop;
	(pc) =	sbr.ind lr, $3  }
0x3a: {  	_ = 	snop  }
0x3b: {  	_ = 	snop  }
0x3c: {  	p2 =	seq.s32 s10, $0x1;
	s10 =	sld [smem:$0x3FAE]  }
0x3d: {  	_ =	shalt  }
0x3e: {  	_ =	shalt  }
0x3f: {  	_ =	shalt  }
0x40: {  	_ =	shalt  }
0x41: {  	_ =	shalt  }
0x42: {  	_ =	shalt  }
0x43: {  	_ =	shalt  }
0x44: {  	_ =	shalt  }
0x45: {  	_ =	shalt  }
0x46: {  	_ =	shalt  }
0x47: {  	_ =	shalt  }
0x48: {  	_ =	shalt  }
0x49: {  	_ =	shalt  }
0x4a: {  	_ =	shalt  }
0x4b: {  	_ =	shalt  }
0x4c: {  	_ =	shalt  }
0x4d: {  	_ =	shalt  }
0x4e: {  	_ =	shalt  }
0x4f: {  	_ =	shalt  }
0x50: {  	_ =	shalt  }
0x51: {  	_ =	shalt  }
0x52: {  	_ =	shalt  }
0x53: {  	_ =	shalt  }
0x54: {  	_ =	shalt  }
0x55: {  	_ =	shalt  }
0x56: {  	_ =	shalt  }
0x57: {  	_ =	shalt  }
0x58: {  	_ =	shalt  }
0x59: {  	_ =	shalt  }
0x5a: {  	_ =	shalt  }
0x5b: {  	_ =	shalt  }
0x5c: {  	_ =	shalt  }
0x5d: {  	_ =	shalt  }
0x5e: {  	_ =	shalt  }
0x5f: {  	_ =	shalt  }
0x60: {  	_ =	shalt  }
0x61: {  	_ =	shalt  }
0x62: {  	_ =	shalt  }
0x63: {  	_ =	shalt  }
0x64: {  	_ =	shalt  }
0x65: {  	_ =	shalt  }
0x66: {  	_ =	shalt  }
0x67: {  	_ =	shalt  }
0x68: {  	_ =	shalt  }
0x69: {  	_ =	shalt  }
0x6a: {  	_ =	shalt  }
0x6b: {  	_ =	shalt  }
0x6c: {  	_ =	shalt  }
0x6d: {  	_ =	shalt  }
0x6e: {  	_ =	shalt  }
0x6f: {  	_ =	shalt  }
0x70: {  	_ =	shalt  }
0x71: {  	_ =	shalt  }
0x72: {  	_ =	shalt  }
0x73: {  	_ =	shalt  }
0x74: {  	_ =	shalt  }
0x75: {  	_ =	shalt  }
0x76: {  	_ =	shalt  }
0x77: {  	_ =	shalt  }
0x78: {  	_ =	shalt  }
0x79: {  	_ =	shalt  }
0x7a: {  	_ =	shalt  }
0x7b: {  	_ =	shalt  }
0x7c: {  	_ =	shalt  }
0x7d: {  	_ =	shalt  }
0x7e: {  	_ =	shalt  }
0x7f: {  	_ =	shalt  }
0x80: {  	_ =	shalt  }
0x81: {  	_ =	shalt  }
0x82: {  	_ =	shalt  }
0x83: {  	_ =	shalt  }
0x84: {  	_ =	shalt  }
0x85: {  	_ =	shalt  }
0x86: {  	_ =	shalt  }
0x87: {  	_ =	shalt  }
.Lfunc_end0:
.L_simem_size_0:
called_computation.1_lowered:
.L_overlay_start_0:
0x88: {  	s2 =	sld [smem:$0x3FD9]  }
0x89: {  	s3 =	sld [smem:$0x3FFE];
	_ =	sdelay $0x1  }
0x8a: {  	s1 =	srdreg.scid  }
0x8b: {  	s0 =	sand.u32 $0x1, s1  }
0x8c: {  	s16 =	sshll.u32 s0, $0xA;
	s2 =	sadd.s32 s3, s2  }
0x8d: {  	s2 =	sadd.s32 s2, s16  }
0x8e: {  	[smem:$0x3FBA] =	sst s2  }
0x8f: {  	_ = 	snop  }
0x90: {  	(tm) =	ssettm $0x1  }
0x91: {  	s17 =	sld [smem:$0x3FFB];
	_ =	sdelay $0x3  }
0x92: {  	_ =	strace s17  }
0x93: {  	s2 =	sld [smem:$0x3FFC];
	_ =	sdelay $0x3  }
0x94: {  	_ =	strace s2  }
0x95: {  	s2 =	sld [smem:$0x3FFD];
	_ =	sdelay $0x3  }
0x96: {  	_ =	strace s2  }
0x97: {  	_ =	strace $0x8FFFFFFF  }
0x98: {  	s18 =	sld [smem:$0x3FDB];
	_ =	sdelay $0x1  }
0x99: {  	s19 =	simm.s32 $_scs_section_size  }
0x9a: {  	s4 =	simm.s32 $_size__tile_overlayer_lowered;
	s5 =	simm.s32 $_tile_overlayer_lowered  }
0x9b: {  	s22 =	simm.s32 $0x1BFF;
	s21 =	sshll.u32 s5, $0x1;
	s2 =	sadd.s32 s19, s18  }
0x9c: {  	s6 =	simm.s32 $0x0;
	s20 =	sshll.u32 s4, $0x1;
	s4 =	sadd.s32 s21, s2  }
0x9d: {  	[timem:s6], [sflag:s22] =	dma.local [hbm:s4], s20  }
0x9e: {  	_ =	swait.ge [sflag:s22], s20  }
0x9f: {  	s3 =	ssub.s32 $0x0, s20;
	[sflag:s22] =	ssyncset.done $0x0  }
0xa0: {  	[sflag:s22] =	ssyncadd.s32 s3;
	_ =	sdelay $0x1  }
0xa1: {  	s23 =	simm.s32 $0x1B8B  }
0xa2: {  	_ =	swait.ge [sflag:s23], $0x1  }
0xa3: {  	[sflag:s23] =	ssyncset.done $0x0  }
0xa4: {  	s25 =	simm.s32 $0x1B8E;
	s24 =	sld [smem:$0x3FFE];
	[sflag:s23] =	ssyncadd.s32 $0xFFFFFFFF  }
0xa5: {  	s26 =	simm.s32 $execute0_lowered;
	[smem:$0x3FD2] =	sst s25  }
0xa6: {  	s4 =	sshll.u32 s26, $0x1;
	_ =	strace $0x80000046;
	[dreg:$0x1] =	wrdreg $0xFFFFFFFF  }
0xa7: {  	s28 =	simm.s32 $_size_execute0_lowered;
	s2 =	sadd.s32 s2, s4;
	[dreg:$0x0] =	wrdreg $0x0  }
0xa8: {  	s4 =	sshll.u32 s28, $0x1;
	[dreg:$0x2] =	wrdreg s2  }
0xa9: {  	[dreg:$0x3] =	wrdreg s4  }
0xaa: {  	[dreg:$0x4] =	wrdreg $0xC0  }
0xab: {  	_ =	task [dreg:s6], $0x5FFFF  }
0xac: {  	[dreg:$0x1] =	wrdreg $0xFFFFFFFF  }
0xad: {  	[dreg:$0x0] =	wrdreg $0x60  }
0xae: {  	[dreg:$0x2] =	wrdreg s24  }
0xaf: {  	[dreg:$0x3] =	wrdreg $0x9  }
0xb0: {  	_ =	task.clear_ibuf [dreg:s6], $0x4FFFF;
	_ =	strace $0x90000046  }
0xb1: {  	s29 =	simm.s32 $0x9;
	_ =	strace $0x80000048  }
0xb2: {  	_ =	swait.ge [sflag:s29], $0x1  }
0xb3: {  	[sflag:s29] =	ssyncadd.s32 $0xFFFFFFFF  }
0xb4: {  	_ =	strace $0x90000048  }
0xb5: {  	_ =	sfence  }
0xb6: {  	s30 =	sld [smem:$0x0];
	_ =	sdelay $0x2  }
0xb7: {  	s31 =	sshll.u32 s1, $0xD;
	s1 =	sshrl.u32 s1, $0x2  }
0xb8: {  	s3 =	sand.u32 $0x4000, s31;
	s1 =	sadd.s32 s1, s30  }
0xb9: {  	s0 =	sor.u32 s3, s0;
	s1 =	sshll.u32 s1, $0x11  }
0xba: {  	s0 =	sor.u32 s1, s0  }
0xbb: {  	s0 =	sadd.s32 $0x8F2B, s0  }
0xbc: {  	[sflag:s0] =	ssyncadd.remote.s32 $0x1  }
0xbd: {  	_ =	sfence.sel $0xFFFF  }
0xbe: {  	[dreg:$0x0] =	wrdreg $0xFFFFFFFF;
	(pc) =	sbr.abs _section_cstart, $3  }
0xbf: {  	[dreg:$0x1] =	wrdreg $0xFFFFFFFF  }
0xc0: {  	_ =	task.clear_ibuf [dreg:s6], $0x2FFFF;
	_ =	strace $0x9FFFFFFF  }
0xc1: {  	(tm) =	ssettm $0x7FFFFFFF  }
tec
execute0_lowered:
.L_overlay_start_1:
0x0: {  	(tag) =	ssettag $0x1  }
0x1: {  	s1 =	rddreg [dreg:$0x0]  }
0x2: {  	s3 =	simm.s32 $0x0;
	s4 =	srdreg.scid;
	s0 =	stileid.u32  }
0x3: {  	s13 =	simm.s32 $0x10000;
	s14 =	simm.s32 $0x3;
	s15 =	simm.s32 $0x80  }
0x4: {  	s17 =	simm.s32 $0x4000;
	s18 =	simm.s32 $0x1;
	s19 =	simm.s32 $0x10200  }
0x5: {  	s20 =	simm.s32 $0x10C00;
	s21 =	simm.s32 $0x2;
	s22 =	simm.s32 $0x0  }
0x6: {  	[smem:$0x7FF] =	sst s3;
	s7 =	sand.u32 $0x1, s4;
	s6 =	sshll.u32 s0, $0x1  }
0x7: {  	s4 =	sadd.s32 $0x515000, s1;
	s5 =	sadd.s32 $0x44BC00, s1;
	s11 =	sor.u32 s7, s6  }
0x8: {  	_ =	strace $0x80000047;
	s9 =	ssub.s32 $0x2, s7;
	s10 =	smul.u32 $0xA0, s11  }
0x9: {  	s6 =	sadd.s32 $0x489000, s1;
	s12 =	sshrl.u32 s9, $0x1;
	s8 =	smul.u32 $0x5, s11  }
0xa: {  	s12 =	ssub.s32 s9, s12;
	s9 =	sadd.s32 s5, s10;
	s10 =	smul.u32 $0x1400, s11  }
0xb: {  	s7 =	sadd.s32 $0x613800, s1;
	s11 =	smul.u32 $0x28000, s11;
	s12 =	smax.u32 s12, $0x1  }
.LBB2_1:
0xc: {  	[tilespmem:s13], [sflag:$0x3] =	stream.linear.gather [hbm4b:s9+s3], $0x100, $0x38;
	[tilespmem:$0x1B600] =	vst v63  }
0xd: {  	_ =	swait.ge [sflag:s14], $0x100  }
0xe: {  	[sflag:s14] =	ssyncset.done $0x0  }
0xf: {  	[sflag:s14] =	ssyncadd.s32 $0xFFFFFF00  }
0x10: {  	[tilespmem:s3], [sflag:$0x1] =	stream.indirect.gather [hbm4b:s4+s15], $0x80, s13, s15, $0xb8;
	[tilespmem:$0x1B600] =	vst v63  }
0x11: {  	s0 =	simm.s32 $0x10080;
	s25 =	simm.s32 $0x0  }
0x12: {  	[tilespmem:s17], [sflag:$0x1] =	stream.indirect.gather [hbm4b:s4+s15], $0x80, s0, s15, $0xb8;
	[tilespmem:$0x1B600] =	vst v63  }
.LBB2_2:
0x13: {  	s23 =	smul.u32 $0xCD, s25;
	_ =	sdelay $0x1  }
0x14: {  	s23 =	sshrl.u32 s23, $0xA  }
0x15: {  	s23 =	sand.u32 $0x3F, s23  }
0x16: {  	s24 =	smul.u32 $0x5, s23;
	_ =	sdelay $0x1  }
0x17: {  	s24 =	ssub.s32 s25, s24  }
0x18: {  	s24 =	sand.u32 $0xFF, s24  }
0x19: {  	p0 =	sne.s32 s24, $0x0  }
0x1a: {  	s26 =	smov.u32 s25;
	s25 =	sshrl.u32 @!p0 s23, $0x3  }
0x1b: {  	s25 =	smul.u32 @!p0 $0x28000, s25  }
0x1c: {  	s28 =	sshll.u32 @!p0 s23, $0x7  }
0x1d: {  	s28 =	sand.u32 @!p0 $0x380, s28;
	s25 =	sadd.s32 @!p0 s10, s25  }
0x1e: {  	s25 =	sor.u32 @!p0 s28, s25  }
0x1f: {  	s29 =	simm.s32 @!p0 $0x80;
	s25 =	sshrl.u32 @!p0 s25, $0x3  }
0x20: {  	s30 =	simm.s32 @!p0 $0x118000;
	s31 =	simm.s32 @!p0 $0x10200;
	s28 =	sadd.s32 @!p0 s1, s25  }
0x21: {  	[tilespmem:s31], [sflag:$0x3] =	stream.strided.gather @!p0 [hbm4b:s28+s29], $0x200, s30, s29, $0x38;
	[tilespmem:$0x1B600] =	vst v63  }
0x22: {  	s0 =	simm.s32 @!p0 $0x10400;
	s31 =	sadd.s32 @!p0 $0x80, s28  }
0x23: {  	[tilespmem:s0], [sflag:$0x3] =	stream.strided.gather @!p0 [hbm4b:s31+s29], $0x200, s30, s29, $0x38;
	[tilespmem:$0x1B600] =	vst v63  }
0x24: {  	s0 =	sadd.s32 @!p0 $0x100, s28;
	s31 =	simm.s32 @!p0 $0x10600  }
0x25: {  	[tilespmem:s31], [sflag:$0x3] =	stream.strided.gather @!p0 [hbm4b:s0+s29], $0x200, s30, s29, $0x38;
	[tilespmem:$0x1B600] =	vst v63  }
0x26: {  	s0 =	sadd.s32 @!p0 $0x180, s28;
	s31 =	simm.s32 @!p0 $0x10800  }
0x27: {  	[tilespmem:s31], [sflag:$0x3] =	stream.strided.gather @!p0 [hbm4b:s0+s29], $0x200, s30, s29, $0x38;
	[tilespmem:$0x1B600] =	vst v63  }
0x28: {  	s0 =	sadd.s32 @!p0 $0x200, s28;
	s28 =	simm.s32 @!p0 $0x10A00  }
0x29: {  	[tilespmem:s28], [sflag:$0x3] =	stream.strided.gather @!p0 [hbm4b:s0+s29], $0x200, s30, s29, $0x38;
	[tilespmem:$0x1B600] =	vst v63  }
0x2a: {  	s0 =	simm.s32 @!p0 $0x3  }
0x2b: {  	_ =	swait.ge @!p0 [sflag:s0], $0xA00  }
0x2c: {  	[sflag:s0] =	ssyncset.done @!p0 $0x0  }
0x2d: {  	s25 =	sadd.s32 @!p0 s6, s25;
	s28 =	simm.s32 @!p0 $0x10C00;
	[sflag:s0] =	ssyncadd.s32 @!p0 $0xFFFFF600  }
0x2e: {  	[tilespmem:s28], [sflag:$0x3] =	stream.strided.gather @!p0 [hbm4b:s25+s29], $0x200, s30, s29, $0x38;
	[tilespmem:$0x1B600] =	vst v63  }
0x2f: {  	s31 =	simm.s32 @!p0 $0x10E00;
	s28 =	sadd.s32 @!p0 $0x80, s25  }
0x30: {  	[tilespmem:s31], [sflag:$0x3] =	stream.strided.gather @!p0 [hbm4b:s28+s29], $0x200, s30, s29, $0x38;
	[tilespmem:$0x1B600] =	vst v63  }
0x31: {  	s28 =	sadd.s32 @!p0 $0x100, s25;
	s31 =	simm.s32 @!p0 $0x11000  }
0x32: {  	[tilespmem:s31], [sflag:$0x3] =	stream.strided.gather @!p0 [hbm4b:s28+s29], $0x200, s30, s29, $0x38;
	[tilespmem:$0x1B600] =	vst v63  }
0x33: {  	s28 =	sadd.s32 @!p0 $0x180, s25;
	s31 =	simm.s32 @!p0 $0x11200  }
0x34: {  	[tilespmem:s31], [sflag:$0x3] =	stream.strided.gather @!p0 [hbm4b:s28+s29], $0x200, s30, s29, $0x38;
	[tilespmem:$0x1B600] =	vst v63  }
0x35: {  	p1 =	slt.u32 @!p0 s26, $0xA;
	s25 =	sadd.s32 @!p0 $0x200, s25;
	s28 =	simm.s32 @!p0 $0x11400  }
0x36: {  	[tilespmem:s28], [sflag:$0x3] =	stream.strided.gather @!p0 [hbm4b:s25+s29], $0x200, s30, s29, $0x38;
	[tilespmem:$0x1B600] =	vst v63  }
0x37: {  	p2 =	por p1, p0;
	_ =	swait.ge @!p0 [sflag:s0], $0xA00  }
0x38: {  	p1 =	seq.s32 s26, $0xF4;
	s25 =	sadd.s32 $0x1, s26;
	[sflag:s0] =	ssyncset.done @!p0 $0x0  }
0x39: {  	s28 =	smulhi.u32 @!p1 $0xCCCCCCCD, s25;
	[sflag:s0] =	ssyncadd.s32 @!p0 $0xFFFFF600;
	s0 =	simm.s32 @!p2 $0x2  }
0x3a: {  	_ =	swait.ge @!p2 [sflag:s0], $0x5000  }
0x3b: {  	s28 =	sshrl.u32 @!p1 s28, $0x2;
	[sflag:s0] =	ssyncset.done @!p2 $0x0  }
0x3c: {  	[sflag:s0] =	ssyncadd.s32 @!p2 $0xFFFFB000;
	s0 =	smul.u32 @!p1 $0x5, s28;
	_ =	sdelay $0x1  }
0x3d: {  	s31 =	simm.s32 @!p1 $0x0;
	_ =	swait.ge [sflag:s18], $0x4000;
	s0 =	ssub.s32 @!p1 s25, s0  }
0x3e: {  	s28 =	smul.u32 @!p1 $0xA000, s28;
	[sflag:s18] =	ssyncset.done $0x0;
	s0 =	sadd.s32 @!p1 s8, s0  }
0x3f: {  	s29 =	sand.u32 $0x1, s26;
	[sflag:s18] =	ssyncadd.s32 $0xFFFFC000;
	s0 =	sshll.u32 @!p1 s0, $0x8  }
0x40: {  	s26 =	sxor.u32 @!p1 $0x1, s29;
	_ =	swait.ge [sflag:s18], $0x4000;
	s0 =	sadd.s32 @!p1 s28, s0  }
0x41: {  	[sflag:s18] =	ssyncset.done $0x0;
	s28 =	sshll.u32 @!p1 s26, $0x8;
	s0 =	sshrl.u32 @!p1 s0, $0x3  }
0x42: {  	[sflag:s18] =	ssyncadd.s32 $0xFFFFC000;
	s30 =	sor.u32 @!p1 $0x10000, s28;
	s0 =	sadd.s32 @!p1 s5, s0  }
0x43: {  	[tilespmem:s30], [sflag:$0x3] =	stream.linear.gather @!p1 [hbm4b:s0+s31], $0x100, $0x38;
	[tilespmem:$0x1B600] =	vst v63  }
0x44: {  	s0 =	simm.s32 @!p1 $0x3  }
0x45: {  	_ =	swait.ge @!p1 [sflag:s0], $0x100  }
0x46: {  	[sflag:s0] =	ssyncset.done @!p1 $0x0  }
0x47: {  	[sflag:s0] =	ssyncadd.s32 @!p1 $0xFFFFFF00;
	s0 =	sshll.u32 @!p1 s26, $0xF;
	s26 =	simm.s32 @!p1 $0x80  }
0x48: {  	[tilespmem:s0], [sflag:$0x1] =	stream.indirect.gather @!p1 [hbm4b:s4+s26], $0x80, s30, s26, $0xb8;
	[tilespmem:$0x1B600] =	vst v63  }
0x49: {  	s28 =	sor.u32 @!p1 $0x10080, s28;
	s0 =	sor.u32 @!p1 $0x4000, s0;
	s30 =	sand.u32 $0x1, s23  }
0x4a: {  	[tilespmem:s0], [sflag:$0x1] =	stream.indirect.gather @!p1 [hbm4b:s4+s26], $0x80, s28, s26, $0xb8;
	[tilespmem:$0x1B600] =	vst v63  }
0x4b: {  	s31 =	sshll.u32 s29, $0xF;
	p0 =	seq.s32 s30, $0x1;
	s26 =	simm.s32 $0x16600  }
0x4c: {  	v0 =	vmov s31;
	s26 =	simm.s32 @!p0 $0x11600  }
0x4d: {  	s29 =	simm.s32 $0x0;
	s28 =	sshll.u32 s24, $0x7;
	v1 =	vmov s26  }
.LBB2_3:
0x4e: {  	s31 =	sshll.u32 s29, $0x4  }
0x4f: {  	s30 =	sshll.u32 s29, $0xB;
	s0 =	sor.u32 s28, s31  }
0x50: {  	s30 =	sand.u32 $0x3FFFF800, s30;
	v2 =	vmov s0  }
0x51: {  	v10 =	vld.idx.msk [tilespmem:v0+s30+$0x0 ss:$0x1], $0xffff;
	v3 =	vshll.u32 v2, $0x2  }
0x52: {  	v11 =	vld.idx.msk [tilespmem:v0+s30+$0x20 ss:$0x1], $0xffff;
	v2 =	vand.u32 $0x70, v2;
	v3 =	vand.u32 $0xE00, v3  }
0x53: {  	v12 =	vld.idx.msk [tilespmem:v0+s30+$0x4000 ss:$0x1], $0xffff;
	v2 =	vor.u32 v2, v3  }
0x54: {  	v13 =	vld.idx.msk [tilespmem:v0+s30+$0x4020 ss:$0x1], $0xffff  }
0x55: {  	v14 =	vld.idx.msk [tilespmem:v0+s30+$0x40 ss:$0x1], $0xffff;
	v3 =	vor.u32 $0x80, v2  }
0x56: {  	v15 =	vld.idx.msk [tilespmem:v0+s30+$0x4040 ss:$0x1], $0xffff;
	v4 =	vor.u32 $0x100, v2  }
0x57: {  	v16 =	vld.idx.msk [tilespmem:v0+s30+$0x60 ss:$0x1], $0xffff;
	v5 =	vor.u32 $0x180, v2  }
0x58: {  	v6 =	vld.idx.msk [tilespmem:v2+s19+$0x0], $0xffff  }
0x59: {  	v2 =	vld.idx.msk [tilespmem:v2+s20+$0x0], $0xffff  }
0x5a: {  	v7 =	vld.idx.msk [tilespmem:v3+s19+$0x0], $0xffff  }
0x5b: {  	v8 =	vld.idx.msk [tilespmem:v4+s19+$0x0], $0xffff  }
0x5c: {  	v9 =	vld.idx.msk [tilespmem:v5+s19+$0x0], $0xffff  }
0x5d: {  	v3 =	vld.idx.msk [tilespmem:v3+s20+$0x0], $0xffff  }
0x5e: {  	v4 =	vld.idx.msk [tilespmem:v4+s20+$0x0], $0xffff  }
0x5f: {  	v5 =	vld.idx.msk [tilespmem:v5+s20+$0x0], $0xffff;
	v10 =	vmul.f32 v10, v6  }
0x60: {  	v17 =	vld.idx.msk [tilespmem:v0+s30+$0x4060 ss:$0x1], $0xffff;
	v11 =	vmul.f32 v11, v6;
	v12 =	vmul.f32 v12, v2  }
0x61: {  	v13 =	vmul.f32 v13, v2;
	v14 =	vmul.f32 v14, v7  }
0x62: {  	v15 =	vmul.f32 v15, v3;
	v20 =	vmul.f32 v16, v7  }
0x63: {  	v10 =	vmul.f32 v10, v8;
	v11 =	vmul.f32 v11, v9  }
0x64: {  	v12 =	vmul.f32 v12, v4;
	v13 =	vmul.f32 v13, v5  }
0x65: {  	v22 =	vmul.f32 v17, v3;
	v19 =	vmul.f32 v14, v8  }
0x66: {  	v21 =	vmul.f32 v15, v4;
	v10 =	vadd.f32 v11, v10;
	v12 =	vadd.f32 v13, v12  }
0x67: {  	v23 =	vmul.f32 v20, v9  }
0x68: {  	v24 =	vmul.f32 v22, v5;
	v10 =	vadd.f32 v19, v10;
	v12 =	vadd.f32 v21, v12;
	_ =	sdelay $0x1  }
0x69: {  	v10 =	vadd.f32 v23, v10;
	v25 =	vadd.f32 v24, v12;
	_ =	sdelay $0x1  }
0x6a: {  	s0 =	sshll.u32 s0, $0x5;
	v10 =	vadd.f32 v25, v10  }
0x6b: {  	s0 =	sand.u32 $0x3FFFFFE0, s0  }
0x6c: {  	[tilespmem:v1+s0+$0x0 ss:$0x1] =	vst.idx.msk $0xffff, v10  }
0x6d: {  	v10 =	vld.idx.msk [tilespmem:v0+s30+$0x10 ss:$0x1], $0xffff  }
0x6e: {  	v26 =	vld.idx.msk [tilespmem:v0+s30+$0x30 ss:$0x1], $0xffff  }
0x6f: {  	v27 =	vld.idx.msk [tilespmem:v0+s30+$0x4010 ss:$0x1], $0xffff  }
0x70: {  	v28 =	vld.idx.msk [tilespmem:v0+s30+$0x4030 ss:$0x1], $0xffff  }
0x71: {  	v29 =	vld.idx.msk [tilespmem:v0+s30+$0x50 ss:$0x1], $0xffff  }
0x72: {  	v30 =	vld.idx.msk [tilespmem:v0+s30+$0x4050 ss:$0x1], $0xffff  }
0x73: {  	v31 =	vld.idx.msk [tilespmem:v0+s30+$0x70 ss:$0x1], $0xffff;
	_ =	sdelay $0x1  }
0x74: {  	v10 =	vmul.f32 v10, v6  }
0x75: {  	v32 =	vld.idx.msk [tilespmem:v0+s30+$0x4070 ss:$0x1], $0xffff;
	v6 =	vmul.f32 v26, v6;
	v12 =	vmul.f32 v27, v2  }
0x76: {  	v2 =	vmul.f32 v28, v2;
	v33 =	vmul.f32 v29, v7  }
0x77: {  	v34 =	vmul.f32 v30, v3;
	v7 =	vmul.f32 v31, v7  }
0x78: {  	s2 =	sor.u32 $0x1, s31;
	v10 =	vmul.f32 v10, v8;
	v6 =	vmul.f32 v6, v9  }
0x79: {  	s16 =	sor.u32 s28, s2;
	v12 =	vmul.f32 v12, v4;
	v2 =	vmul.f32 v2, v5  }
0x7a: {  	v35 =	vmov s16;
	v3 =	vmul.f32 v32, v3;
	v8 =	vmul.f32 v33, v8  }
0x7b: {  	v4 =	vmul.f32 v34, v4;
	v6 =	vadd.f32 v6, v10;
	v2 =	vadd.f32 v2, v12  }
0x7c: {  	v36 =	vshll.u32 v35, $0x2;
	v7 =	vmul.f32 v7, v9  }
0x7d: {  	v3 =	vmul.f32 v3, v5;
	v6 =	vadd.f32 v8, v6;
	v2 =	vadd.f32 v4, v2  }
0x7e: {  	v37 =	vand.u32 $0x71, v35;
	v4 =	vand.u32 $0x7FFFFE00, v36  }
0x7f: {  	v6 =	vadd.f32 v7, v6;
	v2 =	vadd.f32 v3, v2;
	v3 =	vor.u32 v37, v4;
	_ =	sdelay $0x1  }
0x80: {  	v2 =	vadd.f32 v2, v6;
	_ =	sdelay $0x1  }
0x81: {  	[tilespmem:v1+s0+$0x10 ss:$0x1] =	vst.idx.msk $0xffff, v2  }
0x82: {  	s2 =	sshll.u32 s2, $0x7;
	v2 =	vld.idx.msk [tilespmem:v3+s19+$0x0], $0xffff  }
0x83: {  	v4 =	vor.u32 $0x80, v3;
	v5 =	vor.u32 $0x100, v3;
	v38 =	vor.u32 $0x180, v3;
	s0 =	sand.u32 $0x3FFFF880, s2;
	v3 =	vld.idx.msk [tilespmem:v3+s20+$0x0], $0xffff  }
0x84: {  	v42 =	vld.idx.msk [tilespmem:v0+s0+$0x0 ss:$0x1], $0xffff  }
0x85: {  	v43 =	vld.idx.msk [tilespmem:v0+s0+$0x20 ss:$0x1], $0xffff  }
0x86: {  	v44 =	vld.idx.msk [tilespmem:v0+s30+$0x4080 ss:$0x1], $0xffff  }
0x87: {  	v45 =	vld.idx.msk [tilespmem:v0+s30+$0x40A0 ss:$0x1], $0xffff  }
0x88: {  	v46 =	vld.idx.msk [tilespmem:v0+s0+$0x40 ss:$0x1], $0xffff  }
0x89: {  	v47 =	vld.idx.msk [tilespmem:v0+s30+$0x40C0 ss:$0x1], $0xffff  }
0x8a: {  	v48 =	vld.idx.msk [tilespmem:v0+s0+$0x60 ss:$0x1], $0xffff  }
0x8b: {  	v39 =	vld.idx.msk [tilespmem:v4+s19+$0x0], $0xffff  }
0x8c: {  	v40 =	vld.idx.msk [tilespmem:v5+s19+$0x0], $0xffff  }
0x8d: {  	v41 =	vld.idx.msk [tilespmem:v38+s19+$0x0], $0xffff  }
0x8e: {  	v4 =	vld.idx.msk [tilespmem:v4+s20+$0x0], $0xffff  }
0x8f: {  	v5 =	vld.idx.msk [tilespmem:v5+s20+$0x0], $0xffff  }
0x90: {  	v6 =	vld.idx.msk [tilespmem:v38+s20+$0x0], $0xffff;
	v10 =	vmul.f32 v42, v2  }
0x91: {  	v49 =	vld.idx.msk [tilespmem:v0+s30+$0x40E0 ss:$0x1], $0xffff;
	v11 =	vmul.f32 v43, v2;
	v12 =	vmul.f32 v44, v3  }
0x92: {  	v13 =	vmul.f32 v45, v3;
	v14 =	vmul.f32 v46, v39  }
0x93: {  	v15 =	vmul.f32 v47, v4;
	v51 =	vmul.f32 v48, v39  }
0x94: {  	v10 =	vmul.f32 v10, v40;
	v11 =	vmul.f32 v11, v41  }
0x95: {  	v12 =	vmul.f32 v12, v5;
	v13 =	vmul.f32 v13, v6  }
0x96: {  	v53 =	vmul.f32 v49, v4;
	v50 =	vmul.f32 v14, v40  }
0x97: {  	v52 =	vmul.f32 v15, v5;
	v10 =	vadd.f32 v11, v10;
	v12 =	vadd.f32 v13, v12  }
0x98: {  	v54 =	vmul.f32 v51, v41  }
0x99: {  	v55 =	vmul.f32 v53, v6;
	v10 =	vadd.f32 v50, v10;
	v12 =	vadd.f32 v52, v12;
	_ =	sdelay $0x1  }
0x9a: {  	v10 =	vadd.f32 v54, v10;
	v56 =	vadd.f32 v55, v12;
	_ =	sdelay $0x1  }
0x9b: {  	s16 =	sshll.u32 s16, $0x5;
	v10 =	vadd.f32 v56, v10  }
0x9c: {  	s2 =	sand.u32 $0x7E00, s16  }
0x9d: {  	[tilespmem:v1+s2+$0x20 ss:$0x1] =	vst.idx.msk $0xffff, v10  }
0x9e: {  	v10 =	vld.idx.msk [tilespmem:v0+s0+$0x10 ss:$0x1], $0xffff  }
0x9f: {  	v57 =	vld.idx.msk [tilespmem:v0+s0+$0x30 ss:$0x1], $0xffff  }
0xa0: {  	v58 =	vld.idx.msk [tilespmem:v0+s30+$0x4090 ss:$0x1], $0xffff  }
0xa1: {  	v59 =	vld.idx.msk [tilespmem:v0+s30+$0x40B0 ss:$0x1], $0xffff  }
0xa2: {  	v60 =	vld.idx.msk [tilespmem:v0+s0+$0x50 ss:$0x1], $0xffff  }
0xa3: {  	v61 =	vld.idx.msk [tilespmem:v0+s30+$0x40D0 ss:$0x1], $0xffff  }
0xa4: {  	v62 =	vld.idx.msk [tilespmem:v0+s0+$0x70 ss:$0x1], $0xffff;
	_ =	sdelay $0x1  }
0xa5: {  	v10 =	vmul.f32 v10, v2  }
0xa6: {  	v63 =	vld.idx.msk [tilespmem:v0+s30+$0x40F0 ss:$0x1], $0xffff;
	v2 =	vmul.f32 v57, v2;
	v12 =	vmul.f32 v58, v3  }
0xa7: {  	v3 =	vmul.f32 v59, v3;
	v17 =	vmul.f32 v60, v39  }
0xa8: {  	v18 =	vmul.f32 v61, v4;
	v7 =	vmul.f32 v62, v39  }
0xa9: {  	s0 =	sor.u32 $0x2, s31;
	v10 =	vmul.f32 v10, v40;
	v2 =	vmul.f32 v2, v41  }
0xaa: {  	s16 =	sor.u32 s28, s0;
	v12 =	vmul.f32 v12, v5;
	v3 =	vmul.f32 v3, v6  }
0xab: {  	v19 =	vmov s16;
	v4 =	vmul.f32 v63, v4;
	v8 =	vmul.f32 v17, v40  }
0xac: {  	v5 =	vmul.f32 v18, v5;
	v2 =	vadd.f32 v2, v10;
	v3 =	vadd.f32 v3, v12  }
0xad: {  	v20 =	vshll.u32 v19, $0x2;
	v7 =	vmul.f32 v7, v41  }
0xae: {  	v4 =	vmul.f32 v4, v6;
	v2 =	vadd.f32 v8, v2;
	v3 =	vadd.f32 v5, v3  }
0xaf: {  	v21 =	vand.u32 $0x72, v19;
	v5 =	vand.u32 $0x7FFFFE00, v20  }
0xb0: {  	v22 =	vor.u32 v21, v5;
	v2 =	vadd.f32 v7, v2;
	v3 =	vadd.f32 v4, v3  }
0xb1: {  	v5 =	vor.u32 $0x80, v22  }
0xb2: {  	v6 =	vor.u32 $0x180, v22;
	v2 =	vadd.f32 v3, v2;
	_ =	sdelay $0x1  }
0xb3: {  	[tilespmem:v1+s2+$0x30 ss:$0x1] =	vst.idx.msk $0xffff, v2  }
0xb4: {  	v2 =	vld.idx.msk [tilespmem:v22+s19+$0x0], $0xffff  }
0xb5: {  	v23 =	vld.idx.msk [tilespmem:v5+s19+$0x0], $0xffff  }
0xb6: {  	v25 =	vld.idx.msk [tilespmem:v6+s19+$0x0], $0xffff  }
0xb7: {  	v4 =	vld.idx.msk [tilespmem:v22+s20+$0x0], $0xffff  }
0xb8: {  	s0 =	sshll.u32 s0, $0x7;
	v5 =	vld.idx.msk [tilespmem:v5+s20+$0x0], $0xffff  }
0xb9: {  	s0 =	sand.u32 $0x3FFFF900, s0;
	v6 =	vld.idx.msk [tilespmem:v6+s20+$0x0], $0xffff  }
0xba: {  	v26 =	vld.idx.msk [tilespmem:v0+s0+$0x0 ss:$0x1], $0xffff  }
0xbb: {  	v27 =	vld.idx.msk [tilespmem:v0+s0+$0x20 ss:$0x1], $0xffff  }
0xbc: {  	v3 =	vor.u32 $0x100, v22;
	v28 =	vld.idx.msk [tilespmem:v0+s30+$0x4100 ss:$0x1], $0xffff  }
0xbd: {  	v29 =	vld.idx.msk [tilespmem:v0+s30+$0x4120 ss:$0x1], $0xffff  }
0xbe: {  	v30 =	vld.idx.msk [tilespmem:v0+s0+$0x40 ss:$0x1], $0xffff  }
0xbf: {  	v31 =	vld.idx.msk [tilespmem:v0+s30+$0x4140 ss:$0x1], $0xffff  }
0xc0: {  	v32 =	vld.idx.msk [tilespmem:v0+s0+$0x60 ss:$0x1], $0xffff  }
0xc1: {  	v24 =	vld.idx.msk [tilespmem:v3+s19+$0x0], $0xffff  }
0xc2: {  	v3 =	vld.idx.msk [tilespmem:v3+s20+$0x0], $0xffff;
	v10 =	vmul.f32 v26, v2  }
0xc3: {  	v33 =	vld.idx.msk [tilespmem:v0+s30+$0x4160 ss:$0x1], $0xffff;
	v11 =	vmul.f32 v27, v2;
	v12 =	vmul.f32 v28, v4  }
0xc4: {  	v13 =	vmul.f32 v29, v4;
	v14 =	vmul.f32 v30, v23  }
0xc5: {  	v15 =	vmul.f32 v31, v5;
	v35 =	vmul.f32 v32, v23  }
0xc6: {  	v10 =	vmul.f32 v10, v24;
	v11 =	vmul.f32 v11, v25  }
0xc7: {  	v12 =	vmul.f32 v12, v3;
	v13 =	vmul.f32 v13, v6  }
0xc8: {  	v37 =	vmul.f32 v33, v5;
	v34 =	vmul.f32 v14, v24  }
0xc9: {  	v36 =	vmul.f32 v15, v3;
	v10 =	vadd.f32 v11, v10;
	v12 =	vadd.f32 v13, v12  }
0xca: {  	v38 =	vmul.f32 v35, v25  }
0xcb: {  	v39 =	vmul.f32 v37, v6;
	v10 =	vadd.f32 v34, v10;
	v12 =	vadd.f32 v36, v12;
	_ =	sdelay $0x1  }
0xcc: {  	v10 =	vadd.f32 v38, v10;
	v40 =	vadd.f32 v39, v12;
	_ =	sdelay $0x1  }
0xcd: {  	s16 =	sshll.u32 s16, $0x5;
	v10 =	vadd.f32 v40, v10  }
0xce: {  	s2 =	sand.u32 $0x7E00, s16  }
0xcf: {  	[tilespmem:v1+s2+$0x40 ss:$0x1] =	vst.idx.msk $0xffff, v10  }
0xd0: {  	v10 =	vld.idx.msk [tilespmem:v0+s0+$0x10 ss:$0x1], $0xffff  }
0xd1: {  	v41 =	vld.idx.msk [tilespmem:v0+s0+$0x30 ss:$0x1], $0xffff  }
0xd2: {  	v42 =	vld.idx.msk [tilespmem:v0+s30+$0x4110 ss:$0x1], $0xffff  }
0xd3: {  	v43 =	vld.idx.msk [tilespmem:v0+s30+$0x4130 ss:$0x1], $0xffff  }
0xd4: {  	v44 =	vld.idx.msk [tilespmem:v0+s0+$0x50 ss:$0x1], $0xffff  }
0xd5: {  	v45 =	vld.idx.msk [tilespmem:v0+s30+$0x4150 ss:$0x1], $0xffff  }
0xd6: {  	v46 =	vld.idx.msk [tilespmem:v0+s0+$0x70 ss:$0x1], $0xffff;
	_ =	sdelay $0x1  }
0xd7: {  	v10 =	vmul.f32 v10, v2  }
0xd8: {  	v47 =	vld.idx.msk [tilespmem:v0+s30+$0x4170 ss:$0x1], $0xffff;
	v2 =	vmul.f32 v41, v2;
	v12 =	vmul.f32 v42, v4  }
0xd9: {  	v4 =	vmul.f32 v43, v4;
	v48 =	vmul.f32 v44, v23  }
0xda: {  	v49 =	vmul.f32 v45, v5;
	v7 =	vmul.f32 v46, v23  }
0xdb: {  	s0 =	sor.u32 $0x3, s31;
	v10 =	vmul.f32 v10, v24;
	v2 =	vmul.f32 v2, v25  }
0xdc: {  	s16 =	sor.u32 s28, s0;
	v12 =	vmul.f32 v12, v3;
	v4 =	vmul.f32 v4, v6  }
0xdd: {  	v50 =	vmov s16;
	v5 =	vmul.f32 v47, v5;
	v8 =	vmul.f32 v48, v24  }
0xde: {  	v3 =	vmul.f32 v49, v3;
	v2 =	vadd.f32 v2, v10;
	v4 =	vadd.f32 v4, v12  }
0xdf: {  	v52 =	vshll.u32 v50, $0x2;
	v7 =	vmul.f32 v7, v25  }
0xe0: {  	v51 =	vmul.f32 v5, v6;
	v2 =	vadd.f32 v8, v2;
	v3 =	vadd.f32 v3, v4  }
0xe1: {  	v53 =	vand.u32 $0x73, v50;
	v5 =	vand.u32 $0x7FFFFE00, v52  }
0xe2: {  	v54 =	vor.u32 v53, v5;
	v2 =	vadd.f32 v7, v2;
	v3 =	vadd.f32 v51, v3  }
0xe3: {  	v5 =	vor.u32 $0x80, v54  }
0xe4: {  	v6 =	vor.u32 $0x180, v54;
	v2 =	vadd.f32 v3, v2;
	_ =	sdelay $0x1  }
0xe5: {  	[tilespmem:v1+s2+$0x50 ss:$0x1] =	vst.idx.msk $0xffff, v2  }
0xe6: {  	v2 =	vld.idx.msk [tilespmem:v54+s19+$0x0], $0xffff  }
0xe7: {  	v55 =	vld.idx.msk [tilespmem:v5+s19+$0x0], $0xffff  }
0xe8: {  	v57 =	vld.idx.msk [tilespmem:v6+s19+$0x0], $0xffff  }
0xe9: {  	v4 =	vld.idx.msk [tilespmem:v54+s20+$0x0], $0xffff  }
0xea: {  	s0 =	sshll.u32 s0, $0x7;
	v5 =	vld.idx.msk [tilespmem:v5+s20+$0x0], $0xffff  }
0xeb: {  	s0 =	sand.u32 $0x3FFFF980, s0;
	v6 =	vld.idx.msk [tilespmem:v6+s20+$0x0], $0xffff  }
0xec: {  	v58 =	vld.idx.msk [tilespmem:v0+s0+$0x0 ss:$0x1], $0xffff  }
0xed: {  	v59 =	vld.idx.msk [tilespmem:v0+s0+$0x20 ss:$0x1], $0xffff  }
0xee: {  	v3 =	vor.u32 $0x100, v54;
	v60 =	vld.idx.msk [tilespmem:v0+s30+$0x4180 ss:$0x1], $0xffff  }
0xef: {  	v61 =	vld.idx.msk [tilespmem:v0+s30+$0x41A0 ss:$0x1], $0xffff  }
0xf0: {  	v62 =	vld.idx.msk [tilespmem:v0+s0+$0x40 ss:$0x1], $0xffff  }
0xf1: {  	v63 =	vld.idx.msk [tilespmem:v0+s30+$0x41C0 ss:$0x1], $0xffff  }
0xf2: {  	v20 =	vld.idx.msk [tilespmem:v0+s0+$0x60 ss:$0x1], $0xffff  }
0xf3: {  	v56 =	vld.idx.msk [tilespmem:v3+s19+$0x0], $0xffff  }
0xf4: {  	v3 =	vld.idx.msk [tilespmem:v3+s20+$0x0], $0xffff;
	v10 =	vmul.f32 v58, v2  }
0xf5: {  	v21 =	vld.idx.msk [tilespmem:v0+s30+$0x41E0 ss:$0x1], $0xffff;
	v11 =	vmul.f32 v59, v2;
	v12 =	vmul.f32 v60, v4  }
0xf6: {  	v13 =	vmul.f32 v61, v4;
	v14 =	vmul.f32 v62, v55  }
0xf7: {  	v15 =	vmul.f32 v63, v5;
	v23 =	vmul.f32 v20, v55  }
0xf8: {  	v10 =	vmul.f32 v10, v56;
	v11 =	vmul.f32 v11, v57  }
0xf9: {  	v12 =	vmul.f32 v12, v3;
	v13 =	vmul.f32 v13, v6  }
0xfa: {  	v25 =	vmul.f32 v21, v5;
	v22 =	vmul.f32 v14, v56  }
0xfb: {  	v24 =	vmul.f32 v15, v3;
	v10 =	vadd.f32 v11, v10;
	v12 =	vadd.f32 v13, v12  }
0xfc: {  	v26 =	vmul.f32 v23, v57  }
0xfd: {  	v27 =	vmul.f32 v25, v6;
	v10 =	vadd.f32 v22, v10;
	v12 =	vadd.f32 v24, v12;
	_ =	sdelay $0x1  }
0xfe: {  	v10 =	vadd.f32 v26, v10;
	v28 =	vadd.f32 v27, v12;
	_ =	sdelay $0x1  }
0xff: {  	s16 =	sshll.u32 s16, $0x5;
	v10 =	vadd.f32 v28, v10  }
0x100: {  	s2 =	sand.u32 $0x7E00, s16  }
0x101: {  	[tilespmem:v1+s2+$0x60 ss:$0x1] =	vst.idx.msk $0xffff, v10  }
0x102: {  	v10 =	vld.idx.msk [tilespmem:v0+s0+$0x10 ss:$0x1], $0xffff  }
0x103: {  	v29 =	vld.idx.msk [tilespmem:v0+s0+$0x30 ss:$0x1], $0xffff  }
0x104: {  	v30 =	vld.idx.msk [tilespmem:v0+s30+$0x4190 ss:$0x1], $0xffff  }
0x105: {  	v31 =	vld.idx.msk [tilespmem:v0+s30+$0x41B0 ss:$0x1], $0xffff  }
0x106: {  	v32 =	vld.idx.msk [tilespmem:v0+s0+$0x50 ss:$0x1], $0xffff  }
0x107: {  	v33 =	vld.idx.msk [tilespmem:v0+s30+$0x41D0 ss:$0x1], $0xffff  }
0x108: {  	v34 =	vld.idx.msk [tilespmem:v0+s0+$0x70 ss:$0x1], $0xffff;
	_ =	sdelay $0x1  }
0x109: {  	v10 =	vmul.f32 v10, v2  }
0x10a: {  	v35 =	vld.idx.msk [tilespmem:v0+s30+$0x41F0 ss:$0x1], $0xffff;
	v2 =	vmul.f32 v29, v2;
	v12 =	vmul.f32 v30, v4  }
0x10b: {  	v4 =	vmul.f32 v31, v4;
	v36 =	vmul.f32 v32, v55  }
0x10c: {  	v37 =	vmul.f32 v33, v5;
	v7 =	vmul.f32 v34, v55  }
0x10d: {  	s0 =	sor.u32 $0x4, s31;
	v10 =	vmul.f32 v10, v56;
	v2 =	vmul.f32 v2, v57  }
0x10e: {  	s16 =	sor.u32 s28, s0;
	v12 =	vmul.f32 v12, v3;
	v4 =	vmul.f32 v4, v6  }
0x10f: {  	v38 =	vmov s16;
	v5 =	vmul.f32 v35, v5;
	v8 =	vmul.f32 v36, v56  }
0x110: {  	v3 =	vmul.f32 v37, v3;
	v2 =	vadd.f32 v2, v10;
	v4 =	vadd.f32 v4, v12  }
0x111: {  	v40 =	vshll.u32 v38, $0x2;
	v7 =	vmul.f32 v7, v57  }
0x112: {  	v39 =	vmul.f32 v5, v6;
	v2 =	vadd.f32 v8, v2;
	v3 =	vadd.f32 v3, v4  }
0x113: {  	v41 =	vand.u32 $0x74, v38;
	v5 =	vand.u32 $0x7FFFFE00, v40  }
0x114: {  	v42 =	vor.u32 v41, v5;
	v2 =	vadd.f32 v7, v2;
	v3 =	vadd.f32 v39, v3  }
0x115: {  	v5 =	vor.u32 $0x80, v42  }
0x116: {  	v6 =	vor.u32 $0x180, v42;
	v2 =	vadd.f32 v3, v2;
	_ =	sdelay $0x1  }
0x117: {  	[tilespmem:v1+s2+$0x70 ss:$0x1] =	vst.idx.msk $0xffff, v2  }
0x118: {  	v2 =	vld.idx.msk [tilespmem:v42+s19+$0x0], $0xffff  }
0x119: {  	v43 =	vld.idx.msk [tilespmem:v5+s19+$0x0], $0xffff  }
0x11a: {  	v45 =	vld.idx.msk [tilespmem:v6+s19+$0x0], $0xffff  }
0x11b: {  	v4 =	vld.idx.msk [tilespmem:v42+s20+$0x0], $0xffff  }
0x11c: {  	s0 =	sshll.u32 s0, $0x7;
	v5 =	vld.idx.msk [tilespmem:v5+s20+$0x0], $0xffff  }
0x11d: {  	s0 =	sand.u32 $0x3FFFFA00, s0;
	v6 =	vld.idx.msk [tilespmem:v6+s20+$0x0], $0xffff  }
0x11e: {  	v46 =	vld.idx.msk [tilespmem:v0+s0+$0x0 ss:$0x1], $0xffff  }
0x11f: {  	v47 =	vld.idx.msk [tilespmem:v0+s0+$0x20 ss:$0x1], $0xffff  }
0x120: {  	v3 =	vor.u32 $0x100, v42;
	v48 =	vld.idx.msk [tilespmem:v0+s30+$0x4200 ss:$0x1], $0xffff  }
0x121: {  	v49 =	vld.idx.msk [tilespmem:v0+s30+$0x4220 ss:$0x1], $0xffff  }
0x122: {  	v50 =	vld.idx.msk [tilespmem:v0+s0+$0x40 ss:$0x1], $0xffff  }
0x123: {  	v51 =	vld.idx.msk [tilespmem:v0+s30+$0x4240 ss:$0x1], $0xffff  }
0x124: {  	v52 =	vld.idx.msk [tilespmem:v0+s0+$0x60 ss:$0x1], $0xffff  }
0x125: {  	v44 =	vld.idx.msk [tilespmem:v3+s19+$0x0], $0xffff  }
0x126: {  	v3 =	vld.idx.msk [tilespmem:v3+s20+$0x0], $0xffff;
	v10 =	vmul.f32 v46, v2  }
0x127: {  	v53 =	vld.idx.msk [tilespmem:v0+s30+$0x4260 ss:$0x1], $0xffff;
	v11 =	vmul.f32 v47, v2;
	v12 =	vmul.f32 v48, v4  }
0x128: {  	v13 =	vmul.f32 v49, v4;
	v14 =	vmul.f32 v50, v43  }
0x129: {  	v15 =	vmul.f32 v51, v5;
	v55 =	vmul.f32 v52, v43  }
0x12a: {  	v10 =	vmul.f32 v10, v44;
	v11 =	vmul.f32 v11, v45  }
0x12b: {  	v12 =	vmul.f32 v12, v3;
	v13 =	vmul.f32 v13, v6  }
0x12c: {  	v57 =	vmul.f32 v53, v5;
	v54 =	vmul.f32 v14, v44  }
0x12d: {  	v56 =	vmul.f32 v15, v3;
	v10 =	vadd.f32 v11, v10;
	v12 =	vadd.f32 v13, v12  }
0x12e: {  	v58 =	vmul.f32 v55, v45  }
0x12f: {  	v59 =	vmul.f32 v57, v6;
	v10 =	vadd.f32 v54, v10;
	v12 =	vadd.f32 v56, v12;
	_ =	sdelay $0x1  }
0x130: {  	v10 =	vadd.f32 v58, v10;
	v60 =	vadd.f32 v59, v12;
	_ =	sdelay $0x1  }
0x131: {  	s16 =	sshll.u32 s16, $0x5;
	v10 =	vadd.f32 v60, v10  }
0x132: {  	s2 =	sand.u32 $0x3FFFFFE0, s16  }
0x133: {  	[tilespmem:v1+s2+$0x0 ss:$0x1] =	vst.idx.msk $0xffff, v10  }
0x134: {  	v10 =	vld.idx.msk [tilespmem:v0+s0+$0x10 ss:$0x1], $0xffff  }
0x135: {  	v61 =	vld.idx.msk [tilespmem:v0+s0+$0x30 ss:$0x1], $0xffff  }
0x136: {  	v62 =	vld.idx.msk [tilespmem:v0+s30+$0x4210 ss:$0x1], $0xffff  }
0x137: {  	v63 =	vld.idx.msk [tilespmem:v0+s30+$0x4230 ss:$0x1], $0xffff  }
0x138: {  	v20 =	vld.idx.msk [tilespmem:v0+s0+$0x50 ss:$0x1], $0xffff  }
0x139: {  	v21 =	vld.idx.msk [tilespmem:v0+s30+$0x4250 ss:$0x1], $0xffff  }
0x13a: {  	v22 =	vld.idx.msk [tilespmem:v0+s0+$0x70 ss:$0x1], $0xffff;
	_ =	sdelay $0x1  }
0x13b: {  	v10 =	vmul.f32 v10, v2  }
0x13c: {  	v23 =	vld.idx.msk [tilespmem:v0+s30+$0x4270 ss:$0x1], $0xffff;
	v2 =	vmul.f32 v61, v2;
	v12 =	vmul.f32 v62, v4  }
0x13d: {  	v4 =	vmul.f32 v63, v4;
	v24 =	vmul.f32 v20, v43  }
0x13e: {  	v25 =	vmul.f32 v21, v5;
	v7 =	vmul.f32 v22, v43  }
0x13f: {  	s0 =	sor.u32 $0x5, s31;
	v10 =	vmul.f32 v10, v44;
	v2 =	vmul.f32 v2, v45  }
0x140: {  	s16 =	sor.u32 s28, s0;
	v12 =	vmul.f32 v12, v3;
	v4 =	vmul.f32 v4, v6  }
0x141: {  	v26 =	vmov s16;
	v5 =	vmul.f32 v23, v5;
	v8 =	vmul.f32 v24, v44  }
0x142: {  	v3 =	vmul.f32 v25, v3;
	v2 =	vadd.f32 v2, v10;
	v4 =	vadd.f32 v4, v12  }
0x143: {  	v28 =	vshll.u32 v26, $0x2;
	v7 =	vmul.f32 v7, v45  }
0x144: {  	v27 =	vmul.f32 v5, v6;
	v2 =	vadd.f32 v8, v2;
	v3 =	vadd.f32 v3, v4  }
0x145: {  	v29 =	vand.u32 $0x75, v26;
	v5 =	vand.u32 $0x7FFFFE00, v28  }
0x146: {  	v30 =	vor.u32 v29, v5;
	v2 =	vadd.f32 v7, v2;
	v3 =	vadd.f32 v27, v3  }
0x147: {  	v5 =	vor.u32 $0x80, v30  }
0x148: {  	v6 =	vor.u32 $0x180, v30;
	v2 =	vadd.f32 v3, v2;
	_ =	sdelay $0x1  }
0x149: {  	[tilespmem:v1+s2+$0x10 ss:$0x1] =	vst.idx.msk $0xffff, v2  }
0x14a: {  	v2 =	vld.idx.msk [tilespmem:v30+s19+$0x0], $0xffff  }
0x14b: {  	v31 =	vld.idx.msk [tilespmem:v5+s19+$0x0], $0xffff  }
0x14c: {  	v33 =	vld.idx.msk [tilespmem:v6+s19+$0x0], $0xffff  }
0x14d: {  	v4 =	vld.idx.msk [tilespmem:v30+s20+$0x0], $0xffff  }
0x14e: {  	s0 =	sshll.u32 s0, $0x7;
	v5 =	vld.idx.msk [tilespmem:v5+s20+$0x0], $0xffff  }
0x14f: {  	s0 =	sand.u32 $0x3FFFFA80, s0;
	v6 =	vld.idx.msk [tilespmem:v6+s20+$0x0], $0xffff  }
0x150: {  	v34 =	vld.idx.msk [tilespmem:v0+s0+$0x0 ss:$0x1], $0xffff  }
0x151: {  	v35 =	vld.idx.msk [tilespmem:v0+s0+$0x20 ss:$0x1], $0xffff  }
0x152: {  	v3 =	vor.u32 $0x100, v30;
	v36 =	vld.idx.msk [tilespmem:v0+s30+$0x4280 ss:$0x1], $0xffff  }
0x153: {  	v37 =	vld.idx.msk [tilespmem:v0+s30+$0x42A0 ss:$0x1], $0xffff  }
0x154: {  	v38 =	vld.idx.msk [tilespmem:v0+s0+$0x40 ss:$0x1], $0xffff  }
0x155: {  	v39 =	vld.idx.msk [tilespmem:v0+s30+$0x42C0 ss:$0x1], $0xffff  }
0x156: {  	v40 =	vld.idx.msk [tilespmem:v0+s0+$0x60 ss:$0x1], $0xffff  }
0x157: {  	v32 =	vld.idx.msk [tilespmem:v3+s19+$0x0], $0xffff  }
0x158: {  	v3 =	vld.idx.msk [tilespmem:v3+s20+$0x0], $0xffff;
	v10 =	vmul.f32 v34, v2  }
0x159: {  	v41 =	vld.idx.msk [tilespmem:v0+s30+$0x42E0 ss:$0x1], $0xffff;
	v11 =	vmul.f32 v35, v2;
	v12 =	vmul.f32 v36, v4  }
0x15a: {  	v13 =	vmul.f32 v37, v4;
	v14 =	vmul.f32 v38, v31  }
0x15b: {  	v15 =	vmul.f32 v39, v5;
	v43 =	vmul.f32 v40, v31  }
0x15c: {  	v10 =	vmul.f32 v10, v32;
	v11 =	vmul.f32 v11, v33  }
0x15d: {  	v12 =	vmul.f32 v12, v3;
	v13 =	vmul.f32 v13, v6  }
0x15e: {  	v45 =	vmul.f32 v41, v5;
	v42 =	vmul.f32 v14, v32  }
0x15f: {  	v44 =	vmul.f32 v15, v3;
	v10 =	vadd.f32 v11, v10;
	v12 =	vadd.f32 v13, v12  }
0x160: {  	v46 =	vmul.f32 v43, v33  }
0x161: {  	v47 =	vmul.f32 v45, v6;
	v10 =	vadd.f32 v42, v10;
	v12 =	vadd.f32 v44, v12;
	_ =	sdelay $0x1  }
0x162: {  	v10 =	vadd.f32 v46, v10;
	v48 =	vadd.f32 v47, v12;
	_ =	sdelay $0x1  }
0x163: {  	s16 =	sshll.u32 s16, $0x5;
	v10 =	vadd.f32 v48, v10  }
0x164: {  	s2 =	sand.u32 $0x7E80, s16  }
0x165: {  	[tilespmem:v1+s2+$0x20 ss:$0x1] =	vst.idx.msk $0xffff, v10  }
0x166: {  	v10 =	vld.idx.msk [tilespmem:v0+s0+$0x10 ss:$0x1], $0xffff  }
0x167: {  	v49 =	vld.idx.msk [tilespmem:v0+s0+$0x30 ss:$0x1], $0xffff  }
0x168: {  	v50 =	vld.idx.msk [tilespmem:v0+s30+$0x4290 ss:$0x1], $0xffff  }
0x169: {  	v51 =	vld.idx.msk [tilespmem:v0+s30+$0x42B0 ss:$0x1], $0xffff  }
0x16a: {  	v52 =	vld.idx.msk [tilespmem:v0+s0+$0x50 ss:$0x1], $0xffff  }
0x16b: {  	v53 =	vld.idx.msk [tilespmem:v0+s30+$0x42D0 ss:$0x1], $0xffff  }
0x16c: {  	v54 =	vld.idx.msk [tilespmem:v0+s0+$0x70 ss:$0x1], $0xffff;
	_ =	sdelay $0x1  }
0x16d: {  	v10 =	vmul.f32 v10, v2  }
0x16e: {  	v55 =	vld.idx.msk [tilespmem:v0+s30+$0x42F0 ss:$0x1], $0xffff;
	v2 =	vmul.f32 v49, v2;
	v12 =	vmul.f32 v50, v4  }
0x16f: {  	v4 =	vmul.f32 v51, v4;
	v56 =	vmul.f32 v52, v31  }
0x170: {  	v57 =	vmul.f32 v53, v5;
	v7 =	vmul.f32 v54, v31  }
0x171: {  	s0 =	sor.u32 $0x6, s31;
	v10 =	vmul.f32 v10, v32;
	v2 =	vmul.f32 v2, v33  }
0x172: {  	s16 =	sor.u32 s28, s0;
	v12 =	vmul.f32 v12, v3;
	v4 =	vmul.f32 v4, v6  }
0x173: {  	v58 =	vmov s16;
	v5 =	vmul.f32 v55, v5;
	v8 =	vmul.f32 v56, v32  }
0x174: {  	v3 =	vmul.f32 v57, v3;
	v2 =	vadd.f32 v2, v10;
	v4 =	vadd.f32 v4, v12  }
0x175: {  	v60 =	vshll.u32 v58, $0x2;
	v7 =	vmul.f32 v7, v33  }
0x176: {  	v59 =	vmul.f32 v5, v6;
	v2 =	vadd.f32 v8, v2;
	v3 =	vadd.f32 v3, v4  }
0x177: {  	v61 =	vand.u32 $0x76, v58;
	v5 =	vand.u32 $0x7FFFFE00, v60  }
0x178: {  	v62 =	vor.u32 v61, v5;
	v2 =	vadd.f32 v7, v2;
	v3 =	vadd.f32 v59, v3  }
0x179: {  	v5 =	vor.u32 $0x80, v62  }
0x17a: {  	v6 =	vor.u32 $0x180, v62;
	v2 =	vadd.f32 v3, v2;
	_ =	sdelay $0x1  }
0x17b: {  	[tilespmem:v1+s2+$0x30 ss:$0x1] =	vst.idx.msk $0xffff, v2  }
0x17c: {  	v2 =	vld.idx.msk [tilespmem:v62+s19+$0x0], $0xffff  }
0x17d: {  	v63 =	vld.idx.msk [tilespmem:v5+s19+$0x0], $0xffff  }
0x17e: {  	v21 =	vld.idx.msk [tilespmem:v6+s19+$0x0], $0xffff  }
0x17f: {  	v4 =	vld.idx.msk [tilespmem:v62+s20+$0x0], $0xffff  }
0x180: {  	s0 =	sshll.u32 s0, $0x7;
	v5 =	vld.idx.msk [tilespmem:v5+s20+$0x0], $0xffff  }
0x181: {  	s0 =	sand.u32 $0x3FFFFB00, s0;
	v6 =	vld.idx.msk [tilespmem:v6+s20+$0x0], $0xffff  }
0x182: {  	v22 =	vld.idx.msk [tilespmem:v0+s0+$0x0 ss:$0x1], $0xffff  }
0x183: {  	v23 =	vld.idx.msk [tilespmem:v0+s0+$0x20 ss:$0x1], $0xffff  }
0x184: {  	v3 =	vor.u32 $0x100, v62;
	v24 =	vld.idx.msk [tilespmem:v0+s30+$0x4300 ss:$0x1], $0xffff  }
0x185: {  	v25 =	vld.idx.msk [tilespmem:v0+s30+$0x4320 ss:$0x1], $0xffff  }
0x186: {  	v26 =	vld.idx.msk [tilespmem:v0+s0+$0x40 ss:$0x1], $0xffff  }
0x187: {  	v27 =	vld.idx.msk [tilespmem:v0+s30+$0x4340 ss:$0x1], $0xffff  }
0x188: {  	v28 =	vld.idx.msk [tilespmem:v0+s0+$0x60 ss:$0x1], $0xffff  }
0x189: {  	v20 =	vld.idx.msk [tilespmem:v3+s19+$0x0], $0xffff  }
0x18a: {  	v3 =	vld.idx.msk [tilespmem:v3+s20+$0x0], $0xffff;
	v10 =	vmul.f32 v22, v2  }
0x18b: {  	v29 =	vld.idx.msk [tilespmem:v0+s30+$0x4360 ss:$0x1], $0xffff;
	v11 =	vmul.f32 v23, v2;
	v12 =	vmul.f32 v24, v4  }
0x18c: {  	v13 =	vmul.f32 v25, v4;
	v14 =	vmul.f32 v26, v63  }
0x18d: {  	v15 =	vmul.f32 v27, v5;
	v31 =	vmul.f32 v28, v63  }
0x18e: {  	v10 =	vmul.f32 v10, v20;
	v11 =	vmul.f32 v11, v21  }
0x18f: {  	v12 =	vmul.f32 v12, v3;
	v13 =	vmul.f32 v13, v6  }
0x190: {  	v33 =	vmul.f32 v29, v5;
	v30 =	vmul.f32 v14, v20  }
0x191: {  	v32 =	vmul.f32 v15, v3;
	v10 =	vadd.f32 v11, v10;
	v12 =	vadd.f32 v13, v12  }
0x192: {  	v34 =	vmul.f32 v31, v21  }
0x193: {  	v35 =	vmul.f32 v33, v6;
	v10 =	vadd.f32 v30, v10;
	v12 =	vadd.f32 v32, v12;
	_ =	sdelay $0x1  }
0x194: {  	v10 =	vadd.f32 v34, v10;
	v36 =	vadd.f32 v35, v12;
	_ =	sdelay $0x1  }
0x195: {  	s16 =	sshll.u32 s16, $0x5;
	v10 =	vadd.f32 v36, v10  }
0x196: {  	s2 =	sand.u32 $0x7E80, s16  }
0x197: {  	[tilespmem:v1+s2+$0x40 ss:$0x1] =	vst.idx.msk $0xffff, v10  }
0x198: {  	v10 =	vld.idx.msk [tilespmem:v0+s0+$0x10 ss:$0x1], $0xffff  }
0x199: {  	v37 =	vld.idx.msk [tilespmem:v0+s0+$0x30 ss:$0x1], $0xffff  }
0x19a: {  	v38 =	vld.idx.msk [tilespmem:v0+s30+$0x4310 ss:$0x1], $0xffff  }
0x19b: {  	v39 =	vld.idx.msk [tilespmem:v0+s30+$0x4330 ss:$0x1], $0xffff  }
0x19c: {  	v40 =	vld.idx.msk [tilespmem:v0+s0+$0x50 ss:$0x1], $0xffff  }
0x19d: {  	v41 =	vld.idx.msk [tilespmem:v0+s30+$0x4350 ss:$0x1], $0xffff  }
0x19e: {  	v42 =	vld.idx.msk [tilespmem:v0+s0+$0x70 ss:$0x1], $0xffff;
	_ =	sdelay $0x1  }
0x19f: {  	v10 =	vmul.f32 v10, v2  }
0x1a0: {  	v43 =	vld.idx.msk [tilespmem:v0+s30+$0x4370 ss:$0x1], $0xffff;
	v2 =	vmul.f32 v37, v2;
	v12 =	vmul.f32 v38, v4  }
0x1a1: {  	v4 =	vmul.f32 v39, v4;
	v44 =	vmul.f32 v40, v63  }
0x1a2: {  	v45 =	vmul.f32 v41, v5;
	v7 =	vmul.f32 v42, v63  }
0x1a3: {  	s0 =	sor.u32 $0x7, s31;
	v10 =	vmul.f32 v10, v20;
	v2 =	vmul.f32 v2, v21  }
0x1a4: {  	s16 =	sor.u32 s28, s0;
	v12 =	vmul.f32 v12, v3;
	v4 =	vmul.f32 v4, v6  }
0x1a5: {  	v46 =	vmov s16;
	v5 =	vmul.f32 v43, v5;
	v8 =	vmul.f32 v44, v20  }
0x1a6: {  	v3 =	vmul.f32 v45, v3;
	v2 =	vadd.f32 v2, v10;
	v4 =	vadd.f32 v4, v12  }
0x1a7: {  	v48 =	vshll.u32 v46, $0x2;
	v7 =	vmul.f32 v7, v21  }
0x1a8: {  	v47 =	vmul.f32 v5, v6;
	v2 =	vadd.f32 v8, v2;
	v3 =	vadd.f32 v3, v4  }
0x1a9: {  	v49 =	vand.u32 $0x77, v46;
	v5 =	vand.u32 $0x7FFFFE00, v48  }
0x1aa: {  	v50 =	vor.u32 v49, v5;
	v2 =	vadd.f32 v7, v2;
	v3 =	vadd.f32 v47, v3  }
0x1ab: {  	v5 =	vor.u32 $0x80, v50  }
0x1ac: {  	v6 =	vor.u32 $0x180, v50;
	v2 =	vadd.f32 v3, v2;
	_ =	sdelay $0x1  }
0x1ad: {  	[tilespmem:v1+s2+$0x50 ss:$0x1] =	vst.idx.msk $0xffff, v2  }
0x1ae: {  	v2 =	vld.idx.msk [tilespmem:v50+s19+$0x0], $0xffff  }
0x1af: {  	v51 =	vld.idx.msk [tilespmem:v5+s19+$0x0], $0xffff  }
0x1b0: {  	v53 =	vld.idx.msk [tilespmem:v6+s19+$0x0], $0xffff  }
0x1b1: {  	v4 =	vld.idx.msk [tilespmem:v50+s20+$0x0], $0xffff  }
0x1b2: {  	s0 =	sshll.u32 s0, $0x7;
	v5 =	vld.idx.msk [tilespmem:v5+s20+$0x0], $0xffff  }
0x1b3: {  	s0 =	sand.u32 $0x3FFFFB80, s0;
	v6 =	vld.idx.msk [tilespmem:v6+s20+$0x0], $0xffff  }
0x1b4: {  	v54 =	vld.idx.msk [tilespmem:v0+s0+$0x0 ss:$0x1], $0xffff  }
0x1b5: {  	v55 =	vld.idx.msk [tilespmem:v0+s0+$0x20 ss:$0x1], $0xffff  }
0x1b6: {  	v3 =	vor.u32 $0x100, v50;
	v56 =	vld.idx.msk [tilespmem:v0+s30+$0x4380 ss:$0x1], $0xffff  }
0x1b7: {  	v57 =	vld.idx.msk [tilespmem:v0+s30+$0x43A0 ss:$0x1], $0xffff  }
0x1b8: {  	v58 =	vld.idx.msk [tilespmem:v0+s0+$0x40 ss:$0x1], $0xffff  }
0x1b9: {  	v59 =	vld.idx.msk [tilespmem:v0+s30+$0x43C0 ss:$0x1], $0xffff  }
0x1ba: {  	v60 =	vld.idx.msk [tilespmem:v0+s0+$0x60 ss:$0x1], $0xffff  }
0x1bb: {  	v52 =	vld.idx.msk [tilespmem:v3+s19+$0x0], $0xffff  }
0x1bc: {  	v3 =	vld.idx.msk [tilespmem:v3+s20+$0x0], $0xffff;
	v10 =	vmul.f32 v54, v2  }
0x1bd: {  	v61 =	vld.idx.msk [tilespmem:v0+s30+$0x43E0 ss:$0x1], $0xffff;
	v11 =	vmul.f32 v55, v2;
	v12 =	vmul.f32 v56, v4  }
0x1be: {  	v13 =	vmul.f32 v57, v4;
	v14 =	vmul.f32 v58, v51  }
0x1bf: {  	v15 =	vmul.f32 v59, v5;
	v63 =	vmul.f32 v60, v51  }
0x1c0: {  	v10 =	vmul.f32 v10, v52;
	v11 =	vmul.f32 v11, v53  }
0x1c1: {  	v12 =	vmul.f32 v12, v3;
	v13 =	vmul.f32 v13, v6  }
0x1c2: {  	v19 =	vmul.f32 v61, v5;
	v62 =	vmul.f32 v14, v52  }
0x1c3: {  	v18 =	vmul.f32 v15, v3;
	v10 =	vadd.f32 v11, v10;
	v12 =	vadd.f32 v13, v12  }
0x1c4: {  	v20 =	vmul.f32 v63, v53  }
0x1c5: {  	v21 =	vmul.f32 v19, v6;
	v10 =	vadd.f32 v62, v10;
	v12 =	vadd.f32 v18, v12;
	_ =	sdelay $0x1  }
0x1c6: {  	v10 =	vadd.f32 v20, v10;
	v22 =	vadd.f32 v21, v12;
	_ =	sdelay $0x1  }
0x1c7: {  	s16 =	sshll.u32 s16, $0x5;
	v10 =	vadd.f32 v22, v10  }
0x1c8: {  	s2 =	sand.u32 $0x7E80, s16  }
0x1c9: {  	[tilespmem:v1+s2+$0x60 ss:$0x1] =	vst.idx.msk $0xffff, v10  }
0x1ca: {  	v10 =	vld.idx.msk [tilespmem:v0+s0+$0x10 ss:$0x1], $0xffff  }
0x1cb: {  	v23 =	vld.idx.msk [tilespmem:v0+s0+$0x30 ss:$0x1], $0xffff  }
0x1cc: {  	v24 =	vld.idx.msk [tilespmem:v0+s30+$0x4390 ss:$0x1], $0xffff  }
0x1cd: {  	v25 =	vld.idx.msk [tilespmem:v0+s30+$0x43B0 ss:$0x1], $0xffff  }
0x1ce: {  	v26 =	vld.idx.msk [tilespmem:v0+s0+$0x50 ss:$0x1], $0xffff  }
0x1cf: {  	v27 =	vld.idx.msk [tilespmem:v0+s30+$0x43D0 ss:$0x1], $0xffff  }
0x1d0: {  	v28 =	vld.idx.msk [tilespmem:v0+s0+$0x70 ss:$0x1], $0xffff;
	_ =	sdelay $0x1  }
0x1d1: {  	v10 =	vmul.f32 v10, v2  }
0x1d2: {  	v29 =	vld.idx.msk [tilespmem:v0+s30+$0x43F0 ss:$0x1], $0xffff;
	v2 =	vmul.f32 v23, v2;
	v12 =	vmul.f32 v24, v4  }
0x1d3: {  	v4 =	vmul.f32 v25, v4;
	v30 =	vmul.f32 v26, v51  }
0x1d4: {  	v31 =	vmul.f32 v27, v5;
	v7 =	vmul.f32 v28, v51  }
0x1d5: {  	s0 =	sor.u32 $0x8, s31;
	v10 =	vmul.f32 v10, v52;
	v2 =	vmul.f32 v2, v53  }
0x1d6: {  	s16 =	sor.u32 s28, s0;
	v12 =	vmul.f32 v12, v3;
	v4 =	vmul.f32 v4, v6  }
0x1d7: {  	v32 =	vmov s16;
	v5 =	vmul.f32 v29, v5;
	v8 =	vmul.f32 v30, v52  }
0x1d8: {  	v3 =	vmul.f32 v31, v3;
	v2 =	vadd.f32 v2, v10;
	v4 =	vadd.f32 v4, v12  }
0x1d9: {  	v34 =	vshll.u32 v32, $0x2;
	v7 =	vmul.f32 v7, v53  }
0x1da: {  	v33 =	vmul.f32 v5, v6;
	v2 =	vadd.f32 v8, v2;
	v3 =	vadd.f32 v3, v4  }
0x1db: {  	v35 =	vand.u32 $0x78, v32;
	v5 =	vand.u32 $0x7FFFFE00, v34  }
0x1dc: {  	v36 =	vor.u32 v35, v5;
	v2 =	vadd.f32 v7, v2;
	v3 =	vadd.f32 v33, v3  }
0x1dd: {  	v5 =	vor.u32 $0x80, v36  }
0x1de: {  	v6 =	vor.u32 $0x180, v36;
	v2 =	vadd.f32 v3, v2;
	_ =	sdelay $0x1  }
0x1df: {  	[tilespmem:v1+s2+$0x70 ss:$0x1] =	vst.idx.msk $0xffff, v2  }
0x1e0: {  	v2 =	vld.idx.msk [tilespmem:v36+s19+$0x0], $0xffff  }
0x1e1: {  	v37 =	vld.idx.msk [tilespmem:v5+s19+$0x0], $0xffff  }
0x1e2: {  	v39 =	vld.idx.msk [tilespmem:v6+s19+$0x0], $0xffff  }
0x1e3: {  	v4 =	vld.idx.msk [tilespmem:v36+s20+$0x0], $0xffff  }
0x1e4: {  	s0 =	sshll.u32 s0, $0x7;
	v5 =	vld.idx.msk [tilespmem:v5+s20+$0x0], $0xffff  }
0x1e5: {  	s0 =	sand.u32 $0x3FFFFC00, s0;
	v6 =	vld.idx.msk [tilespmem:v6+s20+$0x0], $0xffff  }
0x1e6: {  	v40 =	vld.idx.msk [tilespmem:v0+s0+$0x0 ss:$0x1], $0xffff  }
0x1e7: {  	v41 =	vld.idx.msk [tilespmem:v0+s0+$0x20 ss:$0x1], $0xffff  }
0x1e8: {  	v3 =	vor.u32 $0x100, v36;
	v42 =	vld.idx.msk [tilespmem:v0+s30+$0x4400 ss:$0x1], $0xffff  }
0x1e9: {  	v43 =	vld.idx.msk [tilespmem:v0+s30+$0x4420 ss:$0x1], $0xffff  }
0x1ea: {  	v44 =	vld.idx.msk [tilespmem:v0+s0+$0x40 ss:$0x1], $0xffff  }
0x1eb: {  	v45 =	vld.idx.msk [tilespmem:v0+s30+$0x4440 ss:$0x1], $0xffff  }
0x1ec: {  	v46 =	vld.idx.msk [tilespmem:v0+s0+$0x60 ss:$0x1], $0xffff  }
0x1ed: {  	v38 =	vld.idx.msk [tilespmem:v3+s19+$0x0], $0xffff  }
0x1ee: {  	v3 =	vld.idx.msk [tilespmem:v3+s20+$0x0], $0xffff;
	v10 =	vmul.f32 v40, v2  }
0x1ef: {  	v47 =	vld.idx.msk [tilespmem:v0+s30+$0x4460 ss:$0x1], $0xffff;
	v11 =	vmul.f32 v41, v2;
	v12 =	vmul.f32 v42, v4  }
0x1f0: {  	v13 =	vmul.f32 v43, v4;
	v14 =	vmul.f32 v44, v37  }
0x1f1: {  	v15 =	vmul.f32 v45, v5;
	v49 =	vmul.f32 v46, v37  }
0x1f2: {  	v10 =	vmul.f32 v10, v38;
	v11 =	vmul.f32 v11, v39  }
0x1f3: {  	v12 =	vmul.f32 v12, v3;
	v13 =	vmul.f32 v13, v6  }
0x1f4: {  	v51 =	vmul.f32 v47, v5;
	v48 =	vmul.f32 v14, v38  }
0x1f5: {  	v50 =	vmul.f32 v15, v3;
	v10 =	vadd.f32 v11, v10;
	v12 =	vadd.f32 v13, v12  }
0x1f6: {  	v52 =	vmul.f32 v49, v39  }
0x1f7: {  	v53 =	vmul.f32 v51, v6;
	v10 =	vadd.f32 v48, v10;
	v12 =	vadd.f32 v50, v12;
	_ =	sdelay $0x1  }
0x1f8: {  	v10 =	vadd.f32 v52, v10;
	v54 =	vadd.f32 v53, v12;
	_ =	sdelay $0x1  }
0x1f9: {  	s16 =	sshll.u32 s16, $0x5;
	v10 =	vadd.f32 v54, v10  }
0x1fa: {  	s2 =	sand.u32 $0x3FFFFFE0, s16  }
0x1fb: {  	[tilespmem:v1+s2+$0x0 ss:$0x1] =	vst.idx.msk $0xffff, v10  }
0x1fc: {  	v10 =	vld.idx.msk [tilespmem:v0+s0+$0x10 ss:$0x1], $0xffff  }
0x1fd: {  	v55 =	vld.idx.msk [tilespmem:v0+s0+$0x30 ss:$0x1], $0xffff  }
0x1fe: {  	v56 =	vld.idx.msk [tilespmem:v0+s30+$0x4410 ss:$0x1], $0xffff  }
0x1ff: {  	v57 =	vld.idx.msk [tilespmem:v0+s30+$0x4430 ss:$0x1], $0xffff  }
0x200: {  	v58 =	vld.idx.msk [tilespmem:v0+s0+$0x50 ss:$0x1], $0xffff  }
0x201: {  	v59 =	vld.idx.msk [tilespmem:v0+s30+$0x4450 ss:$0x1], $0xffff  }
0x202: {  	v60 =	vld.idx.msk [tilespmem:v0+s0+$0x70 ss:$0x1], $0xffff;
	_ =	sdelay $0x1  }
0x203: {  	v10 =	vmul.f32 v10, v2  }
0x204: {  	v61 =	vld.idx.msk [tilespmem:v0+s30+$0x4470 ss:$0x1], $0xffff;
	v2 =	vmul.f32 v55, v2;
	v12 =	vmul.f32 v56, v4  }
0x205: {  	v4 =	vmul.f32 v57, v4;
	v62 =	vmul.f32 v58, v37  }
0x206: {  	v63 =	vmul.f32 v59, v5;
	v7 =	vmul.f32 v60, v37  }
0x207: {  	s0 =	sor.u32 $0x9, s31;
	v10 =	vmul.f32 v10, v38;
	v2 =	vmul.f32 v2, v39  }
0x208: {  	s16 =	sor.u32 s28, s0;
	v12 =	vmul.f32 v12, v3;
	v4 =	vmul.f32 v4, v6  }
0x209: {  	v17 =	vmov s16;
	v5 =	vmul.f32 v61, v5;
	v8 =	vmul.f32 v62, v38  }
0x20a: {  	v3 =	vmul.f32 v63, v3;
	v2 =	vadd.f32 v2, v10;
	v4 =	vadd.f32 v4, v12  }
0x20b: {  	v19 =	vshll.u32 v17, $0x2;
	v7 =	vmul.f32 v7, v39  }
0x20c: {  	v18 =	vmul.f32 v5, v6;
	v2 =	vadd.f32 v8, v2;
	v3 =	vadd.f32 v3, v4  }
0x20d: {  	v20 =	vand.u32 $0x79, v17;
	v5 =	vand.u32 $0x7FFFFE00, v19  }
0x20e: {  	v21 =	vor.u32 v20, v5;
	v2 =	vadd.f32 v7, v2;
	v3 =	vadd.f32 v18, v3  }
0x20f: {  	v5 =	vor.u32 $0x80, v21  }
0x210: {  	v6 =	vor.u32 $0x180, v21;
	v2 =	vadd.f32 v3, v2;
	_ =	sdelay $0x1  }
0x211: {  	[tilespmem:v1+s2+$0x10 ss:$0x1] =	vst.idx.msk $0xffff, v2  }
0x212: {  	v2 =	vld.idx.msk [tilespmem:v21+s19+$0x0], $0xffff  }
0x213: {  	v22 =	vld.idx.msk [tilespmem:v5+s19+$0x0], $0xffff  }
0x214: {  	v24 =	vld.idx.msk [tilespmem:v6+s19+$0x0], $0xffff  }
0x215: {  	v4 =	vld.idx.msk [tilespmem:v21+s20+$0x0], $0xffff  }
0x216: {  	s0 =	sshll.u32 s0, $0x7;
	v5 =	vld.idx.msk [tilespmem:v5+s20+$0x0], $0xffff  }
0x217: {  	s0 =	sand.u32 $0x3FFFFC80, s0;
	v6 =	vld.idx.msk [tilespmem:v6+s20+$0x0], $0xffff  }
0x218: {  	v25 =	vld.idx.msk [tilespmem:v0+s0+$0x0 ss:$0x1], $0xffff  }
0x219: {  	v26 =	vld.idx.msk [tilespmem:v0+s0+$0x20 ss:$0x1], $0xffff  }
0x21a: {  	v3 =	vor.u32 $0x100, v21;
	v27 =	vld.idx.msk [tilespmem:v0+s30+$0x4480 ss:$0x1], $0xffff  }
0x21b: {  	v28 =	vld.idx.msk [tilespmem:v0+s30+$0x44A0 ss:$0x1], $0xffff  }
0x21c: {  	v29 =	vld.idx.msk [tilespmem:v0+s0+$0x40 ss:$0x1], $0xffff  }
0x21d: {  	v30 =	vld.idx.msk [tilespmem:v0+s30+$0x44C0 ss:$0x1], $0xffff  }
0x21e: {  	v31 =	vld.idx.msk [tilespmem:v0+s0+$0x60 ss:$0x1], $0xffff  }
0x21f: {  	v23 =	vld.idx.msk [tilespmem:v3+s19+$0x0], $0xffff  }
0x220: {  	v3 =	vld.idx.msk [tilespmem:v3+s20+$0x0], $0xffff;
	v10 =	vmul.f32 v25, v2  }
0x221: {  	v32 =	vld.idx.msk [tilespmem:v0+s30+$0x44E0 ss:$0x1], $0xffff;
	v11 =	vmul.f32 v26, v2;
	v12 =	vmul.f32 v27, v4  }
0x222: {  	v13 =	vmul.f32 v28, v4;
	v14 =	vmul.f32 v29, v22  }
0x223: {  	v15 =	vmul.f32 v30, v5;
	v34 =	vmul.f32 v31, v22  }
0x224: {  	v10 =	vmul.f32 v10, v23;
	v11 =	vmul.f32 v11, v24  }
0x225: {  	v12 =	vmul.f32 v12, v3;
	v13 =	vmul.f32 v13, v6  }
0x226: {  	v36 =	vmul.f32 v32, v5;
	v33 =	vmul.f32 v14, v23  }
0x227: {  	v35 =	vmul.f32 v15, v3;
	v10 =	vadd.f32 v11, v10;
	v12 =	vadd.f32 v13, v12  }
0x228: {  	v37 =	vmul.f32 v34, v24  }
0x229: {  	v38 =	vmul.f32 v36, v6;
	v10 =	vadd.f32 v33, v10;
	v12 =	vadd.f32 v35, v12;
	_ =	sdelay $0x1  }
0x22a: {  	v10 =	vadd.f32 v37, v10;
	v39 =	vadd.f32 v38, v12;
	_ =	sdelay $0x1  }
0x22b: {  	s16 =	sshll.u32 s16, $0x5;
	v10 =	vadd.f32 v39, v10  }
0x22c: {  	s2 =	sand.u32 $0x7F00, s16  }
0x22d: {  	[tilespmem:v1+s2+$0x20 ss:$0x1] =	vst.idx.msk $0xffff, v10  }
0x22e: {  	v10 =	vld.idx.msk [tilespmem:v0+s0+$0x10 ss:$0x1], $0xffff  }
0x22f: {  	v40 =	vld.idx.msk [tilespmem:v0+s0+$0x30 ss:$0x1], $0xffff  }
0x230: {  	v41 =	vld.idx.msk [tilespmem:v0+s30+$0x4490 ss:$0x1], $0xffff  }
0x231: {  	v42 =	vld.idx.msk [tilespmem:v0+s30+$0x44B0 ss:$0x1], $0xffff  }
0x232: {  	v43 =	vld.idx.msk [tilespmem:v0+s0+$0x50 ss:$0x1], $0xffff  }
0x233: {  	v44 =	vld.idx.msk [tilespmem:v0+s30+$0x44D0 ss:$0x1], $0xffff  }
0x234: {  	v45 =	vld.idx.msk [tilespmem:v0+s0+$0x70 ss:$0x1], $0xffff;
	_ =	sdelay $0x1  }
0x235: {  	v10 =	vmul.f32 v10, v2  }
0x236: {  	v46 =	vld.idx.msk [tilespmem:v0+s30+$0x44F0 ss:$0x1], $0xffff;
	v2 =	vmul.f32 v40, v2;
	v12 =	vmul.f32 v41, v4  }
0x237: {  	v4 =	vmul.f32 v42, v4;
	v47 =	vmul.f32 v43, v22  }
0x238: {  	v48 =	vmul.f32 v44, v5;
	v7 =	vmul.f32 v45, v22  }
0x239: {  	s0 =	sor.u32 $0xA, s31;
	v10 =	vmul.f32 v10, v23;
	v2 =	vmul.f32 v2, v24  }
0x23a: {  	s16 =	sor.u32 s28, s0;
	v12 =	vmul.f32 v12, v3;
	v4 =	vmul.f32 v4, v6  }
0x23b: {  	v49 =	vmov s16;
	v5 =	vmul.f32 v46, v5;
	v8 =	vmul.f32 v47, v23  }
0x23c: {  	v3 =	vmul.f32 v48, v3;
	v2 =	vadd.f32 v2, v10;
	v4 =	vadd.f32 v4, v12  }
0x23d: {  	v51 =	vshll.u32 v49, $0x2;
	v7 =	vmul.f32 v7, v24  }
0x23e: {  	v50 =	vmul.f32 v5, v6;
	v2 =	vadd.f32 v8, v2;
	v3 =	vadd.f32 v3, v4  }
0x23f: {  	v52 =	vand.u32 $0x7A, v49;
	v5 =	vand.u32 $0x7FFFFE00, v51  }
0x240: {  	v53 =	vor.u32 v52, v5;
	v2 =	vadd.f32 v7, v2;
	v3 =	vadd.f32 v50, v3  }
0x241: {  	v5 =	vor.u32 $0x80, v53  }
0x242: {  	v6 =	vor.u32 $0x180, v53;
	v2 =	vadd.f32 v3, v2;
	_ =	sdelay $0x1  }
0x243: {  	[tilespmem:v1+s2+$0x30 ss:$0x1] =	vst.idx.msk $0xffff, v2  }
0x244: {  	v2 =	vld.idx.msk [tilespmem:v53+s19+$0x0], $0xffff  }
0x245: {  	v54 =	vld.idx.msk [tilespmem:v5+s19+$0x0], $0xffff  }
0x246: {  	v56 =	vld.idx.msk [tilespmem:v6+s19+$0x0], $0xffff  }
0x247: {  	v4 =	vld.idx.msk [tilespmem:v53+s20+$0x0], $0xffff  }
0x248: {  	s0 =	sshll.u32 s0, $0x7;
	v5 =	vld.idx.msk [tilespmem:v5+s20+$0x0], $0xffff  }
0x249: {  	s0 =	sand.u32 $0x3FFFFD00, s0;
	v6 =	vld.idx.msk [tilespmem:v6+s20+$0x0], $0xffff  }
0x24a: {  	v57 =	vld.idx.msk [tilespmem:v0+s0+$0x0 ss:$0x1], $0xffff  }
0x24b: {  	v58 =	vld.idx.msk [tilespmem:v0+s0+$0x20 ss:$0x1], $0xffff  }
0x24c: {  	v3 =	vor.u32 $0x100, v53;
	v59 =	vld.idx.msk [tilespmem:v0+s30+$0x4500 ss:$0x1], $0xffff  }
0x24d: {  	v60 =	vld.idx.msk [tilespmem:v0+s30+$0x4520 ss:$0x1], $0xffff  }
0x24e: {  	v61 =	vld.idx.msk [tilespmem:v0+s0+$0x40 ss:$0x1], $0xffff  }
0x24f: {  	v62 =	vld.idx.msk [tilespmem:v0+s30+$0x4540 ss:$0x1], $0xffff  }
0x250: {  	v63 =	vld.idx.msk [tilespmem:v0+s0+$0x60 ss:$0x1], $0xffff  }
0x251: {  	v55 =	vld.idx.msk [tilespmem:v3+s19+$0x0], $0xffff  }
0x252: {  	v3 =	vld.idx.msk [tilespmem:v3+s20+$0x0], $0xffff;
	v10 =	vmul.f32 v57, v2  }
0x253: {  	v20 =	vld.idx.msk [tilespmem:v0+s30+$0x4560 ss:$0x1], $0xffff;
	v11 =	vmul.f32 v58, v2;
	v12 =	vmul.f32 v59, v4  }
0x254: {  	v13 =	vmul.f32 v60, v4;
	v14 =	vmul.f32 v61, v54  }
0x255: {  	v15 =	vmul.f32 v62, v5;
	v22 =	vmul.f32 v63, v54  }
0x256: {  	v10 =	vmul.f32 v10, v55;
	v11 =	vmul.f32 v11, v56  }
0x257: {  	v12 =	vmul.f32 v12, v3;
	v13 =	vmul.f32 v13, v6  }
0x258: {  	v24 =	vmul.f32 v20, v5;
	v21 =	vmul.f32 v14, v55  }
0x259: {  	v23 =	vmul.f32 v15, v3;
	v10 =	vadd.f32 v11, v10;
	v12 =	vadd.f32 v13, v12  }
0x25a: {  	v25 =	vmul.f32 v22, v56  }
0x25b: {  	v26 =	vmul.f32 v24, v6;
	v10 =	vadd.f32 v21, v10;
	v12 =	vadd.f32 v23, v12;
	_ =	sdelay $0x1  }
0x25c: {  	v10 =	vadd.f32 v25, v10;
	v27 =	vadd.f32 v26, v12;
	_ =	sdelay $0x1  }
0x25d: {  	s16 =	sshll.u32 s16, $0x5;
	v10 =	vadd.f32 v27, v10  }
0x25e: {  	s2 =	sand.u32 $0x7F00, s16  }
0x25f: {  	[tilespmem:v1+s2+$0x40 ss:$0x1] =	vst.idx.msk $0xffff, v10  }
0x260: {  	v10 =	vld.idx.msk [tilespmem:v0+s0+$0x10 ss:$0x1], $0xffff  }
0x261: {  	v28 =	vld.idx.msk [tilespmem:v0+s0+$0x30 ss:$0x1], $0xffff  }
0x262: {  	v29 =	vld.idx.msk [tilespmem:v0+s30+$0x4510 ss:$0x1], $0xffff  }
0x263: {  	v30 =	vld.idx.msk [tilespmem:v0+s30+$0x4530 ss:$0x1], $0xffff  }
0x264: {  	v31 =	vld.idx.msk [tilespmem:v0+s0+$0x50 ss:$0x1], $0xffff  }
0x265: {  	v32 =	vld.idx.msk [tilespmem:v0+s30+$0x4550 ss:$0x1], $0xffff  }
0x266: {  	v33 =	vld.idx.msk [tilespmem:v0+s0+$0x70 ss:$0x1], $0xffff;
	_ =	sdelay $0x1  }
0x267: {  	v10 =	vmul.f32 v10, v2  }
0x268: {  	v34 =	vld.idx.msk [tilespmem:v0+s30+$0x4570 ss:$0x1], $0xffff;
	v2 =	vmul.f32 v28, v2;
	v12 =	vmul.f32 v29, v4  }
0x269: {  	v4 =	vmul.f32 v30, v4;
	v35 =	vmul.f32 v31, v54  }
0x26a: {  	v36 =	vmul.f32 v32, v5;
	v7 =	vmul.f32 v33, v54  }
0x26b: {  	s0 =	sor.u32 $0xB, s31;
	v10 =	vmul.f32 v10, v55;
	v2 =	vmul.f32 v2, v56  }
0x26c: {  	s16 =	sor.u32 s28, s0;
	v12 =	vmul.f32 v12, v3;
	v4 =	vmul.f32 v4, v6  }
0x26d: {  	v37 =	vmov s16;
	v5 =	vmul.f32 v34, v5;
	v8 =	vmul.f32 v35, v55  }
0x26e: {  	v3 =	vmul.f32 v36, v3;
	v2 =	vadd.f32 v2, v10;
	v4 =	vadd.f32 v4, v12  }
0x26f: {  	v39 =	vshll.u32 v37, $0x2;
	v7 =	vmul.f32 v7, v56  }
0x270: {  	v38 =	vmul.f32 v5, v6;
	v2 =	vadd.f32 v8, v2;
	v3 =	vadd.f32 v3, v4  }
0x271: {  	v40 =	vand.u32 $0x7B, v37;
	v5 =	vand.u32 $0x7FFFFE00, v39  }
0x272: {  	v41 =	vor.u32 v40, v5;
	v2 =	vadd.f32 v7, v2;
	v3 =	vadd.f32 v38, v3  }
0x273: {  	v5 =	vor.u32 $0x80, v41  }
0x274: {  	v6 =	vor.u32 $0x180, v41;
	v2 =	vadd.f32 v3, v2;
	_ =	sdelay $0x1  }
0x275: {  	[tilespmem:v1+s2+$0x50 ss:$0x1] =	vst.idx.msk $0xffff, v2  }
0x276: {  	v2 =	vld.idx.msk [tilespmem:v41+s19+$0x0], $0xffff  }
0x277: {  	v42 =	vld.idx.msk [tilespmem:v5+s19+$0x0], $0xffff  }
0x278: {  	v44 =	vld.idx.msk [tilespmem:v6+s19+$0x0], $0xffff  }
0x279: {  	v4 =	vld.idx.msk [tilespmem:v41+s20+$0x0], $0xffff  }
0x27a: {  	s0 =	sshll.u32 s0, $0x7;
	v5 =	vld.idx.msk [tilespmem:v5+s20+$0x0], $0xffff  }
0x27b: {  	s0 =	sand.u32 $0x3FFFFD80, s0;
	v6 =	vld.idx.msk [tilespmem:v6+s20+$0x0], $0xffff  }
0x27c: {  	v45 =	vld.idx.msk [tilespmem:v0+s0+$0x0 ss:$0x1], $0xffff  }
0x27d: {  	v46 =	vld.idx.msk [tilespmem:v0+s0+$0x20 ss:$0x1], $0xffff  }
0x27e: {  	v3 =	vor.u32 $0x100, v41;
	v47 =	vld.idx.msk [tilespmem:v0+s30+$0x4580 ss:$0x1], $0xffff  }
0x27f: {  	v48 =	vld.idx.msk [tilespmem:v0+s30+$0x45A0 ss:$0x1], $0xffff  }
0x280: {  	v49 =	vld.idx.msk [tilespmem:v0+s0+$0x40 ss:$0x1], $0xffff  }
0x281: {  	v50 =	vld.idx.msk [tilespmem:v0+s30+$0x45C0 ss:$0x1], $0xffff  }
0x282: {  	v51 =	vld.idx.msk [tilespmem:v0+s0+$0x60 ss:$0x1], $0xffff  }
0x283: {  	v43 =	vld.idx.msk [tilespmem:v3+s19+$0x0], $0xffff  }
0x284: {  	v3 =	vld.idx.msk [tilespmem:v3+s20+$0x0], $0xffff;
	v10 =	vmul.f32 v45, v2  }
0x285: {  	v52 =	vld.idx.msk [tilespmem:v0+s30+$0x45E0 ss:$0x1], $0xffff;
	v11 =	vmul.f32 v46, v2;
	v12 =	vmul.f32 v47, v4  }
0x286: {  	v13 =	vmul.f32 v48, v4;
	v14 =	vmul.f32 v49, v42  }
0x287: {  	v15 =	vmul.f32 v50, v5;
	v54 =	vmul.f32 v51, v42  }
0x288: {  	v10 =	vmul.f32 v10, v43;
	v11 =	vmul.f32 v11, v44  }
0x289: {  	v12 =	vmul.f32 v12, v3;
	v13 =	vmul.f32 v13, v6  }
0x28a: {  	v56 =	vmul.f32 v52, v5;
	v53 =	vmul.f32 v14, v43  }
0x28b: {  	v55 =	vmul.f32 v15, v3;
	v10 =	vadd.f32 v11, v10;
	v12 =	vadd.f32 v13, v12  }
0x28c: {  	v57 =	vmul.f32 v54, v44  }
0x28d: {  	v58 =	vmul.f32 v56, v6;
	v10 =	vadd.f32 v53, v10;
	v12 =	vadd.f32 v55, v12;
	_ =	sdelay $0x1  }
0x28e: {  	v10 =	vadd.f32 v57, v10;
	v59 =	vadd.f32 v58, v12;
	_ =	sdelay $0x1  }
0x28f: {  	s16 =	sshll.u32 s16, $0x5;
	v10 =	vadd.f32 v59, v10  }
0x290: {  	s2 =	sand.u32 $0x7F00, s16  }
0x291: {  	[tilespmem:v1+s2+$0x60 ss:$0x1] =	vst.idx.msk $0xffff, v10  }
0x292: {  	v10 =	vld.idx.msk [tilespmem:v0+s0+$0x10 ss:$0x1], $0xffff  }
0x293: {  	v60 =	vld.idx.msk [tilespmem:v0+s0+$0x30 ss:$0x1], $0xffff  }
0x294: {  	v61 =	vld.idx.msk [tilespmem:v0+s30+$0x4590 ss:$0x1], $0xffff  }
0x295: {  	v62 =	vld.idx.msk [tilespmem:v0+s30+$0x45B0 ss:$0x1], $0xffff  }
0x296: {  	v63 =	vld.idx.msk [tilespmem:v0+s0+$0x50 ss:$0x1], $0xffff  }
0x297: {  	v20 =	vld.idx.msk [tilespmem:v0+s30+$0x45D0 ss:$0x1], $0xffff  }
0x298: {  	v21 =	vld.idx.msk [tilespmem:v0+s0+$0x70 ss:$0x1], $0xffff;
	_ =	sdelay $0x1  }
0x299: {  	v10 =	vmul.f32 v10, v2  }
0x29a: {  	v22 =	vld.idx.msk [tilespmem:v0+s30+$0x45F0 ss:$0x1], $0xffff;
	v2 =	vmul.f32 v60, v2;
	v12 =	vmul.f32 v61, v4  }
0x29b: {  	v4 =	vmul.f32 v62, v4;
	v23 =	vmul.f32 v63, v42  }
0x29c: {  	v24 =	vmul.f32 v20, v5;
	v7 =	vmul.f32 v21, v42  }
0x29d: {  	s0 =	sor.u32 $0xC, s31;
	v10 =	vmul.f32 v10, v43;
	v2 =	vmul.f32 v2, v44  }
0x29e: {  	s16 =	sor.u32 s28, s0;
	v12 =	vmul.f32 v12, v3;
	v4 =	vmul.f32 v4, v6  }
0x29f: {  	v25 =	vmov s16;
	v5 =	vmul.f32 v22, v5;
	v8 =	vmul.f32 v23, v43  }
0x2a0: {  	v3 =	vmul.f32 v24, v3;
	v2 =	vadd.f32 v2, v10;
	v4 =	vadd.f32 v4, v12  }
0x2a1: {  	v27 =	vshll.u32 v25, $0x2;
	v7 =	vmul.f32 v7, v44  }
0x2a2: {  	v26 =	vmul.f32 v5, v6;
	v2 =	vadd.f32 v8, v2;
	v3 =	vadd.f32 v3, v4  }
0x2a3: {  	v28 =	vand.u32 $0x7C, v25;
	v5 =	vand.u32 $0x7FFFFE00, v27  }
0x2a4: {  	v29 =	vor.u32 v28, v5;
	v2 =	vadd.f32 v7, v2;
	v3 =	vadd.f32 v26, v3  }
0x2a5: {  	v5 =	vor.u32 $0x80, v29  }
0x2a6: {  	v6 =	vor.u32 $0x180, v29;
	v2 =	vadd.f32 v3, v2;
	_ =	sdelay $0x1  }
0x2a7: {  	[tilespmem:v1+s2+$0x70 ss:$0x1] =	vst.idx.msk $0xffff, v2  }
0x2a8: {  	v2 =	vld.idx.msk [tilespmem:v29+s19+$0x0], $0xffff  }
0x2a9: {  	v30 =	vld.idx.msk [tilespmem:v5+s19+$0x0], $0xffff  }
0x2aa: {  	v32 =	vld.idx.msk [tilespmem:v6+s19+$0x0], $0xffff  }
0x2ab: {  	v4 =	vld.idx.msk [tilespmem:v29+s20+$0x0], $0xffff  }
0x2ac: {  	s0 =	sshll.u32 s0, $0x7;
	v5 =	vld.idx.msk [tilespmem:v5+s20+$0x0], $0xffff  }
0x2ad: {  	s0 =	sand.u32 $0x3FFFFE00, s0;
	v6 =	vld.idx.msk [tilespmem:v6+s20+$0x0], $0xffff  }
0x2ae: {  	v33 =	vld.idx.msk [tilespmem:v0+s0+$0x0 ss:$0x1], $0xffff  }
0x2af: {  	v34 =	vld.idx.msk [tilespmem:v0+s0+$0x20 ss:$0x1], $0xffff  }
0x2b0: {  	v3 =	vor.u32 $0x100, v29;
	v35 =	vld.idx.msk [tilespmem:v0+s30+$0x4600 ss:$0x1], $0xffff  }
0x2b1: {  	v36 =	vld.idx.msk [tilespmem:v0+s30+$0x4620 ss:$0x1], $0xffff  }
0x2b2: {  	v37 =	vld.idx.msk [tilespmem:v0+s0+$0x40 ss:$0x1], $0xffff  }
0x2b3: {  	v38 =	vld.idx.msk [tilespmem:v0+s30+$0x4640 ss:$0x1], $0xffff  }
0x2b4: {  	v39 =	vld.idx.msk [tilespmem:v0+s0+$0x60 ss:$0x1], $0xffff  }
0x2b5: {  	v31 =	vld.idx.msk [tilespmem:v3+s19+$0x0], $0xffff  }
0x2b6: {  	v3 =	vld.idx.msk [tilespmem:v3+s20+$0x0], $0xffff;
	v10 =	vmul.f32 v33, v2  }
0x2b7: {  	v40 =	vld.idx.msk [tilespmem:v0+s30+$0x4660 ss:$0x1], $0xffff;
	v11 =	vmul.f32 v34, v2;
	v12 =	vmul.f32 v35, v4  }
0x2b8: {  	v13 =	vmul.f32 v36, v4;
	v14 =	vmul.f32 v37, v30  }
0x2b9: {  	v15 =	vmul.f32 v38, v5;
	v42 =	vmul.f32 v39, v30  }
0x2ba: {  	v10 =	vmul.f32 v10, v31;
	v11 =	vmul.f32 v11, v32  }
0x2bb: {  	v12 =	vmul.f32 v12, v3;
	v13 =	vmul.f32 v13, v6  }
0x2bc: {  	v44 =	vmul.f32 v40, v5;
	v41 =	vmul.f32 v14, v31  }
0x2bd: {  	v43 =	vmul.f32 v15, v3;
	v10 =	vadd.f32 v11, v10;
	v12 =	vadd.f32 v13, v12  }
0x2be: {  	v45 =	vmul.f32 v42, v32  }
0x2bf: {  	v46 =	vmul.f32 v44, v6;
	v10 =	vadd.f32 v41, v10;
	v12 =	vadd.f32 v43, v12;
	_ =	sdelay $0x1  }
0x2c0: {  	v10 =	vadd.f32 v45, v10;
	v47 =	vadd.f32 v46, v12;
	_ =	sdelay $0x1  }
0x2c1: {  	s16 =	sshll.u32 s16, $0x5;
	v10 =	vadd.f32 v47, v10  }
0x2c2: {  	s2 =	sand.u32 $0x3FFFFFE0, s16  }
0x2c3: {  	[tilespmem:v1+s2+$0x0 ss:$0x1] =	vst.idx.msk $0xffff, v10  }
0x2c4: {  	v10 =	vld.idx.msk [tilespmem:v0+s0+$0x10 ss:$0x1], $0xffff  }
0x2c5: {  	v48 =	vld.idx.msk [tilespmem:v0+s0+$0x30 ss:$0x1], $0xffff  }
0x2c6: {  	v49 =	vld.idx.msk [tilespmem:v0+s30+$0x4610 ss:$0x1], $0xffff  }
0x2c7: {  	v50 =	vld.idx.msk [tilespmem:v0+s30+$0x4630 ss:$0x1], $0xffff  }
0x2c8: {  	v51 =	vld.idx.msk [tilespmem:v0+s0+$0x50 ss:$0x1], $0xffff  }
0x2c9: {  	v52 =	vld.idx.msk [tilespmem:v0+s30+$0x4650 ss:$0x1], $0xffff  }
0x2ca: {  	v53 =	vld.idx.msk [tilespmem:v0+s0+$0x70 ss:$0x1], $0xffff;
	_ =	sdelay $0x1  }
0x2cb: {  	v10 =	vmul.f32 v10, v2  }
0x2cc: {  	v54 =	vld.idx.msk [tilespmem:v0+s30+$0x4670 ss:$0x1], $0xffff;
	v2 =	vmul.f32 v48, v2;
	v12 =	vmul.f32 v49, v4  }
0x2cd: {  	v4 =	vmul.f32 v50, v4;
	v55 =	vmul.f32 v51, v30  }
0x2ce: {  	v56 =	vmul.f32 v52, v5;
	v7 =	vmul.f32 v53, v30  }
0x2cf: {  	s0 =	sor.u32 $0xD, s31;
	v10 =	vmul.f32 v10, v31;
	v2 =	vmul.f32 v2, v32  }
0x2d0: {  	s16 =	sor.u32 s28, s0;
	v12 =	vmul.f32 v12, v3;
	v4 =	vmul.f32 v4, v6  }
0x2d1: {  	v57 =	vmov s16;
	v5 =	vmul.f32 v54, v5;
	v8 =	vmul.f32 v55, v31  }
0x2d2: {  	v3 =	vmul.f32 v56, v3;
	v2 =	vadd.f32 v2, v10;
	v4 =	vadd.f32 v4, v12  }
0x2d3: {  	v59 =	vshll.u32 v57, $0x2;
	v7 =	vmul.f32 v7, v32  }
0x2d4: {  	v58 =	vmul.f32 v5, v6;
	v2 =	vadd.f32 v8, v2;
	v3 =	vadd.f32 v3, v4  }
0x2d5: {  	v60 =	vand.u32 $0x7D, v57;
	v5 =	vand.u32 $0x7FFFFE00, v59  }
0x2d6: {  	v61 =	vor.u32 v60, v5;
	v2 =	vadd.f32 v7, v2;
	v3 =	vadd.f32 v58, v3  }
0x2d7: {  	v5 =	vor.u32 $0x80, v61  }
0x2d8: {  	v6 =	vor.u32 $0x180, v61;
	v2 =	vadd.f32 v3, v2;
	_ =	sdelay $0x1  }
0x2d9: {  	[tilespmem:v1+s2+$0x10 ss:$0x1] =	vst.idx.msk $0xffff, v2  }
0x2da: {  	v2 =	vld.idx.msk [tilespmem:v61+s19+$0x0], $0xffff  }
0x2db: {  	v62 =	vld.idx.msk [tilespmem:v5+s19+$0x0], $0xffff  }
0x2dc: {  	v20 =	vld.idx.msk [tilespmem:v6+s19+$0x0], $0xffff  }
0x2dd: {  	v4 =	vld.idx.msk [tilespmem:v61+s20+$0x0], $0xffff  }
0x2de: {  	s0 =	sshll.u32 s0, $0x7;
	v5 =	vld.idx.msk [tilespmem:v5+s20+$0x0], $0xffff  }
0x2df: {  	s0 =	sand.u32 $0x3FFFFE80, s0;
	v6 =	vld.idx.msk [tilespmem:v6+s20+$0x0], $0xffff  }
0x2e0: {  	v21 =	vld.idx.msk [tilespmem:v0+s0+$0x0 ss:$0x1], $0xffff  }
0x2e1: {  	v22 =	vld.idx.msk [tilespmem:v0+s0+$0x20 ss:$0x1], $0xffff  }
0x2e2: {  	v3 =	vor.u32 $0x100, v61;
	v23 =	vld.idx.msk [tilespmem:v0+s30+$0x4680 ss:$0x1], $0xffff  }
0x2e3: {  	v24 =	vld.idx.msk [tilespmem:v0+s30+$0x46A0 ss:$0x1], $0xffff  }
0x2e4: {  	v25 =	vld.idx.msk [tilespmem:v0+s0+$0x40 ss:$0x1], $0xffff  }
0x2e5: {  	v26 =	vld.idx.msk [tilespmem:v0+s30+$0x46C0 ss:$0x1], $0xffff  }
0x2e6: {  	v27 =	vld.idx.msk [tilespmem:v0+s0+$0x60 ss:$0x1], $0xffff  }
0x2e7: {  	v63 =	vld.idx.msk [tilespmem:v3+s19+$0x0], $0xffff  }
0x2e8: {  	v3 =	vld.idx.msk [tilespmem:v3+s20+$0x0], $0xffff;
	v10 =	vmul.f32 v21, v2  }
0x2e9: {  	v28 =	vld.idx.msk [tilespmem:v0+s30+$0x46E0 ss:$0x1], $0xffff;
	v11 =	vmul.f32 v22, v2;
	v12 =	vmul.f32 v23, v4  }
0x2ea: {  	v13 =	vmul.f32 v24, v4;
	v14 =	vmul.f32 v25, v62  }
0x2eb: {  	v15 =	vmul.f32 v26, v5;
	v30 =	vmul.f32 v27, v62  }
0x2ec: {  	v10 =	vmul.f32 v10, v63;
	v11 =	vmul.f32 v11, v20  }
0x2ed: {  	v12 =	vmul.f32 v12, v3;
	v13 =	vmul.f32 v13, v6  }
0x2ee: {  	v32 =	vmul.f32 v28, v5;
	v29 =	vmul.f32 v14, v63  }
0x2ef: {  	v31 =	vmul.f32 v15, v3;
	v10 =	vadd.f32 v11, v10;
	v12 =	vadd.f32 v13, v12  }
0x2f0: {  	v33 =	vmul.f32 v30, v20  }
0x2f1: {  	v34 =	vmul.f32 v32, v6;
	v10 =	vadd.f32 v29, v10;
	v12 =	vadd.f32 v31, v12;
	_ =	sdelay $0x1  }
0x2f2: {  	v10 =	vadd.f32 v33, v10;
	v35 =	vadd.f32 v34, v12;
	_ =	sdelay $0x1  }
0x2f3: {  	s16 =	sshll.u32 s16, $0x5;
	v10 =	vadd.f32 v35, v10  }
0x2f4: {  	s2 =	sand.u32 $0x7F80, s16  }
0x2f5: {  	[tilespmem:v1+s2+$0x20 ss:$0x1] =	vst.idx.msk $0xffff, v10  }
0x2f6: {  	v10 =	vld.idx.msk [tilespmem:v0+s0+$0x10 ss:$0x1], $0xffff  }
0x2f7: {  	v36 =	vld.idx.msk [tilespmem:v0+s0+$0x30 ss:$0x1], $0xffff  }
0x2f8: {  	v37 =	vld.idx.msk [tilespmem:v0+s30+$0x4690 ss:$0x1], $0xffff  }
0x2f9: {  	v38 =	vld.idx.msk [tilespmem:v0+s30+$0x46B0 ss:$0x1], $0xffff  }
0x2fa: {  	v39 =	vld.idx.msk [tilespmem:v0+s0+$0x50 ss:$0x1], $0xffff  }
0x2fb: {  	v40 =	vld.idx.msk [tilespmem:v0+s30+$0x46D0 ss:$0x1], $0xffff  }
0x2fc: {  	v41 =	vld.idx.msk [tilespmem:v0+s0+$0x70 ss:$0x1], $0xffff;
	_ =	sdelay $0x1  }
0x2fd: {  	v10 =	vmul.f32 v10, v2  }
0x2fe: {  	v42 =	vld.idx.msk [tilespmem:v0+s30+$0x46F0 ss:$0x1], $0xffff;
	v2 =	vmul.f32 v36, v2;
	v12 =	vmul.f32 v37, v4  }
0x2ff: {  	v4 =	vmul.f32 v38, v4;
	v43 =	vmul.f32 v39, v62  }
0x300: {  	v44 =	vmul.f32 v40, v5;
	v7 =	vmul.f32 v41, v62  }
0x301: {  	s16 =	sor.u32 $0xE, s31;
	v10 =	vmul.f32 v10, v63;
	v2 =	vmul.f32 v2, v20  }
0x302: {  	s31 =	sor.u32 s28, s16;
	v12 =	vmul.f32 v12, v3;
	v4 =	vmul.f32 v4, v6  }
0x303: {  	v45 =	vmov s31;
	v5 =	vmul.f32 v42, v5;
	v8 =	vmul.f32 v43, v63  }
0x304: {  	v3 =	vmul.f32 v44, v3;
	v2 =	vadd.f32 v2, v10;
	v4 =	vadd.f32 v4, v12  }
0x305: {  	v47 =	vshll.u32 v45, $0x2;
	v7 =	vmul.f32 v7, v20  }
0x306: {  	v46 =	vmul.f32 v5, v6;
	v2 =	vadd.f32 v8, v2;
	v3 =	vadd.f32 v3, v4  }
0x307: {  	v48 =	vand.u32 $0x7E, v45;
	v5 =	vand.u32 $0x7FFFFE00, v47  }
0x308: {  	v49 =	vor.u32 v48, v5;
	v2 =	vadd.f32 v7, v2;
	v3 =	vadd.f32 v46, v3  }
0x309: {  	v5 =	vor.u32 $0x80, v49  }
0x30a: {  	v6 =	vor.u32 $0x180, v49;
	v2 =	vadd.f32 v3, v2;
	_ =	sdelay $0x1  }
0x30b: {  	[tilespmem:v1+s2+$0x30 ss:$0x1] =	vst.idx.msk $0xffff, v2  }
0x30c: {  	v2 =	vld.idx.msk [tilespmem:v49+s19+$0x0], $0xffff  }
0x30d: {  	v50 =	vld.idx.msk [tilespmem:v5+s19+$0x0], $0xffff  }
0x30e: {  	v52 =	vld.idx.msk [tilespmem:v6+s19+$0x0], $0xffff  }
0x30f: {  	v4 =	vld.idx.msk [tilespmem:v49+s20+$0x0], $0xffff  }
0x310: {  	s0 =	sshll.u32 s16, $0x7;
	v5 =	vld.idx.msk [tilespmem:v5+s20+$0x0], $0xffff  }
0x311: {  	s0 =	sand.u32 $0x3FFFFF00, s0;
	v6 =	vld.idx.msk [tilespmem:v6+s20+$0x0], $0xffff  }
0x312: {  	v53 =	vld.idx.msk [tilespmem:v0+s0+$0x0 ss:$0x1], $0xffff  }
0x313: {  	v54 =	vld.idx.msk [tilespmem:v0+s0+$0x20 ss:$0x1], $0xffff  }
0x314: {  	v3 =	vor.u32 $0x100, v49;
	v55 =	vld.idx.msk [tilespmem:v0+s30+$0x4700 ss:$0x1], $0xffff  }
0x315: {  	v56 =	vld.idx.msk [tilespmem:v0+s30+$0x4720 ss:$0x1], $0xffff  }
0x316: {  	v57 =	vld.idx.msk [tilespmem:v0+s0+$0x40 ss:$0x1], $0xffff  }
0x317: {  	v58 =	vld.idx.msk [tilespmem:v0+s30+$0x4740 ss:$0x1], $0xffff  }
0x318: {  	v59 =	vld.idx.msk [tilespmem:v0+s0+$0x60 ss:$0x1], $0xffff  }
0x319: {  	v51 =	vld.idx.msk [tilespmem:v3+s19+$0x0], $0xffff  }
0x31a: {  	v3 =	vld.idx.msk [tilespmem:v3+s20+$0x0], $0xffff;
	v10 =	vmul.f32 v53, v2  }
0x31b: {  	v60 =	vld.idx.msk [tilespmem:v0+s30+$0x4760 ss:$0x1], $0xffff;
	v11 =	vmul.f32 v54, v2;
	v12 =	vmul.f32 v55, v4  }
0x31c: {  	v13 =	vmul.f32 v56, v4;
	v14 =	vmul.f32 v57, v50  }
0x31d: {  	v15 =	vmul.f32 v58, v5;
	v62 =	vmul.f32 v59, v50  }
0x31e: {  	v10 =	vmul.f32 v10, v51;
	v11 =	vmul.f32 v11, v52  }
0x31f: {  	v12 =	vmul.f32 v12, v3;
	v13 =	vmul.f32 v13, v6  }
0x320: {  	v18 =	vmul.f32 v60, v5;
	v61 =	vmul.f32 v14, v51  }
0x321: {  	v63 =	vmul.f32 v15, v3;
	v10 =	vadd.f32 v11, v10;
	v12 =	vadd.f32 v13, v12  }
0x322: {  	v19 =	vmul.f32 v62, v52  }
0x323: {  	v20 =	vmul.f32 v18, v6;
	v10 =	vadd.f32 v61, v10;
	v12 =	vadd.f32 v63, v12;
	_ =	sdelay $0x1  }
0x324: {  	v10 =	vadd.f32 v19, v10;
	v21 =	vadd.f32 v20, v12;
	_ =	sdelay $0x1  }
0x325: {  	s31 =	sshll.u32 s31, $0x5;
	v10 =	vadd.f32 v21, v10  }
0x326: {  	s2 =	sand.u32 $0x7F80, s31  }
0x327: {  	[tilespmem:v1+s2+$0x40 ss:$0x1] =	vst.idx.msk $0xffff, v10  }
0x328: {  	v10 =	vld.idx.msk [tilespmem:v0+s0+$0x10 ss:$0x1], $0xffff  }
0x329: {  	v22 =	vld.idx.msk [tilespmem:v0+s0+$0x30 ss:$0x1], $0xffff  }
0x32a: {  	v23 =	vld.idx.msk [tilespmem:v0+s30+$0x4710 ss:$0x1], $0xffff  }
0x32b: {  	v24 =	vld.idx.msk [tilespmem:v0+s30+$0x4730 ss:$0x1], $0xffff  }
0x32c: {  	v25 =	vld.idx.msk [tilespmem:v0+s0+$0x50 ss:$0x1], $0xffff  }
0x32d: {  	v26 =	vld.idx.msk [tilespmem:v0+s30+$0x4750 ss:$0x1], $0xffff  }
0x32e: {  	v27 =	vld.idx.msk [tilespmem:v0+s0+$0x70 ss:$0x1], $0xffff;
	_ =	sdelay $0x1  }
0x32f: {  	v10 =	vmul.f32 v10, v2  }
0x330: {  	v28 =	vld.idx.msk [tilespmem:v0+s30+$0x4770 ss:$0x1], $0xffff;
	v2 =	vmul.f32 v22, v2;
	v12 =	vmul.f32 v23, v4  }
0x331: {  	v4 =	vmul.f32 v24, v4;
	v29 =	vmul.f32 v25, v50  }
0x332: {  	v30 =	vmul.f32 v26, v5;
	v7 =	vmul.f32 v27, v50  }
0x333: {  	s16 =	sshllo.u32 s29, $0x4;
	v10 =	vmul.f32 v10, v51;
	v2 =	vmul.f32 v2, v52  }
0x334: {  	s31 =	sor.u32 s28, s16;
	v12 =	vmul.f32 v12, v3;
	v4 =	vmul.f32 v4, v6  }
0x335: {  	v31 =	vmov s31;
	v5 =	vmul.f32 v28, v5;
	v8 =	vmul.f32 v29, v51  }
0x336: {  	v3 =	vmul.f32 v30, v3;
	v2 =	vadd.f32 v2, v10;
	v4 =	vadd.f32 v4, v12  }
0x337: {  	v33 =	vshll.u32 v31, $0x2;
	v7 =	vmul.f32 v7, v52  }
0x338: {  	v32 =	vmul.f32 v5, v6;
	v2 =	vadd.f32 v8, v2;
	v3 =	vadd.f32 v3, v4  }
0x339: {  	v34 =	vand.u32 $0x7F, v31;
	v5 =	vand.u32 $0x7FFFFE00, v33  }
0x33a: {  	v35 =	vor.u32 v34, v5;
	v2 =	vadd.f32 v7, v2;
	v3 =	vadd.f32 v32, v3  }
0x33b: {  	v5 =	vor.u32 $0x80, v35  }
0x33c: {  	v6 =	vor.u32 $0x180, v35;
	v2 =	vadd.f32 v3, v2;
	_ =	sdelay $0x1  }
0x33d: {  	[tilespmem:v1+s2+$0x50 ss:$0x1] =	vst.idx.msk $0xffff, v2  }
0x33e: {  	v2 =	vld.idx.msk [tilespmem:v35+s19+$0x0], $0xffff  }
0x33f: {  	v36 =	vld.idx.msk [tilespmem:v5+s19+$0x0], $0xffff  }
0x340: {  	v38 =	vld.idx.msk [tilespmem:v6+s19+$0x0], $0xffff  }
0x341: {  	v4 =	vld.idx.msk [tilespmem:v35+s20+$0x0], $0xffff  }
0x342: {  	s0 =	sshll.u32 s16, $0x7;
	v5 =	vld.idx.msk [tilespmem:v5+s20+$0x0], $0xffff  }
0x343: {  	s0 =	sand.u32 $0x3FFFFF80, s0;
	v6 =	vld.idx.msk [tilespmem:v6+s20+$0x0], $0xffff  }
0x344: {  	v39 =	vld.idx.msk [tilespmem:v0+s0+$0x0 ss:$0x1], $0xffff  }
0x345: {  	v40 =	vld.idx.msk [tilespmem:v0+s0+$0x20 ss:$0x1], $0xffff  }
0x346: {  	v3 =	vor.u32 $0x100, v35;
	v41 =	vld.idx.msk [tilespmem:v0+s30+$0x4780 ss:$0x1], $0xffff  }
0x347: {  	v42 =	vld.idx.msk [tilespmem:v0+s30+$0x47A0 ss:$0x1], $0xffff  }
0x348: {  	v43 =	vld.idx.msk [tilespmem:v0+s0+$0x40 ss:$0x1], $0xffff  }
0x349: {  	v44 =	vld.idx.msk [tilespmem:v0+s30+$0x47C0 ss:$0x1], $0xffff  }
0x34a: {  	v45 =	vld.idx.msk [tilespmem:v0+s0+$0x60 ss:$0x1], $0xffff  }
0x34b: {  	v37 =	vld.idx.msk [tilespmem:v3+s19+$0x0], $0xffff  }
0x34c: {  	v3 =	vld.idx.msk [tilespmem:v3+s20+$0x0], $0xffff;
	v10 =	vmul.f32 v39, v2  }
0x34d: {  	v46 =	vld.idx.msk [tilespmem:v0+s30+$0x47E0 ss:$0x1], $0xffff;
	v11 =	vmul.f32 v40, v2;
	v12 =	vmul.f32 v41, v4  }
0x34e: {  	v13 =	vmul.f32 v42, v4;
	v14 =	vmul.f32 v43, v36  }
0x34f: {  	v15 =	vmul.f32 v44, v5;
	v48 =	vmul.f32 v45, v36  }
0x350: {  	v10 =	vmul.f32 v10, v37;
	v11 =	vmul.f32 v11, v38  }
0x351: {  	v12 =	vmul.f32 v12, v3;
	v13 =	vmul.f32 v13, v6  }
0x352: {  	v50 =	vmul.f32 v46, v5;
	v47 =	vmul.f32 v14, v37  }
0x353: {  	v49 =	vmul.f32 v15, v3;
	v10 =	vadd.f32 v11, v10;
	v12 =	vadd.f32 v13, v12  }
0x354: {  	v51 =	vmul.f32 v48, v38  }
0x355: {  	v52 =	vmul.f32 v50, v6;
	v10 =	vadd.f32 v47, v10;
	v12 =	vadd.f32 v49, v12;
	_ =	sdelay $0x1  }
0x356: {  	v10 =	vadd.f32 v51, v10;
	v53 =	vadd.f32 v52, v12;
	_ =	sdelay $0x1  }
0x357: {  	s31 =	sshll.u32 s31, $0x5;
	v10 =	vadd.f32 v53, v10  }
0x358: {  	s2 =	sand.u32 $0x7F80, s31  }
0x359: {  	[tilespmem:v1+s2+$0x60 ss:$0x1] =	vst.idx.msk $0xffff, v10  }
0x35a: {  	v10 =	vld.idx.msk [tilespmem:v0+s0+$0x10 ss:$0x1], $0xffff  }
0x35b: {  	v54 =	vld.idx.msk [tilespmem:v0+s0+$0x30 ss:$0x1], $0xffff  }
0x35c: {  	v55 =	vld.idx.msk [tilespmem:v0+s30+$0x4790 ss:$0x1], $0xffff  }
0x35d: {  	v56 =	vld.idx.msk [tilespmem:v0+s30+$0x47B0 ss:$0x1], $0xffff  }
0x35e: {  	v57 =	vld.idx.msk [tilespmem:v0+s0+$0x50 ss:$0x1], $0xffff  }
0x35f: {  	v58 =	vld.idx.msk [tilespmem:v0+s30+$0x47D0 ss:$0x1], $0xffff  }
0x360: {  	v59 =	vld.idx.msk [tilespmem:v0+s0+$0x70 ss:$0x1], $0xffff;
	_ =	sdelay $0x1  }
0x361: {  	v10 =	vmul.f32 v10, v2  }
0x362: {  	v60 =	vld.idx.msk [tilespmem:v0+s30+$0x47F0 ss:$0x1], $0xffff;
	v2 =	vmul.f32 v54, v2;
	v12 =	vmul.f32 v55, v4  }
0x363: {  	v4 =	vmul.f32 v56, v4;
	v61 =	vmul.f32 v57, v36  }
0x364: {  	v62 =	vmul.f32 v58, v5;
	v7 =	vmul.f32 v59, v36  }
0x365: {  	v10 =	vmul.f32 v10, v37;
	v2 =	vmul.f32 v2, v38  }
0x366: {  	v12 =	vmul.f32 v12, v3;
	v4 =	vmul.f32 v4, v6  }
0x367: {  	v5 =	vmul.f32 v60, v5;
	v8 =	vmul.f32 v61, v37  }
0x368: {  	v3 =	vmul.f32 v62, v3;
	v2 =	vadd.f32 v2, v10;
	v4 =	vadd.f32 v4, v12  }
0x369: {  	v7 =	vmul.f32 v7, v38  }
0x36a: {  	v63 =	vmul.f32 v5, v6;
	v2 =	vadd.f32 v8, v2;
	v3 =	vadd.f32 v3, v4  }
0x36b: {  	p0 =	sne.s32 s29, $0x7  }
.Ltmp0:
0x36c: {  	v2 =	vadd.f32 v7, v2;
	v3 =	vadd.f32 v63, v3;
	(pc) =	sbr.rel @p0 .LBB2_3-.Ltmp0, $3  }
0x36d: {  	_ = 	snop  }
0x36e: {  	v2 =	vadd.f32 v3, v2;
	_ =	sdelay $0x1  }
0x36f: {  	s29 =	sadd.s32 $0x1, s29;
	[tilespmem:v1+s2+$0x70 ss:$0x1] =	vst.idx.msk $0xffff, v2  }
0x370: {  	p0 =	sne.s32 s24, $0x4  }
0x371: {  	s0 =	sshrl.u32 @!p0 s23, $0x3  }
0x372: {  	s0 =	smul.u32 @!p0 $0x500000, s0  }
0x373: {  	s2 =	sshll.u32 @!p0 s23, $0x7  }
0x374: {  	s2 =	sand.u32 @!p0 $0x380, s2;
	s0 =	sadd.s32 @!p0 s11, s0  }
0x375: {  	s0 =	sor.u32 @!p0 s2, s0  }
0x376: {  	s0 =	sshrl.u32 @!p0 s0, $0x3  }
0x377: {  	s16 =	simm.s32 @!p0 $0x400;
	s2 =	simm.s32 @!p0 $0x80;
	s0 =	sadd.s32 @!p0 s7, s0  }
0x378: {  	[hbm4b:s0+s2] =	stream.strided.scatter @!p0 [tilespmem:s26], [sflag:$0x2], $0x5000, s16, s2, $0x38;
	[tilespmem:$0x1B600] =	vst v63  }
0x379: {  	p0 =	sne.s32 s25, $0xF5  }
.Ltmp1:
0x37a: {  	_ = 	snop;
	(pc) =	sbr.rel @p0 .LBB2_2-.Ltmp1, $1  }
0x37b: {  	_ =	sdelay $0x3  }
0x37c: {  	s22 =	sadd.s32 $0x1, s22  }
0x37d: {  	_ =	swait.ge [sflag:s21], $0x5000;
	p0 =	sne.s32 s22, s12  }
.Ltmp2:
0x37e: {  	[sflag:s21] =	ssyncset.done $0x0;
	(pc) =	sbr.rel @p0 .LBB2_1-.Ltmp2, $4  }
0x37f: {  	[sflag:s21] =	ssyncadd.s32 $0xFFFFB000  }
0x380: {  	_ =	swait.ge [sflag:s21], $0x5000  }
0x381: {  	[sflag:s21] =	ssyncset.done $0x0  }
0x382: {  	[sflag:s21] =	ssyncadd.s32 $0xFFFFB000  }
0x383: {  	_ =	sfence.sel $0x180000  }
0x384: {  	[bflag:$0x0] =	sbarrier.arrive $0xFFFF  }
0x385: {  	_ =	strace $0x90000047  }
0x386: {  	s0 =	stileid.u32;
	[bflag:$0x2] =	sbarrier.arrive $0xFFFF  }
0x387: {  	p0 =	sne.s32 s0, $0x0;
	s0 =	rddreg [dreg:$0x1]  }
0x388: {  	s0 =	sadd.s32 @!p0 $0x100000, s0  }
0x389: {  	[sflag:s0] =	ssyncadd.tile.s32 @!p0 $0x1;
	_ =	shalt  }
.Lfunc_end2:
_tile_overlayer_lowered:
.L_overlay_start_2:
0x38a: {  	(tag) =	ssettag $0x2  }
0x38b: {  	s0 =	rddreg [dreg:$0x0];
	s2 =	stileid.u32  }
0x38c: {  	s1 =	rddreg [dreg:$0x1];
	p0 =	sne.s32 s2, $0x0  }
0x38d: {  	s3 =	rddreg [dreg:$0x2];
	[bflag:$0x3] =	sbarrier.arrive $0xFFFF;
	s2 =	simm.s32 @!p0 $0x1C03  }
0x38e: {  	[timem:s3], [sflag:s2] =	dma.local @!p0 [hbm:s0], s1  }
0x38f: {  	s0 =	simm.s32 @!p0 $0x3  }
0x390: {  	_ =	swait.ge @!p0 [sflag:s0], s1  }
0x391: {  	s1 =	ssub.s32 @!p0 $0x0, s1;
	[sflag:s0] =	ssyncset.done @!p0 $0x0  }
0x392: {  	[sflag:s0] =	ssyncadd.s32 @!p0 s1  }
0x393: {  	[bflag:$0x3] =	sbarrier.arrive $0xFFFF  }
0x394: {  	_ =	shalt  }

// kernel: sparse-core-data-format-call.cloned.1.call-start
scs
called_computation_lowered:
.L_overlay_start_0:
0x0: {  	s1 =	sld [smem:$0x3FD9]  }
0x1: {  	s2 =	sld [smem:$0x3FFE];
	_ =	sdelay $0x1  }
0x2: {  	s3 =	srdreg.scid  }
0x3: {  	s0 =	sand.u32 $0x1, s3  }
0x4: {  	s17 =	sshll.u32 s0, $0xA;
	s1 =	sadd.s32 s2, s1  }
0x5: {  	s1 =	sadd.s32 s1, s17  }
0x6: {  	[smem:$0x3FBA] =	sst s1  }
0x7: {  	_ = 	snop  }
0x8: {  	(tm) =	ssettm $0x1  }
0x9: {  	s18 =	sld [smem:$0x3FFB];
	_ =	sdelay $0x3  }
0xa: {  	_ =	strace s18  }
0xb: {  	s1 =	sld [smem:$0x3FFC];
	_ =	sdelay $0x3  }
0xc: {  	_ =	strace s1  }
0xd: {  	s1 =	sld [smem:$0x3FFD];
	_ =	sdelay $0x3  }
0xe: {  	_ =	strace s1  }
0xf: {  	_ =	strace $0x8FFFFFFF  }
0x10: {  	s19 =	sld [smem:$0x3FDB];
	_ =	sdelay $0x1  }
0x11: {  	s20 =	simm.s32 $_scs_section_size  }
0x12: {  	s4 =	simm.s32 $_size__tile_overlayer_lowered;
	s5 =	simm.s32 $_tile_overlayer_lowered  }
0x13: {  	s23 =	simm.s32 $0x1BFF;
	s22 =	sshll.u32 s5, $0x1;
	s1 =	sadd.s32 s20, s19  }
0x14: {  	s6 =	simm.s32 $0x0;
	s21 =	sshll.u32 s4, $0x1;
	s4 =	sadd.s32 s22, s1  }
0x15: {  	[timem:s6], [sflag:s23] =	dma.local [hbm:s4], s21  }
0x16: {  	_ =	swait.ge [sflag:s23], s21  }
0x17: {  	s2 =	ssub.s32 $0x0, s21;
	[sflag:s23] =	ssyncset.done $0x0  }
0x18: {  	[sflag:s23] =	ssyncadd.s32 s2;
	_ =	sdelay $0x1  }
0x19: {  	s24 =	simm.s32 $0x1B8B  }
0x1a: {  	_ =	swait.ge [sflag:s24], $0x1  }
0x1b: {  	[sflag:s24] =	ssyncset.done $0x0  }
0x1c: {  	s26 =	simm.s32 $0x1B8E;
	s25 =	sld [smem:$0x3FFE];
	[sflag:s24] =	ssyncadd.s32 $0xFFFFFFFF  }
0x1d: {  	s27 =	simm.s32 $execute0_lowered;
	[smem:$0x3FD2] =	sst s26  }
0x1e: {  	s4 =	sshll.u32 s27, $0x1;
	_ =	strace $0x80000049;
	[dreg:$0x1] =	wrdreg $0xFFFFFFFF  }
0x1f: {  	s28 =	simm.s32 $_size_execute0_lowered;
	s1 =	sadd.s32 s1, s4;
	[dreg:$0x0] =	wrdreg $0x0  }
0x20: {  	s4 =	sshll.u32 s28, $0x1;
	[dreg:$0x2] =	wrdreg s1  }
0x21: {  	[dreg:$0x3] =	wrdreg s4  }
0x22: {  	[dreg:$0x4] =	wrdreg $0xC0  }
0x23: {  	_ =	task [dreg:s6], $0x5FFFF  }
0x24: {  	[dreg:$0x1] =	wrdreg $0xFFFFFFFF  }
0x25: {  	[dreg:$0x0] =	wrdreg $0x60  }
0x26: {  	[dreg:$0x2] =	wrdreg s25  }
0x27: {  	[dreg:$0x3] =	wrdreg $0x9  }
0x28: {  	_ =	task.clear_ibuf [dreg:s6], $0x4FFFF;
	_ =	strace $0x90000049  }
0x29: {  	s29 =	simm.s32 $0x9;
	_ =	strace $0x8000004B  }
0x2a: {  	_ =	swait.ge [sflag:s29], $0x1  }
0x2b: {  	[sflag:s29] =	ssyncadd.s32 $0xFFFFFFFF  }
0x2c: {  	_ =	strace $0x9000004B  }
0x2d: {  	_ =	sfence  }
0x2e: {  	s30 =	sld [smem:$0x0];
	_ =	sdelay $0x2  }
0x2f: {  	s31 =	sshll.u32 s3, $0xD;
	s3 =	sshrl.u32 s3, $0x2  }
0x30: {  	s2 =	sand.u32 $0x4000, s31;
	s1 =	sadd.s32 s3, s30  }
0x31: {  	s0 =	sor.u32 s2, s0;
	s1 =	sshll.u32 s1, $0x11  }
0x32: {  	s0 =	sor.u32 s1, s0  }
0x33: {  	s0 =	sadd.s32 $0x8F2B, s0  }
0x34: {  	[sflag:s0] =	ssyncadd.remote.s32 $0x1  }
0x35: {  	_ =	sfence.sel $0xFFFF  }
0x36: {  	[dreg:$0x0] =	wrdreg $0xFFFFFFFF;
	(pc) =	sbr.abs _section_cstart, $3  }
0x37: {  	[dreg:$0x1] =	wrdreg $0xFFFFFFFF  }
0x38: {  	_ =	task.clear_ibuf [dreg:s6], $0x2FFFF;
	_ =	strace $0x9FFFFFFF  }
0x39: {  	(tm) =	ssettm $0x7FFFFFFF  }
tec
execute0_lowered:
.L_overlay_start_1:
0x0: {  	(tag) =	ssettag $0x1  }
0x1: {  	s0 =	srdreg.scid  }
0x2: {  	s3 =	rddreg [dreg:$0x0];
	s1 =	sshll.u32 s0, $0x4  }
0x3: {  	s6 =	simm.s32 $0x1;
	s0 =	stileid.u32;
	s1 =	sand.u32 $0x10, s1  }
0x4: {  	s7 =	simm.s32 $0x2;
	s15 =	simm.s32 $0x0;
	s1 =	sor.u32 s0, s1  }
0x5: {  	s8 =	simm.s32 $0xA0000;
	s14 =	simm.s32 $0x0;
	s2 =	sshll.u32 s1, $0x7  }
0x6: {  	s9 =	simm.s32 $0x0;
	s10 =	simm.s32 $0x0;
	s5 =	ssub.s32 $0x5000, s2  }
0x7: {  	s11 =	simm.s32 $0x0;
	s13 =	simm.s32 $0x0;
	s4 =	sand.u32 $0xF80, s5  }
.Ltmp0:
0x8: {  	s1 =	rddreg [dreg:$0x1];
	p0 =	sne.s32 s4, $0x0;
	(pc) =	sbr.rel .LBB1_1-.Ltmp0, $4  }
0x9: {  	_ =	strace $0x8000004A;
	s5 =	sshrl.u32 s5, $0xC;
	s6 =	simm.s32 @!p0 $0x0  }
0xa: {  	s12 =	smov.u32 s2;
	s4 =	simm.s32 $0x1;
	s6 =	sadd.s32 s6, s5  }
0xb: {  	[sflag:s4] =	ssyncpa.u1 $0x0;
	p0 =	por $0x0, $0x0;
	s6 =	sshll.u32 s6, $0x5  }
0xc: {  	s5 =	sadd.s32 $0xA73800, s3;
	[sflag:s7] =	ssyncpa.u1 $0x0;
	s7 =	sor.u32 $0x1, s6  }
.LBB1_4:
0xd: {  	s18 =	sshrl.u32 s9, $0x3;
	s19 =	sshll.u32 s10, $0x3;
	s20 =	sshll.u32 s9, $0x7  }
0xe: {  	s21 =	sand.u32 $0x7F, s10;
	p1 =	sgt.s32 s9, $0x1F;
	s22 =	sshra.s32 s9, $0x1F  }
0xf: {  	s23 =	sshra.s32 s10, $0x1F;
	s18 =	smul.u32 $0x28000, s18;
	s19 =	sand.u32 $0xFFFFFC00, s19  }
0x10: {  	s20 =	sand.u32 $0x380, s20;
	s22 =	sand.u32 s22, s9;
	s23 =	sand.u32 s23, s10  }
0x11: {  	s25 =	sor.u32 s21, s20;
	s21 =	smov.u32 s9;
	s18 =	sadd.s32 s19, s18  }
0x12: {  	s21 =	simm.s32 @!p1 $0x1F;
	p1 =	sgt.s32 s10, $0x4F80;
	s19 =	sor.u32 s18, s25  }
0x13: {  	s21 =	ssub.s32 s21, s22;
	s22 =	smov.u32 s10;
	s18 =	smulhi.u32 $0xCCCCCCCD, s18  }
0x14: {  	s26 =	smulhi.u32 $0xCCCCCCCD, s19;
	s22 =	simm.s32 @!p1 $0x4F80;
	s27 =	sadd.s32 $0xFFFFFFE1, s21  }
0x15: {  	s21 =	ssub.s32 $0x20, s21;
	s22 =	ssub.s32 s22, s23;
	p1 =	sgt.s32 s27, $0x0  }
0x16: {  	s21 =	smul.u32 $0x31, s21;
	s18 =	sshrl.u32 s18, $0xE;
	s20 =	sshrl.u32 s26, $0xE  }
0x17: {  	s28 =	sadd.s32 $0xFFFFB080, s22;
	s22 =	ssub.s32 $0x5000, s22;
	s20 =	smul.u32 $0x5000, s20  }
0x18: {  	s18 =	sand.u32 $0x1F, s18;
	p2 =	sgt.s32 s28, $0x7F;
	s21 =	simm.s32 @p1 $0x0  }
0x19: {  	s18 =	smul.u32 $0xA00, s18;
	s22 =	simm.s32 @p2 $0x0;
	s19 =	ssub.s32 s19, s20  }
0x1a: {  	[tilespmem:s17+$0x810 ss:$0x81] =	vst.msk $0xffff, v2;
	s29 =	smul.u32 s22, s21;
	s30 =	sshrl.u32 s19, $0x3;
	s19 =	sand.u32 $0x7, s19  }
0x1b: {  	[tilespmem:s17+$0x1020 ss:$0x81] =	vst.msk $0xffff, v0;
	s21 =	sadd.s32 s3, s30;
	s19 =	sshll.u32 s19, $0x12  }
0x1c: {  	[tilespmem:s17+$0x0 ss:$0x81] =	vst.msk $0xffff, v1;
	s31 =	sand.u32 $0x3FFFFFFF, s29;
	s18 =	sadd.s32 s18, s21;
	s19 =	sor.u32 $0x80, s19  }
0x1d: {  	[hbm4b:s18+s19] =	stream.strided.scatter [tilespmem:s16], [sflag:$0x2], s31, s8, s19, $0x20;
	[tilespmem:$0x8080] =	vst v63  }
.LBB1_5:
0x1e: {  	p1 =	slt.u32 s13, $0x2  }
0x1f: {  	s17 =	smov.u32 s15;
	p2 =	sgt.s32 @!p1 s15, $0x1F;
	s16 =	sshra.s32 @!p1 s15, $0x1F  }
0x20: {  	p3 =	sgt.s32 @!p1 s14, $0x4F80;
	s18 =	sshra.s32 @!p1 s14, $0x1F;
	p2 =	por !p2, p1  }
0x21: {  	s15 =	sand.u32 @!p1 s16, s15;
	p3 =	por !p3, p1;
	s16 =	smov.u32 s14  }
0x22: {  	s14 =	sand.u32 @!p1 s18, s14;
	s17 =	simm.s32 @p2 $0x1F;
	s16 =	simm.s32 @p3 $0x4F80  }
0x23: {  	s18 =	smov.u32 s12;
	s15 =	ssub.s32 @!p1 s17, s15;
	s14 =	ssub.s32 @!p1 s16, s14  }
0x24: {  	s16 =	sadd.s32 @!p1 $0xFFFFFFE1, s15;
	s15 =	ssub.s32 @!p1 $0x20, s15;
	s17 =	sadd.s32 @!p1 $0xFFFFB080, s14  }
0x25: {  	p2 =	sgt.s32 @!p1 s16, $0x0;
	s15 =	smul.u32 @!p1 $0x31, s15;
	p3 =	sgt.s32 @!p1 s17, $0x7F  }
0x26: {  	s14 =	ssub.s32 @!p1 $0x5000, s14;
	p2 =	por !p2, p1;
	p3 =	por !p3, p1  }
0x27: {  	s16 =	sadd.s32 $0x1, s11;
	s15 =	simm.s32 @!p2 $0x0;
	s14 =	simm.s32 @!p3 $0x0  }
0x28: {  	p2 =	sgt.s32 s16, $0x1F;
	s14 =	smul.u32 @!p1 s14, s15;
	s15 =	sadd.s32 $0x1000, s12  }
0x29: {  	s18 =	smov.u32 @p2 s15  }
0x2a: {  	s16 =	simm.s32 @p2 $0x0;
	p2 =	sgt.s32 s18, $0x4FFF  }
0x2b: {  	s18 =	smov.u32 @p2 s2;
	p2 =	sne.s32 s13, s7  }
.Ltmp1:
0x2c: {  	p0 =	por !p0, !p0;
	s17 =	simm.s32 @!p1 $0x2;
	(pc) =	sbr.rel @!p2 .LBB1_6-.Ltmp1, $4  }
0x2d: {  	s15 =	smov.u32 s9;
	s9 =	smov.u32 s11;
	s14 =	sand.u32 @!p1 $0x3FFFFFFF, s14  }
0x2e: {  	s11 =	smov.u32 s16;
	_ =	swait.ge @!p1 [sflag:s17], s14;
	s19 =	ssub.s32 @!p1 $0x0, s14  }
0x2f: {  	s14 =	smov.u32 s10;
	s13 =	sadd.s32 $0x1, s13;
	[sflag:s17] =	ssyncset.done @!p1 $0x0  }
0x30: {  	s10 =	smov.u32 s12;
	s12 =	smov.u32 s18;
	[sflag:s17] =	ssyncadd.s32 @!p1 s19  }
.LBB1_1:
0x31: {  	p1 =	sge.u32 s13, s6  }
0x32: {  	s31 =	sadd.s32 $0xFFFFFFFF, s13;
	s16 =	sxor.u32 @!p1 $0xFFFFFFFF, s13  }
0x33: {  	s17 =	sshll.u32 @!p1 s12, $0x9;
	s18 =	sshll.u32 @!p1 s11, $0x4;
	s19 =	simm.s32 @!p1 $0x1000  }
0x34: {  	s16 =	sshll.u32 @!p1 s16, $0xD;
	s18 =	sand.u32 @!p1 $0x1F0, s18;
	s17 =	sadd.s32 @!p1 s5, s17  }
0x35: {  	s16 =	sand.u32 @!p1 $0x2000, s16;
	s17 =	sadd.s32 @!p1 s18, s17;
	s18 =	simm.s32 @!p1 $0x40  }
0x36: {  	[tilespmem:s16], [sflag:$0x1] =	stream.strided.gather @!p1 [hbm4b:s17+s18], $0x2000, s19, s18, $0x38;
	[tilespmem:$0x8080] =	vst v63  }
0x37: {  	p1 =	sge.u32 s31, s6  }
.Ltmp2:
0x38: {  	_ = 	snop;
	(pc) =	sbr.rel @p1 .LBB1_5-.Ltmp2, $1  }
0x39: {  	_ =	sdelay $0x3  }
0x3a: {  	s16 =	simm.s32 $0x1  }
0x3b: {  	_ =	swait.ge [sflag:s4], $0x2000;
	s16 =	simm.s32 @!p0 $0x0  }
0x3c: {  	[sflag:s4] =	ssyncset.done $0x0;
	s17 =	sshll.u32 s16, $0xD  }
0x3d: {  	[sflag:s4] =	ssyncadd.s32 $0xFFFFE000;
	s20 =	sor.u32 $0x20, s17  }
0x3e: {  	s16 =	smul.u32 $0x8100, s16;
	v3 =	vld [tilespmem:s20+$0x10]  }
0x3f: {  	s30 =	sand.u32 $0x1, s13;
	v2 =	vld [tilespmem:s20+$0xFFFFFFF0]  }
0x40: {  	s17 =	smul.u32 $0x8100, s30;
	s16 =	sshrl.u32 s16, $0x2;
	v0 =	vld [tilespmem:s20+$0x0]  }
0x41: {  	v1 =	vld [tilespmem:s20+$0xFFFFFFE0];
	s18 =	sor.u32 $0x4000, s16  }
0x42: {  	s31 =	sshrl.u32 s17, $0x2;
	s17 =	sadd.s32 $0x0, s18  }
0x43: {  	s19 =	simm.s32 $0x4;
	s20 =	sadd.s32 $0x40, s20;
	s16 =	sor.u32 $0x4000, s31;
	[tilespmem:s17+$0x1830 ss:$0x81] =	vst.msk $0xffff, v3  }
.LBB1_3:
0x44: {  	v3 =	vld [tilespmem:s20+$0x10];
	p1 =	sne.s32 s19, $0x1FC;
	[tilespmem:s17+$0x810 ss:$0x81] =	vst.msk $0xffff, v2;
	s21 =	smov.u32 s19;
	s19 =	sadd.s32 $0x4, s19  }
.Ltmp3:
0x45: {  	v2 =	vld [tilespmem:s20+$0xFFFFFFF0];
	[tilespmem:s17+$0x1020 ss:$0x81] =	vst.msk $0xffff, v0;
	(pc) =	sbr.rel @p1 .LBB1_3-.Ltmp3, $4  }
0x46: {  	v0 =	vld [tilespmem:s20+$0x0];
	[tilespmem:s17+$0x0 ss:$0x81] =	vst.msk $0xffff, v1  }
0x47: {  	s17 =	sshra.s32 s21, $0x2;
	v1 =	vld [tilespmem:s20+$0xFFFFFFE0]  }
0x48: {  	s17 =	sadd.s32 s17, s18  }
0x49: {  	s20 =	sadd.s32 $0x40, s20;
	[tilespmem:s17+$0x1830 ss:$0x81] =	vst.msk $0xffff, v3  }
.Ltmp4:
0x4a: {  	_ = 	snop;
	(pc) =	sbr.rel .LBB1_4-.Ltmp4, $1  }
0x4b: {  	_ =	sdelay $0x3  }
.LBB1_6:
0x4c: {  	_ =	sfence.sel $0x180000  }
0x4d: {  	s2 =	simm.s32 $0x1;
	[bflag:$0x0] =	sbarrier.arrive $0xFFFF  }
0x4e: {  	s31 =	simm.s32 $0x2;
	[sflag:s2] =	ssyncpa.u1 $0x1  }
0x4f: {  	[sflag:s31] =	ssyncpa.u1 $0x1  }
0x50: {  	p0 =	sne.s32 s0, $0x0;
	_ =	strace $0x9000004A  }
0x51: {  	s0 =	sadd.s32 @!p0 $0x100000, s1;
	[bflag:$0x2] =	sbarrier.arrive $0xFFFF  }
0x52: {  	[sflag:s0] =	ssyncadd.tile.s32 @!p0 $0x1;
	_ =	shalt  }
.Lfunc_end1:
_tile_overlayer_lowered:
.L_overlay_start_2:
0x53: {  	(tag) =	ssettag $0x2  }
0x54: {  	s0 =	rddreg [dreg:$0x0];
	s2 =	stileid.u32  }
0x55: {  	s1 =	rddreg [dreg:$0x1];
	p0 =	sne.s32 s2, $0x0  }
0x56: {  	s3 =	rddreg [dreg:$0x2];
	[bflag:$0x3] =	sbarrier.arrive $0xFFFF;
	s2 =	simm.s32 @!p0 $0x1C01  }
0x57: {  	[timem:s3], [sflag:s2] =	dma.local @!p0 [hbm:s0], s1  }
0x58: {  	s0 =	simm.s32 @!p0 $0x1  }
0x59: {  	_ =	swait.ge @!p0 [sflag:s0], s1  }
0x5a: {  	s1 =	ssub.s32 @!p0 $0x0, s1;
	[sflag:s0] =	ssyncset.done @!p0 $0x0  }
0x5b: {  	[sflag:s0] =	ssyncadd.s32 @!p0 s1  }
0x5c: {  	[bflag:$0x3] =	sbarrier.arrive $0xFFFF  }
0x5d: {  	_ =	shalt  }

</sc_bundles>
